<compile_context>
chip_gen: v7x
topology: tpu7x:2x2x1
jax: 0.10.2.dev20260603
libtpu: 0.0.44.dev20260713+nightly
codegen_flags: <defaults>
</compile_context>

<pallas_src>
import functools

import jax
import jax.numpy as jnp
from jax import lax
from jax.experimental import pallas as pl
from jax.experimental.pallas import tpu as pltpu, tpu_sc as plsc

EMB_DIM = 128
VOCAB = 48
NUM_CORES = 2
NUM_SUBCORES = 16
NUM_WORKERS = NUM_CORES * NUM_SUBCORES
CHUNK = 128
NBUF = 4
BLK = 80
SUP = BLK // NBUF


@functools.partial(jax.jit, static_argnames=("total_rows",))
def _lookup(idx_chunks, table, *, total_rows):
    chunks_total = total_rows // CHUNK
    chunks_per_worker = chunks_total // NUM_WORKERS
    nblk = chunks_per_worker // BLK
    mesh = plsc.VectorSubcoreMesh(
        core_axis_name="c", subcore_axis_name="s",
        num_cores=NUM_CORES, num_subcores=NUM_SUBCORES)

    @functools.partial(
        pl.kernel,
        out_type=jax.ShapeDtypeStruct((total_rows, EMB_DIM), jnp.float32),
        mesh=mesh,
        scratch_types=[
            pltpu.VMEM((2, BLK, CHUNK), jnp.int32),
            pltpu.VMEM((NBUF, CHUNK, EMB_DIM), jnp.float32),
            pltpu.VMEM_SHARED((VOCAB, EMB_DIM), jnp.float32),
            [pltpu.SemaphoreType.DMA] * 2,
            [pltpu.SemaphoreType.DMA] * NBUF,
            [pltpu.SemaphoreType.DMA] * NBUF,
        ],
    )
    def body(idx_hbm, table_hbm, out_hbm, idx_v, rows_v, table_sh,
             sem_i, sem_g, sem_w):
        wid = lax.axis_index("s") * NUM_CORES + lax.axis_index("c")
        chunk0 = wid * chunks_per_worker

        @pl.when(lax.axis_index("s") == 0)
        def _():
            pltpu.sync_copy(table_hbm, table_sh)

        plsc.subcore_barrier()

        def start_idx(blk, slot):
            pltpu.async_copy(
                idx_hbm.at[pl.ds(chunk0 + blk * BLK, BLK)],
                idx_v.at[slot], sem_i[slot])

        def wait_idx(slot):
            pltpu.make_async_copy(
                idx_hbm.at[pl.ds(chunk0, BLK)], idx_v.at[slot],
                sem_i[slot]).wait()

        def wait_write(b):
            pltpu.make_async_copy(
                rows_v.at[b], out_hbm.at[pl.ds(chunk0, CHUNK)],
                sem_w[b]).wait()

        start_idx(0, 0)

        for blk in range(nblk):
            slot = blk % 2
            wait_idx(slot)
            if blk + 1 < nblk:
                start_idx(blk + 1, 1 - slot)

            def super_step(sj, carry, blk=blk, slot=slot):
                for b in range(NBUF):
                    if blk == 0:
                        @pl.when(sj > 0)
                        def _(b=b):
                            wait_write(b)
                    else:
                        wait_write(b)
                    pltpu.async_copy(
                        table_sh.at[idx_v.at[slot, sj * NBUF + b]],
                        rows_v.at[b], sem_g[b])
                for b in range(NBUF):
                    pltpu.make_async_copy(
                        table_sh.at[idx_v.at[slot, sj * NBUF + b]],
                        rows_v.at[b], sem_g[b]).wait()
                    row0 = (chunk0 + blk * BLK + sj * NBUF + b) * CHUNK
                    pltpu.async_copy(
                        rows_v.at[b], out_hbm.at[pl.ds(row0, CHUNK)],
                        sem_w[b])
                return carry

            lax.fori_loop(0, SUP, super_step, 0)
        for b in range(NBUF):
            wait_write(b)

    return body(idx_chunks, table)


def kernel(x, emb1_weight, emb2_weight):
    b, t, _ = x.shape
    total_rows = b * t
    idx = x[..., 1].astype(jnp.int32).reshape(total_rows // CHUNK, CHUNK)
    out = _lookup(idx, emb1_weight, total_rows=total_rows)
    return out.reshape(b, t, EMB_DIM)

# --- scband reference (transcript-rebuilt; emitter-appended) ---
"""Pipeline reference for scband-temporal-embedding-76828374990983 (READ-ONLY COPY).

The authoritative reference and input builder live on the scoring server;
editing this copy changes nothing except your own understanding.
"""

import jax, jax.numpy as jnp
import numpy as np

EMB_DIM = 128

def setup_inputs(seed: int = 0) -> dict:
    key = jax.random.key(seed)
    k1, k2, k3 = jax.random.split(key, 3)
    x = jax.random.randint(k1, (16384, 200, 2), 0, 48, dtype=jnp.int64)
    emb1_weight = jax.random.normal(k2, (48, EMB_DIM), dtype=jnp.float32)
    emb2_weight = jax.random.normal(k3, (7, EMB_DIM), dtype=jnp.float32)
    return {"x": x, "emb1_weight": emb1_weight, "emb2_weight": emb2_weight}

def reference(x, emb1_weight, emb2_weight):
    # forward: emb1 = self.emb1(x[..., 1]); emb2 = 0; return emb1 + emb2
    idx = x[..., 1]
    emb1 = jnp.take(emb1_weight, idx, axis=0)
    emb2 = 0
    return emb1 + emb2

if __name__ == "__main__":
    import jax
    _d = setup_inputs()
    print(jax.jit(kernel)(*tuple(_d.values())))

</pallas_src>

<mosaic_0001>
#map = affine_map<(d0, d1) -> (0, 0)>
module attributes {stable_mosaic.version = 14 : i64} {
  func.func @body(%arg0: i32, %arg1: i32, %arg2: memref<25600x128xi32, #tpu.memory_space<hbm>>, %arg3: memref<48x128xf32, #tpu.memory_space<hbm>>, %arg4: memref<3276800x128xf32, #tpu.memory_space<hbm>>, %arg5: memref<2x80x128xi32, #tpu.memory_space<vmem>>, %arg6: memref<4x128x128xf32, #tpu.memory_space<vmem>>, %arg7: memref<48x128xf32, #tpu.memory_space<vmem_shared>>, %arg8: memref<!tpu.dma_semaphore, #tpu.memory_space<semaphore_mem>>, %arg9: memref<!tpu.dma_semaphore, #tpu.memory_space<semaphore_mem>>, %arg10: memref<!tpu.dma_semaphore, #tpu.memory_space<semaphore_mem>>, %arg11: memref<!tpu.dma_semaphore, #tpu.memory_space<semaphore_mem>>, %arg12: memref<!tpu.dma_semaphore, #tpu.memory_space<semaphore_mem>>, %arg13: memref<!tpu.dma_semaphore, #tpu.memory_space<semaphore_mem>>, %arg14: memref<!tpu.dma_semaphore, #tpu.memory_space<semaphore_mem>>, %arg15: memref<!tpu.dma_semaphore, #tpu.memory_space<semaphore_mem>>, %arg16: memref<!tpu.dma_semaphore, #tpu.memory_space<semaphore_mem>>, %arg17: memref<!tpu.dma_semaphore, #tpu.memory_space<semaphore_mem>>) attributes {dimension_semantics = [#tpu.dimension_semantics<core_parallel>, #tpu.dimension_semantics<subcore_parallel>], iteration_bounds = array<i64: 2, 16>, scalar_prefetch = 0 : i64, scratch_operands = 13 : i64, tpu.core_type = #tpu.core_type<sc_vector_subcore>, window_params = [{transform_indices = #map}, {transform_indices = #map}, {transform_indices = #map}]} {
    %mul3A = arith.constant 2 : i32
    %mul3A_0 = arith.muli %arg1, %mul3A : i32
    %add3A = arith.addi %mul3A_0, %arg0 : i32
    %mul3A_1 = arith.constant 800 : i32
    %mul3A_2 = arith.muli %add3A, %mul3A_1 : i32
    %eq3A = arith.constant 0 : i32
    %eq3A_3 = arith.cmpi eq, %arg1, %eq3A : i32
    %convert_element_type3A = arith.extui %eq3A_3 : i1 to i32
    %cond3A = arith.constant 0 : i32
    %cond3A_4 = arith.cmpi ne, %convert_element_type3A, %cond3A : i32
    scf.if %cond3A_4 {
      "tpu.region"() ({
        %run_scoped3A = tpu.sem_alloc : memref<!tpu.dma_semaphore, #tpu.memory_space<semaphore_mem>>
        tpu.enqueue_dma source(%arg3 : memref<48x128xf32, #tpu.memory_space<hbm>>) target(%arg7 : memref<48x128xf32, #tpu.memory_space<vmem_shared>>) target_semaphore(%run_scoped3A : memref<!tpu.dma_semaphore, #tpu.memory_space<semaphore_mem>>)
        tpu.wait_dma2 semaphore(%run_scoped3A : memref<!tpu.dma_semaphore, #tpu.memory_space<semaphore_mem>>) src(%arg3 : memref<48x128xf32, #tpu.memory_space<hbm>>) dst(%arg7 : memref<48x128xf32, #tpu.memory_space<vmem_shared>>)
        tpu.yield
      }) : () -> ()
    } else {
    }
    %barrier3A = arith.constant 0 : index
    tpu.barrier barrier_id(%barrier3A)
    %add3A_5 = arith.constant 0 : i32
    %add3A_6 = arith.addi %mul3A_2, %add3A_5 : i32
    %dma_start3A = arith.constant 0 : i32
    %dma_start3A_7 = arith.constant 0 : i32
    %dma_start3A_8 = arith.constant 0 : i32
    %dma_start3A_9 = tpu.memref_slice %arg5[%dma_start3A, %dma_start3A_7, %dma_start3A_8] : memref<2x80x128xi32, #tpu.memory_space<vmem>> -> memref<1x80x128xi32, #tpu.memory_space<vmem>>
    %dma_start3A_10 = tpu.memref_squeeze %dma_start3A_9 : memref<1x80x128xi32, #tpu.memory_space<vmem>> -> memref<80x128xi32, #tpu.memory_space<vmem>>
    %dma_start3A_11 = arith.constant 0 : i32
    %dma_start3A_12 = tpu.memref_slice %arg2[%add3A_6, %dma_start3A_11] : memref<25600x128xi32, #tpu.memory_space<hbm>> -> memref<80x128xi32, #tpu.memory_space<hbm>>
    %dma_start3A_13 = arith.constant 0 : i32
    %dma_start3A_14 = arith.constant 0 : i32
    %dma_start3A_15 = tpu.memref_slice %arg5[%dma_start3A, %dma_start3A_13, %dma_start3A_14] : memref<2x80x128xi32, #tpu.memory_space<vmem>> -> memref<1x80x128xi32, #tpu.memory_space<vmem>>
    %dma_start3A_16 = tpu.memref_squeeze %dma_start3A_15 : memref<1x80x128xi32, #tpu.memory_space<vmem>> -> memref<80x128xi32, #tpu.memory_space<vmem>>
    %dma_start3A_17 = arith.constant 0 : i32
    %dma_start3A_18 = tpu.memref_slice %arg2[%add3A_6, %dma_start3A_17] : memref<25600x128xi32, #tpu.memory_space<hbm>> -> memref<80x128xi32, #tpu.memory_space<hbm>>
    tpu.enqueue_dma source(%dma_start3A_18 : memref<80x128xi32, #tpu.memory_space<hbm>>) target(%dma_start3A_16 : memref<80x128xi32, #tpu.memory_space<vmem>>) target_semaphore(%arg8 : memref<!tpu.dma_semaphore, #tpu.memory_space<semaphore_mem>>)
    %dma_wait3A = arith.constant 0 : i32
    %dma_wait3A_19 = arith.constant 0 : i32
    %dma_wait3A_20 = arith.constant 0 : i32
    %dma_wait3A_21 = tpu.memref_slice %arg5[%dma_wait3A, %dma_wait3A_19, %dma_wait3A_20] : memref<2x80x128xi32, #tpu.memory_space<vmem>> -> memref<1x80x128xi32, #tpu.memory_space<vmem>>
    %dma_wait3A_22 = tpu.memref_squeeze %dma_wait3A_21 : memref<1x80x128xi32, #tpu.memory_space<vmem>> -> memref<80x128xi32, #tpu.memory_space<vmem>>
    %dma_wait3A_23 = arith.constant 0 : i32
    %dma_wait3A_24 = tpu.memref_slice %arg2[%mul3A_2, %dma_wait3A_23] : memref<25600x128xi32, #tpu.memory_space<hbm>> -> memref<80x128xi32, #tpu.memory_space<hbm>>
    %dma_wait3A_25 = arith.constant 0 : i32
    %dma_wait3A_26 = arith.constant 0 : i32
    %dma_wait3A_27 = tpu.memref_slice %arg5[%dma_wait3A, %dma_wait3A_25, %dma_wait3A_26] : memref<2x80x128xi32, #tpu.memory_space<vmem>> -> memref<1x80x128xi32, #tpu.memory_space<vmem>>
    %dma_wait3A_28 = tpu.memref_squeeze %dma_wait3A_27 : memref<1x80x128xi32, #tpu.memory_space<vmem>> -> memref<80x128xi32, #tpu.memory_space<vmem>>
    %dma_wait3A_29 = arith.constant 0 : i32
    %dma_wait3A_30 = tpu.memref_slice %arg2[%mul3A_2, %dma_wait3A_29] : memref<25600x128xi32, #tpu.memory_space<hbm>> -> memref<80x128xi32, #tpu.memory_space<hbm>>
    tpu.wait_dma2 semaphore(%arg8 : memref<!tpu.dma_semaphore, #tpu.memory_space<semaphore_mem>>) src(%dma_wait3A_30 : memref<80x128xi32, #tpu.memory_space<hbm>>) dst(%dma_wait3A_28 : memref<80x128xi32, #tpu.memory_space<vmem>>)
    %add3A_31 = arith.constant 80 : i32
    %add3A_32 = arith.addi %mul3A_2, %add3A_31 : i32
    %dma_start3A_33 = arith.constant 1 : i32
    %dma_start3A_34 = arith.constant 0 : i32
    %dma_start3A_35 = arith.constant 0 : i32
    %dma_start3A_36 = tpu.memref_slice %arg5[%dma_start3A_33, %dma_start3A_34, %dma_start3A_35] : memref<2x80x128xi32, #tpu.memory_space<vmem>> -> memref<1x80x128xi32, #tpu.memory_space<vmem>>
    %dma_start3A_37 = tpu.memref_squeeze %dma_start3A_36 : memref<1x80x128xi32, #tpu.memory_space<vmem>> -> memref<80x128xi32, #tpu.memory_space<vmem>>
    %dma_start3A_38 = arith.constant 0 : i32
    %dma_start3A_39 = tpu.memref_slice %arg2[%add3A_32, %dma_start3A_38] : memref<25600x128xi32, #tpu.memory_space<hbm>> -> memref<80x128xi32, #tpu.memory_space<hbm>>
    %dma_start3A_40 = arith.constant 0 : i32
    %dma_start3A_41 = arith.constant 0 : i32
    %dma_start3A_42 = tpu.memref_slice %arg5[%dma_start3A_33, %dma_start3A_40, %dma_start3A_41] : memref<2x80x128xi32, #tpu.memory_space<vmem>> -> memref<1x80x128xi32, #tpu.memory_space<vmem>>
    %dma_start3A_43 = tpu.memref_squeeze %dma_start3A_42 : memref<1x80x128xi32, #tpu.memory_space<vmem>> -> memref<80x128xi32, #tpu.memory_space<vmem>>
    %dma_start3A_44 = arith.constant 0 : i32
    %dma_start3A_45 = tpu.memref_slice %arg2[%add3A_32, %dma_start3A_44] : memref<25600x128xi32, #tpu.memory_space<hbm>> -> memref<80x128xi32, #tpu.memory_space<hbm>>
    tpu.enqueue_dma source(%dma_start3A_45 : memref<80x128xi32, #tpu.memory_space<hbm>>) target(%dma_start3A_43 : memref<80x128xi32, #tpu.memory_space<vmem>>) target_semaphore(%arg9 : memref<!tpu.dma_semaphore, #tpu.memory_space<semaphore_mem>>)
    %scan3A = arith.constant 0 : i32
    %scan3A_46 = arith.constant 0 : i32
    %scan3A_47 = arith.constant 20 : i32
    %scan3A_48 = arith.addi %scan3A_46, %scan3A_47 : i32
    %scan3A_49 = arith.constant 1 : i32
    scf.for %scan3A_394 = %scan3A_46 to %scan3A_48 step %scan3A_49  : i32 {
      %gt3A = arith.constant 0 : i32
      %gt3A_395 = arith.cmpi sgt, %scan3A_394, %gt3A : i32
      %convert_element_type3A_396 = arith.extui %gt3A_395 : i1 to i32
      %cond3A_397 = arith.constant 0 : i32
      %cond3A_398 = arith.cmpi ne, %convert_element_type3A_396, %cond3A_397 : i32
      scf.if %cond3A_398 {
        %dma_wait3A_630 = arith.constant 0 : i32
        %dma_wait3A_631 = arith.constant 0 : i32
        %dma_wait3A_632 = arith.constant 0 : i32
        %dma_wait3A_633 = tpu.memref_slice %arg6[%dma_wait3A_630, %dma_wait3A_631, %dma_wait3A_632] : memref<4x128x128xf32, #tpu.memory_space<vmem>> -> memref<1x128x128xf32, #tpu.memory_space<vmem>>
        %dma_wait3A_634 = tpu.memref_squeeze %dma_wait3A_633 : memref<1x128x128xf32, #tpu.memory_space<vmem>> -> memref<128x128xf32, #tpu.memory_space<vmem>>
        %dma_wait3A_635 = arith.constant 0 : i32
        %dma_wait3A_636 = tpu.memref_slice %arg4[%mul3A_2, %dma_wait3A_635] : memref<3276800x128xf32, #tpu.memory_space<hbm>> -> memref<128x128xf32, #tpu.memory_space<hbm>>
        %dma_wait3A_637 = arith.constant 0 : i32
        %dma_wait3A_638 = tpu.memref_slice %arg4[%mul3A_2, %dma_wait3A_637] : memref<3276800x128xf32, #tpu.memory_space<hbm>> -> memref<128x128xf32, #tpu.memory_space<hbm>>
        %dma_wait3A_639 = arith.constant 0 : i32
        %dma_wait3A_640 = arith.constant 0 : i32
        %dma_wait3A_641 = tpu.memref_slice %arg6[%dma_wait3A_630, %dma_wait3A_639, %dma_wait3A_640] : memref<4x128x128xf32, #tpu.memory_space<vmem>> -> memref<1x128x128xf32, #tpu.memory_space<vmem>>
        %dma_wait3A_642 = tpu.memref_squeeze %dma_wait3A_641 : memref<1x128x128xf32, #tpu.memory_space<vmem>> -> memref<128x128xf32, #tpu.memory_space<vmem>>
        tpu.wait_dma2 semaphore(%arg14 : memref<!tpu.dma_semaphore, #tpu.memory_space<semaphore_mem>>) src(%dma_wait3A_642 : memref<128x128xf32, #tpu.memory_space<vmem>>) dst(%dma_wait3A_638 : memref<128x128xf32, #tpu.memory_space<hbm>>)
      } else {
      }
      %mul3A_399 = arith.constant 4 : i32
      %mul3A_400 = arith.muli %scan3A_394, %mul3A_399 : i32
      %add3A_401 = arith.constant 0 : i32
      %add3A_402 = arith.addi %mul3A_400, %add3A_401 : i32
      %dma_start3A_403 = arith.constant 0 : i32
      %dma_start3A_404 = arith.constant 0 : i32
      %dma_start3A_405 = arith.constant 0 : i32
      %dma_start3A_406 = arith.constant 0 : i32
      %dma_start3A_407 = tpu.memref_slice %arg6[%dma_start3A_404, %dma_start3A_405, %dma_start3A_406] : memref<4x128x128xf32, #tpu.memory_space<vmem>> -> memref<1x128x128xf32, #tpu.memory_space<vmem>>
      %dma_start3A_408 = tpu.memref_squeeze %dma_start3A_407 : memref<1x128x128xf32, #tpu.memory_space<vmem>> -> memref<128x128xf32, #tpu.memory_space<vmem>>
      %dma_start3A_409 = arith.constant 0 : i32
      %dma_start3A_410 = tpu.memref_slice %arg5[%dma_start3A_403, %add3A_402, %dma_start3A_409] : memref<2x80x128xi32, #tpu.memory_space<vmem>> -> memref<1x1x128xi32, #tpu.memory_space<vmem>>
      %dma_start3A_411 = tpu.memref_squeeze %dma_start3A_410 : memref<1x1x128xi32, #tpu.memory_space<vmem>> -> memref<128xi32, #tpu.memory_space<vmem>>
      %dma_start3A_412 = arith.constant 0 : i32
      %dma_start3A_413 = arith.constant 0 : i32
      %dma_start3A_414 = tpu.memref_slice %arg7[%dma_start3A_412, %dma_start3A_413] : memref<48x128xf32, #tpu.memory_space<vmem_shared>> -> memref<48x128xf32, #tpu.memory_space<vmem_shared>>
      tpu.enqueue_indirect_dma source(%dma_start3A_414 : memref<48x128xf32, #tpu.memory_space<vmem_shared>>) target(%dma_start3A_408 : memref<128x128xf32, #tpu.memory_space<vmem>>) offsets(%dma_start3A_411 : memref<128xi32, #tpu.memory_space<vmem>>) semaphore(%arg10 : memref<!tpu.dma_semaphore, #tpu.memory_space<semaphore_mem>>)
      %gt3A_415 = arith.constant 0 : i32
      %gt3A_416 = arith.cmpi sgt, %scan3A_394, %gt3A_415 : i32
      %convert_element_type3A_417 = arith.extui %gt3A_416 : i1 to i32
      %cond3A_418 = arith.constant 0 : i32
      %cond3A_419 = arith.cmpi ne, %convert_element_type3A_417, %cond3A_418 : i32
      scf.if %cond3A_419 {
        %dma_wait3A_630 = arith.constant 1 : i32
        %dma_wait3A_631 = arith.constant 0 : i32
        %dma_wait3A_632 = arith.constant 0 : i32
        %dma_wait3A_633 = tpu.memref_slice %arg6[%dma_wait3A_630, %dma_wait3A_631, %dma_wait3A_632] : memref<4x128x128xf32, #tpu.memory_space<vmem>> -> memref<1x128x128xf32, #tpu.memory_space<vmem>>
        %dma_wait3A_634 = tpu.memref_squeeze %dma_wait3A_633 : memref<1x128x128xf32, #tpu.memory_space<vmem>> -> memref<128x128xf32, #tpu.memory_space<vmem>>
        %dma_wait3A_635 = arith.constant 0 : i32
        %dma_wait3A_636 = tpu.memref_slice %arg4[%mul3A_2, %dma_wait3A_635] : memref<3276800x128xf32, #tpu.memory_space<hbm>> -> memref<128x128xf32, #tpu.memory_space<hbm>>
        %dma_wait3A_637 = arith.constant 0 : i32
        %dma_wait3A_638 = tpu.memref_slice %arg4[%mul3A_2, %dma_wait3A_637] : memref<3276800x128xf32, #tpu.memory_space<hbm>> -> memref<128x128xf32, #tpu.memory_space<hbm>>
        %dma_wait3A_639 = arith.constant 0 : i32
        %dma_wait3A_640 = arith.constant 0 : i32
        %dma_wait3A_641 = tpu.memref_slice %arg6[%dma_wait3A_630, %dma_wait3A_639, %dma_wait3A_640] : memref<4x128x128xf32, #tpu.memory_space<vmem>> -> memref<1x128x128xf32, #tpu.memory_space<vmem>>
        %dma_wait3A_642 = tpu.memref_squeeze %dma_wait3A_641 : memref<1x128x128xf32, #tpu.memory_space<vmem>> -> memref<128x128xf32, #tpu.memory_space<vmem>>
        tpu.wait_dma2 semaphore(%arg15 : memref<!tpu.dma_semaphore, #tpu.memory_space<semaphore_mem>>) src(%dma_wait3A_642 : memref<128x128xf32, #tpu.memory_space<vmem>>) dst(%dma_wait3A_638 : memref<128x128xf32, #tpu.memory_space<hbm>>)
      } else {
      }
      %mul3A_420 = arith.constant 4 : i32
      %mul3A_421 = arith.muli %scan3A_394, %mul3A_420 : i32
      %add3A_422 = arith.constant 1 : i32
      %add3A_423 = arith.addi %mul3A_421, %add3A_422 : i32
      %dma_start3A_424 = arith.constant 0 : i32
      %dma_start3A_425 = arith.constant 1 : i32
      %dma_start3A_426 = arith.constant 0 : i32
      %dma_start3A_427 = arith.constant 0 : i32
      %dma_start3A_428 = tpu.memref_slice %arg6[%dma_start3A_425, %dma_start3A_426, %dma_start3A_427] : memref<4x128x128xf32, #tpu.memory_space<vmem>> -> memref<1x128x128xf32, #tpu.memory_space<vmem>>
      %dma_start3A_429 = tpu.memref_squeeze %dma_start3A_428 : memref<1x128x128xf32, #tpu.memory_space<vmem>> -> memref<128x128xf32, #tpu.memory_space<vmem>>
      %dma_start3A_430 = arith.constant 0 : i32
      %dma_start3A_431 = tpu.memref_slice %arg5[%dma_start3A_424, %add3A_423, %dma_start3A_430] : memref<2x80x128xi32, #tpu.memory_space<vmem>> -> memref<1x1x128xi32, #tpu.memory_space<vmem>>
      %dma_start3A_432 = tpu.memref_squeeze %dma_start3A_431 : memref<1x1x128xi32, #tpu.memory_space<vmem>> -> memref<128xi32, #tpu.memory_space<vmem>>
      %dma_start3A_433 = arith.constant 0 : i32
      %dma_start3A_434 = arith.constant 0 : i32
      %dma_start3A_435 = tpu.memref_slice %arg7[%dma_start3A_433, %dma_start3A_434] : memref<48x128xf32, #tpu.memory_space<vmem_shared>> -> memref<48x128xf32, #tpu.memory_space<vmem_shared>>
      tpu.enqueue_indirect_dma source(%dma_start3A_435 : memref<48x128xf32, #tpu.memory_space<vmem_shared>>) target(%dma_start3A_429 : memref<128x128xf32, #tpu.memory_space<vmem>>) offsets(%dma_start3A_432 : memref<128xi32, #tpu.memory_space<vmem>>) semaphore(%arg11 : memref<!tpu.dma_semaphore, #tpu.memory_space<semaphore_mem>>)
      %gt3A_436 = arith.constant 0 : i32
      %gt3A_437 = arith.cmpi sgt, %scan3A_394, %gt3A_436 : i32
      %convert_element_type3A_438 = arith.extui %gt3A_437 : i1 to i32
      %cond3A_439 = arith.constant 0 : i32
      %cond3A_440 = arith.cmpi ne, %convert_element_type3A_438, %cond3A_439 : i32
      scf.if %cond3A_440 {
        %dma_wait3A_630 = arith.constant 2 : i32
        %dma_wait3A_631 = arith.constant 0 : i32
        %dma_wait3A_632 = arith.constant 0 : i32
        %dma_wait3A_633 = tpu.memref_slice %arg6[%dma_wait3A_630, %dma_wait3A_631, %dma_wait3A_632] : memref<4x128x128xf32, #tpu.memory_space<vmem>> -> memref<1x128x128xf32, #tpu.memory_space<vmem>>
        %dma_wait3A_634 = tpu.memref_squeeze %dma_wait3A_633 : memref<1x128x128xf32, #tpu.memory_space<vmem>> -> memref<128x128xf32, #tpu.memory_space<vmem>>
        %dma_wait3A_635 = arith.constant 0 : i32
        %dma_wait3A_636 = tpu.memref_slice %arg4[%mul3A_2, %dma_wait3A_635] : memref<3276800x128xf32, #tpu.memory_space<hbm>> -> memref<128x128xf32, #tpu.memory_space<hbm>>
        %dma_wait3A_637 = arith.constant 0 : i32
        %dma_wait3A_638 = tpu.memref_slice %arg4[%mul3A_2, %dma_wait3A_637] : memref<3276800x128xf32, #tpu.memory_space<hbm>> -> memref<128x128xf32, #tpu.memory_space<hbm>>
        %dma_wait3A_639 = arith.constant 0 : i32
        %dma_wait3A_640 = arith.constant 0 : i32
        %dma_wait3A_641 = tpu.memref_slice %arg6[%dma_wait3A_630, %dma_wait3A_639, %dma_wait3A_640] : memref<4x128x128xf32, #tpu.memory_space<vmem>> -> memref<1x128x128xf32, #tpu.memory_space<vmem>>
        %dma_wait3A_642 = tpu.memref_squeeze %dma_wait3A_641 : memref<1x128x128xf32, #tpu.memory_space<vmem>> -> memref<128x128xf32, #tpu.memory_space<vmem>>
        tpu.wait_dma2 semaphore(%arg16 : memref<!tpu.dma_semaphore, #tpu.memory_space<semaphore_mem>>) src(%dma_wait3A_642 : memref<128x128xf32, #tpu.memory_space<vmem>>) dst(%dma_wait3A_638 : memref<128x128xf32, #tpu.memory_space<hbm>>)
      } else {
      }
      %mul3A_441 = arith.constant 4 : i32
      %mul3A_442 = arith.muli %scan3A_394, %mul3A_441 : i32
      %add3A_443 = arith.constant 2 : i32
      %add3A_444 = arith.addi %mul3A_442, %add3A_443 : i32
      %dma_start3A_445 = arith.constant 0 : i32
      %dma_start3A_446 = arith.constant 2 : i32
      %dma_start3A_447 = arith.constant 0 : i32
      %dma_start3A_448 = arith.constant 0 : i32
      %dma_start3A_449 = tpu.memref_slice %arg6[%dma_start3A_446, %dma_start3A_447, %dma_start3A_448] : memref<4x128x128xf32, #tpu.memory_space<vmem>> -> memref<1x128x128xf32, #tpu.memory_space<vmem>>
      %dma_start3A_450 = tpu.memref_squeeze %dma_start3A_449 : memref<1x128x128xf32, #tpu.memory_space<vmem>> -> memref<128x128xf32, #tpu.memory_space<vmem>>
      %dma_start3A_451 = arith.constant 0 : i32
      %dma_start3A_452 = tpu.memref_slice %arg5[%dma_start3A_445, %add3A_444, %dma_start3A_451] : memref<2x80x128xi32, #tpu.memory_space<vmem>> -> memref<1x1x128xi32, #tpu.memory_space<vmem>>
      %dma_start3A_453 = tpu.memref_squeeze %dma_start3A_452 : memref<1x1x128xi32, #tpu.memory_space<vmem>> -> memref<128xi32, #tpu.memory_space<vmem>>
      %dma_start3A_454 = arith.constant 0 : i32
      %dma_start3A_455 = arith.constant 0 : i32
      %dma_start3A_456 = tpu.memref_slice %arg7[%dma_start3A_454, %dma_start3A_455] : memref<48x128xf32, #tpu.memory_space<vmem_shared>> -> memref<48x128xf32, #tpu.memory_space<vmem_shared>>
      tpu.enqueue_indirect_dma source(%dma_start3A_456 : memref<48x128xf32, #tpu.memory_space<vmem_shared>>) target(%dma_start3A_450 : memref<128x128xf32, #tpu.memory_space<vmem>>) offsets(%dma_start3A_453 : memref<128xi32, #tpu.memory_space<vmem>>) semaphore(%arg12 : memref<!tpu.dma_semaphore, #tpu.memory_space<semaphore_mem>>)
      %gt3A_457 = arith.constant 0 : i32
      %gt3A_458 = arith.cmpi sgt, %scan3A_394, %gt3A_457 : i32
      %convert_element_type3A_459 = arith.extui %gt3A_458 : i1 to i32
      %cond3A_460 = arith.constant 0 : i32
      %cond3A_461 = arith.cmpi ne, %convert_element_type3A_459, %cond3A_460 : i32
      scf.if %cond3A_461 {
        %dma_wait3A_630 = arith.constant 3 : i32
        %dma_wait3A_631 = arith.constant 0 : i32
        %dma_wait3A_632 = arith.constant 0 : i32
        %dma_wait3A_633 = tpu.memref_slice %arg6[%dma_wait3A_630, %dma_wait3A_631, %dma_wait3A_632] : memref<4x128x128xf32, #tpu.memory_space<vmem>> -> memref<1x128x128xf32, #tpu.memory_space<vmem>>
        %dma_wait3A_634 = tpu.memref_squeeze %dma_wait3A_633 : memref<1x128x128xf32, #tpu.memory_space<vmem>> -> memref<128x128xf32, #tpu.memory_space<vmem>>
        %dma_wait3A_635 = arith.constant 0 : i32
        %dma_wait3A_636 = tpu.memref_slice %arg4[%mul3A_2, %dma_wait3A_635] : memref<3276800x128xf32, #tpu.memory_space<hbm>> -> memref<128x128xf32, #tpu.memory_space<hbm>>
        %dma_wait3A_637 = arith.constant 0 : i32
        %dma_wait3A_638 = tpu.memref_slice %arg4[%mul3A_2, %dma_wait3A_637] : memref<3276800x128xf32, #tpu.memory_space<hbm>> -> memref<128x128xf32, #tpu.memory_space<hbm>>
        %dma_wait3A_639 = arith.constant 0 : i32
        %dma_wait3A_640 = arith.constant 0 : i32
        %dma_wait3A_641 = tpu.memref_slice %arg6[%dma_wait3A_630, %dma_wait3A_639, %dma_wait3A_640] : memref<4x128x128xf32, #tpu.memory_space<vmem>> -> memref<1x128x128xf32, #tpu.memory_space<vmem>>
        %dma_wait3A_642 = tpu.memref_squeeze %dma_wait3A_641 : memref<1x128x128xf32, #tpu.memory_space<vmem>> -> memref<128x128xf32, #tpu.memory_space<vmem>>
        tpu.wait_dma2 semaphore(%arg17 : memref<!tpu.dma_semaphore, #tpu.memory_space<semaphore_mem>>) src(%dma_wait3A_642 : memref<128x128xf32, #tpu.memory_space<vmem>>) dst(%dma_wait3A_638 : memref<128x128xf32, #tpu.memory_space<hbm>>)
      } else {
      }
      %mul3A_462 = arith.constant 4 : i32
      %mul3A_463 = arith.muli %scan3A_394, %mul3A_462 : i32
      %add3A_464 = arith.constant 3 : i32
      %add3A_465 = arith.addi %mul3A_463, %add3A_464 : i32
      %dma_start3A_466 = arith.constant 0 : i32
      %dma_start3A_467 = arith.constant 3 : i32
      %dma_start3A_468 = arith.constant 0 : i32
      %dma_start3A_469 = arith.constant 0 : i32
      %dma_start3A_470 = tpu.memref_slice %arg6[%dma_start3A_467, %dma_start3A_468, %dma_start3A_469] : memref<4x128x128xf32, #tpu.memory_space<vmem>> -> memref<1x128x128xf32, #tpu.memory_space<vmem>>
      %dma_start3A_471 = tpu.memref_squeeze %dma_start3A_470 : memref<1x128x128xf32, #tpu.memory_space<vmem>> -> memref<128x128xf32, #tpu.memory_space<vmem>>
      %dma_start3A_472 = arith.constant 0 : i32
      %dma_start3A_473 = tpu.memref_slice %arg5[%dma_start3A_466, %add3A_465, %dma_start3A_472] : memref<2x80x128xi32, #tpu.memory_space<vmem>> -> memref<1x1x128xi32, #tpu.memory_space<vmem>>
      %dma_start3A_474 = tpu.memref_squeeze %dma_start3A_473 : memref<1x1x128xi32, #tpu.memory_space<vmem>> -> memref<128xi32, #tpu.memory_space<vmem>>
      %dma_start3A_475 = arith.constant 0 : i32
      %dma_start3A_476 = arith.constant 0 : i32
      %dma_start3A_477 = tpu.memref_slice %arg7[%dma_start3A_475, %dma_start3A_476] : memref<48x128xf32, #tpu.memory_space<vmem_shared>> -> memref<48x128xf32, #tpu.memory_space<vmem_shared>>
      tpu.enqueue_indirect_dma source(%dma_start3A_477 : memref<48x128xf32, #tpu.memory_space<vmem_shared>>) target(%dma_start3A_471 : memref<128x128xf32, #tpu.memory_space<vmem>>) offsets(%dma_start3A_474 : memref<128xi32, #tpu.memory_space<vmem>>) semaphore(%arg13 : memref<!tpu.dma_semaphore, #tpu.memory_space<semaphore_mem>>)
      %mul3A_478 = arith.constant 4 : i32
      %mul3A_479 = arith.muli %scan3A_394, %mul3A_478 : i32
      %add3A_480 = arith.constant 0 : i32
      %add3A_481 = arith.addi %mul3A_479, %add3A_480 : i32
      %dma_wait3A_482 = arith.constant 0 : i32
      %dma_wait3A_483 = arith.constant 0 : i32
      %dma_wait3A_484 = arith.constant 0 : i32
      %dma_wait3A_485 = arith.constant 0 : i32
      %dma_wait3A_486 = tpu.memref_slice %arg6[%dma_wait3A_483, %dma_wait3A_484, %dma_wait3A_485] : memref<4x128x128xf32, #tpu.memory_space<vmem>> -> memref<1x128x128xf32, #tpu.memory_space<vmem>>
      %dma_wait3A_487 = tpu.memref_squeeze %dma_wait3A_486 : memref<1x128x128xf32, #tpu.memory_space<vmem>> -> memref<128x128xf32, #tpu.memory_space<vmem>>
      %dma_wait3A_488 = arith.constant 0 : i32
      %dma_wait3A_489 = tpu.memref_slice %arg5[%dma_wait3A_482, %add3A_481, %dma_wait3A_488] : memref<2x80x128xi32, #tpu.memory_space<vmem>> -> memref<1x1x128xi32, #tpu.memory_space<vmem>>
      %dma_wait3A_490 = tpu.memref_squeeze %dma_wait3A_489 : memref<1x1x128xi32, #tpu.memory_space<vmem>> -> memref<128xi32, #tpu.memory_space<vmem>>
      %dma_wait3A_491 = arith.constant 0 : i32
      %dma_wait3A_492 = arith.constant 0 : i32
      %dma_wait3A_493 = tpu.memref_slice %arg7[%dma_wait3A_491, %dma_wait3A_492] : memref<48x128xf32, #tpu.memory_space<vmem_shared>> -> memref<48x128xf32, #tpu.memory_space<vmem_shared>>
      tpu.wait_indirect_dma semaphore(%arg10 : memref<!tpu.dma_semaphore, #tpu.memory_space<semaphore_mem>>) src(%dma_wait3A_493 : memref<48x128xf32, #tpu.memory_space<vmem_shared>>) dst(%dma_wait3A_487 : memref<128x128xf32, #tpu.memory_space<vmem>>)
      %add3A_494 = arith.constant 0 : i32
      %add3A_495 = arith.addi %mul3A_2, %add3A_494 : i32
      %mul3A_496 = arith.constant 4 : i32
      %mul3A_497 = arith.muli %scan3A_394, %mul3A_496 : i32
      %add3A_498 = arith.addi %add3A_495, %mul3A_497 : i32
      %add3A_499 = arith.constant 0 : i32
      %add3A_500 = arith.addi %add3A_498, %add3A_499 : i32
      %mul3A_501 = arith.constant 128 : i32
      %mul3A_502 = arith.muli %add3A_500, %mul3A_501 : i32
      %dma_start3A_503 = arith.constant 0 : i32
      %dma_start3A_504 = arith.constant 0 : i32
      %dma_start3A_505 = arith.constant 0 : i32
      %dma_start3A_506 = tpu.memref_slice %arg6[%dma_start3A_503, %dma_start3A_504, %dma_start3A_505] : memref<4x128x128xf32, #tpu.memory_space<vmem>> -> memref<1x128x128xf32, #tpu.memory_space<vmem>>
      %dma_start3A_507 = tpu.memref_squeeze %dma_start3A_506 : memref<1x128x128xf32, #tpu.memory_space<vmem>> -> memref<128x128xf32, #tpu.memory_space<vmem>>
      %dma_start3A_508 = arith.constant 0 : i32
      %dma_start3A_509 = tpu.memref_slice %arg4[%mul3A_502, %dma_start3A_508] : memref<3276800x128xf32, #tpu.memory_space<hbm>> -> memref<128x128xf32, #tpu.memory_space<hbm>>
      %dma_start3A_510 = arith.constant 0 : i32
      %dma_start3A_511 = tpu.memref_slice %arg4[%mul3A_502, %dma_start3A_510] : memref<3276800x128xf32, #tpu.memory_space<hbm>> -> memref<128x128xf32, #tpu.memory_space<hbm>>
      %dma_start3A_512 = arith.constant 0 : i32
      %dma_start3A_513 = arith.constant 0 : i32
      %dma_start3A_514 = tpu.memref_slice %arg6[%dma_start3A_503, %dma_start3A_512, %dma_start3A_513] : memref<4x128x128xf32, #tpu.memory_space<vmem>> -> memref<1x128x128xf32, #tpu.memory_space<vmem>>
      %dma_start3A_515 = tpu.memref_squeeze %dma_start3A_514 : memref<1x128x128xf32, #tpu.memory_space<vmem>> -> memref<128x128xf32, #tpu.memory_space<vmem>>
      tpu.enqueue_dma source(%dma_start3A_515 : memref<128x128xf32, #tpu.memory_space<vmem>>) target(%dma_start3A_511 : memref<128x128xf32, #tpu.memory_space<hbm>>) target_semaphore(%arg14 : memref<!tpu.dma_semaphore, #tpu.memory_space<semaphore_mem>>)
      %mul3A_516 = arith.constant 4 : i32
      %mul3A_517 = arith.muli %scan3A_394, %mul3A_516 : i32
      %add3A_518 = arith.constant 1 : i32
      %add3A_519 = arith.addi %mul3A_517, %add3A_518 : i32
      %dma_wait3A_520 = arith.constant 0 : i32
      %dma_wait3A_521 = arith.constant 1 : i32
      %dma_wait3A_522 = arith.constant 0 : i32
      %dma_wait3A_523 = arith.constant 0 : i32
      %dma_wait3A_524 = tpu.memref_slice %arg6[%dma_wait3A_521, %dma_wait3A_522, %dma_wait3A_523] : memref<4x128x128xf32, #tpu.memory_space<vmem>> -> memref<1x128x128xf32, #tpu.memory_space<vmem>>
      %dma_wait3A_525 = tpu.memref_squeeze %dma_wait3A_524 : memref<1x128x128xf32, #tpu.memory_space<vmem>> -> memref<128x128xf32, #tpu.memory_space<vmem>>
      %dma_wait3A_526 = arith.constant 0 : i32
      %dma_wait3A_527 = tpu.memref_slice %arg5[%dma_wait3A_520, %add3A_519, %dma_wait3A_526] : memref<2x80x128xi32, #tpu.memory_space<vmem>> -> memref<1x1x128xi32, #tpu.memory_space<vmem>>
      %dma_wait3A_528 = tpu.memref_squeeze %dma_wait3A_527 : memref<1x1x128xi32, #tpu.memory_space<vmem>> -> memref<128xi32, #tpu.memory_space<vmem>>
      %dma_wait3A_529 = arith.constant 0 : i32
      %dma_wait3A_530 = arith.constant 0 : i32
      %dma_wait3A_531 = tpu.memref_slice %arg7[%dma_wait3A_529, %dma_wait3A_530] : memref<48x128xf32, #tpu.memory_space<vmem_shared>> -> memref<48x128xf32, #tpu.memory_space<vmem_shared>>
      tpu.wait_indirect_dma semaphore(%arg11 : memref<!tpu.dma_semaphore, #tpu.memory_space<semaphore_mem>>) src(%dma_wait3A_531 : memref<48x128xf32, #tpu.memory_space<vmem_shared>>) dst(%dma_wait3A_525 : memref<128x128xf32, #tpu.memory_space<vmem>>)
      %add3A_532 = arith.constant 0 : i32
      %add3A_533 = arith.addi %mul3A_2, %add3A_532 : i32
      %mul3A_534 = arith.constant 4 : i32
      %mul3A_535 = arith.muli %scan3A_394, %mul3A_534 : i32
      %add3A_536 = arith.addi %add3A_533, %mul3A_535 : i32
      %add3A_537 = arith.constant 1 : i32
      %add3A_538 = arith.addi %add3A_536, %add3A_537 : i32
      %mul3A_539 = arith.constant 128 : i32
      %mul3A_540 = arith.muli %add3A_538, %mul3A_539 : i32
      %dma_start3A_541 = arith.constant 1 : i32
      %dma_start3A_542 = arith.constant 0 : i32
      %dma_start3A_543 = arith.constant 0 : i32
      %dma_start3A_544 = tpu.memref_slice %arg6[%dma_start3A_541, %dma_start3A_542, %dma_start3A_543] : memref<4x128x128xf32, #tpu.memory_space<vmem>> -> memref<1x128x128xf32, #tpu.memory_space<vmem>>
      %dma_start3A_545 = tpu.memref_squeeze %dma_start3A_544 : memref<1x128x128xf32, #tpu.memory_space<vmem>> -> memref<128x128xf32, #tpu.memory_space<vmem>>
      %dma_start3A_546 = arith.constant 0 : i32
      %dma_start3A_547 = tpu.memref_slice %arg4[%mul3A_540, %dma_start3A_546] : memref<3276800x128xf32, #tpu.memory_space<hbm>> -> memref<128x128xf32, #tpu.memory_space<hbm>>
      %dma_start3A_548 = arith.constant 0 : i32
      %dma_start3A_549 = tpu.memref_slice %arg4[%mul3A_540, %dma_start3A_548] : memref<3276800x128xf32, #tpu.memory_space<hbm>> -> memref<128x128xf32, #tpu.memory_space<hbm>>
      %dma_start3A_550 = arith.constant 0 : i32
      %dma_start3A_551 = arith.constant 0 : i32
      %dma_start3A_552 = tpu.memref_slice %arg6[%dma_start3A_541, %dma_start3A_550, %dma_start3A_551] : memref<4x128x128xf32, #tpu.memory_space<vmem>> -> memref<1x128x128xf32, #tpu.memory_space<vmem>>
      %dma_start3A_553 = tpu.memref_squeeze %dma_start3A_552 : memref<1x128x128xf32, #tpu.memory_space<vmem>> -> memref<128x128xf32, #tpu.memory_space<vmem>>
      tpu.enqueue_dma source(%dma_start3A_553 : memref<128x128xf32, #tpu.memory_space<vmem>>) target(%dma_start3A_549 : memref<128x128xf32, #tpu.memory_space<hbm>>) target_semaphore(%arg15 : memref<!tpu.dma_semaphore, #tpu.memory_space<semaphore_mem>>)
      %mul3A_554 = arith.constant 4 : i32
      %mul3A_555 = arith.muli %scan3A_394, %mul3A_554 : i32
      %add3A_556 = arith.constant 2 : i32
      %add3A_557 = arith.addi %mul3A_555, %add3A_556 : i32
      %dma_wait3A_558 = arith.constant 0 : i32
      %dma_wait3A_559 = arith.constant 2 : i32
      %dma_wait3A_560 = arith.constant 0 : i32
      %dma_wait3A_561 = arith.constant 0 : i32
      %dma_wait3A_562 = tpu.memref_slice %arg6[%dma_wait3A_559, %dma_wait3A_560, %dma_wait3A_561] : memref<4x128x128xf32, #tpu.memory_space<vmem>> -> memref<1x128x128xf32, #tpu.memory_space<vmem>>
      %dma_wait3A_563 = tpu.memref_squeeze %dma_wait3A_562 : memref<1x128x128xf32, #tpu.memory_space<vmem>> -> memref<128x128xf32, #tpu.memory_space<vmem>>
      %dma_wait3A_564 = arith.constant 0 : i32
      %dma_wait3A_565 = tpu.memref_slice %arg5[%dma_wait3A_558, %add3A_557, %dma_wait3A_564] : memref<2x80x128xi32, #tpu.memory_space<vmem>> -> memref<1x1x128xi32, #tpu.memory_space<vmem>>
      %dma_wait3A_566 = tpu.memref_squeeze %dma_wait3A_565 : memref<1x1x128xi32, #tpu.memory_space<vmem>> -> memref<128xi32, #tpu.memory_space<vmem>>
      %dma_wait3A_567 = arith.constant 0 : i32
      %dma_wait3A_568 = arith.constant 0 : i32
      %dma_wait3A_569 = tpu.memref_slice %arg7[%dma_wait3A_567, %dma_wait3A_568] : memref<48x128xf32, #tpu.memory_space<vmem_shared>> -> memref<48x128xf32, #tpu.memory_space<vmem_shared>>
      tpu.wait_indirect_dma semaphore(%arg12 : memref<!tpu.dma_semaphore, #tpu.memory_space<semaphore_mem>>) src(%dma_wait3A_569 : memref<48x128xf32, #tpu.memory_space<vmem_shared>>) dst(%dma_wait3A_563 : memref<128x128xf32, #tpu.memory_space<vmem>>)
      %add3A_570 = arith.constant 0 : i32
      %add3A_571 = arith.addi %mul3A_2, %add3A_570 : i32
      %mul3A_572 = arith.constant 4 : i32
      %mul3A_573 = arith.muli %scan3A_394, %mul3A_572 : i32
      %add3A_574 = arith.addi %add3A_571, %mul3A_573 : i32
      %add3A_575 = arith.constant 2 : i32
      %add3A_576 = arith.addi %add3A_574, %add3A_575 : i32
      %mul3A_577 = arith.constant 128 : i32
      %mul3A_578 = arith.muli %add3A_576, %mul3A_577 : i32
      %dma_start3A_579 = arith.constant 2 : i32
      %dma_start3A_580 = arith.constant 0 : i32
      %dma_start3A_581 = arith.constant 0 : i32
      %dma_start3A_582 = tpu.memref_slice %arg6[%dma_start3A_579, %dma_start3A_580, %dma_start3A_581] : memref<4x128x128xf32, #tpu.memory_space<vmem>> -> memref<1x128x128xf32, #tpu.memory_space<vmem>>
      %dma_start3A_583 = tpu.memref_squeeze %dma_start3A_582 : memref<1x128x128xf32, #tpu.memory_space<vmem>> -> memref<128x128xf32, #tpu.memory_space<vmem>>
      %dma_start3A_584 = arith.constant 0 : i32
      %dma_start3A_585 = tpu.memref_slice %arg4[%mul3A_578, %dma_start3A_584] : memref<3276800x128xf32, #tpu.memory_space<hbm>> -> memref<128x128xf32, #tpu.memory_space<hbm>>
      %dma_start3A_586 = arith.constant 0 : i32
      %dma_start3A_587 = tpu.memref_slice %arg4[%mul3A_578, %dma_start3A_586] : memref<3276800x128xf32, #tpu.memory_space<hbm>> -> memref<128x128xf32, #tpu.memory_space<hbm>>
      %dma_start3A_588 = arith.constant 0 : i32
      %dma_start3A_589 = arith.constant 0 : i32
      %dma_start3A_590 = tpu.memref_slice %arg6[%dma_start3A_579, %dma_start3A_588, %dma_start3A_589] : memref<4x128x128xf32, #tpu.memory_space<vmem>> -> memref<1x128x128xf32, #tpu.memory_space<vmem>>
      %dma_start3A_591 = tpu.memref_squeeze %dma_start3A_590 : memref<1x128x128xf32, #tpu.memory_space<vmem>> -> memref<128x128xf32, #tpu.memory_space<vmem>>
      tpu.enqueue_dma source(%dma_start3A_591 : memref<128x128xf32, #tpu.memory_space<vmem>>) target(%dma_start3A_587 : memref<128x128xf32, #tpu.memory_space<hbm>>) target_semaphore(%arg16 : memref<!tpu.dma_semaphore, #tpu.memory_space<semaphore_mem>>)
      %mul3A_592 = arith.constant 4 : i32
      %mul3A_593 = arith.muli %scan3A_394, %mul3A_592 : i32
      %add3A_594 = arith.constant 3 : i32
      %add3A_595 = arith.addi %mul3A_593, %add3A_594 : i32
      %dma_wait3A_596 = arith.constant 0 : i32
      %dma_wait3A_597 = arith.constant 3 : i32
      %dma_wait3A_598 = arith.constant 0 : i32
      %dma_wait3A_599 = arith.constant 0 : i32
      %dma_wait3A_600 = tpu.memref_slice %arg6[%dma_wait3A_597, %dma_wait3A_598, %dma_wait3A_599] : memref<4x128x128xf32, #tpu.memory_space<vmem>> -> memref<1x128x128xf32, #tpu.memory_space<vmem>>
      %dma_wait3A_601 = tpu.memref_squeeze %dma_wait3A_600 : memref<1x128x128xf32, #tpu.memory_space<vmem>> -> memref<128x128xf32, #tpu.memory_space<vmem>>
      %dma_wait3A_602 = arith.constant 0 : i32
      %dma_wait3A_603 = tpu.memref_slice %arg5[%dma_wait3A_596, %add3A_595, %dma_wait3A_602] : memref<2x80x128xi32, #tpu.memory_space<vmem>> -> memref<1x1x128xi32, #tpu.memory_space<vmem>>
      %dma_wait3A_604 = tpu.memref_squeeze %dma_wait3A_603 : memref<1x1x128xi32, #tpu.memory_space<vmem>> -> memref<128xi32, #tpu.memory_space<vmem>>
      %dma_wait3A_605 = arith.constant 0 : i32
      %dma_wait3A_606 = arith.constant 0 : i32
      %dma_wait3A_607 = tpu.memref_slice %arg7[%dma_wait3A_605, %dma_wait3A_606] : memref<48x128xf32, #tpu.memory_space<vmem_shared>> -> memref<48x128xf32, #tpu.memory_space<vmem_shared>>
      tpu.wait_indirect_dma semaphore(%arg13 : memref<!tpu.dma_semaphore, #tpu.memory_space<semaphore_mem>>) src(%dma_wait3A_607 : memref<48x128xf32, #tpu.memory_space<vmem_shared>>) dst(%dma_wait3A_601 : memref<128x128xf32, #tpu.memory_space<vmem>>)
      %add3A_608 = arith.constant 0 : i32
      %add3A_609 = arith.addi %mul3A_2, %add3A_608 : i32
      %mul3A_610 = arith.constant 4 : i32
      %mul3A_611 = arith.muli %scan3A_394, %mul3A_610 : i32
      %add3A_612 = arith.addi %add3A_609, %mul3A_611 : i32
      %add3A_613 = arith.constant 3 : i32
      %add3A_614 = arith.addi %add3A_612, %add3A_613 : i32
      %mul3A_615 = arith.constant 128 : i32
      %mul3A_616 = arith.muli %add3A_614, %mul3A_615 : i32
      %dma_start3A_617 = arith.constant 3 : i32
      %dma_start3A_618 = arith.constant 0 : i32
      %dma_start3A_619 = arith.constant 0 : i32
      %dma_start3A_620 = tpu.memref_slice %arg6[%dma_start3A_617, %dma_start3A_618, %dma_start3A_619] : memref<4x128x128xf32, #tpu.memory_space<vmem>> -> memref<1x128x128xf32, #tpu.memory_space<vmem>>
      %dma_start3A_621 = tpu.memref_squeeze %dma_start3A_620 : memref<1x128x128xf32, #tpu.memory_space<vmem>> -> memref<128x128xf32, #tpu.memory_space<vmem>>
      %dma_start3A_622 = arith.constant 0 : i32
      %dma_start3A_623 = tpu.memref_slice %arg4[%mul3A_616, %dma_start3A_622] : memref<3276800x128xf32, #tpu.memory_space<hbm>> -> memref<128x128xf32, #tpu.memory_space<hbm>>
      %dma_start3A_624 = arith.constant 0 : i32
      %dma_start3A_625 = tpu.memref_slice %arg4[%mul3A_616, %dma_start3A_624] : memref<3276800x128xf32, #tpu.memory_space<hbm>> -> memref<128x128xf32, #tpu.memory_space<hbm>>
      %dma_start3A_626 = arith.constant 0 : i32
      %dma_start3A_627 = arith.constant 0 : i32
      %dma_start3A_628 = tpu.memref_slice %arg6[%dma_start3A_617, %dma_start3A_626, %dma_start3A_627] : memref<4x128x128xf32, #tpu.memory_space<vmem>> -> memref<1x128x128xf32, #tpu.memory_space<vmem>>
      %dma_start3A_629 = tpu.memref_squeeze %dma_start3A_628 : memref<1x128x128xf32, #tpu.memory_space<vmem>> -> memref<128x128xf32, #tpu.memory_space<vmem>>
      tpu.enqueue_dma source(%dma_start3A_629 : memref<128x128xf32, #tpu.memory_space<vmem>>) target(%dma_start3A_625 : memref<128x128xf32, #tpu.memory_space<hbm>>) target_semaphore(%arg17 : memref<!tpu.dma_semaphore, #tpu.memory_space<semaphore_mem>>)
    }
    %scan3A_50 = arith.constant 20 : i32
    %dma_wait3A_51 = arith.constant 1 : i32
    %dma_wait3A_52 = arith.constant 0 : i32
    %dma_wait3A_53 = arith.constant 0 : i32
    %dma_wait3A_54 = tpu.memref_slice %arg5[%dma_wait3A_51, %dma_wait3A_52, %dma_wait3A_53] : memref<2x80x128xi32, #tpu.memory_space<vmem>> -> memref<1x80x128xi32, #tpu.memory_space<vmem>>
    %dma_wait3A_55 = tpu.memref_squeeze %dma_wait3A_54 : memref<1x80x128xi32, #tpu.memory_space<vmem>> -> memref<80x128xi32, #tpu.memory_space<vmem>>
    %dma_wait3A_56 = arith.constant 0 : i32
    %dma_wait3A_57 = tpu.memref_slice %arg2[%mul3A_2, %dma_wait3A_56] : memref<25600x128xi32, #tpu.memory_space<hbm>> -> memref<80x128xi32, #tpu.memory_space<hbm>>
    %dma_wait3A_58 = arith.constant 0 : i32
    %dma_wait3A_59 = arith.constant 0 : i32
    %dma_wait3A_60 = tpu.memref_slice %arg5[%dma_wait3A_51, %dma_wait3A_58, %dma_wait3A_59] : memref<2x80x128xi32, #tpu.memory_space<vmem>> -> memref<1x80x128xi32, #tpu.memory_space<vmem>>
    %dma_wait3A_61 = tpu.memref_squeeze %dma_wait3A_60 : memref<1x80x128xi32, #tpu.memory_space<vmem>> -> memref<80x128xi32, #tpu.memory_space<vmem>>
    %dma_wait3A_62 = arith.constant 0 : i32
    %dma_wait3A_63 = tpu.memref_slice %arg2[%mul3A_2, %dma_wait3A_62] : memref<25600x128xi32, #tpu.memory_space<hbm>> -> memref<80x128xi32, #tpu.memory_space<hbm>>
    tpu.wait_dma2 semaphore(%arg9 : memref<!tpu.dma_semaphore, #tpu.memory_space<semaphore_mem>>) src(%dma_wait3A_63 : memref<80x128xi32, #tpu.memory_space<hbm>>) dst(%dma_wait3A_61 : memref<80x128xi32, #tpu.memory_space<vmem>>)
    %add3A_64 = arith.constant 160 : i32
    %add3A_65 = arith.addi %mul3A_2, %add3A_64 : i32
    %dma_start3A_66 = arith.constant 0 : i32
    %dma_start3A_67 = arith.constant 0 : i32
    %dma_start3A_68 = arith.constant 0 : i32
    %dma_start3A_69 = tpu.memref_slice %arg5[%dma_start3A_66, %dma_start3A_67, %dma_start3A_68] : memref<2x80x128xi32, #tpu.memory_space<vmem>> -> memref<1x80x128xi32, #tpu.memory_space<vmem>>
    %dma_start3A_70 = tpu.memref_squeeze %dma_start3A_69 : memref<1x80x128xi32, #tpu.memory_space<vmem>> -> memref<80x128xi32, #tpu.memory_space<vmem>>
    %dma_start3A_71 = arith.constant 0 : i32
    %dma_start3A_72 = tpu.memref_slice %arg2[%add3A_65, %dma_start3A_71] : memref<25600x128xi32, #tpu.memory_space<hbm>> -> memref<80x128xi32, #tpu.memory_space<hbm>>
    %dma_start3A_73 = arith.constant 0 : i32
    %dma_start3A_74 = arith.constant 0 : i32
    %dma_start3A_75 = tpu.memref_slice %arg5[%dma_start3A_66, %dma_start3A_73, %dma_start3A_74] : memref<2x80x128xi32, #tpu.memory_space<vmem>> -> memref<1x80x128xi32, #tpu.memory_space<vmem>>
    %dma_start3A_76 = tpu.memref_squeeze %dma_start3A_75 : memref<1x80x128xi32, #tpu.memory_space<vmem>> -> memref<80x128xi32, #tpu.memory_space<vmem>>
    %dma_start3A_77 = arith.constant 0 : i32
    %dma_start3A_78 = tpu.memref_slice %arg2[%add3A_65, %dma_start3A_77] : memref<25600x128xi32, #tpu.memory_space<hbm>> -> memref<80x128xi32, #tpu.memory_space<hbm>>
    tpu.enqueue_dma source(%dma_start3A_78 : memref<80x128xi32, #tpu.memory_space<hbm>>) target(%dma_start3A_76 : memref<80x128xi32, #tpu.memory_space<vmem>>) target_semaphore(%arg8 : memref<!tpu.dma_semaphore, #tpu.memory_space<semaphore_mem>>)
    %scan3A_79 = arith.constant 0 : i32
    %scan3A_80 = arith.constant 0 : i32
    %scan3A_81 = arith.constant 20 : i32
    %scan3A_82 = arith.addi %scan3A_80, %scan3A_81 : i32
    %scan3A_83 = arith.constant 1 : i32
    scf.for %scan3A_394 = %scan3A_80 to %scan3A_82 step %scan3A_83  : i32 {
      %dma_wait3A_395 = arith.constant 0 : i32
      %dma_wait3A_396 = arith.constant 0 : i32
      %dma_wait3A_397 = arith.constant 0 : i32
      %dma_wait3A_398 = tpu.memref_slice %arg6[%dma_wait3A_395, %dma_wait3A_396, %dma_wait3A_397] : memref<4x128x128xf32, #tpu.memory_space<vmem>> -> memref<1x128x128xf32, #tpu.memory_space<vmem>>
      %dma_wait3A_399 = tpu.memref_squeeze %dma_wait3A_398 : memref<1x128x128xf32, #tpu.memory_space<vmem>> -> memref<128x128xf32, #tpu.memory_space<vmem>>
      %dma_wait3A_400 = arith.constant 0 : i32
      %dma_wait3A_401 = tpu.memref_slice %arg4[%mul3A_2, %dma_wait3A_400] : memref<3276800x128xf32, #tpu.memory_space<hbm>> -> memref<128x128xf32, #tpu.memory_space<hbm>>
      %dma_wait3A_402 = arith.constant 0 : i32
      %dma_wait3A_403 = tpu.memref_slice %arg4[%mul3A_2, %dma_wait3A_402] : memref<3276800x128xf32, #tpu.memory_space<hbm>> -> memref<128x128xf32, #tpu.memory_space<hbm>>
      %dma_wait3A_404 = arith.constant 0 : i32
      %dma_wait3A_405 = arith.constant 0 : i32
      %dma_wait3A_406 = tpu.memref_slice %arg6[%dma_wait3A_395, %dma_wait3A_404, %dma_wait3A_405] : memref<4x128x128xf32, #tpu.memory_space<vmem>> -> memref<1x128x128xf32, #tpu.memory_space<vmem>>
      %dma_wait3A_407 = tpu.memref_squeeze %dma_wait3A_406 : memref<1x128x128xf32, #tpu.memory_space<vmem>> -> memref<128x128xf32, #tpu.memory_space<vmem>>
      tpu.wait_dma2 semaphore(%arg14 : memref<!tpu.dma_semaphore, #tpu.memory_space<semaphore_mem>>) src(%dma_wait3A_407 : memref<128x128xf32, #tpu.memory_space<vmem>>) dst(%dma_wait3A_403 : memref<128x128xf32, #tpu.memory_space<hbm>>)
      %mul3A_408 = arith.constant 4 : i32
      %mul3A_409 = arith.muli %scan3A_394, %mul3A_408 : i32
      %add3A_410 = arith.constant 0 : i32
      %add3A_411 = arith.addi %mul3A_409, %add3A_410 : i32
      %dma_start3A_412 = arith.constant 1 : i32
      %dma_start3A_413 = arith.constant 0 : i32
      %dma_start3A_414 = arith.constant 0 : i32
      %dma_start3A_415 = arith.constant 0 : i32
      %dma_start3A_416 = tpu.memref_slice %arg6[%dma_start3A_413, %dma_start3A_414, %dma_start3A_415] : memref<4x128x128xf32, #tpu.memory_space<vmem>> -> memref<1x128x128xf32, #tpu.memory_space<vmem>>
      %dma_start3A_417 = tpu.memref_squeeze %dma_start3A_416 : memref<1x128x128xf32, #tpu.memory_space<vmem>> -> memref<128x128xf32, #tpu.memory_space<vmem>>
      %dma_start3A_418 = arith.constant 0 : i32
      %dma_start3A_419 = tpu.memref_slice %arg5[%dma_start3A_412, %add3A_411, %dma_start3A_418] : memref<2x80x128xi32, #tpu.memory_space<vmem>> -> memref<1x1x128xi32, #tpu.memory_space<vmem>>
      %dma_start3A_420 = tpu.memref_squeeze %dma_start3A_419 : memref<1x1x128xi32, #tpu.memory_space<vmem>> -> memref<128xi32, #tpu.memory_space<vmem>>
      %dma_start3A_421 = arith.constant 0 : i32
      %dma_start3A_422 = arith.constant 0 : i32
      %dma_start3A_423 = tpu.memref_slice %arg7[%dma_start3A_421, %dma_start3A_422] : memref<48x128xf32, #tpu.memory_space<vmem_shared>> -> memref<48x128xf32, #tpu.memory_space<vmem_shared>>
      tpu.enqueue_indirect_dma source(%dma_start3A_423 : memref<48x128xf32, #tpu.memory_space<vmem_shared>>) target(%dma_start3A_417 : memref<128x128xf32, #tpu.memory_space<vmem>>) offsets(%dma_start3A_420 : memref<128xi32, #tpu.memory_space<vmem>>) semaphore(%arg10 : memref<!tpu.dma_semaphore, #tpu.memory_space<semaphore_mem>>)
      %dma_wait3A_424 = arith.constant 1 : i32
      %dma_wait3A_425 = arith.constant 0 : i32
      %dma_wait3A_426 = arith.constant 0 : i32
      %dma_wait3A_427 = tpu.memref_slice %arg6[%dma_wait3A_424, %dma_wait3A_425, %dma_wait3A_426] : memref<4x128x128xf32, #tpu.memory_space<vmem>> -> memref<1x128x128xf32, #tpu.memory_space<vmem>>
      %dma_wait3A_428 = tpu.memref_squeeze %dma_wait3A_427 : memref<1x128x128xf32, #tpu.memory_space<vmem>> -> memref<128x128xf32, #tpu.memory_space<vmem>>
      %dma_wait3A_429 = arith.constant 0 : i32
      %dma_wait3A_430 = tpu.memref_slice %arg4[%mul3A_2, %dma_wait3A_429] : memref<3276800x128xf32, #tpu.memory_space<hbm>> -> memref<128x128xf32, #tpu.memory_space<hbm>>
      %dma_wait3A_431 = arith.constant 0 : i32
      %dma_wait3A_432 = tpu.memref_slice %arg4[%mul3A_2, %dma_wait3A_431] : memref<3276800x128xf32, #tpu.memory_space<hbm>> -> memref<128x128xf32, #tpu.memory_space<hbm>>
      %dma_wait3A_433 = arith.constant 0 : i32
      %dma_wait3A_434 = arith.constant 0 : i32
      %dma_wait3A_435 = tpu.memref_slice %arg6[%dma_wait3A_424, %dma_wait3A_433, %dma_wait3A_434] : memref<4x128x128xf32, #tpu.memory_space<vmem>> -> memref<1x128x128xf32, #tpu.memory_space<vmem>>
      %dma_wait3A_436 = tpu.memref_squeeze %dma_wait3A_435 : memref<1x128x128xf32, #tpu.memory_space<vmem>> -> memref<128x128xf32, #tpu.memory_space<vmem>>
      tpu.wait_dma2 semaphore(%arg15 : memref<!tpu.dma_semaphore, #tpu.memory_space<semaphore_mem>>) src(%dma_wait3A_436 : memref<128x128xf32, #tpu.memory_space<vmem>>) dst(%dma_wait3A_432 : memref<128x128xf32, #tpu.memory_space<hbm>>)
      %mul3A_437 = arith.constant 4 : i32
      %mul3A_438 = arith.muli %scan3A_394, %mul3A_437 : i32
      %add3A_439 = arith.constant 1 : i32
      %add3A_440 = arith.addi %mul3A_438, %add3A_439 : i32
      %dma_start3A_441 = arith.constant 1 : i32
      %dma_start3A_442 = arith.constant 1 : i32
      %dma_start3A_443 = arith.constant 0 : i32
      %dma_start3A_444 = arith.constant 0 : i32
      %dma_start3A_445 = tpu.memref_slice %arg6[%dma_start3A_442, %dma_start3A_443, %dma_start3A_444] : memref<4x128x128xf32, #tpu.memory_space<vmem>> -> memref<1x128x128xf32, #tpu.memory_space<vmem>>
      %dma_start3A_446 = tpu.memref_squeeze %dma_start3A_445 : memref<1x128x128xf32, #tpu.memory_space<vmem>> -> memref<128x128xf32, #tpu.memory_space<vmem>>
      %dma_start3A_447 = arith.constant 0 : i32
      %dma_start3A_448 = tpu.memref_slice %arg5[%dma_start3A_441, %add3A_440, %dma_start3A_447] : memref<2x80x128xi32, #tpu.memory_space<vmem>> -> memref<1x1x128xi32, #tpu.memory_space<vmem>>
      %dma_start3A_449 = tpu.memref_squeeze %dma_start3A_448 : memref<1x1x128xi32, #tpu.memory_space<vmem>> -> memref<128xi32, #tpu.memory_space<vmem>>
      %dma_start3A_450 = arith.constant 0 : i32
      %dma_start3A_451 = arith.constant 0 : i32
      %dma_start3A_452 = tpu.memref_slice %arg7[%dma_start3A_450, %dma_start3A_451] : memref<48x128xf32, #tpu.memory_space<vmem_shared>> -> memref<48x128xf32, #tpu.memory_space<vmem_shared>>
      tpu.enqueue_indirect_dma source(%dma_start3A_452 : memref<48x128xf32, #tpu.memory_space<vmem_shared>>) target(%dma_start3A_446 : memref<128x128xf32, #tpu.memory_space<vmem>>) offsets(%dma_start3A_449 : memref<128xi32, #tpu.memory_space<vmem>>) semaphore(%arg11 : memref<!tpu.dma_semaphore, #tpu.memory_space<semaphore_mem>>)
      %dma_wait3A_453 = arith.constant 2 : i32
      %dma_wait3A_454 = arith.constant 0 : i32
      %dma_wait3A_455 = arith.constant 0 : i32
      %dma_wait3A_456 = tpu.memref_slice %arg6[%dma_wait3A_453, %dma_wait3A_454, %dma_wait3A_455] : memref<4x128x128xf32, #tpu.memory_space<vmem>> -> memref<1x128x128xf32, #tpu.memory_space<vmem>>
      %dma_wait3A_457 = tpu.memref_squeeze %dma_wait3A_456 : memref<1x128x128xf32, #tpu.memory_space<vmem>> -> memref<128x128xf32, #tpu.memory_space<vmem>>
      %dma_wait3A_458 = arith.constant 0 : i32
      %dma_wait3A_459 = tpu.memref_slice %arg4[%mul3A_2, %dma_wait3A_458] : memref<3276800x128xf32, #tpu.memory_space<hbm>> -> memref<128x128xf32, #tpu.memory_space<hbm>>
      %dma_wait3A_460 = arith.constant 0 : i32
      %dma_wait3A_461 = tpu.memref_slice %arg4[%mul3A_2, %dma_wait3A_460] : memref<3276800x128xf32, #tpu.memory_space<hbm>> -> memref<128x128xf32, #tpu.memory_space<hbm>>
      %dma_wait3A_462 = arith.constant 0 : i32
      %dma_wait3A_463 = arith.constant 0 : i32
      %dma_wait3A_464 = tpu.memref_slice %arg6[%dma_wait3A_453, %dma_wait3A_462, %dma_wait3A_463] : memref<4x128x128xf32, #tpu.memory_space<vmem>> -> memref<1x128x128xf32, #tpu.memory_space<vmem>>
      %dma_wait3A_465 = tpu.memref_squeeze %dma_wait3A_464 : memref<1x128x128xf32, #tpu.memory_space<vmem>> -> memref<128x128xf32, #tpu.memory_space<vmem>>
      tpu.wait_dma2 semaphore(%arg16 : memref<!tpu.dma_semaphore, #tpu.memory_space<semaphore_mem>>) src(%dma_wait3A_465 : memref<128x128xf32, #tpu.memory_space<vmem>>) dst(%dma_wait3A_461 : memref<128x128xf32, #tpu.memory_space<hbm>>)
      %mul3A_466 = arith.constant 4 : i32
      %mul3A_467 = arith.muli %scan3A_394, %mul3A_466 : i32
      %add3A_468 = arith.constant 2 : i32
      %add3A_469 = arith.addi %mul3A_467, %add3A_468 : i32
      %dma_start3A_470 = arith.constant 1 : i32
      %dma_start3A_471 = arith.constant 2 : i32
      %dma_start3A_472 = arith.constant 0 : i32
      %dma_start3A_473 = arith.constant 0 : i32
      %dma_start3A_474 = tpu.memref_slice %arg6[%dma_start3A_471, %dma_start3A_472, %dma_start3A_473] : memref<4x128x128xf32, #tpu.memory_space<vmem>> -> memref<1x128x128xf32, #tpu.memory_space<vmem>>
      %dma_start3A_475 = tpu.memref_squeeze %dma_start3A_474 : memref<1x128x128xf32, #tpu.memory_space<vmem>> -> memref<128x128xf32, #tpu.memory_space<vmem>>
      %dma_start3A_476 = arith.constant 0 : i32
      %dma_start3A_477 = tpu.memref_slice %arg5[%dma_start3A_470, %add3A_469, %dma_start3A_476] : memref<2x80x128xi32, #tpu.memory_space<vmem>> -> memref<1x1x128xi32, #tpu.memory_space<vmem>>
      %dma_start3A_478 = tpu.memref_squeeze %dma_start3A_477 : memref<1x1x128xi32, #tpu.memory_space<vmem>> -> memref<128xi32, #tpu.memory_space<vmem>>
      %dma_start3A_479 = arith.constant 0 : i32
      %dma_start3A_480 = arith.constant 0 : i32
      %dma_start3A_481 = tpu.memref_slice %arg7[%dma_start3A_479, %dma_start3A_480] : memref<48x128xf32, #tpu.memory_space<vmem_shared>> -> memref<48x128xf32, #tpu.memory_space<vmem_shared>>
      tpu.enqueue_indirect_dma source(%dma_start3A_481 : memref<48x128xf32, #tpu.memory_space<vmem_shared>>) target(%dma_start3A_475 : memref<128x128xf32, #tpu.memory_space<vmem>>) offsets(%dma_start3A_478 : memref<128xi32, #tpu.memory_space<vmem>>) semaphore(%arg12 : memref<!tpu.dma_semaphore, #tpu.memory_space<semaphore_mem>>)
      %dma_wait3A_482 = arith.constant 3 : i32
      %dma_wait3A_483 = arith.constant 0 : i32
      %dma_wait3A_484 = arith.constant 0 : i32
      %dma_wait3A_485 = tpu.memref_slice %arg6[%dma_wait3A_482, %dma_wait3A_483, %dma_wait3A_484] : memref<4x128x128xf32, #tpu.memory_space<vmem>> -> memref<1x128x128xf32, #tpu.memory_space<vmem>>
      %dma_wait3A_486 = tpu.memref_squeeze %dma_wait3A_485 : memref<1x128x128xf32, #tpu.memory_space<vmem>> -> memref<128x128xf32, #tpu.memory_space<vmem>>
      %dma_wait3A_487 = arith.constant 0 : i32
      %dma_wait3A_488 = tpu.memref_slice %arg4[%mul3A_2, %dma_wait3A_487] : memref<3276800x128xf32, #tpu.memory_space<hbm>> -> memref<128x128xf32, #tpu.memory_space<hbm>>
      %dma_wait3A_489 = arith.constant 0 : i32
      %dma_wait3A_490 = tpu.memref_slice %arg4[%mul3A_2, %dma_wait3A_489] : memref<3276800x128xf32, #tpu.memory_space<hbm>> -> memref<128x128xf32, #tpu.memory_space<hbm>>
      %dma_wait3A_491 = arith.constant 0 : i32
      %dma_wait3A_492 = arith.constant 0 : i32
      %dma_wait3A_493 = tpu.memref_slice %arg6[%dma_wait3A_482, %dma_wait3A_491, %dma_wait3A_492] : memref<4x128x128xf32, #tpu.memory_space<vmem>> -> memref<1x128x128xf32, #tpu.memory_space<vmem>>
      %dma_wait3A_494 = tpu.memref_squeeze %dma_wait3A_493 : memref<1x128x128xf32, #tpu.memory_space<vmem>> -> memref<128x128xf32, #tpu.memory_space<vmem>>
      tpu.wait_dma2 semaphore(%arg17 : memref<!tpu.dma_semaphore, #tpu.memory_space<semaphore_mem>>) src(%dma_wait3A_494 : memref<128x128xf32, #tpu.memory_space<vmem>>) dst(%dma_wait3A_490 : memref<128x128xf32, #tpu.memory_space<hbm>>)
      %mul3A_495 = arith.constant 4 : i32
      %mul3A_496 = arith.muli %scan3A_394, %mul3A_495 : i32
      %add3A_497 = arith.constant 3 : i32
      %add3A_498 = arith.addi %mul3A_496, %add3A_497 : i32
      %dma_start3A_499 = arith.constant 1 : i32
      %dma_start3A_500 = arith.constant 3 : i32
      %dma_start3A_501 = arith.constant 0 : i32
      %dma_start3A_502 = arith.constant 0 : i32
      %dma_start3A_503 = tpu.memref_slice %arg6[%dma_start3A_500, %dma_start3A_501, %dma_start3A_502] : memref<4x128x128xf32, #tpu.memory_space<vmem>> -> memref<1x128x128xf32, #tpu.memory_space<vmem>>
      %dma_start3A_504 = tpu.memref_squeeze %dma_start3A_503 : memref<1x128x128xf32, #tpu.memory_space<vmem>> -> memref<128x128xf32, #tpu.memory_space<vmem>>
      %dma_start3A_505 = arith.constant 0 : i32
      %dma_start3A_506 = tpu.memref_slice %arg5[%dma_start3A_499, %add3A_498, %dma_start3A_505] : memref<2x80x128xi32, #tpu.memory_space<vmem>> -> memref<1x1x128xi32, #tpu.memory_space<vmem>>
      %dma_start3A_507 = tpu.memref_squeeze %dma_start3A_506 : memref<1x1x128xi32, #tpu.memory_space<vmem>> -> memref<128xi32, #tpu.memory_space<vmem>>
      %dma_start3A_508 = arith.constant 0 : i32
      %dma_start3A_509 = arith.constant 0 : i32
      %dma_start3A_510 = tpu.memref_slice %arg7[%dma_start3A_508, %dma_start3A_509] : memref<48x128xf32, #tpu.memory_space<vmem_shared>> -> memref<48x128xf32, #tpu.memory_space<vmem_shared>>
      tpu.enqueue_indirect_dma source(%dma_start3A_510 : memref<48x128xf32, #tpu.memory_space<vmem_shared>>) target(%dma_start3A_504 : memref<128x128xf32, #tpu.memory_space<vmem>>) offsets(%dma_start3A_507 : memref<128xi32, #tpu.memory_space<vmem>>) semaphore(%arg13 : memref<!tpu.dma_semaphore, #tpu.memory_space<semaphore_mem>>)
      %mul3A_511 = arith.constant 4 : i32
      %mul3A_512 = arith.muli %scan3A_394, %mul3A_511 : i32
      %add3A_513 = arith.constant 0 : i32
      %add3A_514 = arith.addi %mul3A_512, %add3A_513 : i32
      %dma_wait3A_515 = arith.constant 1 : i32
      %dma_wait3A_516 = arith.constant 0 : i32
      %dma_wait3A_517 = arith.constant 0 : i32
      %dma_wait3A_518 = arith.constant 0 : i32
      %dma_wait3A_519 = tpu.memref_slice %arg6[%dma_wait3A_516, %dma_wait3A_517, %dma_wait3A_518] : memref<4x128x128xf32, #tpu.memory_space<vmem>> -> memref<1x128x128xf32, #tpu.memory_space<vmem>>
      %dma_wait3A_520 = tpu.memref_squeeze %dma_wait3A_519 : memref<1x128x128xf32, #tpu.memory_space<vmem>> -> memref<128x128xf32, #tpu.memory_space<vmem>>
      %dma_wait3A_521 = arith.constant 0 : i32
      %dma_wait3A_522 = tpu.memref_slice %arg5[%dma_wait3A_515, %add3A_514, %dma_wait3A_521] : memref<2x80x128xi32, #tpu.memory_space<vmem>> -> memref<1x1x128xi32, #tpu.memory_space<vmem>>
      %dma_wait3A_523 = tpu.memref_squeeze %dma_wait3A_522 : memref<1x1x128xi32, #tpu.memory_space<vmem>> -> memref<128xi32, #tpu.memory_space<vmem>>
      %dma_wait3A_524 = arith.constant 0 : i32
      %dma_wait3A_525 = arith.constant 0 : i32
      %dma_wait3A_526 = tpu.memref_slice %arg7[%dma_wait3A_524, %dma_wait3A_525] : memref<48x128xf32, #tpu.memory_space<vmem_shared>> -> memref<48x128xf32, #tpu.memory_space<vmem_shared>>
      tpu.wait_indirect_dma semaphore(%arg10 : memref<!tpu.dma_semaphore, #tpu.memory_space<semaphore_mem>>) src(%dma_wait3A_526 : memref<48x128xf32, #tpu.memory_space<vmem_shared>>) dst(%dma_wait3A_520 : memref<128x128xf32, #tpu.memory_space<vmem>>)
      %add3A_527 = arith.constant 80 : i32
      %add3A_528 = arith.addi %mul3A_2, %add3A_527 : i32
      %mul3A_529 = arith.constant 4 : i32
      %mul3A_530 = arith.muli %scan3A_394, %mul3A_529 : i32
      %add3A_531 = arith.addi %add3A_528, %mul3A_530 : i32
      %add3A_532 = arith.constant 0 : i32
      %add3A_533 = arith.addi %add3A_531, %add3A_532 : i32
      %mul3A_534 = arith.constant 128 : i32
      %mul3A_535 = arith.muli %add3A_533, %mul3A_534 : i32
      %dma_start3A_536 = arith.constant 0 : i32
      %dma_start3A_537 = arith.constant 0 : i32
      %dma_start3A_538 = arith.constant 0 : i32
      %dma_start3A_539 = tpu.memref_slice %arg6[%dma_start3A_536, %dma_start3A_537, %dma_start3A_538] : memref<4x128x128xf32, #tpu.memory_space<vmem>> -> memref<1x128x128xf32, #tpu.memory_space<vmem>>
      %dma_start3A_540 = tpu.memref_squeeze %dma_start3A_539 : memref<1x128x128xf32, #tpu.memory_space<vmem>> -> memref<128x128xf32, #tpu.memory_space<vmem>>
      %dma_start3A_541 = arith.constant 0 : i32
      %dma_start3A_542 = tpu.memref_slice %arg4[%mul3A_535, %dma_start3A_541] : memref<3276800x128xf32, #tpu.memory_space<hbm>> -> memref<128x128xf32, #tpu.memory_space<hbm>>
      %dma_start3A_543 = arith.constant 0 : i32
      %dma_start3A_544 = tpu.memref_slice %arg4[%mul3A_535, %dma_start3A_543] : memref<3276800x128xf32, #tpu.memory_space<hbm>> -> memref<128x128xf32, #tpu.memory_space<hbm>>
      %dma_start3A_545 = arith.constant 0 : i32
      %dma_start3A_546 = arith.constant 0 : i32
      %dma_start3A_547 = tpu.memref_slice %arg6[%dma_start3A_536, %dma_start3A_545, %dma_start3A_546] : memref<4x128x128xf32, #tpu.memory_space<vmem>> -> memref<1x128x128xf32, #tpu.memory_space<vmem>>
      %dma_start3A_548 = tpu.memref_squeeze %dma_start3A_547 : memref<1x128x128xf32, #tpu.memory_space<vmem>> -> memref<128x128xf32, #tpu.memory_space<vmem>>
      tpu.enqueue_dma source(%dma_start3A_548 : memref<128x128xf32, #tpu.memory_space<vmem>>) target(%dma_start3A_544 : memref<128x128xf32, #tpu.memory_space<hbm>>) target_semaphore(%arg14 : memref<!tpu.dma_semaphore, #tpu.memory_space<semaphore_mem>>)
      %mul3A_549 = arith.constant 4 : i32
      %mul3A_550 = arith.muli %scan3A_394, %mul3A_549 : i32
      %add3A_551 = arith.constant 1 : i32
      %add3A_552 = arith.addi %mul3A_550, %add3A_551 : i32
      %dma_wait3A_553 = arith.constant 1 : i32
      %dma_wait3A_554 = arith.constant 1 : i32
      %dma_wait3A_555 = arith.constant 0 : i32
      %dma_wait3A_556 = arith.constant 0 : i32
      %dma_wait3A_557 = tpu.memref_slice %arg6[%dma_wait3A_554, %dma_wait3A_555, %dma_wait3A_556] : memref<4x128x128xf32, #tpu.memory_space<vmem>> -> memref<1x128x128xf32, #tpu.memory_space<vmem>>
      %dma_wait3A_558 = tpu.memref_squeeze %dma_wait3A_557 : memref<1x128x128xf32, #tpu.memory_space<vmem>> -> memref<128x128xf32, #tpu.memory_space<vmem>>
      %dma_wait3A_559 = arith.constant 0 : i32
      %dma_wait3A_560 = tpu.memref_slice %arg5[%dma_wait3A_553, %add3A_552, %dma_wait3A_559] : memref<2x80x128xi32, #tpu.memory_space<vmem>> -> memref<1x1x128xi32, #tpu.memory_space<vmem>>
      %dma_wait3A_561 = tpu.memref_squeeze %dma_wait3A_560 : memref<1x1x128xi32, #tpu.memory_space<vmem>> -> memref<128xi32, #tpu.memory_space<vmem>>
      %dma_wait3A_562 = arith.constant 0 : i32
      %dma_wait3A_563 = arith.constant 0 : i32
      %dma_wait3A_564 = tpu.memref_slice %arg7[%dma_wait3A_562, %dma_wait3A_563] : memref<48x128xf32, #tpu.memory_space<vmem_shared>> -> memref<48x128xf32, #tpu.memory_space<vmem_shared>>
      tpu.wait_indirect_dma semaphore(%arg11 : memref<!tpu.dma_semaphore, #tpu.memory_space<semaphore_mem>>) src(%dma_wait3A_564 : memref<48x128xf32, #tpu.memory_space<vmem_shared>>) dst(%dma_wait3A_558 : memref<128x128xf32, #tpu.memory_space<vmem>>)
      %add3A_565 = arith.constant 80 : i32
      %add3A_566 = arith.addi %mul3A_2, %add3A_565 : i32
      %mul3A_567 = arith.constant 4 : i32
      %mul3A_568 = arith.muli %scan3A_394, %mul3A_567 : i32
      %add3A_569 = arith.addi %add3A_566, %mul3A_568 : i32
      %add3A_570 = arith.constant 1 : i32
      %add3A_571 = arith.addi %add3A_569, %add3A_570 : i32
      %mul3A_572 = arith.constant 128 : i32
      %mul3A_573 = arith.muli %add3A_571, %mul3A_572 : i32
      %dma_start3A_574 = arith.constant 1 : i32
      %dma_start3A_575 = arith.constant 0 : i32
      %dma_start3A_576 = arith.constant 0 : i32
      %dma_start3A_577 = tpu.memref_slice %arg6[%dma_start3A_574, %dma_start3A_575, %dma_start3A_576] : memref<4x128x128xf32, #tpu.memory_space<vmem>> -> memref<1x128x128xf32, #tpu.memory_space<vmem>>
      %dma_start3A_578 = tpu.memref_squeeze %dma_start3A_577 : memref<1x128x128xf32, #tpu.memory_space<vmem>> -> memref<128x128xf32, #tpu.memory_space<vmem>>
      %dma_start3A_579 = arith.constant 0 : i32
      %dma_start3A_580 = tpu.memref_slice %arg4[%mul3A_573, %dma_start3A_579] : memref<3276800x128xf32, #tpu.memory_space<hbm>> -> memref<128x128xf32, #tpu.memory_space<hbm>>
      %dma_start3A_581 = arith.constant 0 : i32
      %dma_start3A_582 = tpu.memref_slice %arg4[%mul3A_573, %dma_start3A_581] : memref<3276800x128xf32, #tpu.memory_space<hbm>> -> memref<128x128xf32, #tpu.memory_space<hbm>>
      %dma_start3A_583 = arith.constant 0 : i32
      %dma_start3A_584 = arith.constant 0 : i32
      %dma_start3A_585 = tpu.memref_slice %arg6[%dma_start3A_574, %dma_start3A_583, %dma_start3A_584] : memref<4x128x128xf32, #tpu.memory_space<vmem>> -> memref<1x128x128xf32, #tpu.memory_space<vmem>>
      %dma_start3A_586 = tpu.memref_squeeze %dma_start3A_585 : memref<1x128x128xf32, #tpu.memory_space<vmem>> -> memref<128x128xf32, #tpu.memory_space<vmem>>
      tpu.enqueue_dma source(%dma_start3A_586 : memref<128x128xf32, #tpu.memory_space<vmem>>) target(%dma_start3A_582 : memref<128x128xf32, #tpu.memory_space<hbm>>) target_semaphore(%arg15 : memref<!tpu.dma_semaphore, #tpu.memory_space<semaphore_mem>>)
      %mul3A_587 = arith.constant 4 : i32
      %mul3A_588 = arith.muli %scan3A_394, %mul3A_587 : i32
      %add3A_589 = arith.constant 2 : i32
      %add3A_590 = arith.addi %mul3A_588, %add3A_589 : i32
      %dma_wait3A_591 = arith.constant 1 : i32
      %dma_wait3A_592 = arith.constant 2 : i32
      %dma_wait3A_593 = arith.constant 0 : i32
      %dma_wait3A_594 = arith.constant 0 : i32
      %dma_wait3A_595 = tpu.memref_slice %arg6[%dma_wait3A_592, %dma_wait3A_593, %dma_wait3A_594] : memref<4x128x128xf32, #tpu.memory_space<vmem>> -> memref<1x128x128xf32, #tpu.memory_space<vmem>>
      %dma_wait3A_596 = tpu.memref_squeeze %dma_wait3A_595 : memref<1x128x128xf32, #tpu.memory_space<vmem>> -> memref<128x128xf32, #tpu.memory_space<vmem>>
      %dma_wait3A_597 = arith.constant 0 : i32
      %dma_wait3A_598 = tpu.memref_slice %arg5[%dma_wait3A_591, %add3A_590, %dma_wait3A_597] : memref<2x80x128xi32, #tpu.memory_space<vmem>> -> memref<1x1x128xi32, #tpu.memory_space<vmem>>
      %dma_wait3A_599 = tpu.memref_squeeze %dma_wait3A_598 : memref<1x1x128xi32, #tpu.memory_space<vmem>> -> memref<128xi32, #tpu.memory_space<vmem>>
      %dma_wait3A_600 = arith.constant 0 : i32
      %dma_wait3A_601 = arith.constant 0 : i32
      %dma_wait3A_602 = tpu.memref_slice %arg7[%dma_wait3A_600, %dma_wait3A_601] : memref<48x128xf32, #tpu.memory_space<vmem_shared>> -> memref<48x128xf32, #tpu.memory_space<vmem_shared>>
      tpu.wait_indirect_dma semaphore(%arg12 : memref<!tpu.dma_semaphore, #tpu.memory_space<semaphore_mem>>) src(%dma_wait3A_602 : memref<48x128xf32, #tpu.memory_space<vmem_shared>>) dst(%dma_wait3A_596 : memref<128x128xf32, #tpu.memory_space<vmem>>)
      %add3A_603 = arith.constant 80 : i32
      %add3A_604 = arith.addi %mul3A_2, %add3A_603 : i32
      %mul3A_605 = arith.constant 4 : i32
      %mul3A_606 = arith.muli %scan3A_394, %mul3A_605 : i32
      %add3A_607 = arith.addi %add3A_604, %mul3A_606 : i32
      %add3A_608 = arith.constant 2 : i32
      %add3A_609 = arith.addi %add3A_607, %add3A_608 : i32
      %mul3A_610 = arith.constant 128 : i32
      %mul3A_611 = arith.muli %add3A_609, %mul3A_610 : i32
      %dma_start3A_612 = arith.constant 2 : i32
      %dma_start3A_613 = arith.constant 0 : i32
      %dma_start3A_614 = arith.constant 0 : i32
      %dma_start3A_615 = tpu.memref_slice %arg6[%dma_start3A_612, %dma_start3A_613, %dma_start3A_614] : memref<4x128x128xf32, #tpu.memory_space<vmem>> -> memref<1x128x128xf32, #tpu.memory_space<vmem>>
      %dma_start3A_616 = tpu.memref_squeeze %dma_start3A_615 : memref<1x128x128xf32, #tpu.memory_space<vmem>> -> memref<128x128xf32, #tpu.memory_space<vmem>>
      %dma_start3A_617 = arith.constant 0 : i32
      %dma_start3A_618 = tpu.memref_slice %arg4[%mul3A_611, %dma_start3A_617] : memref<3276800x128xf32, #tpu.memory_space<hbm>> -> memref<128x128xf32, #tpu.memory_space<hbm>>
      %dma_start3A_619 = arith.constant 0 : i32
      %dma_start3A_620 = tpu.memref_slice %arg4[%mul3A_611, %dma_start3A_619] : memref<3276800x128xf32, #tpu.memory_space<hbm>> -> memref<128x128xf32, #tpu.memory_space<hbm>>
      %dma_start3A_621 = arith.constant 0 : i32
      %dma_start3A_622 = arith.constant 0 : i32
      %dma_start3A_623 = tpu.memref_slice %arg6[%dma_start3A_612, %dma_start3A_621, %dma_start3A_622] : memref<4x128x128xf32, #tpu.memory_space<vmem>> -> memref<1x128x128xf32, #tpu.memory_space<vmem>>
      %dma_start3A_624 = tpu.memref_squeeze %dma_start3A_623 : memref<1x128x128xf32, #tpu.memory_space<vmem>> -> memref<128x128xf32, #tpu.memory_space<vmem>>
      tpu.enqueue_dma source(%dma_start3A_624 : memref<128x128xf32, #tpu.memory_space<vmem>>) target(%dma_start3A_620 : memref<128x128xf32, #tpu.memory_space<hbm>>) target_semaphore(%arg16 : memref<!tpu.dma_semaphore, #tpu.memory_space<semaphore_mem>>)
      %mul3A_625 = arith.constant 4 : i32
      %mul3A_626 = arith.muli %scan3A_394, %mul3A_625 : i32
      %add3A_627 = arith.constant 3 : i32
      %add3A_628 = arith.addi %mul3A_626, %add3A_627 : i32
      %dma_wait3A_629 = arith.constant 1 : i32
      %dma_wait3A_630 = arith.constant 3 : i32
      %dma_wait3A_631 = arith.constant 0 : i32
      %dma_wait3A_632 = arith.constant 0 : i32
      %dma_wait3A_633 = tpu.memref_slice %arg6[%dma_wait3A_630, %dma_wait3A_631, %dma_wait3A_632] : memref<4x128x128xf32, #tpu.memory_space<vmem>> -> memref<1x128x128xf32, #tpu.memory_space<vmem>>
      %dma_wait3A_634 = tpu.memref_squeeze %dma_wait3A_633 : memref<1x128x128xf32, #tpu.memory_space<vmem>> -> memref<128x128xf32, #tpu.memory_space<vmem>>
      %dma_wait3A_635 = arith.constant 0 : i32
      %dma_wait3A_636 = tpu.memref_slice %arg5[%dma_wait3A_629, %add3A_628, %dma_wait3A_635] : memref<2x80x128xi32, #tpu.memory_space<vmem>> -> memref<1x1x128xi32, #tpu.memory_space<vmem>>
      %dma_wait3A_637 = tpu.memref_squeeze %dma_wait3A_636 : memref<1x1x128xi32, #tpu.memory_space<vmem>> -> memref<128xi32, #tpu.memory_space<vmem>>
      %dma_wait3A_638 = arith.constant 0 : i32
      %dma_wait3A_639 = arith.constant 0 : i32
      %dma_wait3A_640 = tpu.memref_slice %arg7[%dma_wait3A_638, %dma_wait3A_639] : memref<48x128xf32, #tpu.memory_space<vmem_shared>> -> memref<48x128xf32, #tpu.memory_space<vmem_shared>>
      tpu.wait_indirect_dma semaphore(%arg13 : memref<!tpu.dma_semaphore, #tpu.memory_space<semaphore_mem>>) src(%dma_wait3A_640 : memref<48x128xf32, #tpu.memory_space<vmem_shared>>) dst(%dma_wait3A_634 : memref<128x128xf32, #tpu.memory_space<vmem>>)
      %add3A_641 = arith.constant 80 : i32
      %add3A_642 = arith.addi %mul3A_2, %add3A_641 : i32
      %mul3A_643 = arith.constant 4 : i32
      %mul3A_644 = arith.muli %scan3A_394, %mul3A_643 : i32
      %add3A_645 = arith.addi %add3A_642, %mul3A_644 : i32
      %add3A_646 = arith.constant 3 : i32
      %add3A_647 = arith.addi %add3A_645, %add3A_646 : i32
      %mul3A_648 = arith.constant 128 : i32
      %mul3A_649 = arith.muli %add3A_647, %mul3A_648 : i32
      %dma_start3A_650 = arith.constant 3 : i32
      %dma_start3A_651 = arith.constant 0 : i32
      %dma_start3A_652 = arith.constant 0 : i32
      %dma_start3A_653 = tpu.memref_slice %arg6[%dma_start3A_650, %dma_start3A_651, %dma_start3A_652] : memref<4x128x128xf32, #tpu.memory_space<vmem>> -> memref<1x128x128xf32, #tpu.memory_space<vmem>>
      %dma_start3A_654 = tpu.memref_squeeze %dma_start3A_653 : memref<1x128x128xf32, #tpu.memory_space<vmem>> -> memref<128x128xf32, #tpu.memory_space<vmem>>
      %dma_start3A_655 = arith.constant 0 : i32
      %dma_start3A_656 = tpu.memref_slice %arg4[%mul3A_649, %dma_start3A_655] : memref<3276800x128xf32, #tpu.memory_space<hbm>> -> memref<128x128xf32, #tpu.memory_space<hbm>>
      %dma_start3A_657 = arith.constant 0 : i32
      %dma_start3A_658 = tpu.memref_slice %arg4[%mul3A_649, %dma_start3A_657] : memref<3276800x128xf32, #tpu.memory_space<hbm>> -> memref<128x128xf32, #tpu.memory_space<hbm>>
      %dma_start3A_659 = arith.constant 0 : i32
      %dma_start3A_660 = arith.constant 0 : i32
      %dma_start3A_661 = tpu.memref_slice %arg6[%dma_start3A_650, %dma_start3A_659, %dma_start3A_660] : memref<4x128x128xf32, #tpu.memory_space<vmem>> -> memref<1x128x128xf32, #tpu.memory_space<vmem>>
      %dma_start3A_662 = tpu.memref_squeeze %dma_start3A_661 : memref<1x128x128xf32, #tpu.memory_space<vmem>> -> memref<128x128xf32, #tpu.memory_space<vmem>>
      tpu.enqueue_dma source(%dma_start3A_662 : memref<128x128xf32, #tpu.memory_space<vmem>>) target(%dma_start3A_658 : memref<128x128xf32, #tpu.memory_space<hbm>>) target_semaphore(%arg17 : memref<!tpu.dma_semaphore, #tpu.memory_space<semaphore_mem>>)
    }
    %scan3A_84 = arith.constant 20 : i32
    %dma_wait3A_85 = arith.constant 0 : i32
    %dma_wait3A_86 = arith.constant 0 : i32
    %dma_wait3A_87 = arith.constant 0 : i32
    %dma_wait3A_88 = tpu.memref_slice %arg5[%dma_wait3A_85, %dma_wait3A_86, %dma_wait3A_87] : memref<2x80x128xi32, #tpu.memory_space<vmem>> -> memref<1x80x128xi32, #tpu.memory_space<vmem>>
    %dma_wait3A_89 = tpu.memref_squeeze %dma_wait3A_88 : memref<1x80x128xi32, #tpu.memory_space<vmem>> -> memref<80x128xi32, #tpu.memory_space<vmem>>
    %dma_wait3A_90 = arith.constant 0 : i32
    %dma_wait3A_91 = tpu.memref_slice %arg2[%mul3A_2, %dma_wait3A_90] : memref<25600x128xi32, #tpu.memory_space<hbm>> -> memref<80x128xi32, #tpu.memory_space<hbm>>
    %dma_wait3A_92 = arith.constant 0 : i32
    %dma_wait3A_93 = arith.constant 0 : i32
    %dma_wait3A_94 = tpu.memref_slice %arg5[%dma_wait3A_85, %dma_wait3A_92, %dma_wait3A_93] : memref<2x80x128xi32, #tpu.memory_space<vmem>> -> memref<1x80x128xi32, #tpu.memory_space<vmem>>
    %dma_wait3A_95 = tpu.memref_squeeze %dma_wait3A_94 : memref<1x80x128xi32, #tpu.memory_space<vmem>> -> memref<80x128xi32, #tpu.memory_space<vmem>>
    %dma_wait3A_96 = arith.constant 0 : i32
    %dma_wait3A_97 = tpu.memref_slice %arg2[%mul3A_2, %dma_wait3A_96] : memref<25600x128xi32, #tpu.memory_space<hbm>> -> memref<80x128xi32, #tpu.memory_space<hbm>>
    tpu.wait_dma2 semaphore(%arg8 : memref<!tpu.dma_semaphore, #tpu.memory_space<semaphore_mem>>) src(%dma_wait3A_97 : memref<80x128xi32, #tpu.memory_space<hbm>>) dst(%dma_wait3A_95 : memref<80x128xi32, #tpu.memory_space<vmem>>)
    %add3A_98 = arith.constant 240 : i32
    %add3A_99 = arith.addi %mul3A_2, %add3A_98 : i32
    %dma_start3A_100 = arith.constant 1 : i32
    %dma_start3A_101 = arith.constant 0 : i32
    %dma_start3A_102 = arith.constant 0 : i32
    %dma_start3A_103 = tpu.memref_slice %arg5[%dma_start3A_100, %dma_start3A_101, %dma_start3A_102] : memref<2x80x128xi32, #tpu.memory_space<vmem>> -> memref<1x80x128xi32, #tpu.memory_space<vmem>>
    %dma_start3A_104 = tpu.memref_squeeze %dma_start3A_103 : memref<1x80x128xi32, #tpu.memory_space<vmem>> -> memref<80x128xi32, #tpu.memory_space<vmem>>
    %dma_start3A_105 = arith.constant 0 : i32
    %dma_start3A_106 = tpu.memref_slice %arg2[%add3A_99, %dma_start3A_105] : memref<25600x128xi32, #tpu.memory_space<hbm>> -> memref<80x128xi32, #tpu.memory_space<hbm>>
    %dma_start3A_107 = arith.constant 0 : i32
    %dma_start3A_108 = arith.constant 0 : i32
    %dma_start3A_109 = tpu.memref_slice %arg5[%dma_start3A_100, %dma_start3A_107, %dma_start3A_108] : memref<2x80x128xi32, #tpu.memory_space<vmem>> -> memref<1x80x128xi32, #tpu.memory_space<vmem>>
    %dma_start3A_110 = tpu.memref_squeeze %dma_start3A_109 : memref<1x80x128xi32, #tpu.memory_space<vmem>> -> memref<80x128xi32, #tpu.memory_space<vmem>>
    %dma_start3A_111 = arith.constant 0 : i32
    %dma_start3A_112 = tpu.memref_slice %arg2[%add3A_99, %dma_start3A_111] : memref<25600x128xi32, #tpu.memory_space<hbm>> -> memref<80x128xi32, #tpu.memory_space<hbm>>
    tpu.enqueue_dma source(%dma_start3A_112 : memref<80x128xi32, #tpu.memory_space<hbm>>) target(%dma_start3A_110 : memref<80x128xi32, #tpu.memory_space<vmem>>) target_semaphore(%arg9 : memref<!tpu.dma_semaphore, #tpu.memory_space<semaphore_mem>>)
    %scan3A_113 = arith.constant 0 : i32
    %scan3A_114 = arith.constant 0 : i32
    %scan3A_115 = arith.constant 20 : i32
    %scan3A_116 = arith.addi %scan3A_114, %scan3A_115 : i32
    %scan3A_117 = arith.constant 1 : i32
    scf.for %scan3A_394 = %scan3A_114 to %scan3A_116 step %scan3A_117  : i32 {
      %dma_wait3A_395 = arith.constant 0 : i32
      %dma_wait3A_396 = arith.constant 0 : i32
      %dma_wait3A_397 = arith.constant 0 : i32
      %dma_wait3A_398 = tpu.memref_slice %arg6[%dma_wait3A_395, %dma_wait3A_396, %dma_wait3A_397] : memref<4x128x128xf32, #tpu.memory_space<vmem>> -> memref<1x128x128xf32, #tpu.memory_space<vmem>>
      %dma_wait3A_399 = tpu.memref_squeeze %dma_wait3A_398 : memref<1x128x128xf32, #tpu.memory_space<vmem>> -> memref<128x128xf32, #tpu.memory_space<vmem>>
      %dma_wait3A_400 = arith.constant 0 : i32
      %dma_wait3A_401 = tpu.memref_slice %arg4[%mul3A_2, %dma_wait3A_400] : memref<3276800x128xf32, #tpu.memory_space<hbm>> -> memref<128x128xf32, #tpu.memory_space<hbm>>
      %dma_wait3A_402 = arith.constant 0 : i32
      %dma_wait3A_403 = tpu.memref_slice %arg4[%mul3A_2, %dma_wait3A_402] : memref<3276800x128xf32, #tpu.memory_space<hbm>> -> memref<128x128xf32, #tpu.memory_space<hbm>>
      %dma_wait3A_404 = arith.constant 0 : i32
      %dma_wait3A_405 = arith.constant 0 : i32
      %dma_wait3A_406 = tpu.memref_slice %arg6[%dma_wait3A_395, %dma_wait3A_404, %dma_wait3A_405] : memref<4x128x128xf32, #tpu.memory_space<vmem>> -> memref<1x128x128xf32, #tpu.memory_space<vmem>>
      %dma_wait3A_407 = tpu.memref_squeeze %dma_wait3A_406 : memref<1x128x128xf32, #tpu.memory_space<vmem>> -> memref<128x128xf32, #tpu.memory_space<vmem>>
      tpu.wait_dma2 semaphore(%arg14 : memref<!tpu.dma_semaphore, #tpu.memory_space<semaphore_mem>>) src(%dma_wait3A_407 : memref<128x128xf32, #tpu.memory_space<vmem>>) dst(%dma_wait3A_403 : memref<128x128xf32, #tpu.memory_space<hbm>>)
      %mul3A_408 = arith.constant 4 : i32
      %mul3A_409 = arith.muli %scan3A_394, %mul3A_408 : i32
      %add3A_410 = arith.constant 0 : i32
      %add3A_411 = arith.addi %mul3A_409, %add3A_410 : i32
      %dma_start3A_412 = arith.constant 0 : i32
      %dma_start3A_413 = arith.constant 0 : i32
      %dma_start3A_414 = arith.constant 0 : i32
      %dma_start3A_415 = arith.constant 0 : i32
      %dma_start3A_416 = tpu.memref_slice %arg6[%dma_start3A_413, %dma_start3A_414, %dma_start3A_415] : memref<4x128x128xf32, #tpu.memory_space<vmem>> -> memref<1x128x128xf32, #tpu.memory_space<vmem>>
      %dma_start3A_417 = tpu.memref_squeeze %dma_start3A_416 : memref<1x128x128xf32, #tpu.memory_space<vmem>> -> memref<128x128xf32, #tpu.memory_space<vmem>>
      %dma_start3A_418 = arith.constant 0 : i32
      %dma_start3A_419 = tpu.memref_slice %arg5[%dma_start3A_412, %add3A_411, %dma_start3A_418] : memref<2x80x128xi32, #tpu.memory_space<vmem>> -> memref<1x1x128xi32, #tpu.memory_space<vmem>>
      %dma_start3A_420 = tpu.memref_squeeze %dma_start3A_419 : memref<1x1x128xi32, #tpu.memory_space<vmem>> -> memref<128xi32, #tpu.memory_space<vmem>>
      %dma_start3A_421 = arith.constant 0 : i32
      %dma_start3A_422 = arith.constant 0 : i32
      %dma_start3A_423 = tpu.memref_slice %arg7[%dma_start3A_421, %dma_start3A_422] : memref<48x128xf32, #tpu.memory_space<vmem_shared>> -> memref<48x128xf32, #tpu.memory_space<vmem_shared>>
      tpu.enqueue_indirect_dma source(%dma_start3A_423 : memref<48x128xf32, #tpu.memory_space<vmem_shared>>) target(%dma_start3A_417 : memref<128x128xf32, #tpu.memory_space<vmem>>) offsets(%dma_start3A_420 : memref<128xi32, #tpu.memory_space<vmem>>) semaphore(%arg10 : memref<!tpu.dma_semaphore, #tpu.memory_space<semaphore_mem>>)
      %dma_wait3A_424 = arith.constant 1 : i32
      %dma_wait3A_425 = arith.constant 0 : i32
      %dma_wait3A_426 = arith.constant 0 : i32
      %dma_wait3A_427 = tpu.memref_slice %arg6[%dma_wait3A_424, %dma_wait3A_425, %dma_wait3A_426] : memref<4x128x128xf32, #tpu.memory_space<vmem>> -> memref<1x128x128xf32, #tpu.memory_space<vmem>>
      %dma_wait3A_428 = tpu.memref_squeeze %dma_wait3A_427 : memref<1x128x128xf32, #tpu.memory_space<vmem>> -> memref<128x128xf32, #tpu.memory_space<vmem>>
      %dma_wait3A_429 = arith.constant 0 : i32
      %dma_wait3A_430 = tpu.memref_slice %arg4[%mul3A_2, %dma_wait3A_429] : memref<3276800x128xf32, #tpu.memory_space<hbm>> -> memref<128x128xf32, #tpu.memory_space<hbm>>
      %dma_wait3A_431 = arith.constant 0 : i32
      %dma_wait3A_432 = tpu.memref_slice %arg4[%mul3A_2, %dma_wait3A_431] : memref<3276800x128xf32, #tpu.memory_space<hbm>> -> memref<128x128xf32, #tpu.memory_space<hbm>>
      %dma_wait3A_433 = arith.constant 0 : i32
      %dma_wait3A_434 = arith.constant 0 : i32
      %dma_wait3A_435 = tpu.memref_slice %arg6[%dma_wait3A_424, %dma_wait3A_433, %dma_wait3A_434] : memref<4x128x128xf32, #tpu.memory_space<vmem>> -> memref<1x128x128xf32, #tpu.memory_space<vmem>>
      %dma_wait3A_436 = tpu.memref_squeeze %dma_wait3A_435 : memref<1x128x128xf32, #tpu.memory_space<vmem>> -> memref<128x128xf32, #tpu.memory_space<vmem>>
      tpu.wait_dma2 semaphore(%arg15 : memref<!tpu.dma_semaphore, #tpu.memory_space<semaphore_mem>>) src(%dma_wait3A_436 : memref<128x128xf32, #tpu.memory_space<vmem>>) dst(%dma_wait3A_432 : memref<128x128xf32, #tpu.memory_space<hbm>>)
      %mul3A_437 = arith.constant 4 : i32
      %mul3A_438 = arith.muli %scan3A_394, %mul3A_437 : i32
      %add3A_439 = arith.constant 1 : i32
      %add3A_440 = arith.addi %mul3A_438, %add3A_439 : i32
      %dma_start3A_441 = arith.constant 0 : i32
      %dma_start3A_442 = arith.constant 1 : i32
      %dma_start3A_443 = arith.constant 0 : i32
      %dma_start3A_444 = arith.constant 0 : i32
      %dma_start3A_445 = tpu.memref_slice %arg6[%dma_start3A_442, %dma_start3A_443, %dma_start3A_444] : memref<4x128x128xf32, #tpu.memory_space<vmem>> -> memref<1x128x128xf32, #tpu.memory_space<vmem>>
      %dma_start3A_446 = tpu.memref_squeeze %dma_start3A_445 : memref<1x128x128xf32, #tpu.memory_space<vmem>> -> memref<128x128xf32, #tpu.memory_space<vmem>>
      %dma_start3A_447 = arith.constant 0 : i32
      %dma_start3A_448 = tpu.memref_slice %arg5[%dma_start3A_441, %add3A_440, %dma_start3A_447] : memref<2x80x128xi32, #tpu.memory_space<vmem>> -> memref<1x1x128xi32, #tpu.memory_space<vmem>>
      %dma_start3A_449 = tpu.memref_squeeze %dma_start3A_448 : memref<1x1x128xi32, #tpu.memory_space<vmem>> -> memref<128xi32, #tpu.memory_space<vmem>>
      %dma_start3A_450 = arith.constant 0 : i32
      %dma_start3A_451 = arith.constant 0 : i32
      %dma_start3A_452 = tpu.memref_slice %arg7[%dma_start3A_450, %dma_start3A_451] : memref<48x128xf32, #tpu.memory_space<vmem_shared>> -> memref<48x128xf32, #tpu.memory_space<vmem_shared>>
      tpu.enqueue_indirect_dma source(%dma_start3A_452 : memref<48x128xf32, #tpu.memory_space<vmem_shared>>) target(%dma_start3A_446 : memref<128x128xf32, #tpu.memory_space<vmem>>) offsets(%dma_start3A_449 : memref<128xi32, #tpu.memory_space<vmem>>) semaphore(%arg11 : memref<!tpu.dma_semaphore, #tpu.memory_space<semaphore_mem>>)
      %dma_wait3A_453 = arith.constant 2 : i32
      %dma_wait3A_454 = arith.constant 0 : i32
      %dma_wait3A_455 = arith.constant 0 : i32
      %dma_wait3A_456 = tpu.memref_slice %arg6[%dma_wait3A_453, %dma_wait3A_454, %dma_wait3A_455] : memref<4x128x128xf32, #tpu.memory_space<vmem>> -> memref<1x128x128xf32, #tpu.memory_space<vmem>>
      %dma_wait3A_457 = tpu.memref_squeeze %dma_wait3A_456 : memref<1x128x128xf32, #tpu.memory_space<vmem>> -> memref<128x128xf32, #tpu.memory_space<vmem>>
      %dma_wait3A_458 = arith.constant 0 : i32
      %dma_wait3A_459 = tpu.memref_slice %arg4[%mul3A_2, %dma_wait3A_458] : memref<3276800x128xf32, #tpu.memory_space<hbm>> -> memref<128x128xf32, #tpu.memory_space<hbm>>
      %dma_wait3A_460 = arith.constant 0 : i32
      %dma_wait3A_461 = tpu.memref_slice %arg4[%mul3A_2, %dma_wait3A_460] : memref<3276800x128xf32, #tpu.memory_space<hbm>> -> memref<128x128xf32, #tpu.memory_space<hbm>>
      %dma_wait3A_462 = arith.constant 0 : i32
      %dma_wait3A_463 = arith.constant 0 : i32
      %dma_wait3A_464 = tpu.memref_slice %arg6[%dma_wait3A_453, %dma_wait3A_462, %dma_wait3A_463] : memref<4x128x128xf32, #tpu.memory_space<vmem>> -> memref<1x128x128xf32, #tpu.memory_space<vmem>>
      %dma_wait3A_465 = tpu.memref_squeeze %dma_wait3A_464 : memref<1x128x128xf32, #tpu.memory_space<vmem>> -> memref<128x128xf32, #tpu.memory_space<vmem>>
      tpu.wait_dma2 semaphore(%arg16 : memref<!tpu.dma_semaphore, #tpu.memory_space<semaphore_mem>>) src(%dma_wait3A_465 : memref<128x128xf32, #tpu.memory_space<vmem>>) dst(%dma_wait3A_461 : memref<128x128xf32, #tpu.memory_space<hbm>>)
      %mul3A_466 = arith.constant 4 : i32
      %mul3A_467 = arith.muli %scan3A_394, %mul3A_466 : i32
      %add3A_468 = arith.constant 2 : i32
      %add3A_469 = arith.addi %mul3A_467, %add3A_468 : i32
      %dma_start3A_470 = arith.constant 0 : i32
      %dma_start3A_471 = arith.constant 2 : i32
      %dma_start3A_472 = arith.constant 0 : i32
      %dma_start3A_473 = arith.constant 0 : i32
      %dma_start3A_474 = tpu.memref_slice %arg6[%dma_start3A_471, %dma_start3A_472, %dma_start3A_473] : memref<4x128x128xf32, #tpu.memory_space<vmem>> -> memref<1x128x128xf32, #tpu.memory_space<vmem>>
      %dma_start3A_475 = tpu.memref_squeeze %dma_start3A_474 : memref<1x128x128xf32, #tpu.memory_space<vmem>> -> memref<128x128xf32, #tpu.memory_space<vmem>>
      %dma_start3A_476 = arith.constant 0 : i32
      %dma_start3A_477 = tpu.memref_slice %arg5[%dma_start3A_470, %add3A_469, %dma_start3A_476] : memref<2x80x128xi32, #tpu.memory_space<vmem>> -> memref<1x1x128xi32, #tpu.memory_space<vmem>>
      %dma_start3A_478 = tpu.memref_squeeze %dma_start3A_477 : memref<1x1x128xi32, #tpu.memory_space<vmem>> -> memref<128xi32, #tpu.memory_space<vmem>>
      %dma_start3A_479 = arith.constant 0 : i32
      %dma_start3A_480 = arith.constant 0 : i32
      %dma_start3A_481 = tpu.memref_slice %arg7[%dma_start3A_479, %dma_start3A_480] : memref<48x128xf32, #tpu.memory_space<vmem_shared>> -> memref<48x128xf32, #tpu.memory_space<vmem_shared>>
      tpu.enqueue_indirect_dma source(%dma_start3A_481 : memref<48x128xf32, #tpu.memory_space<vmem_shared>>) target(%dma_start3A_475 : memref<128x128xf32, #tpu.memory_space<vmem>>) offsets(%dma_start3A_478 : memref<128xi32, #tpu.memory_space<vmem>>) semaphore(%arg12 : memref<!tpu.dma_semaphore, #tpu.memory_space<semaphore_mem>>)
      %dma_wait3A_482 = arith.constant 3 : i32
      %dma_wait3A_483 = arith.constant 0 : i32
      %dma_wait3A_484 = arith.constant 0 : i32
      %dma_wait3A_485 = tpu.memref_slice %arg6[%dma_wait3A_482, %dma_wait3A_483, %dma_wait3A_484] : memref<4x128x128xf32, #tpu.memory_space<vmem>> -> memref<1x128x128xf32, #tpu.memory_space<vmem>>
      %dma_wait3A_486 = tpu.memref_squeeze %dma_wait3A_485 : memref<1x128x128xf32, #tpu.memory_space<vmem>> -> memref<128x128xf32, #tpu.memory_space<vmem>>
      %dma_wait3A_487 = arith.constant 0 : i32
      %dma_wait3A_488 = tpu.memref_slice %arg4[%mul3A_2, %dma_wait3A_487] : memref<3276800x128xf32, #tpu.memory_space<hbm>> -> memref<128x128xf32, #tpu.memory_space<hbm>>
      %dma_wait3A_489 = arith.constant 0 : i32
      %dma_wait3A_490 = tpu.memref_slice %arg4[%mul3A_2, %dma_wait3A_489] : memref<3276800x128xf32, #tpu.memory_space<hbm>> -> memref<128x128xf32, #tpu.memory_space<hbm>>
      %dma_wait3A_491 = arith.constant 0 : i32
      %dma_wait3A_492 = arith.constant 0 : i32
      %dma_wait3A_493 = tpu.memref_slice %arg6[%dma_wait3A_482, %dma_wait3A_491, %dma_wait3A_492] : memref<4x128x128xf32, #tpu.memory_space<vmem>> -> memref<1x128x128xf32, #tpu.memory_space<vmem>>
      %dma_wait3A_494 = tpu.memref_squeeze %dma_wait3A_493 : memref<1x128x128xf32, #tpu.memory_space<vmem>> -> memref<128x128xf32, #tpu.memory_space<vmem>>
      tpu.wait_dma2 semaphore(%arg17 : memref<!tpu.dma_semaphore, #tpu.memory_space<semaphore_mem>>) src(%dma_wait3A_494 : memref<128x128xf32, #tpu.memory_space<vmem>>) dst(%dma_wait3A_490 : memref<128x128xf32, #tpu.memory_space<hbm>>)
      %mul3A_495 = arith.constant 4 : i32
      %mul3A_496 = arith.muli %scan3A_394, %mul3A_495 : i32
      %add3A_497 = arith.constant 3 : i32
      %add3A_498 = arith.addi %mul3A_496, %add3A_497 : i32
      %dma_start3A_499 = arith.constant 0 : i32
      %dma_start3A_500 = arith.constant 3 : i32
      %dma_start3A_501 = arith.constant 0 : i32
      %dma_start3A_502 = arith.constant 0 : i32
      %dma_start3A_503 = tpu.memref_slice %arg6[%dma_start3A_500, %dma_start3A_501, %dma_start3A_502] : memref<4x128x128xf32, #tpu.memory_space<vmem>> -> memref<1x128x128xf32, #tpu.memory_space<vmem>>
      %dma_start3A_504 = tpu.memref_squeeze %dma_start3A_503 : memref<1x128x128xf32, #tpu.memory_space<vmem>> -> memref<128x128xf32, #tpu.memory_space<vmem>>
      %dma_start3A_505 = arith.constant 0 : i32
      %dma_start3A_506 = tpu.memref_slice %arg5[%dma_start3A_499, %add3A_498, %dma_start3A_505] : memref<2x80x128xi32, #tpu.memory_space<vmem>> -> memref<1x1x128xi32, #tpu.memory_space<vmem>>
      %dma_start3A_507 = tpu.memref_squeeze %dma_start3A_506 : memref<1x1x128xi32, #tpu.memory_space<vmem>> -> memref<128xi32, #tpu.memory_space<vmem>>
      %dma_start3A_508 = arith.constant 0 : i32
      %dma_start3A_509 = arith.constant 0 : i32
      %dma_start3A_510 = tpu.memref_slice %arg7[%dma_start3A_508, %dma_start3A_509] : memref<48x128xf32, #tpu.memory_space<vmem_shared>> -> memref<48x128xf32, #tpu.memory_space<vmem_shared>>
      tpu.enqueue_indirect_dma source(%dma_start3A_510 : memref<48x128xf32, #tpu.memory_space<vmem_shared>>) target(%dma_start3A_504 : memref<128x128xf32, #tpu.memory_space<vmem>>) offsets(%dma_start3A_507 : memref<128xi32, #tpu.memory_space<vmem>>) semaphore(%arg13 : memref<!tpu.dma_semaphore, #tpu.memory_space<semaphore_mem>>)
      %mul3A_511 = arith.constant 4 : i32
      %mul3A_512 = arith.muli %scan3A_394, %mul3A_511 : i32
      %add3A_513 = arith.constant 0 : i32
      %add3A_514 = arith.addi %mul3A_512, %add3A_513 : i32
      %dma_wait3A_515 = arith.constant 0 : i32
      %dma_wait3A_516 = arith.constant 0 : i32
      %dma_wait3A_517 = arith.constant 0 : i32
      %dma_wait3A_518 = arith.constant 0 : i32
      %dma_wait3A_519 = tpu.memref_slice %arg6[%dma_wait3A_516, %dma_wait3A_517, %dma_wait3A_518] : memref<4x128x128xf32, #tpu.memory_space<vmem>> -> memref<1x128x128xf32, #tpu.memory_space<vmem>>
      %dma_wait3A_520 = tpu.memref_squeeze %dma_wait3A_519 : memref<1x128x128xf32, #tpu.memory_space<vmem>> -> memref<128x128xf32, #tpu.memory_space<vmem>>
      %dma_wait3A_521 = arith.constant 0 : i32
      %dma_wait3A_522 = tpu.memref_slice %arg5[%dma_wait3A_515, %add3A_514, %dma_wait3A_521] : memref<2x80x128xi32, #tpu.memory_space<vmem>> -> memref<1x1x128xi32, #tpu.memory_space<vmem>>
      %dma_wait3A_523 = tpu.memref_squeeze %dma_wait3A_522 : memref<1x1x128xi32, #tpu.memory_space<vmem>> -> memref<128xi32, #tpu.memory_space<vmem>>
      %dma_wait3A_524 = arith.constant 0 : i32
      %dma_wait3A_525 = arith.constant 0 : i32
      %dma_wait3A_526 = tpu.memref_slice %arg7[%dma_wait3A_524, %dma_wait3A_525] : memref<48x128xf32, #tpu.memory_space<vmem_shared>> -> memref<48x128xf32, #tpu.memory_space<vmem_shared>>
      tpu.wait_indirect_dma semaphore(%arg10 : memref<!tpu.dma_semaphore, #tpu.memory_space<semaphore_mem>>) src(%dma_wait3A_526 : memref<48x128xf32, #tpu.memory_space<vmem_shared>>) dst(%dma_wait3A_520 : memref<128x128xf32, #tpu.memory_space<vmem>>)
      %add3A_527 = arith.constant 160 : i32
      %add3A_528 = arith.addi %mul3A_2, %add3A_527 : i32
      %mul3A_529 = arith.constant 4 : i32
      %mul3A_530 = arith.muli %scan3A_394, %mul3A_529 : i32
      %add3A_531 = arith.addi %add3A_528, %mul3A_530 : i32
      %add3A_532 = arith.constant 0 : i32
      %add3A_533 = arith.addi %add3A_531, %add3A_532 : i32
      %mul3A_534 = arith.constant 128 : i32
      %mul3A_535 = arith.muli %add3A_533, %mul3A_534 : i32
      %dma_start3A_536 = arith.constant 0 : i32
      %dma_start3A_537 = arith.constant 0 : i32
      %dma_start3A_538 = arith.constant 0 : i32
      %dma_start3A_539 = tpu.memref_slice %arg6[%dma_start3A_536, %dma_start3A_537, %dma_start3A_538] : memref<4x128x128xf32, #tpu.memory_space<vmem>> -> memref<1x128x128xf32, #tpu.memory_space<vmem>>
      %dma_start3A_540 = tpu.memref_squeeze %dma_start3A_539 : memref<1x128x128xf32, #tpu.memory_space<vmem>> -> memref<128x128xf32, #tpu.memory_space<vmem>>
      %dma_start3A_541 = arith.constant 0 : i32
      %dma_start3A_542 = tpu.memref_slice %arg4[%mul3A_535, %dma_start3A_541] : memref<3276800x128xf32, #tpu.memory_space<hbm>> -> memref<128x128xf32, #tpu.memory_space<hbm>>
      %dma_start3A_543 = arith.constant 0 : i32
      %dma_start3A_544 = tpu.memref_slice %arg4[%mul3A_535, %dma_start3A_543] : memref<3276800x128xf32, #tpu.memory_space<hbm>> -> memref<128x128xf32, #tpu.memory_space<hbm>>
      %dma_start3A_545 = arith.constant 0 : i32
      %dma_start3A_546 = arith.constant 0 : i32
      %dma_start3A_547 = tpu.memref_slice %arg6[%dma_start3A_536, %dma_start3A_545, %dma_start3A_546] : memref<4x128x128xf32, #tpu.memory_space<vmem>> -> memref<1x128x128xf32, #tpu.memory_space<vmem>>
      %dma_start3A_548 = tpu.memref_squeeze %dma_start3A_547 : memref<1x128x128xf32, #tpu.memory_space<vmem>> -> memref<128x128xf32, #tpu.memory_space<vmem>>
      tpu.enqueue_dma source(%dma_start3A_548 : memref<128x128xf32, #tpu.memory_space<vmem>>) target(%dma_start3A_544 : memref<128x128xf32, #tpu.memory_space<hbm>>) target_semaphore(%arg14 : memref<!tpu.dma_semaphore, #tpu.memory_space<semaphore_mem>>)
      %mul3A_549 = arith.constant 4 : i32
      %mul3A_550 = arith.muli %scan3A_394, %mul3A_549 : i32
      %add3A_551 = arith.constant 1 : i32
      %add3A_552 = arith.addi %mul3A_550, %add3A_551 : i32
      %dma_wait3A_553 = arith.constant 0 : i32
      %dma_wait3A_554 = arith.constant 1 : i32
      %dma_wait3A_555 = arith.constant 0 : i32
      %dma_wait3A_556 = arith.constant 0 : i32
      %dma_wait3A_557 = tpu.memref_slice %arg6[%dma_wait3A_554, %dma_wait3A_555, %dma_wait3A_556] : memref<4x128x128xf32, #tpu.memory_space<vmem>> -> memref<1x128x128xf32, #tpu.memory_space<vmem>>
      %dma_wait3A_558 = tpu.memref_squeeze %dma_wait3A_557 : memref<1x128x128xf32, #tpu.memory_space<vmem>> -> memref<128x128xf32, #tpu.memory_space<vmem>>
      %dma_wait3A_559 = arith.constant 0 : i32
      %dma_wait3A_560 = tpu.memref_slice %arg5[%dma_wait3A_553, %add3A_552, %dma_wait3A_559] : memref<2x80x128xi32, #tpu.memory_space<vmem>> -> memref<1x1x128xi32, #tpu.memory_space<vmem>>
      %dma_wait3A_561 = tpu.memref_squeeze %dma_wait3A_560 : memref<1x1x128xi32, #tpu.memory_space<vmem>> -> memref<128xi32, #tpu.memory_space<vmem>>
      %dma_wait3A_562 = arith.constant 0 : i32
      %dma_wait3A_563 = arith.constant 0 : i32
      %dma_wait3A_564 = tpu.memref_slice %arg7[%dma_wait3A_562, %dma_wait3A_563] : memref<48x128xf32, #tpu.memory_space<vmem_shared>> -> memref<48x128xf32, #tpu.memory_space<vmem_shared>>
      tpu.wait_indirect_dma semaphore(%arg11 : memref<!tpu.dma_semaphore, #tpu.memory_space<semaphore_mem>>) src(%dma_wait3A_564 : memref<48x128xf32, #tpu.memory_space<vmem_shared>>) dst(%dma_wait3A_558 : memref<128x128xf32, #tpu.memory_space<vmem>>)
      %add3A_565 = arith.constant 160 : i32
      %add3A_566 = arith.addi %mul3A_2, %add3A_565 : i32
      %mul3A_567 = arith.constant 4 : i32
      %mul3A_568 = arith.muli %scan3A_394, %mul3A_567 : i32
      %add3A_569 = arith.addi %add3A_566, %mul3A_568 : i32
      %add3A_570 = arith.constant 1 : i32
      %add3A_571 = arith.addi %add3A_569, %add3A_570 : i32
      %mul3A_572 = arith.constant 128 : i32
      %mul3A_573 = arith.muli %add3A_571, %mul3A_572 : i32
      %dma_start3A_574 = arith.constant 1 : i32
      %dma_start3A_575 = arith.constant 0 : i32
      %dma_start3A_576 = arith.constant 0 : i32
      %dma_start3A_577 = tpu.memref_slice %arg6[%dma_start3A_574, %dma_start3A_575, %dma_start3A_576] : memref<4x128x128xf32, #tpu.memory_space<vmem>> -> memref<1x128x128xf32, #tpu.memory_space<vmem>>
      %dma_start3A_578 = tpu.memref_squeeze %dma_start3A_577 : memref<1x128x128xf32, #tpu.memory_space<vmem>> -> memref<128x128xf32, #tpu.memory_space<vmem>>
      %dma_start3A_579 = arith.constant 0 : i32
      %dma_start3A_580 = tpu.memref_slice %arg4[%mul3A_573, %dma_start3A_579] : memref<3276800x128xf32, #tpu.memory_space<hbm>> -> memref<128x128xf32, #tpu.memory_space<hbm>>
      %dma_start3A_581 = arith.constant 0 : i32
      %dma_start3A_582 = tpu.memref_slice %arg4[%mul3A_573, %dma_start3A_581] : memref<3276800x128xf32, #tpu.memory_space<hbm>> -> memref<128x128xf32, #tpu.memory_space<hbm>>
      %dma_start3A_583 = arith.constant 0 : i32
      %dma_start3A_584 = arith.constant 0 : i32
      %dma_start3A_585 = tpu.memref_slice %arg6[%dma_start3A_574, %dma_start3A_583, %dma_start3A_584] : memref<4x128x128xf32, #tpu.memory_space<vmem>> -> memref<1x128x128xf32, #tpu.memory_space<vmem>>
      %dma_start3A_586 = tpu.memref_squeeze %dma_start3A_585 : memref<1x128x128xf32, #tpu.memory_space<vmem>> -> memref<128x128xf32, #tpu.memory_space<vmem>>
      tpu.enqueue_dma source(%dma_start3A_586 : memref<128x128xf32, #tpu.memory_space<vmem>>) target(%dma_start3A_582 : memref<128x128xf32, #tpu.memory_space<hbm>>) target_semaphore(%arg15 : memref<!tpu.dma_semaphore, #tpu.memory_space<semaphore_mem>>)
      %mul3A_587 = arith.constant 4 : i32
      %mul3A_588 = arith.muli %scan3A_394, %mul3A_587 : i32
      %add3A_589 = arith.constant 2 : i32
      %add3A_590 = arith.addi %mul3A_588, %add3A_589 : i32
      %dma_wait3A_591 = arith.constant 0 : i32
      %dma_wait3A_592 = arith.constant 2 : i32
      %dma_wait3A_593 = arith.constant 0 : i32
      %dma_wait3A_594 = arith.constant 0 : i32
      %dma_wait3A_595 = tpu.memref_slice %arg6[%dma_wait3A_592, %dma_wait3A_593, %dma_wait3A_594] : memref<4x128x128xf32, #tpu.memory_space<vmem>> -> memref<1x128x128xf32, #tpu.memory_space<vmem>>
      %dma_wait3A_596 = tpu.memref_squeeze %dma_wait3A_595 : memref<1x128x128xf32, #tpu.memory_space<vmem>> -> memref<128x128xf32, #tpu.memory_space<vmem>>
      %dma_wait3A_597 = arith.constant 0 : i32
      %dma_wait3A_598 = tpu.memref_slice %arg5[%dma_wait3A_591, %add3A_590, %dma_wait3A_597] : memref<2x80x128xi32, #tpu.memory_space<vmem>> -> memref<1x1x128xi32, #tpu.memory_space<vmem>>
      %dma_wait3A_599 = tpu.memref_squeeze %dma_wait3A_598 : memref<1x1x128xi32, #tpu.memory_space<vmem>> -> memref<128xi32, #tpu.memory_space<vmem>>
      %dma_wait3A_600 = arith.constant 0 : i32
      %dma_wait3A_601 = arith.constant 0 : i32
      %dma_wait3A_602 = tpu.memref_slice %arg7[%dma_wait3A_600, %dma_wait3A_601] : memref<48x128xf32, #tpu.memory_space<vmem_shared>> -> memref<48x128xf32, #tpu.memory_space<vmem_shared>>
      tpu.wait_indirect_dma semaphore(%arg12 : memref<!tpu.dma_semaphore, #tpu.memory_space<semaphore_mem>>) src(%dma_wait3A_602 : memref<48x128xf32, #tpu.memory_space<vmem_shared>>) dst(%dma_wait3A_596 : memref<128x128xf32, #tpu.memory_space<vmem>>)
      %add3A_603 = arith.constant 160 : i32
      %add3A_604 = arith.addi %mul3A_2, %add3A_603 : i32
      %mul3A_605 = arith.constant 4 : i32
      %mul3A_606 = arith.muli %scan3A_394, %mul3A_605 : i32
      %add3A_607 = arith.addi %add3A_604, %mul3A_606 : i32
      %add3A_608 = arith.constant 2 : i32
      %add3A_609 = arith.addi %add3A_607, %add3A_608 : i32
      %mul3A_610 = arith.constant 128 : i32
      %mul3A_611 = arith.muli %add3A_609, %mul3A_610 : i32
      %dma_start3A_612 = arith.constant 2 : i32
      %dma_start3A_613 = arith.constant 0 : i32
      %dma_start3A_614 = arith.constant 0 : i32
      %dma_start3A_615 = tpu.memref_slice %arg6[%dma_start3A_612, %dma_start3A_613, %dma_start3A_614] : memref<4x128x128xf32, #tpu.memory_space<vmem>> -> memref<1x128x128xf32, #tpu.memory_space<vmem>>
      %dma_start3A_616 = tpu.memref_squeeze %dma_start3A_615 : memref<1x128x128xf32, #tpu.memory_space<vmem>> -> memref<128x128xf32, #tpu.memory_space<vmem>>
      %dma_start3A_617 = arith.constant 0 : i32
      %dma_start3A_618 = tpu.memref_slice %arg4[%mul3A_611, %dma_start3A_617] : memref<3276800x128xf32, #tpu.memory_space<hbm>> -> memref<128x128xf32, #tpu.memory_space<hbm>>
      %dma_start3A_619 = arith.constant 0 : i32
      %dma_start3A_620 = tpu.memref_slice %arg4[%mul3A_611, %dma_start3A_619] : memref<3276800x128xf32, #tpu.memory_space<hbm>> -> memref<128x128xf32, #tpu.memory_space<hbm>>
      %dma_start3A_621 = arith.constant 0 : i32
      %dma_start3A_622 = arith.constant 0 : i32
      %dma_start3A_623 = tpu.memref_slice %arg6[%dma_start3A_612, %dma_start3A_621, %dma_start3A_622] : memref<4x128x128xf32, #tpu.memory_space<vmem>> -> memref<1x128x128xf32, #tpu.memory_space<vmem>>
      %dma_start3A_624 = tpu.memref_squeeze %dma_start3A_623 : memref<1x128x128xf32, #tpu.memory_space<vmem>> -> memref<128x128xf32, #tpu.memory_space<vmem>>
      tpu.enqueue_dma source(%dma_start3A_624 : memref<128x128xf32, #tpu.memory_space<vmem>>) target(%dma_start3A_620 : memref<128x128xf32, #tpu.memory_space<hbm>>) target_semaphore(%arg16 : memref<!tpu.dma_semaphore, #tpu.memory_space<semaphore_mem>>)
      %mul3A_625 = arith.constant 4 : i32
      %mul3A_626 = arith.muli %scan3A_394, %mul3A_625 : i32
      %add3A_627 = arith.constant 3 : i32
      %add3A_628 = arith.addi %mul3A_626, %add3A_627 : i32
      %dma_wait3A_629 = arith.constant 0 : i32
      %dma_wait3A_630 = arith.constant 3 : i32
      %dma_wait3A_631 = arith.constant 0 : i32
      %dma_wait3A_632 = arith.constant 0 : i32
      %dma_wait3A_633 = tpu.memref_slice %arg6[%dma_wait3A_630, %dma_wait3A_631, %dma_wait3A_632] : memref<4x128x128xf32, #tpu.memory_space<vmem>> -> memref<1x128x128xf32, #tpu.memory_space<vmem>>
      %dma_wait3A_634 = tpu.memref_squeeze %dma_wait3A_633 : memref<1x128x128xf32, #tpu.memory_space<vmem>> -> memref<128x128xf32, #tpu.memory_space<vmem>>
      %dma_wait3A_635 = arith.constant 0 : i32
      %dma_wait3A_636 = tpu.memref_slice %arg5[%dma_wait3A_629, %add3A_628, %dma_wait3A_635] : memref<2x80x128xi32, #tpu.memory_space<vmem>> -> memref<1x1x128xi32, #tpu.memory_space<vmem>>
      %dma_wait3A_637 = tpu.memref_squeeze %dma_wait3A_636 : memref<1x1x128xi32, #tpu.memory_space<vmem>> -> memref<128xi32, #tpu.memory_space<vmem>>
      %dma_wait3A_638 = arith.constant 0 : i32
      %dma_wait3A_639 = arith.constant 0 : i32
      %dma_wait3A_640 = tpu.memref_slice %arg7[%dma_wait3A_638, %dma_wait3A_639] : memref<48x128xf32, #tpu.memory_space<vmem_shared>> -> memref<48x128xf32, #tpu.memory_space<vmem_shared>>
      tpu.wait_indirect_dma semaphore(%arg13 : memref<!tpu.dma_semaphore, #tpu.memory_space<semaphore_mem>>) src(%dma_wait3A_640 : memref<48x128xf32, #tpu.memory_space<vmem_shared>>) dst(%dma_wait3A_634 : memref<128x128xf32, #tpu.memory_space<vmem>>)
      %add3A_641 = arith.constant 160 : i32
      %add3A_642 = arith.addi %mul3A_2, %add3A_641 : i32
      %mul3A_643 = arith.constant 4 : i32
      %mul3A_644 = arith.muli %scan3A_394, %mul3A_643 : i32
      %add3A_645 = arith.addi %add3A_642, %mul3A_644 : i32
      %add3A_646 = arith.constant 3 : i32
      %add3A_647 = arith.addi %add3A_645, %add3A_646 : i32
      %mul3A_648 = arith.constant 128 : i32
      %mul3A_649 = arith.muli %add3A_647, %mul3A_648 : i32
      %dma_start3A_650 = arith.constant 3 : i32
      %dma_start3A_651 = arith.constant 0 : i32
      %dma_start3A_652 = arith.constant 0 : i32
      %dma_start3A_653 = tpu.memref_slice %arg6[%dma_start3A_650, %dma_start3A_651, %dma_start3A_652] : memref<4x128x128xf32, #tpu.memory_space<vmem>> -> memref<1x128x128xf32, #tpu.memory_space<vmem>>
      %dma_start3A_654 = tpu.memref_squeeze %dma_start3A_653 : memref<1x128x128xf32, #tpu.memory_space<vmem>> -> memref<128x128xf32, #tpu.memory_space<vmem>>
      %dma_start3A_655 = arith.constant 0 : i32
      %dma_start3A_656 = tpu.memref_slice %arg4[%mul3A_649, %dma_start3A_655] : memref<3276800x128xf32, #tpu.memory_space<hbm>> -> memref<128x128xf32, #tpu.memory_space<hbm>>
      %dma_start3A_657 = arith.constant 0 : i32
      %dma_start3A_658 = tpu.memref_slice %arg4[%mul3A_649, %dma_start3A_657] : memref<3276800x128xf32, #tpu.memory_space<hbm>> -> memref<128x128xf32, #tpu.memory_space<hbm>>
      %dma_start3A_659 = arith.constant 0 : i32
      %dma_start3A_660 = arith.constant 0 : i32
      %dma_start3A_661 = tpu.memref_slice %arg6[%dma_start3A_650, %dma_start3A_659, %dma_start3A_660] : memref<4x128x128xf32, #tpu.memory_space<vmem>> -> memref<1x128x128xf32, #tpu.memory_space<vmem>>
      %dma_start3A_662 = tpu.memref_squeeze %dma_start3A_661 : memref<1x128x128xf32, #tpu.memory_space<vmem>> -> memref<128x128xf32, #tpu.memory_space<vmem>>
      tpu.enqueue_dma source(%dma_start3A_662 : memref<128x128xf32, #tpu.memory_space<vmem>>) target(%dma_start3A_658 : memref<128x128xf32, #tpu.memory_space<hbm>>) target_semaphore(%arg17 : memref<!tpu.dma_semaphore, #tpu.memory_space<semaphore_mem>>)
    }
    %scan3A_118 = arith.constant 20 : i32
    %dma_wait3A_119 = arith.constant 1 : i32
    %dma_wait3A_120 = arith.constant 0 : i32
    %dma_wait3A_121 = arith.constant 0 : i32
    %dma_wait3A_122 = tpu.memref_slice %arg5[%dma_wait3A_119, %dma_wait3A_120, %dma_wait3A_121] : memref<2x80x128xi32, #tpu.memory_space<vmem>> -> memref<1x80x128xi32, #tpu.memory_space<vmem>>
    %dma_wait3A_123 = tpu.memref_squeeze %dma_wait3A_122 : memref<1x80x128xi32, #tpu.memory_space<vmem>> -> memref<80x128xi32, #tpu.memory_space<vmem>>
    %dma_wait3A_124 = arith.constant 0 : i32
    %dma_wait3A_125 = tpu.memref_slice %arg2[%mul3A_2, %dma_wait3A_124] : memref<25600x128xi32, #tpu.memory_space<hbm>> -> memref<80x128xi32, #tpu.memory_space<hbm>>
    %dma_wait3A_126 = arith.constant 0 : i32
    %dma_wait3A_127 = arith.constant 0 : i32
    %dma_wait3A_128 = tpu.memref_slice %arg5[%dma_wait3A_119, %dma_wait3A_126, %dma_wait3A_127] : memref<2x80x128xi32, #tpu.memory_space<vmem>> -> memref<1x80x128xi32, #tpu.memory_space<vmem>>
    %dma_wait3A_129 = tpu.memref_squeeze %dma_wait3A_128 : memref<1x80x128xi32, #tpu.memory_space<vmem>> -> memref<80x128xi32, #tpu.memory_space<vmem>>
    %dma_wait3A_130 = arith.constant 0 : i32
    %dma_wait3A_131 = tpu.memref_slice %arg2[%mul3A_2, %dma_wait3A_130] : memref<25600x128xi32, #tpu.memory_space<hbm>> -> memref<80x128xi32, #tpu.memory_space<hbm>>
    tpu.wait_dma2 semaphore(%arg9 : memref<!tpu.dma_semaphore, #tpu.memory_space<semaphore_mem>>) src(%dma_wait3A_131 : memref<80x128xi32, #tpu.memory_space<hbm>>) dst(%dma_wait3A_129 : memref<80x128xi32, #tpu.memory_space<vmem>>)
    %add3A_132 = arith.constant 320 : i32
    %add3A_133 = arith.addi %mul3A_2, %add3A_132 : i32
    %dma_start3A_134 = arith.constant 0 : i32
    %dma_start3A_135 = arith.constant 0 : i32
    %dma_start3A_136 = arith.constant 0 : i32
    %dma_start3A_137 = tpu.memref_slice %arg5[%dma_start3A_134, %dma_start3A_135, %dma_start3A_136] : memref<2x80x128xi32, #tpu.memory_space<vmem>> -> memref<1x80x128xi32, #tpu.memory_space<vmem>>
    %dma_start3A_138 = tpu.memref_squeeze %dma_start3A_137 : memref<1x80x128xi32, #tpu.memory_space<vmem>> -> memref<80x128xi32, #tpu.memory_space<vmem>>
    %dma_start3A_139 = arith.constant 0 : i32
    %dma_start3A_140 = tpu.memref_slice %arg2[%add3A_133, %dma_start3A_139] : memref<25600x128xi32, #tpu.memory_space<hbm>> -> memref<80x128xi32, #tpu.memory_space<hbm>>
    %dma_start3A_141 = arith.constant 0 : i32
    %dma_start3A_142 = arith.constant 0 : i32
    %dma_start3A_143 = tpu.memref_slice %arg5[%dma_start3A_134, %dma_start3A_141, %dma_start3A_142] : memref<2x80x128xi32, #tpu.memory_space<vmem>> -> memref<1x80x128xi32, #tpu.memory_space<vmem>>
    %dma_start3A_144 = tpu.memref_squeeze %dma_start3A_143 : memref<1x80x128xi32, #tpu.memory_space<vmem>> -> memref<80x128xi32, #tpu.memory_space<vmem>>
    %dma_start3A_145 = arith.constant 0 : i32
    %dma_start3A_146 = tpu.memref_slice %arg2[%add3A_133, %dma_start3A_145] : memref<25600x128xi32, #tpu.memory_space<hbm>> -> memref<80x128xi32, #tpu.memory_space<hbm>>
    tpu.enqueue_dma source(%dma_start3A_146 : memref<80x128xi32, #tpu.memory_space<hbm>>) target(%dma_start3A_144 : memref<80x128xi32, #tpu.memory_space<vmem>>) target_semaphore(%arg8 : memref<!tpu.dma_semaphore, #tpu.memory_space<semaphore_mem>>)
    %scan3A_147 = arith.constant 0 : i32
    %scan3A_148 = arith.constant 0 : i32
    %scan3A_149 = arith.constant 20 : i32
    %scan3A_150 = arith.addi %scan3A_148, %scan3A_149 : i32
    %scan3A_151 = arith.constant 1 : i32
    scf.for %scan3A_394 = %scan3A_148 to %scan3A_150 step %scan3A_151  : i32 {
      %dma_wait3A_395 = arith.constant 0 : i32
      %dma_wait3A_396 = arith.constant 0 : i32
      %dma_wait3A_397 = arith.constant 0 : i32
      %dma_wait3A_398 = tpu.memref_slice %arg6[%dma_wait3A_395, %dma_wait3A_396, %dma_wait3A_397] : memref<4x128x128xf32, #tpu.memory_space<vmem>> -> memref<1x128x128xf32, #tpu.memory_space<vmem>>
      %dma_wait3A_399 = tpu.memref_squeeze %dma_wait3A_398 : memref<1x128x128xf32, #tpu.memory_space<vmem>> -> memref<128x128xf32, #tpu.memory_space<vmem>>
      %dma_wait3A_400 = arith.constant 0 : i32
      %dma_wait3A_401 = tpu.memref_slice %arg4[%mul3A_2, %dma_wait3A_400] : memref<3276800x128xf32, #tpu.memory_space<hbm>> -> memref<128x128xf32, #tpu.memory_space<hbm>>
      %dma_wait3A_402 = arith.constant 0 : i32
      %dma_wait3A_403 = tpu.memref_slice %arg4[%mul3A_2, %dma_wait3A_402] : memref<3276800x128xf32, #tpu.memory_space<hbm>> -> memref<128x128xf32, #tpu.memory_space<hbm>>
      %dma_wait3A_404 = arith.constant 0 : i32
      %dma_wait3A_405 = arith.constant 0 : i32
      %dma_wait3A_406 = tpu.memref_slice %arg6[%dma_wait3A_395, %dma_wait3A_404, %dma_wait3A_405] : memref<4x128x128xf32, #tpu.memory_space<vmem>> -> memref<1x128x128xf32, #tpu.memory_space<vmem>>
      %dma_wait3A_407 = tpu.memref_squeeze %dma_wait3A_406 : memref<1x128x128xf32, #tpu.memory_space<vmem>> -> memref<128x128xf32, #tpu.memory_space<vmem>>
      tpu.wait_dma2 semaphore(%arg14 : memref<!tpu.dma_semaphore, #tpu.memory_space<semaphore_mem>>) src(%dma_wait3A_407 : memref<128x128xf32, #tpu.memory_space<vmem>>) dst(%dma_wait3A_403 : memref<128x128xf32, #tpu.memory_space<hbm>>)
      %mul3A_408 = arith.constant 4 : i32
      %mul3A_409 = arith.muli %scan3A_394, %mul3A_408 : i32
      %add3A_410 = arith.constant 0 : i32
      %add3A_411 = arith.addi %mul3A_409, %add3A_410 : i32
      %dma_start3A_412 = arith.constant 1 : i32
      %dma_start3A_413 = arith.constant 0 : i32
      %dma_start3A_414 = arith.constant 0 : i32
      %dma_start3A_415 = arith.constant 0 : i32
      %dma_start3A_416 = tpu.memref_slice %arg6[%dma_start3A_413, %dma_start3A_414, %dma_start3A_415] : memref<4x128x128xf32, #tpu.memory_space<vmem>> -> memref<1x128x128xf32, #tpu.memory_space<vmem>>
      %dma_start3A_417 = tpu.memref_squeeze %dma_start3A_416 : memref<1x128x128xf32, #tpu.memory_space<vmem>> -> memref<128x128xf32, #tpu.memory_space<vmem>>
      %dma_start3A_418 = arith.constant 0 : i32
      %dma_start3A_419 = tpu.memref_slice %arg5[%dma_start3A_412, %add3A_411, %dma_start3A_418] : memref<2x80x128xi32, #tpu.memory_space<vmem>> -> memref<1x1x128xi32, #tpu.memory_space<vmem>>
      %dma_start3A_420 = tpu.memref_squeeze %dma_start3A_419 : memref<1x1x128xi32, #tpu.memory_space<vmem>> -> memref<128xi32, #tpu.memory_space<vmem>>
      %dma_start3A_421 = arith.constant 0 : i32
      %dma_start3A_422 = arith.constant 0 : i32
      %dma_start3A_423 = tpu.memref_slice %arg7[%dma_start3A_421, %dma_start3A_422] : memref<48x128xf32, #tpu.memory_space<vmem_shared>> -> memref<48x128xf32, #tpu.memory_space<vmem_shared>>
      tpu.enqueue_indirect_dma source(%dma_start3A_423 : memref<48x128xf32, #tpu.memory_space<vmem_shared>>) target(%dma_start3A_417 : memref<128x128xf32, #tpu.memory_space<vmem>>) offsets(%dma_start3A_420 : memref<128xi32, #tpu.memory_space<vmem>>) semaphore(%arg10 : memref<!tpu.dma_semaphore, #tpu.memory_space<semaphore_mem>>)
      %dma_wait3A_424 = arith.constant 1 : i32
      %dma_wait3A_425 = arith.constant 0 : i32
      %dma_wait3A_426 = arith.constant 0 : i32
      %dma_wait3A_427 = tpu.memref_slice %arg6[%dma_wait3A_424, %dma_wait3A_425, %dma_wait3A_426] : memref<4x128x128xf32, #tpu.memory_space<vmem>> -> memref<1x128x128xf32, #tpu.memory_space<vmem>>
      %dma_wait3A_428 = tpu.memref_squeeze %dma_wait3A_427 : memref<1x128x128xf32, #tpu.memory_space<vmem>> -> memref<128x128xf32, #tpu.memory_space<vmem>>
      %dma_wait3A_429 = arith.constant 0 : i32
      %dma_wait3A_430 = tpu.memref_slice %arg4[%mul3A_2, %dma_wait3A_429] : memref<3276800x128xf32, #tpu.memory_space<hbm>> -> memref<128x128xf32, #tpu.memory_space<hbm>>
      %dma_wait3A_431 = arith.constant 0 : i32
      %dma_wait3A_432 = tpu.memref_slice %arg4[%mul3A_2, %dma_wait3A_431] : memref<3276800x128xf32, #tpu.memory_space<hbm>> -> memref<128x128xf32, #tpu.memory_space<hbm>>
      %dma_wait3A_433 = arith.constant 0 : i32
      %dma_wait3A_434 = arith.constant 0 : i32
      %dma_wait3A_435 = tpu.memref_slice %arg6[%dma_wait3A_424, %dma_wait3A_433, %dma_wait3A_434] : memref<4x128x128xf32, #tpu.memory_space<vmem>> -> memref<1x128x128xf32, #tpu.memory_space<vmem>>
      %dma_wait3A_436 = tpu.memref_squeeze %dma_wait3A_435 : memref<1x128x128xf32, #tpu.memory_space<vmem>> -> memref<128x128xf32, #tpu.memory_space<vmem>>
      tpu.wait_dma2 semaphore(%arg15 : memref<!tpu.dma_semaphore, #tpu.memory_space<semaphore_mem>>) src(%dma_wait3A_436 : memref<128x128xf32, #tpu.memory_space<vmem>>) dst(%dma_wait3A_432 : memref<128x128xf32, #tpu.memory_space<hbm>>)
      %mul3A_437 = arith.constant 4 : i32
      %mul3A_438 = arith.muli %scan3A_394, %mul3A_437 : i32
      %add3A_439 = arith.constant 1 : i32
      %add3A_440 = arith.addi %mul3A_438, %add3A_439 : i32
      %dma_start3A_441 = arith.constant 1 : i32
      %dma_start3A_442 = arith.constant 1 : i32
      %dma_start3A_443 = arith.constant 0 : i32
      %dma_start3A_444 = arith.constant 0 : i32
      %dma_start3A_445 = tpu.memref_slice %arg6[%dma_start3A_442, %dma_start3A_443, %dma_start3A_444] : memref<4x128x128xf32, #tpu.memory_space<vmem>> -> memref<1x128x128xf32, #tpu.memory_space<vmem>>
      %dma_start3A_446 = tpu.memref_squeeze %dma_start3A_445 : memref<1x128x128xf32, #tpu.memory_space<vmem>> -> memref<128x128xf32, #tpu.memory_space<vmem>>
      %dma_start3A_447 = arith.constant 0 : i32
      %dma_start3A_448 = tpu.memref_slice %arg5[%dma_start3A_441, %add3A_440, %dma_start3A_447] : memref<2x80x128xi32, #tpu.memory_space<vmem>> -> memref<1x1x128xi32, #tpu.memory_space<vmem>>
      %dma_start3A_449 = tpu.memref_squeeze %dma_start3A_448 : memref<1x1x128xi32, #tpu.memory_space<vmem>> -> memref<128xi32, #tpu.memory_space<vmem>>
      %dma_start3A_450 = arith.constant 0 : i32
      %dma_start3A_451 = arith.constant 0 : i32
      %dma_start3A_452 = tpu.memref_slice %arg7[%dma_start3A_450, %dma_start3A_451] : memref<48x128xf32, #tpu.memory_space<vmem_shared>> -> memref<48x128xf32, #tpu.memory_space<vmem_shared>>
      tpu.enqueue_indirect_dma source(%dma_start3A_452 : memref<48x128xf32, #tpu.memory_space<vmem_shared>>) target(%dma_start3A_446 : memref<128x128xf32, #tpu.memory_space<vmem>>) offsets(%dma_start3A_449 : memref<128xi32, #tpu.memory_space<vmem>>) semaphore(%arg11 : memref<!tpu.dma_semaphore, #tpu.memory_space<semaphore_mem>>)
      %dma_wait3A_453 = arith.constant 2 : i32
      %dma_wait3A_454 = arith.constant 0 : i32
      %dma_wait3A_455 = arith.constant 0 : i32
      %dma_wait3A_456 = tpu.memref_slice %arg6[%dma_wait3A_453, %dma_wait3A_454, %dma_wait3A_455] : memref<4x128x128xf32, #tpu.memory_space<vmem>> -> memref<1x128x128xf32, #tpu.memory_space<vmem>>
      %dma_wait3A_457 = tpu.memref_squeeze %dma_wait3A_456 : memref<1x128x128xf32, #tpu.memory_space<vmem>> -> memref<128x128xf32, #tpu.memory_space<vmem>>
      %dma_wait3A_458 = arith.constant 0 : i32
      %dma_wait3A_459 = tpu.memref_slice %arg4[%mul3A_2, %dma_wait3A_458] : memref<3276800x128xf32, #tpu.memory_space<hbm>> -> memref<128x128xf32, #tpu.memory_space<hbm>>
      %dma_wait3A_460 = arith.constant 0 : i32
      %dma_wait3A_461 = tpu.memref_slice %arg4[%mul3A_2, %dma_wait3A_460] : memref<3276800x128xf32, #tpu.memory_space<hbm>> -> memref<128x128xf32, #tpu.memory_space<hbm>>
      %dma_wait3A_462 = arith.constant 0 : i32
      %dma_wait3A_463 = arith.constant 0 : i32
      %dma_wait3A_464 = tpu.memref_slice %arg6[%dma_wait3A_453, %dma_wait3A_462, %dma_wait3A_463] : memref<4x128x128xf32, #tpu.memory_space<vmem>> -> memref<1x128x128xf32, #tpu.memory_space<vmem>>
      %dma_wait3A_465 = tpu.memref_squeeze %dma_wait3A_464 : memref<1x128x128xf32, #tpu.memory_space<vmem>> -> memref<128x128xf32, #tpu.memory_space<vmem>>
      tpu.wait_dma2 semaphore(%arg16 : memref<!tpu.dma_semaphore, #tpu.memory_space<semaphore_mem>>) src(%dma_wait3A_465 : memref<128x128xf32, #tpu.memory_space<vmem>>) dst(%dma_wait3A_461 : memref<128x128xf32, #tpu.memory_space<hbm>>)
      %mul3A_466 = arith.constant 4 : i32
      %mul3A_467 = arith.muli %scan3A_394, %mul3A_466 : i32
      %add3A_468 = arith.constant 2 : i32
      %add3A_469 = arith.addi %mul3A_467, %add3A_468 : i32
      %dma_start3A_470 = arith.constant 1 : i32
      %dma_start3A_471 = arith.constant 2 : i32
      %dma_start3A_472 = arith.constant 0 : i32
      %dma_start3A_473 = arith.constant 0 : i32
      %dma_start3A_474 = tpu.memref_slice %arg6[%dma_start3A_471, %dma_start3A_472, %dma_start3A_473] : memref<4x128x128xf32, #tpu.memory_space<vmem>> -> memref<1x128x128xf32, #tpu.memory_space<vmem>>
      %dma_start3A_475 = tpu.memref_squeeze %dma_start3A_474 : memref<1x128x128xf32, #tpu.memory_space<vmem>> -> memref<128x128xf32, #tpu.memory_space<vmem>>
      %dma_start3A_476 = arith.constant 0 : i32
      %dma_start3A_477 = tpu.memref_slice %arg5[%dma_start3A_470, %add3A_469, %dma_start3A_476] : memref<2x80x128xi32, #tpu.memory_space<vmem>> -> memref<1x1x128xi32, #tpu.memory_space<vmem>>
      %dma_start3A_478 = tpu.memref_squeeze %dma_start3A_477 : memref<1x1x128xi32, #tpu.memory_space<vmem>> -> memref<128xi32, #tpu.memory_space<vmem>>
      %dma_start3A_479 = arith.constant 0 : i32
      %dma_start3A_480 = arith.constant 0 : i32
      %dma_start3A_481 = tpu.memref_slice %arg7[%dma_start3A_479, %dma_start3A_480] : memref<48x128xf32, #tpu.memory_space<vmem_shared>> -> memref<48x128xf32, #tpu.memory_space<vmem_shared>>
      tpu.enqueue_indirect_dma source(%dma_start3A_481 : memref<48x128xf32, #tpu.memory_space<vmem_shared>>) target(%dma_start3A_475 : memref<128x128xf32, #tpu.memory_space<vmem>>) offsets(%dma_start3A_478 : memref<128xi32, #tpu.memory_space<vmem>>) semaphore(%arg12 : memref<!tpu.dma_semaphore, #tpu.memory_space<semaphore_mem>>)
      %dma_wait3A_482 = arith.constant 3 : i32
      %dma_wait3A_483 = arith.constant 0 : i32
      %dma_wait3A_484 = arith.constant 0 : i32
      %dma_wait3A_485 = tpu.memref_slice %arg6[%dma_wait3A_482, %dma_wait3A_483, %dma_wait3A_484] : memref<4x128x128xf32, #tpu.memory_space<vmem>> -> memref<1x128x128xf32, #tpu.memory_space<vmem>>
      %dma_wait3A_486 = tpu.memref_squeeze %dma_wait3A_485 : memref<1x128x128xf32, #tpu.memory_space<vmem>> -> memref<128x128xf32, #tpu.memory_space<vmem>>
      %dma_wait3A_487 = arith.constant 0 : i32
      %dma_wait3A_488 = tpu.memref_slice %arg4[%mul3A_2, %dma_wait3A_487] : memref<3276800x128xf32, #tpu.memory_space<hbm>> -> memref<128x128xf32, #tpu.memory_space<hbm>>
      %dma_wait3A_489 = arith.constant 0 : i32
      %dma_wait3A_490 = tpu.memref_slice %arg4[%mul3A_2, %dma_wait3A_489] : memref<3276800x128xf32, #tpu.memory_space<hbm>> -> memref<128x128xf32, #tpu.memory_space<hbm>>
      %dma_wait3A_491 = arith.constant 0 : i32
      %dma_wait3A_492 = arith.constant 0 : i32
      %dma_wait3A_493 = tpu.memref_slice %arg6[%dma_wait3A_482, %dma_wait3A_491, %dma_wait3A_492] : memref<4x128x128xf32, #tpu.memory_space<vmem>> -> memref<1x128x128xf32, #tpu.memory_space<vmem>>
      %dma_wait3A_494 = tpu.memref_squeeze %dma_wait3A_493 : memref<1x128x128xf32, #tpu.memory_space<vmem>> -> memref<128x128xf32, #tpu.memory_space<vmem>>
      tpu.wait_dma2 semaphore(%arg17 : memref<!tpu.dma_semaphore, #tpu.memory_space<semaphore_mem>>) src(%dma_wait3A_494 : memref<128x128xf32, #tpu.memory_space<vmem>>) dst(%dma_wait3A_490 : memref<128x128xf32, #tpu.memory_space<hbm>>)
      %mul3A_495 = arith.constant 4 : i32
      %mul3A_496 = arith.muli %scan3A_394, %mul3A_495 : i32
      %add3A_497 = arith.constant 3 : i32
      %add3A_498 = arith.addi %mul3A_496, %add3A_497 : i32
      %dma_start3A_499 = arith.constant 1 : i32
      %dma_start3A_500 = arith.constant 3 : i32
      %dma_start3A_501 = arith.constant 0 : i32
      %dma_start3A_502 = arith.constant 0 : i32
      %dma_start3A_503 = tpu.memref_slice %arg6[%dma_start3A_500, %dma_start3A_501, %dma_start3A_502] : memref<4x128x128xf32, #tpu.memory_space<vmem>> -> memref<1x128x128xf32, #tpu.memory_space<vmem>>
      %dma_start3A_504 = tpu.memref_squeeze %dma_start3A_503 : memref<1x128x128xf32, #tpu.memory_space<vmem>> -> memref<128x128xf32, #tpu.memory_space<vmem>>
      %dma_start3A_505 = arith.constant 0 : i32
      %dma_start3A_506 = tpu.memref_slice %arg5[%dma_start3A_499, %add3A_498, %dma_start3A_505] : memref<2x80x128xi32, #tpu.memory_space<vmem>> -> memref<1x1x128xi32, #tpu.memory_space<vmem>>
      %dma_start3A_507 = tpu.memref_squeeze %dma_start3A_506 : memref<1x1x128xi32, #tpu.memory_space<vmem>> -> memref<128xi32, #tpu.memory_space<vmem>>
      %dma_start3A_508 = arith.constant 0 : i32
      %dma_start3A_509 = arith.constant 0 : i32
      %dma_start3A_510 = tpu.memref_slice %arg7[%dma_start3A_508, %dma_start3A_509] : memref<48x128xf32, #tpu.memory_space<vmem_shared>> -> memref<48x128xf32, #tpu.memory_space<vmem_shared>>
      tpu.enqueue_indirect_dma source(%dma_start3A_510 : memref<48x128xf32, #tpu.memory_space<vmem_shared>>) target(%dma_start3A_504 : memref<128x128xf32, #tpu.memory_space<vmem>>) offsets(%dma_start3A_507 : memref<128xi32, #tpu.memory_space<vmem>>) semaphore(%arg13 : memref<!tpu.dma_semaphore, #tpu.memory_space<semaphore_mem>>)
      %mul3A_511 = arith.constant 4 : i32
      %mul3A_512 = arith.muli %scan3A_394, %mul3A_511 : i32
      %add3A_513 = arith.constant 0 : i32
      %add3A_514 = arith.addi %mul3A_512, %add3A_513 : i32
      %dma_wait3A_515 = arith.constant 1 : i32
      %dma_wait3A_516 = arith.constant 0 : i32
      %dma_wait3A_517 = arith.constant 0 : i32
      %dma_wait3A_518 = arith.constant 0 : i32
      %dma_wait3A_519 = tpu.memref_slice %arg6[%dma_wait3A_516, %dma_wait3A_517, %dma_wait3A_518] : memref<4x128x128xf32, #tpu.memory_space<vmem>> -> memref<1x128x128xf32, #tpu.memory_space<vmem>>
      %dma_wait3A_520 = tpu.memref_squeeze %dma_wait3A_519 : memref<1x128x128xf32, #tpu.memory_space<vmem>> -> memref<128x128xf32, #tpu.memory_space<vmem>>
      %dma_wait3A_521 = arith.constant 0 : i32
      %dma_wait3A_522 = tpu.memref_slice %arg5[%dma_wait3A_515, %add3A_514, %dma_wait3A_521] : memref<2x80x128xi32, #tpu.memory_space<vmem>> -> memref<1x1x128xi32, #tpu.memory_space<vmem>>
      %dma_wait3A_523 = tpu.memref_squeeze %dma_wait3A_522 : memref<1x1x128xi32, #tpu.memory_space<vmem>> -> memref<128xi32, #tpu.memory_space<vmem>>
      %dma_wait3A_524 = arith.constant 0 : i32
      %dma_wait3A_525 = arith.constant 0 : i32
      %dma_wait3A_526 = tpu.memref_slice %arg7[%dma_wait3A_524, %dma_wait3A_525] : memref<48x128xf32, #tpu.memory_space<vmem_shared>> -> memref<48x128xf32, #tpu.memory_space<vmem_shared>>
      tpu.wait_indirect_dma semaphore(%arg10 : memref<!tpu.dma_semaphore, #tpu.memory_space<semaphore_mem>>) src(%dma_wait3A_526 : memref<48x128xf32, #tpu.memory_space<vmem_shared>>) dst(%dma_wait3A_520 : memref<128x128xf32, #tpu.memory_space<vmem>>)
      %add3A_527 = arith.constant 240 : i32
      %add3A_528 = arith.addi %mul3A_2, %add3A_527 : i32
      %mul3A_529 = arith.constant 4 : i32
      %mul3A_530 = arith.muli %scan3A_394, %mul3A_529 : i32
      %add3A_531 = arith.addi %add3A_528, %mul3A_530 : i32
      %add3A_532 = arith.constant 0 : i32
      %add3A_533 = arith.addi %add3A_531, %add3A_532 : i32
      %mul3A_534 = arith.constant 128 : i32
      %mul3A_535 = arith.muli %add3A_533, %mul3A_534 : i32
      %dma_start3A_536 = arith.constant 0 : i32
      %dma_start3A_537 = arith.constant 0 : i32
      %dma_start3A_538 = arith.constant 0 : i32
      %dma_start3A_539 = tpu.memref_slice %arg6[%dma_start3A_536, %dma_start3A_537, %dma_start3A_538] : memref<4x128x128xf32, #tpu.memory_space<vmem>> -> memref<1x128x128xf32, #tpu.memory_space<vmem>>
      %dma_start3A_540 = tpu.memref_squeeze %dma_start3A_539 : memref<1x128x128xf32, #tpu.memory_space<vmem>> -> memref<128x128xf32, #tpu.memory_space<vmem>>
      %dma_start3A_541 = arith.constant 0 : i32
      %dma_start3A_542 = tpu.memref_slice %arg4[%mul3A_535, %dma_start3A_541] : memref<3276800x128xf32, #tpu.memory_space<hbm>> -> memref<128x128xf32, #tpu.memory_space<hbm>>
      %dma_start3A_543 = arith.constant 0 : i32
      %dma_start3A_544 = tpu.memref_slice %arg4[%mul3A_535, %dma_start3A_543] : memref<3276800x128xf32, #tpu.memory_space<hbm>> -> memref<128x128xf32, #tpu.memory_space<hbm>>
      %dma_start3A_545 = arith.constant 0 : i32
      %dma_start3A_546 = arith.constant 0 : i32
      %dma_start3A_547 = tpu.memref_slice %arg6[%dma_start3A_536, %dma_start3A_545, %dma_start3A_546] : memref<4x128x128xf32, #tpu.memory_space<vmem>> -> memref<1x128x128xf32, #tpu.memory_space<vmem>>
      %dma_start3A_548 = tpu.memref_squeeze %dma_start3A_547 : memref<1x128x128xf32, #tpu.memory_space<vmem>> -> memref<128x128xf32, #tpu.memory_space<vmem>>
      tpu.enqueue_dma source(%dma_start3A_548 : memref<128x128xf32, #tpu.memory_space<vmem>>) target(%dma_start3A_544 : memref<128x128xf32, #tpu.memory_space<hbm>>) target_semaphore(%arg14 : memref<!tpu.dma_semaphore, #tpu.memory_space<semaphore_mem>>)
      %mul3A_549 = arith.constant 4 : i32
      %mul3A_550 = arith.muli %scan3A_394, %mul3A_549 : i32
      %add3A_551 = arith.constant 1 : i32
      %add3A_552 = arith.addi %mul3A_550, %add3A_551 : i32
      %dma_wait3A_553 = arith.constant 1 : i32
      %dma_wait3A_554 = arith.constant 1 : i32
      %dma_wait3A_555 = arith.constant 0 : i32
      %dma_wait3A_556 = arith.constant 0 : i32
      %dma_wait3A_557 = tpu.memref_slice %arg6[%dma_wait3A_554, %dma_wait3A_555, %dma_wait3A_556] : memref<4x128x128xf32, #tpu.memory_space<vmem>> -> memref<1x128x128xf32, #tpu.memory_space<vmem>>
      %dma_wait3A_558 = tpu.memref_squeeze %dma_wait3A_557 : memref<1x128x128xf32, #tpu.memory_space<vmem>> -> memref<128x128xf32, #tpu.memory_space<vmem>>
      %dma_wait3A_559 = arith.constant 0 : i32
      %dma_wait3A_560 = tpu.memref_slice %arg5[%dma_wait3A_553, %add3A_552, %dma_wait3A_559] : memref<2x80x128xi32, #tpu.memory_space<vmem>> -> memref<1x1x128xi32, #tpu.memory_space<vmem>>
      %dma_wait3A_561 = tpu.memref_squeeze %dma_wait3A_560 : memref<1x1x128xi32, #tpu.memory_space<vmem>> -> memref<128xi32, #tpu.memory_space<vmem>>
      %dma_wait3A_562 = arith.constant 0 : i32
      %dma_wait3A_563 = arith.constant 0 : i32
      %dma_wait3A_564 = tpu.memref_slice %arg7[%dma_wait3A_562, %dma_wait3A_563] : memref<48x128xf32, #tpu.memory_space<vmem_shared>> -> memref<48x128xf32, #tpu.memory_space<vmem_shared>>
      tpu.wait_indirect_dma semaphore(%arg11 : memref<!tpu.dma_semaphore, #tpu.memory_space<semaphore_mem>>) src(%dma_wait3A_564 : memref<48x128xf32, #tpu.memory_space<vmem_shared>>) dst(%dma_wait3A_558 : memref<128x128xf32, #tpu.memory_space<vmem>>)
      %add3A_565 = arith.constant 240 : i32
      %add3A_566 = arith.addi %mul3A_2, %add3A_565 : i32
      %mul3A_567 = arith.constant 4 : i32
      %mul3A_568 = arith.muli %scan3A_394, %mul3A_567 : i32
      %add3A_569 = arith.addi %add3A_566, %mul3A_568 : i32
      %add3A_570 = arith.constant 1 : i32
      %add3A_571 = arith.addi %add3A_569, %add3A_570 : i32
      %mul3A_572 = arith.constant 128 : i32
      %mul3A_573 = arith.muli %add3A_571, %mul3A_572 : i32
      %dma_start3A_574 = arith.constant 1 : i32
      %dma_start3A_575 = arith.constant 0 : i32
      %dma_start3A_576 = arith.constant 0 : i32
      %dma_start3A_577 = tpu.memref_slice %arg6[%dma_start3A_574, %dma_start3A_575, %dma_start3A_576] : memref<4x128x128xf32, #tpu.memory_space<vmem>> -> memref<1x128x128xf32, #tpu.memory_space<vmem>>
      %dma_start3A_578 = tpu.memref_squeeze %dma_start3A_577 : memref<1x128x128xf32, #tpu.memory_space<vmem>> -> memref<128x128xf32, #tpu.memory_space<vmem>>
      %dma_start3A_579 = arith.constant 0 : i32
      %dma_start3A_580 = tpu.memref_slice %arg4[%mul3A_573, %dma_start3A_579] : memref<3276800x128xf32, #tpu.memory_space<hbm>> -> memref<128x128xf32, #tpu.memory_space<hbm>>
      %dma_start3A_581 = arith.constant 0 : i32
      %dma_start3A_582 = tpu.memref_slice %arg4[%mul3A_573, %dma_start3A_581] : memref<3276800x128xf32, #tpu.memory_space<hbm>> -> memref<128x128xf32, #tpu.memory_space<hbm>>
      %dma_start3A_583 = arith.constant 0 : i32
      %dma_start3A_584 = arith.constant 0 : i32
      %dma_start3A_585 = tpu.memref_slice %arg6[%dma_start3A_574, %dma_start3A_583, %dma_start3A_584] : memref<4x128x128xf32, #tpu.memory_space<vmem>> -> memref<1x128x128xf32, #tpu.memory_space<vmem>>
      %dma_start3A_586 = tpu.memref_squeeze %dma_start3A_585 : memref<1x128x128xf32, #tpu.memory_space<vmem>> -> memref<128x128xf32, #tpu.memory_space<vmem>>
      tpu.enqueue_dma source(%dma_start3A_586 : memref<128x128xf32, #tpu.memory_space<vmem>>) target(%dma_start3A_582 : memref<128x128xf32, #tpu.memory_space<hbm>>) target_semaphore(%arg15 : memref<!tpu.dma_semaphore, #tpu.memory_space<semaphore_mem>>)
      %mul3A_587 = arith.constant 4 : i32
      %mul3A_588 = arith.muli %scan3A_394, %mul3A_587 : i32
      %add3A_589 = arith.constant 2 : i32
      %add3A_590 = arith.addi %mul3A_588, %add3A_589 : i32
      %dma_wait3A_591 = arith.constant 1 : i32
      %dma_wait3A_592 = arith.constant 2 : i32
      %dma_wait3A_593 = arith.constant 0 : i32
      %dma_wait3A_594 = arith.constant 0 : i32
      %dma_wait3A_595 = tpu.memref_slice %arg6[%dma_wait3A_592, %dma_wait3A_593, %dma_wait3A_594] : memref<4x128x128xf32, #tpu.memory_space<vmem>> -> memref<1x128x128xf32, #tpu.memory_space<vmem>>
      %dma_wait3A_596 = tpu.memref_squeeze %dma_wait3A_595 : memref<1x128x128xf32, #tpu.memory_space<vmem>> -> memref<128x128xf32, #tpu.memory_space<vmem>>
      %dma_wait3A_597 = arith.constant 0 : i32
      %dma_wait3A_598 = tpu.memref_slice %arg5[%dma_wait3A_591, %add3A_590, %dma_wait3A_597] : memref<2x80x128xi32, #tpu.memory_space<vmem>> -> memref<1x1x128xi32, #tpu.memory_space<vmem>>
      %dma_wait3A_599 = tpu.memref_squeeze %dma_wait3A_598 : memref<1x1x128xi32, #tpu.memory_space<vmem>> -> memref<128xi32, #tpu.memory_space<vmem>>
      %dma_wait3A_600 = arith.constant 0 : i32
      %dma_wait3A_601 = arith.constant 0 : i32
      %dma_wait3A_602 = tpu.memref_slice %arg7[%dma_wait3A_600, %dma_wait3A_601] : memref<48x128xf32, #tpu.memory_space<vmem_shared>> -> memref<48x128xf32, #tpu.memory_space<vmem_shared>>
      tpu.wait_indirect_dma semaphore(%arg12 : memref<!tpu.dma_semaphore, #tpu.memory_space<semaphore_mem>>) src(%dma_wait3A_602 : memref<48x128xf32, #tpu.memory_space<vmem_shared>>) dst(%dma_wait3A_596 : memref<128x128xf32, #tpu.memory_space<vmem>>)
      %add3A_603 = arith.constant 240 : i32
      %add3A_604 = arith.addi %mul3A_2, %add3A_603 : i32
      %mul3A_605 = arith.constant 4 : i32
      %mul3A_606 = arith.muli %scan3A_394, %mul3A_605 : i32
      %add3A_607 = arith.addi %add3A_604, %mul3A_606 : i32
      %add3A_608 = arith.constant 2 : i32
      %add3A_609 = arith.addi %add3A_607, %add3A_608 : i32
      %mul3A_610 = arith.constant 128 : i32
      %mul3A_611 = arith.muli %add3A_609, %mul3A_610 : i32
      %dma_start3A_612 = arith.constant 2 : i32
      %dma_start3A_613 = arith.constant 0 : i32
      %dma_start3A_614 = arith.constant 0 : i32
      %dma_start3A_615 = tpu.memref_slice %arg6[%dma_start3A_612, %dma_start3A_613, %dma_start3A_614] : memref<4x128x128xf32, #tpu.memory_space<vmem>> -> memref<1x128x128xf32, #tpu.memory_space<vmem>>
      %dma_start3A_616 = tpu.memref_squeeze %dma_start3A_615 : memref<1x128x128xf32, #tpu.memory_space<vmem>> -> memref<128x128xf32, #tpu.memory_space<vmem>>
      %dma_start3A_617 = arith.constant 0 : i32
      %dma_start3A_618 = tpu.memref_slice %arg4[%mul3A_611, %dma_start3A_617] : memref<3276800x128xf32, #tpu.memory_space<hbm>> -> memref<128x128xf32, #tpu.memory_space<hbm>>
      %dma_start3A_619 = arith.constant 0 : i32
      %dma_start3A_620 = tpu.memref_slice %arg4[%mul3A_611, %dma_start3A_619] : memref<3276800x128xf32, #tpu.memory_space<hbm>> -> memref<128x128xf32, #tpu.memory_space<hbm>>
      %dma_start3A_621 = arith.constant 0 : i32
      %dma_start3A_622 = arith.constant 0 : i32
      %dma_start3A_623 = tpu.memref_slice %arg6[%dma_start3A_612, %dma_start3A_621, %dma_start3A_622] : memref<4x128x128xf32, #tpu.memory_space<vmem>> -> memref<1x128x128xf32, #tpu.memory_space<vmem>>
      %dma_start3A_624 = tpu.memref_squeeze %dma_start3A_623 : memref<1x128x128xf32, #tpu.memory_space<vmem>> -> memref<128x128xf32, #tpu.memory_space<vmem>>
      tpu.enqueue_dma source(%dma_start3A_624 : memref<128x128xf32, #tpu.memory_space<vmem>>) target(%dma_start3A_620 : memref<128x128xf32, #tpu.memory_space<hbm>>) target_semaphore(%arg16 : memref<!tpu.dma_semaphore, #tpu.memory_space<semaphore_mem>>)
      %mul3A_625 = arith.constant 4 : i32
      %mul3A_626 = arith.muli %scan3A_394, %mul3A_625 : i32
      %add3A_627 = arith.constant 3 : i32
      %add3A_628 = arith.addi %mul3A_626, %add3A_627 : i32
      %dma_wait3A_629 = arith.constant 1 : i32
      %dma_wait3A_630 = arith.constant 3 : i32
      %dma_wait3A_631 = arith.constant 0 : i32
      %dma_wait3A_632 = arith.constant 0 : i32
      %dma_wait3A_633 = tpu.memref_slice %arg6[%dma_wait3A_630, %dma_wait3A_631, %dma_wait3A_632] : memref<4x128x128xf32, #tpu.memory_space<vmem>> -> memref<1x128x128xf32, #tpu.memory_space<vmem>>
      %dma_wait3A_634 = tpu.memref_squeeze %dma_wait3A_633 : memref<1x128x128xf32, #tpu.memory_space<vmem>> -> memref<128x128xf32, #tpu.memory_space<vmem>>
      %dma_wait3A_635 = arith.constant 0 : i32
      %dma_wait3A_636 = tpu.memref_slice %arg5[%dma_wait3A_629, %add3A_628, %dma_wait3A_635] : memref<2x80x128xi32, #tpu.memory_space<vmem>> -> memref<1x1x128xi32, #tpu.memory_space<vmem>>
      %dma_wait3A_637 = tpu.memref_squeeze %dma_wait3A_636 : memref<1x1x128xi32, #tpu.memory_space<vmem>> -> memref<128xi32, #tpu.memory_space<vmem>>
      %dma_wait3A_638 = arith.constant 0 : i32
      %dma_wait3A_639 = arith.constant 0 : i32
      %dma_wait3A_640 = tpu.memref_slice %arg7[%dma_wait3A_638, %dma_wait3A_639] : memref<48x128xf32, #tpu.memory_space<vmem_shared>> -> memref<48x128xf32, #tpu.memory_space<vmem_shared>>
      tpu.wait_indirect_dma semaphore(%arg13 : memref<!tpu.dma_semaphore, #tpu.memory_space<semaphore_mem>>) src(%dma_wait3A_640 : memref<48x128xf32, #tpu.memory_space<vmem_shared>>) dst(%dma_wait3A_634 : memref<128x128xf32, #tpu.memory_space<vmem>>)
      %add3A_641 = arith.constant 240 : i32
      %add3A_642 = arith.addi %mul3A_2, %add3A_641 : i32
      %mul3A_643 = arith.constant 4 : i32
      %mul3A_644 = arith.muli %scan3A_394, %mul3A_643 : i32
      %add3A_645 = arith.addi %add3A_642, %mul3A_644 : i32
      %add3A_646 = arith.constant 3 : i32
      %add3A_647 = arith.addi %add3A_645, %add3A_646 : i32
      %mul3A_648 = arith.constant 128 : i32
      %mul3A_649 = arith.muli %add3A_647, %mul3A_648 : i32
      %dma_start3A_650 = arith.constant 3 : i32
      %dma_start3A_651 = arith.constant 0 : i32
      %dma_start3A_652 = arith.constant 0 : i32
      %dma_start3A_653 = tpu.memref_slice %arg6[%dma_start3A_650, %dma_start3A_651, %dma_start3A_652] : memref<4x128x128xf32, #tpu.memory_space<vmem>> -> memref<1x128x128xf32, #tpu.memory_space<vmem>>
      %dma_start3A_654 = tpu.memref_squeeze %dma_start3A_653 : memref<1x128x128xf32, #tpu.memory_space<vmem>> -> memref<128x128xf32, #tpu.memory_space<vmem>>
      %dma_start3A_655 = arith.constant 0 : i32
      %dma_start3A_656 = tpu.memref_slice %arg4[%mul3A_649, %dma_start3A_655] : memref<3276800x128xf32, #tpu.memory_space<hbm>> -> memref<128x128xf32, #tpu.memory_space<hbm>>
      %dma_start3A_657 = arith.constant 0 : i32
      %dma_start3A_658 = tpu.memref_slice %arg4[%mul3A_649, %dma_start3A_657] : memref<3276800x128xf32, #tpu.memory_space<hbm>> -> memref<128x128xf32, #tpu.memory_space<hbm>>
      %dma_start3A_659 = arith.constant 0 : i32
      %dma_start3A_660 = arith.constant 0 : i32
      %dma_start3A_661 = tpu.memref_slice %arg6[%dma_start3A_650, %dma_start3A_659, %dma_start3A_660] : memref<4x128x128xf32, #tpu.memory_space<vmem>> -> memref<1x128x128xf32, #tpu.memory_space<vmem>>
      %dma_start3A_662 = tpu.memref_squeeze %dma_start3A_661 : memref<1x128x128xf32, #tpu.memory_space<vmem>> -> memref<128x128xf32, #tpu.memory_space<vmem>>
      tpu.enqueue_dma source(%dma_start3A_662 : memref<128x128xf32, #tpu.memory_space<vmem>>) target(%dma_start3A_658 : memref<128x128xf32, #tpu.memory_space<hbm>>) target_semaphore(%arg17 : memref<!tpu.dma_semaphore, #tpu.memory_space<semaphore_mem>>)
    }
    %scan3A_152 = arith.constant 20 : i32
    %dma_wait3A_153 = arith.constant 0 : i32
    %dma_wait3A_154 = arith.constant 0 : i32
    %dma_wait3A_155 = arith.constant 0 : i32
    %dma_wait3A_156 = tpu.memref_slice %arg5[%dma_wait3A_153, %dma_wait3A_154, %dma_wait3A_155] : memref<2x80x128xi32, #tpu.memory_space<vmem>> -> memref<1x80x128xi32, #tpu.memory_space<vmem>>
    %dma_wait3A_157 = tpu.memref_squeeze %dma_wait3A_156 : memref<1x80x128xi32, #tpu.memory_space<vmem>> -> memref<80x128xi32, #tpu.memory_space<vmem>>
    %dma_wait3A_158 = arith.constant 0 : i32
    %dma_wait3A_159 = tpu.memref_slice %arg2[%mul3A_2, %dma_wait3A_158] : memref<25600x128xi32, #tpu.memory_space<hbm>> -> memref<80x128xi32, #tpu.memory_space<hbm>>
    %dma_wait3A_160 = arith.constant 0 : i32
    %dma_wait3A_161 = arith.constant 0 : i32
    %dma_wait3A_162 = tpu.memref_slice %arg5[%dma_wait3A_153, %dma_wait3A_160, %dma_wait3A_161] : memref<2x80x128xi32, #tpu.memory_space<vmem>> -> memref<1x80x128xi32, #tpu.memory_space<vmem>>
    %dma_wait3A_163 = tpu.memref_squeeze %dma_wait3A_162 : memref<1x80x128xi32, #tpu.memory_space<vmem>> -> memref<80x128xi32, #tpu.memory_space<vmem>>
    %dma_wait3A_164 = arith.constant 0 : i32
    %dma_wait3A_165 = tpu.memref_slice %arg2[%mul3A_2, %dma_wait3A_164] : memref<25600x128xi32, #tpu.memory_space<hbm>> -> memref<80x128xi32, #tpu.memory_space<hbm>>
    tpu.wait_dma2 semaphore(%arg8 : memref<!tpu.dma_semaphore, #tpu.memory_space<semaphore_mem>>) src(%dma_wait3A_165 : memref<80x128xi32, #tpu.memory_space<hbm>>) dst(%dma_wait3A_163 : memref<80x128xi32, #tpu.memory_space<vmem>>)
    %add3A_166 = arith.constant 400 : i32
    %add3A_167 = arith.addi %mul3A_2, %add3A_166 : i32
    %dma_start3A_168 = arith.constant 1 : i32
    %dma_start3A_169 = arith.constant 0 : i32
    %dma_start3A_170 = arith.constant 0 : i32
    %dma_start3A_171 = tpu.memref_slice %arg5[%dma_start3A_168, %dma_start3A_169, %dma_start3A_170] : memref<2x80x128xi32, #tpu.memory_space<vmem>> -> memref<1x80x128xi32, #tpu.memory_space<vmem>>
    %dma_start3A_172 = tpu.memref_squeeze %dma_start3A_171 : memref<1x80x128xi32, #tpu.memory_space<vmem>> -> memref<80x128xi32, #tpu.memory_space<vmem>>
    %dma_start3A_173 = arith.constant 0 : i32
    %dma_start3A_174 = tpu.memref_slice %arg2[%add3A_167, %dma_start3A_173] : memref<25600x128xi32, #tpu.memory_space<hbm>> -> memref<80x128xi32, #tpu.memory_space<hbm>>
    %dma_start3A_175 = arith.constant 0 : i32
    %dma_start3A_176 = arith.constant 0 : i32
    %dma_start3A_177 = tpu.memref_slice %arg5[%dma_start3A_168, %dma_start3A_175, %dma_start3A_176] : memref<2x80x128xi32, #tpu.memory_space<vmem>> -> memref<1x80x128xi32, #tpu.memory_space<vmem>>
    %dma_start3A_178 = tpu.memref_squeeze %dma_start3A_177 : memref<1x80x128xi32, #tpu.memory_space<vmem>> -> memref<80x128xi32, #tpu.memory_space<vmem>>
    %dma_start3A_179 = arith.constant 0 : i32
    %dma_start3A_180 = tpu.memref_slice %arg2[%add3A_167, %dma_start3A_179] : memref<25600x128xi32, #tpu.memory_space<hbm>> -> memref<80x128xi32, #tpu.memory_space<hbm>>
    tpu.enqueue_dma source(%dma_start3A_180 : memref<80x128xi32, #tpu.memory_space<hbm>>) target(%dma_start3A_178 : memref<80x128xi32, #tpu.memory_space<vmem>>) target_semaphore(%arg9 : memref<!tpu.dma_semaphore, #tpu.memory_space<semaphore_mem>>)
    %scan3A_181 = arith.constant 0 : i32
    %scan3A_182 = arith.constant 0 : i32
    %scan3A_183 = arith.constant 20 : i32
    %scan3A_184 = arith.addi %scan3A_182, %scan3A_183 : i32
    %scan3A_185 = arith.constant 1 : i32
    scf.for %scan3A_394 = %scan3A_182 to %scan3A_184 step %scan3A_185  : i32 {
      %dma_wait3A_395 = arith.constant 0 : i32
      %dma_wait3A_396 = arith.constant 0 : i32
      %dma_wait3A_397 = arith.constant 0 : i32
      %dma_wait3A_398 = tpu.memref_slice %arg6[%dma_wait3A_395, %dma_wait3A_396, %dma_wait3A_397] : memref<4x128x128xf32, #tpu.memory_space<vmem>> -> memref<1x128x128xf32, #tpu.memory_space<vmem>>
      %dma_wait3A_399 = tpu.memref_squeeze %dma_wait3A_398 : memref<1x128x128xf32, #tpu.memory_space<vmem>> -> memref<128x128xf32, #tpu.memory_space<vmem>>
      %dma_wait3A_400 = arith.constant 0 : i32
      %dma_wait3A_401 = tpu.memref_slice %arg4[%mul3A_2, %dma_wait3A_400] : memref<3276800x128xf32, #tpu.memory_space<hbm>> -> memref<128x128xf32, #tpu.memory_space<hbm>>
      %dma_wait3A_402 = arith.constant 0 : i32
      %dma_wait3A_403 = tpu.memref_slice %arg4[%mul3A_2, %dma_wait3A_402] : memref<3276800x128xf32, #tpu.memory_space<hbm>> -> memref<128x128xf32, #tpu.memory_space<hbm>>
      %dma_wait3A_404 = arith.constant 0 : i32
      %dma_wait3A_405 = arith.constant 0 : i32
      %dma_wait3A_406 = tpu.memref_slice %arg6[%dma_wait3A_395, %dma_wait3A_404, %dma_wait3A_405] : memref<4x128x128xf32, #tpu.memory_space<vmem>> -> memref<1x128x128xf32, #tpu.memory_space<vmem>>
      %dma_wait3A_407 = tpu.memref_squeeze %dma_wait3A_406 : memref<1x128x128xf32, #tpu.memory_space<vmem>> -> memref<128x128xf32, #tpu.memory_space<vmem>>
      tpu.wait_dma2 semaphore(%arg14 : memref<!tpu.dma_semaphore, #tpu.memory_space<semaphore_mem>>) src(%dma_wait3A_407 : memref<128x128xf32, #tpu.memory_space<vmem>>) dst(%dma_wait3A_403 : memref<128x128xf32, #tpu.memory_space<hbm>>)
      %mul3A_408 = arith.constant 4 : i32
      %mul3A_409 = arith.muli %scan3A_394, %mul3A_408 : i32
      %add3A_410 = arith.constant 0 : i32
      %add3A_411 = arith.addi %mul3A_409, %add3A_410 : i32
      %dma_start3A_412 = arith.constant 0 : i32
      %dma_start3A_413 = arith.constant 0 : i32
      %dma_start3A_414 = arith.constant 0 : i32
      %dma_start3A_415 = arith.constant 0 : i32
      %dma_start3A_416 = tpu.memref_slice %arg6[%dma_start3A_413, %dma_start3A_414, %dma_start3A_415] : memref<4x128x128xf32, #tpu.memory_space<vmem>> -> memref<1x128x128xf32, #tpu.memory_space<vmem>>
      %dma_start3A_417 = tpu.memref_squeeze %dma_start3A_416 : memref<1x128x128xf32, #tpu.memory_space<vmem>> -> memref<128x128xf32, #tpu.memory_space<vmem>>
      %dma_start3A_418 = arith.constant 0 : i32
      %dma_start3A_419 = tpu.memref_slice %arg5[%dma_start3A_412, %add3A_411, %dma_start3A_418] : memref<2x80x128xi32, #tpu.memory_space<vmem>> -> memref<1x1x128xi32, #tpu.memory_space<vmem>>
      %dma_start3A_420 = tpu.memref_squeeze %dma_start3A_419 : memref<1x1x128xi32, #tpu.memory_space<vmem>> -> memref<128xi32, #tpu.memory_space<vmem>>
      %dma_start3A_421 = arith.constant 0 : i32
      %dma_start3A_422 = arith.constant 0 : i32
      %dma_start3A_423 = tpu.memref_slice %arg7[%dma_start3A_421, %dma_start3A_422] : memref<48x128xf32, #tpu.memory_space<vmem_shared>> -> memref<48x128xf32, #tpu.memory_space<vmem_shared>>
      tpu.enqueue_indirect_dma source(%dma_start3A_423 : memref<48x128xf32, #tpu.memory_space<vmem_shared>>) target(%dma_start3A_417 : memref<128x128xf32, #tpu.memory_space<vmem>>) offsets(%dma_start3A_420 : memref<128xi32, #tpu.memory_space<vmem>>) semaphore(%arg10 : memref<!tpu.dma_semaphore, #tpu.memory_space<semaphore_mem>>)
      %dma_wait3A_424 = arith.constant 1 : i32
      %dma_wait3A_425 = arith.constant 0 : i32
      %dma_wait3A_426 = arith.constant 0 : i32
      %dma_wait3A_427 = tpu.memref_slice %arg6[%dma_wait3A_424, %dma_wait3A_425, %dma_wait3A_426] : memref<4x128x128xf32, #tpu.memory_space<vmem>> -> memref<1x128x128xf32, #tpu.memory_space<vmem>>
      %dma_wait3A_428 = tpu.memref_squeeze %dma_wait3A_427 : memref<1x128x128xf32, #tpu.memory_space<vmem>> -> memref<128x128xf32, #tpu.memory_space<vmem>>
      %dma_wait3A_429 = arith.constant 0 : i32
      %dma_wait3A_430 = tpu.memref_slice %arg4[%mul3A_2, %dma_wait3A_429] : memref<3276800x128xf32, #tpu.memory_space<hbm>> -> memref<128x128xf32, #tpu.memory_space<hbm>>
      %dma_wait3A_431 = arith.constant 0 : i32
      %dma_wait3A_432 = tpu.memref_slice %arg4[%mul3A_2, %dma_wait3A_431] : memref<3276800x128xf32, #tpu.memory_space<hbm>> -> memref<128x128xf32, #tpu.memory_space<hbm>>
      %dma_wait3A_433 = arith.constant 0 : i32
      %dma_wait3A_434 = arith.constant 0 : i32
      %dma_wait3A_435 = tpu.memref_slice %arg6[%dma_wait3A_424, %dma_wait3A_433, %dma_wait3A_434] : memref<4x128x128xf32, #tpu.memory_space<vmem>> -> memref<1x128x128xf32, #tpu.memory_space<vmem>>
      %dma_wait3A_436 = tpu.memref_squeeze %dma_wait3A_435 : memref<1x128x128xf32, #tpu.memory_space<vmem>> -> memref<128x128xf32, #tpu.memory_space<vmem>>
      tpu.wait_dma2 semaphore(%arg15 : memref<!tpu.dma_semaphore, #tpu.memory_space<semaphore_mem>>) src(%dma_wait3A_436 : memref<128x128xf32, #tpu.memory_space<vmem>>) dst(%dma_wait3A_432 : memref<128x128xf32, #tpu.memory_space<hbm>>)
      %mul3A_437 = arith.constant 4 : i32
      %mul3A_438 = arith.muli %scan3A_394, %mul3A_437 : i32
      %add3A_439 = arith.constant 1 : i32
      %add3A_440 = arith.addi %mul3A_438, %add3A_439 : i32
      %dma_start3A_441 = arith.constant 0 : i32
      %dma_start3A_442 = arith.constant 1 : i32
      %dma_start3A_443 = arith.constant 0 : i32
      %dma_start3A_444 = arith.constant 0 : i32
      %dma_start3A_445 = tpu.memref_slice %arg6[%dma_start3A_442, %dma_start3A_443, %dma_start3A_444] : memref<4x128x128xf32, #tpu.memory_space<vmem>> -> memref<1x128x128xf32, #tpu.memory_space<vmem>>
      %dma_start3A_446 = tpu.memref_squeeze %dma_start3A_445 : memref<1x128x128xf32, #tpu.memory_space<vmem>> -> memref<128x128xf32, #tpu.memory_space<vmem>>
      %dma_start3A_447 = arith.constant 0 : i32
      %dma_start3A_448 = tpu.memref_slice %arg5[%dma_start3A_441, %add3A_440, %dma_start3A_447] : memref<2x80x128xi32, #tpu.memory_space<vmem>> -> memref<1x1x128xi32, #tpu.memory_space<vmem>>
      %dma_start3A_449 = tpu.memref_squeeze %dma_start3A_448 : memref<1x1x128xi32, #tpu.memory_space<vmem>> -> memref<128xi32, #tpu.memory_space<vmem>>
      %dma_start3A_450 = arith.constant 0 : i32
      %dma_start3A_451 = arith.constant 0 : i32
      %dma_start3A_452 = tpu.memref_slice %arg7[%dma_start3A_450, %dma_start3A_451] : memref<48x128xf32, #tpu.memory_space<vmem_shared>> -> memref<48x128xf32, #tpu.memory_space<vmem_shared>>
      tpu.enqueue_indirect_dma source(%dma_start3A_452 : memref<48x128xf32, #tpu.memory_space<vmem_shared>>) target(%dma_start3A_446 : memref<128x128xf32, #tpu.memory_space<vmem>>) offsets(%dma_start3A_449 : memref<128xi32, #tpu.memory_space<vmem>>) semaphore(%arg11 : memref<!tpu.dma_semaphore, #tpu.memory_space<semaphore_mem>>)
      %dma_wait3A_453 = arith.constant 2 : i32
      %dma_wait3A_454 = arith.constant 0 : i32
      %dma_wait3A_455 = arith.constant 0 : i32
      %dma_wait3A_456 = tpu.memref_slice %arg6[%dma_wait3A_453, %dma_wait3A_454, %dma_wait3A_455] : memref<4x128x128xf32, #tpu.memory_space<vmem>> -> memref<1x128x128xf32, #tpu.memory_space<vmem>>
      %dma_wait3A_457 = tpu.memref_squeeze %dma_wait3A_456 : memref<1x128x128xf32, #tpu.memory_space<vmem>> -> memref<128x128xf32, #tpu.memory_space<vmem>>
      %dma_wait3A_458 = arith.constant 0 : i32
      %dma_wait3A_459 = tpu.memref_slice %arg4[%mul3A_2, %dma_wait3A_458] : memref<3276800x128xf32, #tpu.memory_space<hbm>> -> memref<128x128xf32, #tpu.memory_space<hbm>>
      %dma_wait3A_460 = arith.constant 0 : i32
      %dma_wait3A_461 = tpu.memref_slice %arg4[%mul3A_2, %dma_wait3A_460] : memref<3276800x128xf32, #tpu.memory_space<hbm>> -> memref<128x128xf32, #tpu.memory_space<hbm>>
      %dma_wait3A_462 = arith.constant 0 : i32
      %dma_wait3A_463 = arith.constant 0 : i32
      %dma_wait3A_464 = tpu.memref_slice %arg6[%dma_wait3A_453, %dma_wait3A_462, %dma_wait3A_463] : memref<4x128x128xf32, #tpu.memory_space<vmem>> -> memref<1x128x128xf32, #tpu.memory_space<vmem>>
      %dma_wait3A_465 = tpu.memref_squeeze %dma_wait3A_464 : memref<1x128x128xf32, #tpu.memory_space<vmem>> -> memref<128x128xf32, #tpu.memory_space<vmem>>
      tpu.wait_dma2 semaphore(%arg16 : memref<!tpu.dma_semaphore, #tpu.memory_space<semaphore_mem>>) src(%dma_wait3A_465 : memref<128x128xf32, #tpu.memory_space<vmem>>) dst(%dma_wait3A_461 : memref<128x128xf32, #tpu.memory_space<hbm>>)
      %mul3A_466 = arith.constant 4 : i32
      %mul3A_467 = arith.muli %scan3A_394, %mul3A_466 : i32
      %add3A_468 = arith.constant 2 : i32
      %add3A_469 = arith.addi %mul3A_467, %add3A_468 : i32
      %dma_start3A_470 = arith.constant 0 : i32
      %dma_start3A_471 = arith.constant 2 : i32
      %dma_start3A_472 = arith.constant 0 : i32
      %dma_start3A_473 = arith.constant 0 : i32
      %dma_start3A_474 = tpu.memref_slice %arg6[%dma_start3A_471, %dma_start3A_472, %dma_start3A_473] : memref<4x128x128xf32, #tpu.memory_space<vmem>> -> memref<1x128x128xf32, #tpu.memory_space<vmem>>
      %dma_start3A_475 = tpu.memref_squeeze %dma_start3A_474 : memref<1x128x128xf32, #tpu.memory_space<vmem>> -> memref<128x128xf32, #tpu.memory_space<vmem>>
      %dma_start3A_476 = arith.constant 0 : i32
      %dma_start3A_477 = tpu.memref_slice %arg5[%dma_start3A_470, %add3A_469, %dma_start3A_476] : memref<2x80x128xi32, #tpu.memory_space<vmem>> -> memref<1x1x128xi32, #tpu.memory_space<vmem>>
      %dma_start3A_478 = tpu.memref_squeeze %dma_start3A_477 : memref<1x1x128xi32, #tpu.memory_space<vmem>> -> memref<128xi32, #tpu.memory_space<vmem>>
      %dma_start3A_479 = arith.constant 0 : i32
      %dma_start3A_480 = arith.constant 0 : i32
      %dma_start3A_481 = tpu.memref_slice %arg7[%dma_start3A_479, %dma_start3A_480] : memref<48x128xf32, #tpu.memory_space<vmem_shared>> -> memref<48x128xf32, #tpu.memory_space<vmem_shared>>
      tpu.enqueue_indirect_dma source(%dma_start3A_481 : memref<48x128xf32, #tpu.memory_space<vmem_shared>>) target(%dma_start3A_475 : memref<128x128xf32, #tpu.memory_space<vmem>>) offsets(%dma_start3A_478 : memref<128xi32, #tpu.memory_space<vmem>>) semaphore(%arg12 : memref<!tpu.dma_semaphore, #tpu.memory_space<semaphore_mem>>)
      %dma_wait3A_482 = arith.constant 3 : i32
      %dma_wait3A_483 = arith.constant 0 : i32
      %dma_wait3A_484 = arith.constant 0 : i32
      %dma_wait3A_485 = tpu.memref_slice %arg6[%dma_wait3A_482, %dma_wait3A_483, %dma_wait3A_484] : memref<4x128x128xf32, #tpu.memory_space<vmem>> -> memref<1x128x128xf32, #tpu.memory_space<vmem>>
      %dma_wait3A_486 = tpu.memref_squeeze %dma_wait3A_485 : memref<1x128x128xf32, #tpu.memory_space<vmem>> -> memref<128x128xf32, #tpu.memory_space<vmem>>
      %dma_wait3A_487 = arith.constant 0 : i32
      %dma_wait3A_488 = tpu.memref_slice %arg4[%mul3A_2, %dma_wait3A_487] : memref<3276800x128xf32, #tpu.memory_space<hbm>> -> memref<128x128xf32, #tpu.memory_space<hbm>>
      %dma_wait3A_489 = arith.constant 0 : i32
      %dma_wait3A_490 = tpu.memref_slice %arg4[%mul3A_2, %dma_wait3A_489] : memref<3276800x128xf32, #tpu.memory_space<hbm>> -> memref<128x128xf32, #tpu.memory_space<hbm>>
      %dma_wait3A_491 = arith.constant 0 : i32
      %dma_wait3A_492 = arith.constant 0 : i32
      %dma_wait3A_493 = tpu.memref_slice %arg6[%dma_wait3A_482, %dma_wait3A_491, %dma_wait3A_492] : memref<4x128x128xf32, #tpu.memory_space<vmem>> -> memref<1x128x128xf32, #tpu.memory_space<vmem>>
      %dma_wait3A_494 = tpu.memref_squeeze %dma_wait3A_493 : memref<1x128x128xf32, #tpu.memory_space<vmem>> -> memref<128x128xf32, #tpu.memory_space<vmem>>
      tpu.wait_dma2 semaphore(%arg17 : memref<!tpu.dma_semaphore, #tpu.memory_space<semaphore_mem>>) src(%dma_wait3A_494 : memref<128x128xf32, #tpu.memory_space<vmem>>) dst(%dma_wait3A_490 : memref<128x128xf32, #tpu.memory_space<hbm>>)
      %mul3A_495 = arith.constant 4 : i32
      %mul3A_496 = arith.muli %scan3A_394, %mul3A_495 : i32
      %add3A_497 = arith.constant 3 : i32
      %add3A_498 = arith.addi %mul3A_496, %add3A_497 : i32
      %dma_start3A_499 = arith.constant 0 : i32
      %dma_start3A_500 = arith.constant 3 : i32
      %dma_start3A_501 = arith.constant 0 : i32
      %dma_start3A_502 = arith.constant 0 : i32
      %dma_start3A_503 = tpu.memref_slice %arg6[%dma_start3A_500, %dma_start3A_501, %dma_start3A_502] : memref<4x128x128xf32, #tpu.memory_space<vmem>> -> memref<1x128x128xf32, #tpu.memory_space<vmem>>
      %dma_start3A_504 = tpu.memref_squeeze %dma_start3A_503 : memref<1x128x128xf32, #tpu.memory_space<vmem>> -> memref<128x128xf32, #tpu.memory_space<vmem>>
      %dma_start3A_505 = arith.constant 0 : i32
      %dma_start3A_506 = tpu.memref_slice %arg5[%dma_start3A_499, %add3A_498, %dma_start3A_505] : memref<2x80x128xi32, #tpu.memory_space<vmem>> -> memref<1x1x128xi32, #tpu.memory_space<vmem>>
      %dma_start3A_507 = tpu.memref_squeeze %dma_start3A_506 : memref<1x1x128xi32, #tpu.memory_space<vmem>> -> memref<128xi32, #tpu.memory_space<vmem>>
      %dma_start3A_508 = arith.constant 0 : i32
      %dma_start3A_509 = arith.constant 0 : i32
      %dma_start3A_510 = tpu.memref_slice %arg7[%dma_start3A_508, %dma_start3A_509] : memref<48x128xf32, #tpu.memory_space<vmem_shared>> -> memref<48x128xf32, #tpu.memory_space<vmem_shared>>
      tpu.enqueue_indirect_dma source(%dma_start3A_510 : memref<48x128xf32, #tpu.memory_space<vmem_shared>>) target(%dma_start3A_504 : memref<128x128xf32, #tpu.memory_space<vmem>>) offsets(%dma_start3A_507 : memref<128xi32, #tpu.memory_space<vmem>>) semaphore(%arg13 : memref<!tpu.dma_semaphore, #tpu.memory_space<semaphore_mem>>)
      %mul3A_511 = arith.constant 4 : i32
      %mul3A_512 = arith.muli %scan3A_394, %mul3A_511 : i32
      %add3A_513 = arith.constant 0 : i32
      %add3A_514 = arith.addi %mul3A_512, %add3A_513 : i32
      %dma_wait3A_515 = arith.constant 0 : i32
      %dma_wait3A_516 = arith.constant 0 : i32
      %dma_wait3A_517 = arith.constant 0 : i32
      %dma_wait3A_518 = arith.constant 0 : i32
      %dma_wait3A_519 = tpu.memref_slice %arg6[%dma_wait3A_516, %dma_wait3A_517, %dma_wait3A_518] : memref<4x128x128xf32, #tpu.memory_space<vmem>> -> memref<1x128x128xf32, #tpu.memory_space<vmem>>
      %dma_wait3A_520 = tpu.memref_squeeze %dma_wait3A_519 : memref<1x128x128xf32, #tpu.memory_space<vmem>> -> memref<128x128xf32, #tpu.memory_space<vmem>>
      %dma_wait3A_521 = arith.constant 0 : i32
      %dma_wait3A_522 = tpu.memref_slice %arg5[%dma_wait3A_515, %add3A_514, %dma_wait3A_521] : memref<2x80x128xi32, #tpu.memory_space<vmem>> -> memref<1x1x128xi32, #tpu.memory_space<vmem>>
      %dma_wait3A_523 = tpu.memref_squeeze %dma_wait3A_522 : memref<1x1x128xi32, #tpu.memory_space<vmem>> -> memref<128xi32, #tpu.memory_space<vmem>>
      %dma_wait3A_524 = arith.constant 0 : i32
      %dma_wait3A_525 = arith.constant 0 : i32
      %dma_wait3A_526 = tpu.memref_slice %arg7[%dma_wait3A_524, %dma_wait3A_525] : memref<48x128xf32, #tpu.memory_space<vmem_shared>> -> memref<48x128xf32, #tpu.memory_space<vmem_shared>>
      tpu.wait_indirect_dma semaphore(%arg10 : memref<!tpu.dma_semaphore, #tpu.memory_space<semaphore_mem>>) src(%dma_wait3A_526 : memref<48x128xf32, #tpu.memory_space<vmem_shared>>) dst(%dma_wait3A_520 : memref<128x128xf32, #tpu.memory_space<vmem>>)
      %add3A_527 = arith.constant 320 : i32
      %add3A_528 = arith.addi %mul3A_2, %add3A_527 : i32
      %mul3A_529 = arith.constant 4 : i32
      %mul3A_530 = arith.muli %scan3A_394, %mul3A_529 : i32
      %add3A_531 = arith.addi %add3A_528, %mul3A_530 : i32
      %add3A_532 = arith.constant 0 : i32
      %add3A_533 = arith.addi %add3A_531, %add3A_532 : i32
      %mul3A_534 = arith.constant 128 : i32
      %mul3A_535 = arith.muli %add3A_533, %mul3A_534 : i32
      %dma_start3A_536 = arith.constant 0 : i32
      %dma_start3A_537 = arith.constant 0 : i32
      %dma_start3A_538 = arith.constant 0 : i32
      %dma_start3A_539 = tpu.memref_slice %arg6[%dma_start3A_536, %dma_start3A_537, %dma_start3A_538] : memref<4x128x128xf32, #tpu.memory_space<vmem>> -> memref<1x128x128xf32, #tpu.memory_space<vmem>>
      %dma_start3A_540 = tpu.memref_squeeze %dma_start3A_539 : memref<1x128x128xf32, #tpu.memory_space<vmem>> -> memref<128x128xf32, #tpu.memory_space<vmem>>
      %dma_start3A_541 = arith.constant 0 : i32
      %dma_start3A_542 = tpu.memref_slice %arg4[%mul3A_535, %dma_start3A_541] : memref<3276800x128xf32, #tpu.memory_space<hbm>> -> memref<128x128xf32, #tpu.memory_space<hbm>>
      %dma_start3A_543 = arith.constant 0 : i32
      %dma_start3A_544 = tpu.memref_slice %arg4[%mul3A_535, %dma_start3A_543] : memref<3276800x128xf32, #tpu.memory_space<hbm>> -> memref<128x128xf32, #tpu.memory_space<hbm>>
      %dma_start3A_545 = arith.constant 0 : i32
      %dma_start3A_546 = arith.constant 0 : i32
      %dma_start3A_547 = tpu.memref_slice %arg6[%dma_start3A_536, %dma_start3A_545, %dma_start3A_546] : memref<4x128x128xf32, #tpu.memory_space<vmem>> -> memref<1x128x128xf32, #tpu.memory_space<vmem>>
      %dma_start3A_548 = tpu.memref_squeeze %dma_start3A_547 : memref<1x128x128xf32, #tpu.memory_space<vmem>> -> memref<128x128xf32, #tpu.memory_space<vmem>>
      tpu.enqueue_dma source(%dma_start3A_548 : memref<128x128xf32, #tpu.memory_space<vmem>>) target(%dma_start3A_544 : memref<128x128xf32, #tpu.memory_space<hbm>>) target_semaphore(%arg14 : memref<!tpu.dma_semaphore, #tpu.memory_space<semaphore_mem>>)
      %mul3A_549 = arith.constant 4 : i32
      %mul3A_550 = arith.muli %scan3A_394, %mul3A_549 : i32
      %add3A_551 = arith.constant 1 : i32
      %add3A_552 = arith.addi %mul3A_550, %add3A_551 : i32
      %dma_wait3A_553 = arith.constant 0 : i32
      %dma_wait3A_554 = arith.constant 1 : i32
      %dma_wait3A_555 = arith.constant 0 : i32
      %dma_wait3A_556 = arith.constant 0 : i32
      %dma_wait3A_557 = tpu.memref_slice %arg6[%dma_wait3A_554, %dma_wait3A_555, %dma_wait3A_556] : memref<4x128x128xf32, #tpu.memory_space<vmem>> -> memref<1x128x128xf32, #tpu.memory_space<vmem>>
      %dma_wait3A_558 = tpu.memref_squeeze %dma_wait3A_557 : memref<1x128x128xf32, #tpu.memory_space<vmem>> -> memref<128x128xf32, #tpu.memory_space<vmem>>
      %dma_wait3A_559 = arith.constant 0 : i32
      %dma_wait3A_560 = tpu.memref_slice %arg5[%dma_wait3A_553, %add3A_552, %dma_wait3A_559] : memref<2x80x128xi32, #tpu.memory_space<vmem>> -> memref<1x1x128xi32, #tpu.memory_space<vmem>>
      %dma_wait3A_561 = tpu.memref_squeeze %dma_wait3A_560 : memref<1x1x128xi32, #tpu.memory_space<vmem>> -> memref<128xi32, #tpu.memory_space<vmem>>
      %dma_wait3A_562 = arith.constant 0 : i32
      %dma_wait3A_563 = arith.constant 0 : i32
      %dma_wait3A_564 = tpu.memref_slice %arg7[%dma_wait3A_562, %dma_wait3A_563] : memref<48x128xf32, #tpu.memory_space<vmem_shared>> -> memref<48x128xf32, #tpu.memory_space<vmem_shared>>
      tpu.wait_indirect_dma semaphore(%arg11 : memref<!tpu.dma_semaphore, #tpu.memory_space<semaphore_mem>>) src(%dma_wait3A_564 : memref<48x128xf32, #tpu.memory_space<vmem_shared>>) dst(%dma_wait3A_558 : memref<128x128xf32, #tpu.memory_space<vmem>>)
      %add3A_565 = arith.constant 320 : i32
      %add3A_566 = arith.addi %mul3A_2, %add3A_565 : i32
      %mul3A_567 = arith.constant 4 : i32
      %mul3A_568 = arith.muli %scan3A_394, %mul3A_567 : i32
      %add3A_569 = arith.addi %add3A_566, %mul3A_568 : i32
      %add3A_570 = arith.constant 1 : i32
      %add3A_571 = arith.addi %add3A_569, %add3A_570 : i32
      %mul3A_572 = arith.constant 128 : i32
      %mul3A_573 = arith.muli %add3A_571, %mul3A_572 : i32
      %dma_start3A_574 = arith.constant 1 : i32
      %dma_start3A_575 = arith.constant 0 : i32
      %dma_start3A_576 = arith.constant 0 : i32
      %dma_start3A_577 = tpu.memref_slice %arg6[%dma_start3A_574, %dma_start3A_575, %dma_start3A_576] : memref<4x128x128xf32, #tpu.memory_space<vmem>> -> memref<1x128x128xf32, #tpu.memory_space<vmem>>
      %dma_start3A_578 = tpu.memref_squeeze %dma_start3A_577 : memref<1x128x128xf32, #tpu.memory_space<vmem>> -> memref<128x128xf32, #tpu.memory_space<vmem>>
      %dma_start3A_579 = arith.constant 0 : i32
      %dma_start3A_580 = tpu.memref_slice %arg4[%mul3A_573, %dma_start3A_579] : memref<3276800x128xf32, #tpu.memory_space<hbm>> -> memref<128x128xf32, #tpu.memory_space<hbm>>
      %dma_start3A_581 = arith.constant 0 : i32
      %dma_start3A_582 = tpu.memref_slice %arg4[%mul3A_573, %dma_start3A_581] : memref<3276800x128xf32, #tpu.memory_space<hbm>> -> memref<128x128xf32, #tpu.memory_space<hbm>>
      %dma_start3A_583 = arith.constant 0 : i32
      %dma_start3A_584 = arith.constant 0 : i32
      %dma_start3A_585 = tpu.memref_slice %arg6[%dma_start3A_574, %dma_start3A_583, %dma_start3A_584] : memref<4x128x128xf32, #tpu.memory_space<vmem>> -> memref<1x128x128xf32, #tpu.memory_space<vmem>>
      %dma_start3A_586 = tpu.memref_squeeze %dma_start3A_585 : memref<1x128x128xf32, #tpu.memory_space<vmem>> -> memref<128x128xf32, #tpu.memory_space<vmem>>
      tpu.enqueue_dma source(%dma_start3A_586 : memref<128x128xf32, #tpu.memory_space<vmem>>) target(%dma_start3A_582 : memref<128x128xf32, #tpu.memory_space<hbm>>) target_semaphore(%arg15 : memref<!tpu.dma_semaphore, #tpu.memory_space<semaphore_mem>>)
      %mul3A_587 = arith.constant 4 : i32
      %mul3A_588 = arith.muli %scan3A_394, %mul3A_587 : i32
      %add3A_589 = arith.constant 2 : i32
      %add3A_590 = arith.addi %mul3A_588, %add3A_589 : i32
      %dma_wait3A_591 = arith.constant 0 : i32
      %dma_wait3A_592 = arith.constant 2 : i32
      %dma_wait3A_593 = arith.constant 0 : i32
      %dma_wait3A_594 = arith.constant 0 : i32
      %dma_wait3A_595 = tpu.memref_slice %arg6[%dma_wait3A_592, %dma_wait3A_593, %dma_wait3A_594] : memref<4x128x128xf32, #tpu.memory_space<vmem>> -> memref<1x128x128xf32, #tpu.memory_space<vmem>>
      %dma_wait3A_596 = tpu.memref_squeeze %dma_wait3A_595 : memref<1x128x128xf32, #tpu.memory_space<vmem>> -> memref<128x128xf32, #tpu.memory_space<vmem>>
      %dma_wait3A_597 = arith.constant 0 : i32
      %dma_wait3A_598 = tpu.memref_slice %arg5[%dma_wait3A_591, %add3A_590, %dma_wait3A_597] : memref<2x80x128xi32, #tpu.memory_space<vmem>> -> memref<1x1x128xi32, #tpu.memory_space<vmem>>
      %dma_wait3A_599 = tpu.memref_squeeze %dma_wait3A_598 : memref<1x1x128xi32, #tpu.memory_space<vmem>> -> memref<128xi32, #tpu.memory_space<vmem>>
      %dma_wait3A_600 = arith.constant 0 : i32
      %dma_wait3A_601 = arith.constant 0 : i32
      %dma_wait3A_602 = tpu.memref_slice %arg7[%dma_wait3A_600, %dma_wait3A_601] : memref<48x128xf32, #tpu.memory_space<vmem_shared>> -> memref<48x128xf32, #tpu.memory_space<vmem_shared>>
      tpu.wait_indirect_dma semaphore(%arg12 : memref<!tpu.dma_semaphore, #tpu.memory_space<semaphore_mem>>) src(%dma_wait3A_602 : memref<48x128xf32, #tpu.memory_space<vmem_shared>>) dst(%dma_wait3A_596 : memref<128x128xf32, #tpu.memory_space<vmem>>)
      %add3A_603 = arith.constant 320 : i32
      %add3A_604 = arith.addi %mul3A_2, %add3A_603 : i32
      %mul3A_605 = arith.constant 4 : i32
      %mul3A_606 = arith.muli %scan3A_394, %mul3A_605 : i32
      %add3A_607 = arith.addi %add3A_604, %mul3A_606 : i32
      %add3A_608 = arith.constant 2 : i32
      %add3A_609 = arith.addi %add3A_607, %add3A_608 : i32
      %mul3A_610 = arith.constant 128 : i32
      %mul3A_611 = arith.muli %add3A_609, %mul3A_610 : i32
      %dma_start3A_612 = arith.constant 2 : i32
      %dma_start3A_613 = arith.constant 0 : i32
      %dma_start3A_614 = arith.constant 0 : i32
      %dma_start3A_615 = tpu.memref_slice %arg6[%dma_start3A_612, %dma_start3A_613, %dma_start3A_614] : memref<4x128x128xf32, #tpu.memory_space<vmem>> -> memref<1x128x128xf32, #tpu.memory_space<vmem>>
      %dma_start3A_616 = tpu.memref_squeeze %dma_start3A_615 : memref<1x128x128xf32, #tpu.memory_space<vmem>> -> memref<128x128xf32, #tpu.memory_space<vmem>>
      %dma_start3A_617 = arith.constant 0 : i32
      %dma_start3A_618 = tpu.memref_slice %arg4[%mul3A_611, %dma_start3A_617] : memref<3276800x128xf32, #tpu.memory_space<hbm>> -> memref<128x128xf32, #tpu.memory_space<hbm>>
      %dma_start3A_619 = arith.constant 0 : i32
      %dma_start3A_620 = tpu.memref_slice %arg4[%mul3A_611, %dma_start3A_619] : memref<3276800x128xf32, #tpu.memory_space<hbm>> -> memref<128x128xf32, #tpu.memory_space<hbm>>
      %dma_start3A_621 = arith.constant 0 : i32
      %dma_start3A_622 = arith.constant 0 : i32
      %dma_start3A_623 = tpu.memref_slice %arg6[%dma_start3A_612, %dma_start3A_621, %dma_start3A_622] : memref<4x128x128xf32, #tpu.memory_space<vmem>> -> memref<1x128x128xf32, #tpu.memory_space<vmem>>
      %dma_start3A_624 = tpu.memref_squeeze %dma_start3A_623 : memref<1x128x128xf32, #tpu.memory_space<vmem>> -> memref<128x128xf32, #tpu.memory_space<vmem>>
      tpu.enqueue_dma source(%dma_start3A_624 : memref<128x128xf32, #tpu.memory_space<vmem>>) target(%dma_start3A_620 : memref<128x128xf32, #tpu.memory_space<hbm>>) target_semaphore(%arg16 : memref<!tpu.dma_semaphore, #tpu.memory_space<semaphore_mem>>)
      %mul3A_625 = arith.constant 4 : i32
      %mul3A_626 = arith.muli %scan3A_394, %mul3A_625 : i32
      %add3A_627 = arith.constant 3 : i32
      %add3A_628 = arith.addi %mul3A_626, %add3A_627 : i32
      %dma_wait3A_629 = arith.constant 0 : i32
      %dma_wait3A_630 = arith.constant 3 : i32
      %dma_wait3A_631 = arith.constant 0 : i32
      %dma_wait3A_632 = arith.constant 0 : i32
      %dma_wait3A_633 = tpu.memref_slice %arg6[%dma_wait3A_630, %dma_wait3A_631, %dma_wait3A_632] : memref<4x128x128xf32, #tpu.memory_space<vmem>> -> memref<1x128x128xf32, #tpu.memory_space<vmem>>
      %dma_wait3A_634 = tpu.memref_squeeze %dma_wait3A_633 : memref<1x128x128xf32, #tpu.memory_space<vmem>> -> memref<128x128xf32, #tpu.memory_space<vmem>>
      %dma_wait3A_635 = arith.constant 0 : i32
      %dma_wait3A_636 = tpu.memref_slice %arg5[%dma_wait3A_629, %add3A_628, %dma_wait3A_635] : memref<2x80x128xi32, #tpu.memory_space<vmem>> -> memref<1x1x128xi32, #tpu.memory_space<vmem>>
      %dma_wait3A_637 = tpu.memref_squeeze %dma_wait3A_636 : memref<1x1x128xi32, #tpu.memory_space<vmem>> -> memref<128xi32, #tpu.memory_space<vmem>>
      %dma_wait3A_638 = arith.constant 0 : i32
      %dma_wait3A_639 = arith.constant 0 : i32
      %dma_wait3A_640 = tpu.memref_slice %arg7[%dma_wait3A_638, %dma_wait3A_639] : memref<48x128xf32, #tpu.memory_space<vmem_shared>> -> memref<48x128xf32, #tpu.memory_space<vmem_shared>>
      tpu.wait_indirect_dma semaphore(%arg13 : memref<!tpu.dma_semaphore, #tpu.memory_space<semaphore_mem>>) src(%dma_wait3A_640 : memref<48x128xf32, #tpu.memory_space<vmem_shared>>) dst(%dma_wait3A_634 : memref<128x128xf32, #tpu.memory_space<vmem>>)
      %add3A_641 = arith.constant 320 : i32
      %add3A_642 = arith.addi %mul3A_2, %add3A_641 : i32
      %mul3A_643 = arith.constant 4 : i32
      %mul3A_644 = arith.muli %scan3A_394, %mul3A_643 : i32
      %add3A_645 = arith.addi %add3A_642, %mul3A_644 : i32
      %add3A_646 = arith.constant 3 : i32
      %add3A_647 = arith.addi %add3A_645, %add3A_646 : i32
      %mul3A_648 = arith.constant 128 : i32
      %mul3A_649 = arith.muli %add3A_647, %mul3A_648 : i32
      %dma_start3A_650 = arith.constant 3 : i32
      %dma_start3A_651 = arith.constant 0 : i32
      %dma_start3A_652 = arith.constant 0 : i32
      %dma_start3A_653 = tpu.memref_slice %arg6[%dma_start3A_650, %dma_start3A_651, %dma_start3A_652] : memref<4x128x128xf32, #tpu.memory_space<vmem>> -> memref<1x128x128xf32, #tpu.memory_space<vmem>>
      %dma_start3A_654 = tpu.memref_squeeze %dma_start3A_653 : memref<1x128x128xf32, #tpu.memory_space<vmem>> -> memref<128x128xf32, #tpu.memory_space<vmem>>
      %dma_start3A_655 = arith.constant 0 : i32
      %dma_start3A_656 = tpu.memref_slice %arg4[%mul3A_649, %dma_start3A_655] : memref<3276800x128xf32, #tpu.memory_space<hbm>> -> memref<128x128xf32, #tpu.memory_space<hbm>>
      %dma_start3A_657 = arith.constant 0 : i32
      %dma_start3A_658 = tpu.memref_slice %arg4[%mul3A_649, %dma_start3A_657] : memref<3276800x128xf32, #tpu.memory_space<hbm>> -> memref<128x128xf32, #tpu.memory_space<hbm>>
      %dma_start3A_659 = arith.constant 0 : i32
      %dma_start3A_660 = arith.constant 0 : i32
      %dma_start3A_661 = tpu.memref_slice %arg6[%dma_start3A_650, %dma_start3A_659, %dma_start3A_660] : memref<4x128x128xf32, #tpu.memory_space<vmem>> -> memref<1x128x128xf32, #tpu.memory_space<vmem>>
      %dma_start3A_662 = tpu.memref_squeeze %dma_start3A_661 : memref<1x128x128xf32, #tpu.memory_space<vmem>> -> memref<128x128xf32, #tpu.memory_space<vmem>>
      tpu.enqueue_dma source(%dma_start3A_662 : memref<128x128xf32, #tpu.memory_space<vmem>>) target(%dma_start3A_658 : memref<128x128xf32, #tpu.memory_space<hbm>>) target_semaphore(%arg17 : memref<!tpu.dma_semaphore, #tpu.memory_space<semaphore_mem>>)
    }
    %scan3A_186 = arith.constant 20 : i32
    %dma_wait3A_187 = arith.constant 1 : i32
    %dma_wait3A_188 = arith.constant 0 : i32
    %dma_wait3A_189 = arith.constant 0 : i32
    %dma_wait3A_190 = tpu.memref_slice %arg5[%dma_wait3A_187, %dma_wait3A_188, %dma_wait3A_189] : memref<2x80x128xi32, #tpu.memory_space<vmem>> -> memref<1x80x128xi32, #tpu.memory_space<vmem>>
    %dma_wait3A_191 = tpu.memref_squeeze %dma_wait3A_190 : memref<1x80x128xi32, #tpu.memory_space<vmem>> -> memref<80x128xi32, #tpu.memory_space<vmem>>
    %dma_wait3A_192 = arith.constant 0 : i32
    %dma_wait3A_193 = tpu.memref_slice %arg2[%mul3A_2, %dma_wait3A_192] : memref<25600x128xi32, #tpu.memory_space<hbm>> -> memref<80x128xi32, #tpu.memory_space<hbm>>
    %dma_wait3A_194 = arith.constant 0 : i32
    %dma_wait3A_195 = arith.constant 0 : i32
    %dma_wait3A_196 = tpu.memref_slice %arg5[%dma_wait3A_187, %dma_wait3A_194, %dma_wait3A_195] : memref<2x80x128xi32, #tpu.memory_space<vmem>> -> memref<1x80x128xi32, #tpu.memory_space<vmem>>
    %dma_wait3A_197 = tpu.memref_squeeze %dma_wait3A_196 : memref<1x80x128xi32, #tpu.memory_space<vmem>> -> memref<80x128xi32, #tpu.memory_space<vmem>>
    %dma_wait3A_198 = arith.constant 0 : i32
    %dma_wait3A_199 = tpu.memref_slice %arg2[%mul3A_2, %dma_wait3A_198] : memref<25600x128xi32, #tpu.memory_space<hbm>> -> memref<80x128xi32, #tpu.memory_space<hbm>>
    tpu.wait_dma2 semaphore(%arg9 : memref<!tpu.dma_semaphore, #tpu.memory_space<semaphore_mem>>) src(%dma_wait3A_199 : memref<80x128xi32, #tpu.memory_space<hbm>>) dst(%dma_wait3A_197 : memref<80x128xi32, #tpu.memory_space<vmem>>)
    %add3A_200 = arith.constant 480 : i32
    %add3A_201 = arith.addi %mul3A_2, %add3A_200 : i32
    %dma_start3A_202 = arith.constant 0 : i32
    %dma_start3A_203 = arith.constant 0 : i32
    %dma_start3A_204 = arith.constant 0 : i32
    %dma_start3A_205 = tpu.memref_slice %arg5[%dma_start3A_202, %dma_start3A_203, %dma_start3A_204] : memref<2x80x128xi32, #tpu.memory_space<vmem>> -> memref<1x80x128xi32, #tpu.memory_space<vmem>>
    %dma_start3A_206 = tpu.memref_squeeze %dma_start3A_205 : memref<1x80x128xi32, #tpu.memory_space<vmem>> -> memref<80x128xi32, #tpu.memory_space<vmem>>
    %dma_start3A_207 = arith.constant 0 : i32
    %dma_start3A_208 = tpu.memref_slice %arg2[%add3A_201, %dma_start3A_207] : memref<25600x128xi32, #tpu.memory_space<hbm>> -> memref<80x128xi32, #tpu.memory_space<hbm>>
    %dma_start3A_209 = arith.constant 0 : i32
    %dma_start3A_210 = arith.constant 0 : i32
    %dma_start3A_211 = tpu.memref_slice %arg5[%dma_start3A_202, %dma_start3A_209, %dma_start3A_210] : memref<2x80x128xi32, #tpu.memory_space<vmem>> -> memref<1x80x128xi32, #tpu.memory_space<vmem>>
    %dma_start3A_212 = tpu.memref_squeeze %dma_start3A_211 : memref<1x80x128xi32, #tpu.memory_space<vmem>> -> memref<80x128xi32, #tpu.memory_space<vmem>>
    %dma_start3A_213 = arith.constant 0 : i32
    %dma_start3A_214 = tpu.memref_slice %arg2[%add3A_201, %dma_start3A_213] : memref<25600x128xi32, #tpu.memory_space<hbm>> -> memref<80x128xi32, #tpu.memory_space<hbm>>
    tpu.enqueue_dma source(%dma_start3A_214 : memref<80x128xi32, #tpu.memory_space<hbm>>) target(%dma_start3A_212 : memref<80x128xi32, #tpu.memory_space<vmem>>) target_semaphore(%arg8 : memref<!tpu.dma_semaphore, #tpu.memory_space<semaphore_mem>>)
    %scan3A_215 = arith.constant 0 : i32
    %scan3A_216 = arith.constant 0 : i32
    %scan3A_217 = arith.constant 20 : i32
    %scan3A_218 = arith.addi %scan3A_216, %scan3A_217 : i32
    %scan3A_219 = arith.constant 1 : i32
    scf.for %scan3A_394 = %scan3A_216 to %scan3A_218 step %scan3A_219  : i32 {
      %dma_wait3A_395 = arith.constant 0 : i32
      %dma_wait3A_396 = arith.constant 0 : i32
      %dma_wait3A_397 = arith.constant 0 : i32
      %dma_wait3A_398 = tpu.memref_slice %arg6[%dma_wait3A_395, %dma_wait3A_396, %dma_wait3A_397] : memref<4x128x128xf32, #tpu.memory_space<vmem>> -> memref<1x128x128xf32, #tpu.memory_space<vmem>>
      %dma_wait3A_399 = tpu.memref_squeeze %dma_wait3A_398 : memref<1x128x128xf32, #tpu.memory_space<vmem>> -> memref<128x128xf32, #tpu.memory_space<vmem>>
      %dma_wait3A_400 = arith.constant 0 : i32
      %dma_wait3A_401 = tpu.memref_slice %arg4[%mul3A_2, %dma_wait3A_400] : memref<3276800x128xf32, #tpu.memory_space<hbm>> -> memref<128x128xf32, #tpu.memory_space<hbm>>
      %dma_wait3A_402 = arith.constant 0 : i32
      %dma_wait3A_403 = tpu.memref_slice %arg4[%mul3A_2, %dma_wait3A_402] : memref<3276800x128xf32, #tpu.memory_space<hbm>> -> memref<128x128xf32, #tpu.memory_space<hbm>>
      %dma_wait3A_404 = arith.constant 0 : i32
      %dma_wait3A_405 = arith.constant 0 : i32
      %dma_wait3A_406 = tpu.memref_slice %arg6[%dma_wait3A_395, %dma_wait3A_404, %dma_wait3A_405] : memref<4x128x128xf32, #tpu.memory_space<vmem>> -> memref<1x128x128xf32, #tpu.memory_space<vmem>>
      %dma_wait3A_407 = tpu.memref_squeeze %dma_wait3A_406 : memref<1x128x128xf32, #tpu.memory_space<vmem>> -> memref<128x128xf32, #tpu.memory_space<vmem>>
      tpu.wait_dma2 semaphore(%arg14 : memref<!tpu.dma_semaphore, #tpu.memory_space<semaphore_mem>>) src(%dma_wait3A_407 : memref<128x128xf32, #tpu.memory_space<vmem>>) dst(%dma_wait3A_403 : memref<128x128xf32, #tpu.memory_space<hbm>>)
      %mul3A_408 = arith.constant 4 : i32
      %mul3A_409 = arith.muli %scan3A_394, %mul3A_408 : i32
      %add3A_410 = arith.constant 0 : i32
      %add3A_411 = arith.addi %mul3A_409, %add3A_410 : i32
      %dma_start3A_412 = arith.constant 1 : i32
      %dma_start3A_413 = arith.constant 0 : i32
      %dma_start3A_414 = arith.constant 0 : i32
      %dma_start3A_415 = arith.constant 0 : i32
      %dma_start3A_416 = tpu.memref_slice %arg6[%dma_start3A_413, %dma_start3A_414, %dma_start3A_415] : memref<4x128x128xf32, #tpu.memory_space<vmem>> -> memref<1x128x128xf32, #tpu.memory_space<vmem>>
      %dma_start3A_417 = tpu.memref_squeeze %dma_start3A_416 : memref<1x128x128xf32, #tpu.memory_space<vmem>> -> memref<128x128xf32, #tpu.memory_space<vmem>>
      %dma_start3A_418 = arith.constant 0 : i32
      %dma_start3A_419 = tpu.memref_slice %arg5[%dma_start3A_412, %add3A_411, %dma_start3A_418] : memref<2x80x128xi32, #tpu.memory_space<vmem>> -> memref<1x1x128xi32, #tpu.memory_space<vmem>>
      %dma_start3A_420 = tpu.memref_squeeze %dma_start3A_419 : memref<1x1x128xi32, #tpu.memory_space<vmem>> -> memref<128xi32, #tpu.memory_space<vmem>>
      %dma_start3A_421 = arith.constant 0 : i32
      %dma_start3A_422 = arith.constant 0 : i32
      %dma_start3A_423 = tpu.memref_slice %arg7[%dma_start3A_421, %dma_start3A_422] : memref<48x128xf32, #tpu.memory_space<vmem_shared>> -> memref<48x128xf32, #tpu.memory_space<vmem_shared>>
      tpu.enqueue_indirect_dma source(%dma_start3A_423 : memref<48x128xf32, #tpu.memory_space<vmem_shared>>) target(%dma_start3A_417 : memref<128x128xf32, #tpu.memory_space<vmem>>) offsets(%dma_start3A_420 : memref<128xi32, #tpu.memory_space<vmem>>) semaphore(%arg10 : memref<!tpu.dma_semaphore, #tpu.memory_space<semaphore_mem>>)
      %dma_wait3A_424 = arith.constant 1 : i32
      %dma_wait3A_425 = arith.constant 0 : i32
      %dma_wait3A_426 = arith.constant 0 : i32
      %dma_wait3A_427 = tpu.memref_slice %arg6[%dma_wait3A_424, %dma_wait3A_425, %dma_wait3A_426] : memref<4x128x128xf32, #tpu.memory_space<vmem>> -> memref<1x128x128xf32, #tpu.memory_space<vmem>>
      %dma_wait3A_428 = tpu.memref_squeeze %dma_wait3A_427 : memref<1x128x128xf32, #tpu.memory_space<vmem>> -> memref<128x128xf32, #tpu.memory_space<vmem>>
      %dma_wait3A_429 = arith.constant 0 : i32
      %dma_wait3A_430 = tpu.memref_slice %arg4[%mul3A_2, %dma_wait3A_429] : memref<3276800x128xf32, #tpu.memory_space<hbm>> -> memref<128x128xf32, #tpu.memory_space<hbm>>
      %dma_wait3A_431 = arith.constant 0 : i32
      %dma_wait3A_432 = tpu.memref_slice %arg4[%mul3A_2, %dma_wait3A_431] : memref<3276800x128xf32, #tpu.memory_space<hbm>> -> memref<128x128xf32, #tpu.memory_space<hbm>>
      %dma_wait3A_433 = arith.constant 0 : i32
      %dma_wait3A_434 = arith.constant 0 : i32
      %dma_wait3A_435 = tpu.memref_slice %arg6[%dma_wait3A_424, %dma_wait3A_433, %dma_wait3A_434] : memref<4x128x128xf32, #tpu.memory_space<vmem>> -> memref<1x128x128xf32, #tpu.memory_space<vmem>>
      %dma_wait3A_436 = tpu.memref_squeeze %dma_wait3A_435 : memref<1x128x128xf32, #tpu.memory_space<vmem>> -> memref<128x128xf32, #tpu.memory_space<vmem>>
      tpu.wait_dma2 semaphore(%arg15 : memref<!tpu.dma_semaphore, #tpu.memory_space<semaphore_mem>>) src(%dma_wait3A_436 : memref<128x128xf32, #tpu.memory_space<vmem>>) dst(%dma_wait3A_432 : memref<128x128xf32, #tpu.memory_space<hbm>>)
      %mul3A_437 = arith.constant 4 : i32
      %mul3A_438 = arith.muli %scan3A_394, %mul3A_437 : i32
      %add3A_439 = arith.constant 1 : i32
      %add3A_440 = arith.addi %mul3A_438, %add3A_439 : i32
      %dma_start3A_441 = arith.constant 1 : i32
      %dma_start3A_442 = arith.constant 1 : i32
      %dma_start3A_443 = arith.constant 0 : i32
      %dma_start3A_444 = arith.constant 0 : i32
      %dma_start3A_445 = tpu.memref_slice %arg6[%dma_start3A_442, %dma_start3A_443, %dma_start3A_444] : memref<4x128x128xf32, #tpu.memory_space<vmem>> -> memref<1x128x128xf32, #tpu.memory_space<vmem>>
      %dma_start3A_446 = tpu.memref_squeeze %dma_start3A_445 : memref<1x128x128xf32, #tpu.memory_space<vmem>> -> memref<128x128xf32, #tpu.memory_space<vmem>>
      %dma_start3A_447 = arith.constant 0 : i32
      %dma_start3A_448 = tpu.memref_slice %arg5[%dma_start3A_441, %add3A_440, %dma_start3A_447] : memref<2x80x128xi32, #tpu.memory_space<vmem>> -> memref<1x1x128xi32, #tpu.memory_space<vmem>>
      %dma_start3A_449 = tpu.memref_squeeze %dma_start3A_448 : memref<1x1x128xi32, #tpu.memory_space<vmem>> -> memref<128xi32, #tpu.memory_space<vmem>>
      %dma_start3A_450 = arith.constant 0 : i32
      %dma_start3A_451 = arith.constant 0 : i32
      %dma_start3A_452 = tpu.memref_slice %arg7[%dma_start3A_450, %dma_start3A_451] : memref<48x128xf32, #tpu.memory_space<vmem_shared>> -> memref<48x128xf32, #tpu.memory_space<vmem_shared>>
      tpu.enqueue_indirect_dma source(%dma_start3A_452 : memref<48x128xf32, #tpu.memory_space<vmem_shared>>) target(%dma_start3A_446 : memref<128x128xf32, #tpu.memory_space<vmem>>) offsets(%dma_start3A_449 : memref<128xi32, #tpu.memory_space<vmem>>) semaphore(%arg11 : memref<!tpu.dma_semaphore, #tpu.memory_space<semaphore_mem>>)
      %dma_wait3A_453 = arith.constant 2 : i32
      %dma_wait3A_454 = arith.constant 0 : i32
      %dma_wait3A_455 = arith.constant 0 : i32
      %dma_wait3A_456 = tpu.memref_slice %arg6[%dma_wait3A_453, %dma_wait3A_454, %dma_wait3A_455] : memref<4x128x128xf32, #tpu.memory_space<vmem>> -> memref<1x128x128xf32, #tpu.memory_space<vmem>>
      %dma_wait3A_457 = tpu.memref_squeeze %dma_wait3A_456 : memref<1x128x128xf32, #tpu.memory_space<vmem>> -> memref<128x128xf32, #tpu.memory_space<vmem>>
      %dma_wait3A_458 = arith.constant 0 : i32
      %dma_wait3A_459 = tpu.memref_slice %arg4[%mul3A_2, %dma_wait3A_458] : memref<3276800x128xf32, #tpu.memory_space<hbm>> -> memref<128x128xf32, #tpu.memory_space<hbm>>
      %dma_wait3A_460 = arith.constant 0 : i32
      %dma_wait3A_461 = tpu.memref_slice %arg4[%mul3A_2, %dma_wait3A_460] : memref<3276800x128xf32, #tpu.memory_space<hbm>> -> memref<128x128xf32, #tpu.memory_space<hbm>>
      %dma_wait3A_462 = arith.constant 0 : i32
      %dma_wait3A_463 = arith.constant 0 : i32
      %dma_wait3A_464 = tpu.memref_slice %arg6[%dma_wait3A_453, %dma_wait3A_462, %dma_wait3A_463] : memref<4x128x128xf32, #tpu.memory_space<vmem>> -> memref<1x128x128xf32, #tpu.memory_space<vmem>>
      %dma_wait3A_465 = tpu.memref_squeeze %dma_wait3A_464 : memref<1x128x128xf32, #tpu.memory_space<vmem>> -> memref<128x128xf32, #tpu.memory_space<vmem>>
      tpu.wait_dma2 semaphore(%arg16 : memref<!tpu.dma_semaphore, #tpu.memory_space<semaphore_mem>>) src(%dma_wait3A_465 : memref<128x128xf32, #tpu.memory_space<vmem>>) dst(%dma_wait3A_461 : memref<128x128xf32, #tpu.memory_space<hbm>>)
      %mul3A_466 = arith.constant 4 : i32
      %mul3A_467 = arith.muli %scan3A_394, %mul3A_466 : i32
      %add3A_468 = arith.constant 2 : i32
      %add3A_469 = arith.addi %mul3A_467, %add3A_468 : i32
      %dma_start3A_470 = arith.constant 1 : i32
      %dma_start3A_471 = arith.constant 2 : i32
      %dma_start3A_472 = arith.constant 0 : i32
      %dma_start3A_473 = arith.constant 0 : i32
      %dma_start3A_474 = tpu.memref_slice %arg6[%dma_start3A_471, %dma_start3A_472, %dma_start3A_473] : memref<4x128x128xf32, #tpu.memory_space<vmem>> -> memref<1x128x128xf32, #tpu.memory_space<vmem>>
      %dma_start3A_475 = tpu.memref_squeeze %dma_start3A_474 : memref<1x128x128xf32, #tpu.memory_space<vmem>> -> memref<128x128xf32, #tpu.memory_space<vmem>>
      %dma_start3A_476 = arith.constant 0 : i32
      %dma_start3A_477 = tpu.memref_slice %arg5[%dma_start3A_470, %add3A_469, %dma_start3A_476] : memref<2x80x128xi32, #tpu.memory_space<vmem>> -> memref<1x1x128xi32, #tpu.memory_space<vmem>>
      %dma_start3A_478 = tpu.memref_squeeze %dma_start3A_477 : memref<1x1x128xi32, #tpu.memory_space<vmem>> -> memref<128xi32, #tpu.memory_space<vmem>>
      %dma_start3A_479 = arith.constant 0 : i32
      %dma_start3A_480 = arith.constant 0 : i32
      %dma_start3A_481 = tpu.memref_slice %arg7[%dma_start3A_479, %dma_start3A_480] : memref<48x128xf32, #tpu.memory_space<vmem_shared>> -> memref<48x128xf32, #tpu.memory_space<vmem_shared>>
      tpu.enqueue_indirect_dma source(%dma_start3A_481 : memref<48x128xf32, #tpu.memory_space<vmem_shared>>) target(%dma_start3A_475 : memref<128x128xf32, #tpu.memory_space<vmem>>) offsets(%dma_start3A_478 : memref<128xi32, #tpu.memory_space<vmem>>) semaphore(%arg12 : memref<!tpu.dma_semaphore, #tpu.memory_space<semaphore_mem>>)
      %dma_wait3A_482 = arith.constant 3 : i32
      %dma_wait3A_483 = arith.constant 0 : i32
      %dma_wait3A_484 = arith.constant 0 : i32
      %dma_wait3A_485 = tpu.memref_slice %arg6[%dma_wait3A_482, %dma_wait3A_483, %dma_wait3A_484] : memref<4x128x128xf32, #tpu.memory_space<vmem>> -> memref<1x128x128xf32, #tpu.memory_space<vmem>>
      %dma_wait3A_486 = tpu.memref_squeeze %dma_wait3A_485 : memref<1x128x128xf32, #tpu.memory_space<vmem>> -> memref<128x128xf32, #tpu.memory_space<vmem>>
      %dma_wait3A_487 = arith.constant 0 : i32
      %dma_wait3A_488 = tpu.memref_slice %arg4[%mul3A_2, %dma_wait3A_487] : memref<3276800x128xf32, #tpu.memory_space<hbm>> -> memref<128x128xf32, #tpu.memory_space<hbm>>
      %dma_wait3A_489 = arith.constant 0 : i32
      %dma_wait3A_490 = tpu.memref_slice %arg4[%mul3A_2, %dma_wait3A_489] : memref<3276800x128xf32, #tpu.memory_space<hbm>> -> memref<128x128xf32, #tpu.memory_space<hbm>>
      %dma_wait3A_491 = arith.constant 0 : i32
      %dma_wait3A_492 = arith.constant 0 : i32
      %dma_wait3A_493 = tpu.memref_slice %arg6[%dma_wait3A_482, %dma_wait3A_491, %dma_wait3A_492] : memref<4x128x128xf32, #tpu.memory_space<vmem>> -> memref<1x128x128xf32, #tpu.memory_space<vmem>>
      %dma_wait3A_494 = tpu.memref_squeeze %dma_wait3A_493 : memref<1x128x128xf32, #tpu.memory_space<vmem>> -> memref<128x128xf32, #tpu.memory_space<vmem>>
      tpu.wait_dma2 semaphore(%arg17 : memref<!tpu.dma_semaphore, #tpu.memory_space<semaphore_mem>>) src(%dma_wait3A_494 : memref<128x128xf32, #tpu.memory_space<vmem>>) dst(%dma_wait3A_490 : memref<128x128xf32, #tpu.memory_space<hbm>>)
      %mul3A_495 = arith.constant 4 : i32
      %mul3A_496 = arith.muli %scan3A_394, %mul3A_495 : i32
      %add3A_497 = arith.constant 3 : i32
      %add3A_498 = arith.addi %mul3A_496, %add3A_497 : i32
      %dma_start3A_499 = arith.constant 1 : i32
      %dma_start3A_500 = arith.constant 3 : i32
      %dma_start3A_501 = arith.constant 0 : i32
      %dma_start3A_502 = arith.constant 0 : i32
      %dma_start3A_503 = tpu.memref_slice %arg6[%dma_start3A_500, %dma_start3A_501, %dma_start3A_502] : memref<4x128x128xf32, #tpu.memory_space<vmem>> -> memref<1x128x128xf32, #tpu.memory_space<vmem>>
      %dma_start3A_504 = tpu.memref_squeeze %dma_start3A_503 : memref<1x128x128xf32, #tpu.memory_space<vmem>> -> memref<128x128xf32, #tpu.memory_space<vmem>>
      %dma_start3A_505 = arith.constant 0 : i32
      %dma_start3A_506 = tpu.memref_slice %arg5[%dma_start3A_499, %add3A_498, %dma_start3A_505] : memref<2x80x128xi32, #tpu.memory_space<vmem>> -> memref<1x1x128xi32, #tpu.memory_space<vmem>>
      %dma_start3A_507 = tpu.memref_squeeze %dma_start3A_506 : memref<1x1x128xi32, #tpu.memory_space<vmem>> -> memref<128xi32, #tpu.memory_space<vmem>>
      %dma_start3A_508 = arith.constant 0 : i32
      %dma_start3A_509 = arith.constant 0 : i32
      %dma_start3A_510 = tpu.memref_slice %arg7[%dma_start3A_508, %dma_start3A_509] : memref<48x128xf32, #tpu.memory_space<vmem_shared>> -> memref<48x128xf32, #tpu.memory_space<vmem_shared>>
      tpu.enqueue_indirect_dma source(%dma_start3A_510 : memref<48x128xf32, #tpu.memory_space<vmem_shared>>) target(%dma_start3A_504 : memref<128x128xf32, #tpu.memory_space<vmem>>) offsets(%dma_start3A_507 : memref<128xi32, #tpu.memory_space<vmem>>) semaphore(%arg13 : memref<!tpu.dma_semaphore, #tpu.memory_space<semaphore_mem>>)
      %mul3A_511 = arith.constant 4 : i32
      %mul3A_512 = arith.muli %scan3A_394, %mul3A_511 : i32
      %add3A_513 = arith.constant 0 : i32
      %add3A_514 = arith.addi %mul3A_512, %add3A_513 : i32
      %dma_wait3A_515 = arith.constant 1 : i32
      %dma_wait3A_516 = arith.constant 0 : i32
      %dma_wait3A_517 = arith.constant 0 : i32
      %dma_wait3A_518 = arith.constant 0 : i32
      %dma_wait3A_519 = tpu.memref_slice %arg6[%dma_wait3A_516, %dma_wait3A_517, %dma_wait3A_518] : memref<4x128x128xf32, #tpu.memory_space<vmem>> -> memref<1x128x128xf32, #tpu.memory_space<vmem>>
      %dma_wait3A_520 = tpu.memref_squeeze %dma_wait3A_519 : memref<1x128x128xf32, #tpu.memory_space<vmem>> -> memref<128x128xf32, #tpu.memory_space<vmem>>
      %dma_wait3A_521 = arith.constant 0 : i32
      %dma_wait3A_522 = tpu.memref_slice %arg5[%dma_wait3A_515, %add3A_514, %dma_wait3A_521] : memref<2x80x128xi32, #tpu.memory_space<vmem>> -> memref<1x1x128xi32, #tpu.memory_space<vmem>>
      %dma_wait3A_523 = tpu.memref_squeeze %dma_wait3A_522 : memref<1x1x128xi32, #tpu.memory_space<vmem>> -> memref<128xi32, #tpu.memory_space<vmem>>
      %dma_wait3A_524 = arith.constant 0 : i32
      %dma_wait3A_525 = arith.constant 0 : i32
      %dma_wait3A_526 = tpu.memref_slice %arg7[%dma_wait3A_524, %dma_wait3A_525] : memref<48x128xf32, #tpu.memory_space<vmem_shared>> -> memref<48x128xf32, #tpu.memory_space<vmem_shared>>
      tpu.wait_indirect_dma semaphore(%arg10 : memref<!tpu.dma_semaphore, #tpu.memory_space<semaphore_mem>>) src(%dma_wait3A_526 : memref<48x128xf32, #tpu.memory_space<vmem_shared>>) dst(%dma_wait3A_520 : memref<128x128xf32, #tpu.memory_space<vmem>>)
      %add3A_527 = arith.constant 400 : i32
      %add3A_528 = arith.addi %mul3A_2, %add3A_527 : i32
      %mul3A_529 = arith.constant 4 : i32
      %mul3A_530 = arith.muli %scan3A_394, %mul3A_529 : i32
      %add3A_531 = arith.addi %add3A_528, %mul3A_530 : i32
      %add3A_532 = arith.constant 0 : i32
      %add3A_533 = arith.addi %add3A_531, %add3A_532 : i32
      %mul3A_534 = arith.constant 128 : i32
      %mul3A_535 = arith.muli %add3A_533, %mul3A_534 : i32
      %dma_start3A_536 = arith.constant 0 : i32
      %dma_start3A_537 = arith.constant 0 : i32
      %dma_start3A_538 = arith.constant 0 : i32
      %dma_start3A_539 = tpu.memref_slice %arg6[%dma_start3A_536, %dma_start3A_537, %dma_start3A_538] : memref<4x128x128xf32, #tpu.memory_space<vmem>> -> memref<1x128x128xf32, #tpu.memory_space<vmem>>
      %dma_start3A_540 = tpu.memref_squeeze %dma_start3A_539 : memref<1x128x128xf32, #tpu.memory_space<vmem>> -> memref<128x128xf32, #tpu.memory_space<vmem>>
      %dma_start3A_541 = arith.constant 0 : i32
      %dma_start3A_542 = tpu.memref_slice %arg4[%mul3A_535, %dma_start3A_541] : memref<3276800x128xf32, #tpu.memory_space<hbm>> -> memref<128x128xf32, #tpu.memory_space<hbm>>
      %dma_start3A_543 = arith.constant 0 : i32
      %dma_start3A_544 = tpu.memref_slice %arg4[%mul3A_535, %dma_start3A_543] : memref<3276800x128xf32, #tpu.memory_space<hbm>> -> memref<128x128xf32, #tpu.memory_space<hbm>>
      %dma_start3A_545 = arith.constant 0 : i32
      %dma_start3A_546 = arith.constant 0 : i32
      %dma_start3A_547 = tpu.memref_slice %arg6[%dma_start3A_536, %dma_start3A_545, %dma_start3A_546] : memref<4x128x128xf32, #tpu.memory_space<vmem>> -> memref<1x128x128xf32, #tpu.memory_space<vmem>>
      %dma_start3A_548 = tpu.memref_squeeze %dma_start3A_547 : memref<1x128x128xf32, #tpu.memory_space<vmem>> -> memref<128x128xf32, #tpu.memory_space<vmem>>
      tpu.enqueue_dma source(%dma_start3A_548 : memref<128x128xf32, #tpu.memory_space<vmem>>) target(%dma_start3A_544 : memref<128x128xf32, #tpu.memory_space<hbm>>) target_semaphore(%arg14 : memref<!tpu.dma_semaphore, #tpu.memory_space<semaphore_mem>>)
      %mul3A_549 = arith.constant 4 : i32
      %mul3A_550 = arith.muli %scan3A_394, %mul3A_549 : i32
      %add3A_551 = arith.constant 1 : i32
      %add3A_552 = arith.addi %mul3A_550, %add3A_551 : i32
      %dma_wait3A_553 = arith.constant 1 : i32
      %dma_wait3A_554 = arith.constant 1 : i32
      %dma_wait3A_555 = arith.constant 0 : i32
      %dma_wait3A_556 = arith.constant 0 : i32
      %dma_wait3A_557 = tpu.memref_slice %arg6[%dma_wait3A_554, %dma_wait3A_555, %dma_wait3A_556] : memref<4x128x128xf32, #tpu.memory_space<vmem>> -> memref<1x128x128xf32, #tpu.memory_space<vmem>>
      %dma_wait3A_558 = tpu.memref_squeeze %dma_wait3A_557 : memref<1x128x128xf32, #tpu.memory_space<vmem>> -> memref<128x128xf32, #tpu.memory_space<vmem>>
      %dma_wait3A_559 = arith.constant 0 : i32
      %dma_wait3A_560 = tpu.memref_slice %arg5[%dma_wait3A_553, %add3A_552, %dma_wait3A_559] : memref<2x80x128xi32, #tpu.memory_space<vmem>> -> memref<1x1x128xi32, #tpu.memory_space<vmem>>
      %dma_wait3A_561 = tpu.memref_squeeze %dma_wait3A_560 : memref<1x1x128xi32, #tpu.memory_space<vmem>> -> memref<128xi32, #tpu.memory_space<vmem>>
      %dma_wait3A_562 = arith.constant 0 : i32
      %dma_wait3A_563 = arith.constant 0 : i32
      %dma_wait3A_564 = tpu.memref_slice %arg7[%dma_wait3A_562, %dma_wait3A_563] : memref<48x128xf32, #tpu.memory_space<vmem_shared>> -> memref<48x128xf32, #tpu.memory_space<vmem_shared>>
      tpu.wait_indirect_dma semaphore(%arg11 : memref<!tpu.dma_semaphore, #tpu.memory_space<semaphore_mem>>) src(%dma_wait3A_564 : memref<48x128xf32, #tpu.memory_space<vmem_shared>>) dst(%dma_wait3A_558 : memref<128x128xf32, #tpu.memory_space<vmem>>)
      %add3A_565 = arith.constant 400 : i32
      %add3A_566 = arith.addi %mul3A_2, %add3A_565 : i32
      %mul3A_567 = arith.constant 4 : i32
      %mul3A_568 = arith.muli %scan3A_394, %mul3A_567 : i32
      %add3A_569 = arith.addi %add3A_566, %mul3A_568 : i32
      %add3A_570 = arith.constant 1 : i32
      %add3A_571 = arith.addi %add3A_569, %add3A_570 : i32
      %mul3A_572 = arith.constant 128 : i32
      %mul3A_573 = arith.muli %add3A_571, %mul3A_572 : i32
      %dma_start3A_574 = arith.constant 1 : i32
      %dma_start3A_575 = arith.constant 0 : i32
      %dma_start3A_576 = arith.constant 0 : i32
      %dma_start3A_577 = tpu.memref_slice %arg6[%dma_start3A_574, %dma_start3A_575, %dma_start3A_576] : memref<4x128x128xf32, #tpu.memory_space<vmem>> -> memref<1x128x128xf32, #tpu.memory_space<vmem>>
      %dma_start3A_578 = tpu.memref_squeeze %dma_start3A_577 : memref<1x128x128xf32, #tpu.memory_space<vmem>> -> memref<128x128xf32, #tpu.memory_space<vmem>>
      %dma_start3A_579 = arith.constant 0 : i32
      %dma_start3A_580 = tpu.memref_slice %arg4[%mul3A_573, %dma_start3A_579] : memref<3276800x128xf32, #tpu.memory_space<hbm>> -> memref<128x128xf32, #tpu.memory_space<hbm>>
      %dma_start3A_581 = arith.constant 0 : i32
      %dma_start3A_582 = tpu.memref_slice %arg4[%mul3A_573, %dma_start3A_581] : memref<3276800x128xf32, #tpu.memory_space<hbm>> -> memref<128x128xf32, #tpu.memory_space<hbm>>
      %dma_start3A_583 = arith.constant 0 : i32
      %dma_start3A_584 = arith.constant 0 : i32
      %dma_start3A_585 = tpu.memref_slice %arg6[%dma_start3A_574, %dma_start3A_583, %dma_start3A_584] : memref<4x128x128xf32, #tpu.memory_space<vmem>> -> memref<1x128x128xf32, #tpu.memory_space<vmem>>
      %dma_start3A_586 = tpu.memref_squeeze %dma_start3A_585 : memref<1x128x128xf32, #tpu.memory_space<vmem>> -> memref<128x128xf32, #tpu.memory_space<vmem>>
      tpu.enqueue_dma source(%dma_start3A_586 : memref<128x128xf32, #tpu.memory_space<vmem>>) target(%dma_start3A_582 : memref<128x128xf32, #tpu.memory_space<hbm>>) target_semaphore(%arg15 : memref<!tpu.dma_semaphore, #tpu.memory_space<semaphore_mem>>)
      %mul3A_587 = arith.constant 4 : i32
      %mul3A_588 = arith.muli %scan3A_394, %mul3A_587 : i32
      %add3A_589 = arith.constant 2 : i32
      %add3A_590 = arith.addi %mul3A_588, %add3A_589 : i32
      %dma_wait3A_591 = arith.constant 1 : i32
      %dma_wait3A_592 = arith.constant 2 : i32
      %dma_wait3A_593 = arith.constant 0 : i32
      %dma_wait3A_594 = arith.constant 0 : i32
      %dma_wait3A_595 = tpu.memref_slice %arg6[%dma_wait3A_592, %dma_wait3A_593, %dma_wait3A_594] : memref<4x128x128xf32, #tpu.memory_space<vmem>> -> memref<1x128x128xf32, #tpu.memory_space<vmem>>
      %dma_wait3A_596 = tpu.memref_squeeze %dma_wait3A_595 : memref<1x128x128xf32, #tpu.memory_space<vmem>> -> memref<128x128xf32, #tpu.memory_space<vmem>>
      %dma_wait3A_597 = arith.constant 0 : i32
      %dma_wait3A_598 = tpu.memref_slice %arg5[%dma_wait3A_591, %add3A_590, %dma_wait3A_597] : memref<2x80x128xi32, #tpu.memory_space<vmem>> -> memref<1x1x128xi32, #tpu.memory_space<vmem>>
      %dma_wait3A_599 = tpu.memref_squeeze %dma_wait3A_598 : memref<1x1x128xi32, #tpu.memory_space<vmem>> -> memref<128xi32, #tpu.memory_space<vmem>>
      %dma_wait3A_600 = arith.constant 0 : i32
      %dma_wait3A_601 = arith.constant 0 : i32
      %dma_wait3A_602 = tpu.memref_slice %arg7[%dma_wait3A_600, %dma_wait3A_601] : memref<48x128xf32, #tpu.memory_space<vmem_shared>> -> memref<48x128xf32, #tpu.memory_space<vmem_shared>>
      tpu.wait_indirect_dma semaphore(%arg12 : memref<!tpu.dma_semaphore, #tpu.memory_space<semaphore_mem>>) src(%dma_wait3A_602 : memref<48x128xf32, #tpu.memory_space<vmem_shared>>) dst(%dma_wait3A_596 : memref<128x128xf32, #tpu.memory_space<vmem>>)
      %add3A_603 = arith.constant 400 : i32
      %add3A_604 = arith.addi %mul3A_2, %add3A_603 : i32
      %mul3A_605 = arith.constant 4 : i32
      %mul3A_606 = arith.muli %scan3A_394, %mul3A_605 : i32
      %add3A_607 = arith.addi %add3A_604, %mul3A_606 : i32
      %add3A_608 = arith.constant 2 : i32
      %add3A_609 = arith.addi %add3A_607, %add3A_608 : i32
      %mul3A_610 = arith.constant 128 : i32
      %mul3A_611 = arith.muli %add3A_609, %mul3A_610 : i32
      %dma_start3A_612 = arith.constant 2 : i32
      %dma_start3A_613 = arith.constant 0 : i32
      %dma_start3A_614 = arith.constant 0 : i32
      %dma_start3A_615 = tpu.memref_slice %arg6[%dma_start3A_612, %dma_start3A_613, %dma_start3A_614] : memref<4x128x128xf32, #tpu.memory_space<vmem>> -> memref<1x128x128xf32, #tpu.memory_space<vmem>>
      %dma_start3A_616 = tpu.memref_squeeze %dma_start3A_615 : memref<1x128x128xf32, #tpu.memory_space<vmem>> -> memref<128x128xf32, #tpu.memory_space<vmem>>
      %dma_start3A_617 = arith.constant 0 : i32
      %dma_start3A_618 = tpu.memref_slice %arg4[%mul3A_611, %dma_start3A_617] : memref<3276800x128xf32, #tpu.memory_space<hbm>> -> memref<128x128xf32, #tpu.memory_space<hbm>>
      %dma_start3A_619 = arith.constant 0 : i32
      %dma_start3A_620 = tpu.memref_slice %arg4[%mul3A_611, %dma_start3A_619] : memref<3276800x128xf32, #tpu.memory_space<hbm>> -> memref<128x128xf32, #tpu.memory_space<hbm>>
      %dma_start3A_621 = arith.constant 0 : i32
      %dma_start3A_622 = arith.constant 0 : i32
      %dma_start3A_623 = tpu.memref_slice %arg6[%dma_start3A_612, %dma_start3A_621, %dma_start3A_622] : memref<4x128x128xf32, #tpu.memory_space<vmem>> -> memref<1x128x128xf32, #tpu.memory_space<vmem>>
      %dma_start3A_624 = tpu.memref_squeeze %dma_start3A_623 : memref<1x128x128xf32, #tpu.memory_space<vmem>> -> memref<128x128xf32, #tpu.memory_space<vmem>>
      tpu.enqueue_dma source(%dma_start3A_624 : memref<128x128xf32, #tpu.memory_space<vmem>>) target(%dma_start3A_620 : memref<128x128xf32, #tpu.memory_space<hbm>>) target_semaphore(%arg16 : memref<!tpu.dma_semaphore, #tpu.memory_space<semaphore_mem>>)
      %mul3A_625 = arith.constant 4 : i32
      %mul3A_626 = arith.muli %scan3A_394, %mul3A_625 : i32
      %add3A_627 = arith.constant 3 : i32
      %add3A_628 = arith.addi %mul3A_626, %add3A_627 : i32
      %dma_wait3A_629 = arith.constant 1 : i32
      %dma_wait3A_630 = arith.constant 3 : i32
      %dma_wait3A_631 = arith.constant 0 : i32
      %dma_wait3A_632 = arith.constant 0 : i32
      %dma_wait3A_633 = tpu.memref_slice %arg6[%dma_wait3A_630, %dma_wait3A_631, %dma_wait3A_632] : memref<4x128x128xf32, #tpu.memory_space<vmem>> -> memref<1x128x128xf32, #tpu.memory_space<vmem>>
      %dma_wait3A_634 = tpu.memref_squeeze %dma_wait3A_633 : memref<1x128x128xf32, #tpu.memory_space<vmem>> -> memref<128x128xf32, #tpu.memory_space<vmem>>
      %dma_wait3A_635 = arith.constant 0 : i32
      %dma_wait3A_636 = tpu.memref_slice %arg5[%dma_wait3A_629, %add3A_628, %dma_wait3A_635] : memref<2x80x128xi32, #tpu.memory_space<vmem>> -> memref<1x1x128xi32, #tpu.memory_space<vmem>>
      %dma_wait3A_637 = tpu.memref_squeeze %dma_wait3A_636 : memref<1x1x128xi32, #tpu.memory_space<vmem>> -> memref<128xi32, #tpu.memory_space<vmem>>
      %dma_wait3A_638 = arith.constant 0 : i32
      %dma_wait3A_639 = arith.constant 0 : i32
      %dma_wait3A_640 = tpu.memref_slice %arg7[%dma_wait3A_638, %dma_wait3A_639] : memref<48x128xf32, #tpu.memory_space<vmem_shared>> -> memref<48x128xf32, #tpu.memory_space<vmem_shared>>
      tpu.wait_indirect_dma semaphore(%arg13 : memref<!tpu.dma_semaphore, #tpu.memory_space<semaphore_mem>>) src(%dma_wait3A_640 : memref<48x128xf32, #tpu.memory_space<vmem_shared>>) dst(%dma_wait3A_634 : memref<128x128xf32, #tpu.memory_space<vmem>>)
      %add3A_641 = arith.constant 400 : i32
      %add3A_642 = arith.addi %mul3A_2, %add3A_641 : i32
      %mul3A_643 = arith.constant 4 : i32
      %mul3A_644 = arith.muli %scan3A_394, %mul3A_643 : i32
      %add3A_645 = arith.addi %add3A_642, %mul3A_644 : i32
      %add3A_646 = arith.constant 3 : i32
      %add3A_647 = arith.addi %add3A_645, %add3A_646 : i32
      %mul3A_648 = arith.constant 128 : i32
      %mul3A_649 = arith.muli %add3A_647, %mul3A_648 : i32
      %dma_start3A_650 = arith.constant 3 : i32
      %dma_start3A_651 = arith.constant 0 : i32
      %dma_start3A_652 = arith.constant 0 : i32
      %dma_start3A_653 = tpu.memref_slice %arg6[%dma_start3A_650, %dma_start3A_651, %dma_start3A_652] : memref<4x128x128xf32, #tpu.memory_space<vmem>> -> memref<1x128x128xf32, #tpu.memory_space<vmem>>
      %dma_start3A_654 = tpu.memref_squeeze %dma_start3A_653 : memref<1x128x128xf32, #tpu.memory_space<vmem>> -> memref<128x128xf32, #tpu.memory_space<vmem>>
      %dma_start3A_655 = arith.constant 0 : i32
      %dma_start3A_656 = tpu.memref_slice %arg4[%mul3A_649, %dma_start3A_655] : memref<3276800x128xf32, #tpu.memory_space<hbm>> -> memref<128x128xf32, #tpu.memory_space<hbm>>
      %dma_start3A_657 = arith.constant 0 : i32
      %dma_start3A_658 = tpu.memref_slice %arg4[%mul3A_649, %dma_start3A_657] : memref<3276800x128xf32, #tpu.memory_space<hbm>> -> memref<128x128xf32, #tpu.memory_space<hbm>>
      %dma_start3A_659 = arith.constant 0 : i32
      %dma_start3A_660 = arith.constant 0 : i32
      %dma_start3A_661 = tpu.memref_slice %arg6[%dma_start3A_650, %dma_start3A_659, %dma_start3A_660] : memref<4x128x128xf32, #tpu.memory_space<vmem>> -> memref<1x128x128xf32, #tpu.memory_space<vmem>>
      %dma_start3A_662 = tpu.memref_squeeze %dma_start3A_661 : memref<1x128x128xf32, #tpu.memory_space<vmem>> -> memref<128x128xf32, #tpu.memory_space<vmem>>
      tpu.enqueue_dma source(%dma_start3A_662 : memref<128x128xf32, #tpu.memory_space<vmem>>) target(%dma_start3A_658 : memref<128x128xf32, #tpu.memory_space<hbm>>) target_semaphore(%arg17 : memref<!tpu.dma_semaphore, #tpu.memory_space<semaphore_mem>>)
    }
    %scan3A_220 = arith.constant 20 : i32
    %dma_wait3A_221 = arith.constant 0 : i32
    %dma_wait3A_222 = arith.constant 0 : i32
    %dma_wait3A_223 = arith.constant 0 : i32
    %dma_wait3A_224 = tpu.memref_slice %arg5[%dma_wait3A_221, %dma_wait3A_222, %dma_wait3A_223] : memref<2x80x128xi32, #tpu.memory_space<vmem>> -> memref<1x80x128xi32, #tpu.memory_space<vmem>>
    %dma_wait3A_225 = tpu.memref_squeeze %dma_wait3A_224 : memref<1x80x128xi32, #tpu.memory_space<vmem>> -> memref<80x128xi32, #tpu.memory_space<vmem>>
    %dma_wait3A_226 = arith.constant 0 : i32
    %dma_wait3A_227 = tpu.memref_slice %arg2[%mul3A_2, %dma_wait3A_226] : memref<25600x128xi32, #tpu.memory_space<hbm>> -> memref<80x128xi32, #tpu.memory_space<hbm>>
    %dma_wait3A_228 = arith.constant 0 : i32
    %dma_wait3A_229 = arith.constant 0 : i32
    %dma_wait3A_230 = tpu.memref_slice %arg5[%dma_wait3A_221, %dma_wait3A_228, %dma_wait3A_229] : memref<2x80x128xi32, #tpu.memory_space<vmem>> -> memref<1x80x128xi32, #tpu.memory_space<vmem>>
    %dma_wait3A_231 = tpu.memref_squeeze %dma_wait3A_230 : memref<1x80x128xi32, #tpu.memory_space<vmem>> -> memref<80x128xi32, #tpu.memory_space<vmem>>
    %dma_wait3A_232 = arith.constant 0 : i32
    %dma_wait3A_233 = tpu.memref_slice %arg2[%mul3A_2, %dma_wait3A_232] : memref<25600x128xi32, #tpu.memory_space<hbm>> -> memref<80x128xi32, #tpu.memory_space<hbm>>
    tpu.wait_dma2 semaphore(%arg8 : memref<!tpu.dma_semaphore, #tpu.memory_space<semaphore_mem>>) src(%dma_wait3A_233 : memref<80x128xi32, #tpu.memory_space<hbm>>) dst(%dma_wait3A_231 : memref<80x128xi32, #tpu.memory_space<vmem>>)
    %add3A_234 = arith.constant 560 : i32
    %add3A_235 = arith.addi %mul3A_2, %add3A_234 : i32
    %dma_start3A_236 = arith.constant 1 : i32
    %dma_start3A_237 = arith.constant 0 : i32
    %dma_start3A_238 = arith.constant 0 : i32
    %dma_start3A_239 = tpu.memref_slice %arg5[%dma_start3A_236, %dma_start3A_237, %dma_start3A_238] : memref<2x80x128xi32, #tpu.memory_space<vmem>> -> memref<1x80x128xi32, #tpu.memory_space<vmem>>
    %dma_start3A_240 = tpu.memref_squeeze %dma_start3A_239 : memref<1x80x128xi32, #tpu.memory_space<vmem>> -> memref<80x128xi32, #tpu.memory_space<vmem>>
    %dma_start3A_241 = arith.constant 0 : i32
    %dma_start3A_242 = tpu.memref_slice %arg2[%add3A_235, %dma_start3A_241] : memref<25600x128xi32, #tpu.memory_space<hbm>> -> memref<80x128xi32, #tpu.memory_space<hbm>>
    %dma_start3A_243 = arith.constant 0 : i32
    %dma_start3A_244 = arith.constant 0 : i32
    %dma_start3A_245 = tpu.memref_slice %arg5[%dma_start3A_236, %dma_start3A_243, %dma_start3A_244] : memref<2x80x128xi32, #tpu.memory_space<vmem>> -> memref<1x80x128xi32, #tpu.memory_space<vmem>>
    %dma_start3A_246 = tpu.memref_squeeze %dma_start3A_245 : memref<1x80x128xi32, #tpu.memory_space<vmem>> -> memref<80x128xi32, #tpu.memory_space<vmem>>
    %dma_start3A_247 = arith.constant 0 : i32
    %dma_start3A_248 = tpu.memref_slice %arg2[%add3A_235, %dma_start3A_247] : memref<25600x128xi32, #tpu.memory_space<hbm>> -> memref<80x128xi32, #tpu.memory_space<hbm>>
    tpu.enqueue_dma source(%dma_start3A_248 : memref<80x128xi32, #tpu.memory_space<hbm>>) target(%dma_start3A_246 : memref<80x128xi32, #tpu.memory_space<vmem>>) target_semaphore(%arg9 : memref<!tpu.dma_semaphore, #tpu.memory_space<semaphore_mem>>)
    %scan3A_249 = arith.constant 0 : i32
    %scan3A_250 = arith.constant 0 : i32
    %scan3A_251 = arith.constant 20 : i32
    %scan3A_252 = arith.addi %scan3A_250, %scan3A_251 : i32
    %scan3A_253 = arith.constant 1 : i32
    scf.for %scan3A_394 = %scan3A_250 to %scan3A_252 step %scan3A_253  : i32 {
      %dma_wait3A_395 = arith.constant 0 : i32
      %dma_wait3A_396 = arith.constant 0 : i32
      %dma_wait3A_397 = arith.constant 0 : i32
      %dma_wait3A_398 = tpu.memref_slice %arg6[%dma_wait3A_395, %dma_wait3A_396, %dma_wait3A_397] : memref<4x128x128xf32, #tpu.memory_space<vmem>> -> memref<1x128x128xf32, #tpu.memory_space<vmem>>
      %dma_wait3A_399 = tpu.memref_squeeze %dma_wait3A_398 : memref<1x128x128xf32, #tpu.memory_space<vmem>> -> memref<128x128xf32, #tpu.memory_space<vmem>>
      %dma_wait3A_400 = arith.constant 0 : i32
      %dma_wait3A_401 = tpu.memref_slice %arg4[%mul3A_2, %dma_wait3A_400] : memref<3276800x128xf32, #tpu.memory_space<hbm>> -> memref<128x128xf32, #tpu.memory_space<hbm>>
      %dma_wait3A_402 = arith.constant 0 : i32
      %dma_wait3A_403 = tpu.memref_slice %arg4[%mul3A_2, %dma_wait3A_402] : memref<3276800x128xf32, #tpu.memory_space<hbm>> -> memref<128x128xf32, #tpu.memory_space<hbm>>
      %dma_wait3A_404 = arith.constant 0 : i32
      %dma_wait3A_405 = arith.constant 0 : i32
      %dma_wait3A_406 = tpu.memref_slice %arg6[%dma_wait3A_395, %dma_wait3A_404, %dma_wait3A_405] : memref<4x128x128xf32, #tpu.memory_space<vmem>> -> memref<1x128x128xf32, #tpu.memory_space<vmem>>
      %dma_wait3A_407 = tpu.memref_squeeze %dma_wait3A_406 : memref<1x128x128xf32, #tpu.memory_space<vmem>> -> memref<128x128xf32, #tpu.memory_space<vmem>>
      tpu.wait_dma2 semaphore(%arg14 : memref<!tpu.dma_semaphore, #tpu.memory_space<semaphore_mem>>) src(%dma_wait3A_407 : memref<128x128xf32, #tpu.memory_space<vmem>>) dst(%dma_wait3A_403 : memref<128x128xf32, #tpu.memory_space<hbm>>)
      %mul3A_408 = arith.constant 4 : i32
      %mul3A_409 = arith.muli %scan3A_394, %mul3A_408 : i32
      %add3A_410 = arith.constant 0 : i32
      %add3A_411 = arith.addi %mul3A_409, %add3A_410 : i32
      %dma_start3A_412 = arith.constant 0 : i32
      %dma_start3A_413 = arith.constant 0 : i32
      %dma_start3A_414 = arith.constant 0 : i32
      %dma_start3A_415 = arith.constant 0 : i32
      %dma_start3A_416 = tpu.memref_slice %arg6[%dma_start3A_413, %dma_start3A_414, %dma_start3A_415] : memref<4x128x128xf32, #tpu.memory_space<vmem>> -> memref<1x128x128xf32, #tpu.memory_space<vmem>>
      %dma_start3A_417 = tpu.memref_squeeze %dma_start3A_416 : memref<1x128x128xf32, #tpu.memory_space<vmem>> -> memref<128x128xf32, #tpu.memory_space<vmem>>
      %dma_start3A_418 = arith.constant 0 : i32
      %dma_start3A_419 = tpu.memref_slice %arg5[%dma_start3A_412, %add3A_411, %dma_start3A_418] : memref<2x80x128xi32, #tpu.memory_space<vmem>> -> memref<1x1x128xi32, #tpu.memory_space<vmem>>
      %dma_start3A_420 = tpu.memref_squeeze %dma_start3A_419 : memref<1x1x128xi32, #tpu.memory_space<vmem>> -> memref<128xi32, #tpu.memory_space<vmem>>
      %dma_start3A_421 = arith.constant 0 : i32
      %dma_start3A_422 = arith.constant 0 : i32
      %dma_start3A_423 = tpu.memref_slice %arg7[%dma_start3A_421, %dma_start3A_422] : memref<48x128xf32, #tpu.memory_space<vmem_shared>> -> memref<48x128xf32, #tpu.memory_space<vmem_shared>>
      tpu.enqueue_indirect_dma source(%dma_start3A_423 : memref<48x128xf32, #tpu.memory_space<vmem_shared>>) target(%dma_start3A_417 : memref<128x128xf32, #tpu.memory_space<vmem>>) offsets(%dma_start3A_420 : memref<128xi32, #tpu.memory_space<vmem>>) semaphore(%arg10 : memref<!tpu.dma_semaphore, #tpu.memory_space<semaphore_mem>>)
      %dma_wait3A_424 = arith.constant 1 : i32
      %dma_wait3A_425 = arith.constant 0 : i32
      %dma_wait3A_426 = arith.constant 0 : i32
      %dma_wait3A_427 = tpu.memref_slice %arg6[%dma_wait3A_424, %dma_wait3A_425, %dma_wait3A_426] : memref<4x128x128xf32, #tpu.memory_space<vmem>> -> memref<1x128x128xf32, #tpu.memory_space<vmem>>
      %dma_wait3A_428 = tpu.memref_squeeze %dma_wait3A_427 : memref<1x128x128xf32, #tpu.memory_space<vmem>> -> memref<128x128xf32, #tpu.memory_space<vmem>>
      %dma_wait3A_429 = arith.constant 0 : i32
      %dma_wait3A_430 = tpu.memref_slice %arg4[%mul3A_2, %dma_wait3A_429] : memref<3276800x128xf32, #tpu.memory_space<hbm>> -> memref<128x128xf32, #tpu.memory_space<hbm>>
      %dma_wait3A_431 = arith.constant 0 : i32
      %dma_wait3A_432 = tpu.memref_slice %arg4[%mul3A_2, %dma_wait3A_431] : memref<3276800x128xf32, #tpu.memory_space<hbm>> -> memref<128x128xf32, #tpu.memory_space<hbm>>
      %dma_wait3A_433 = arith.constant 0 : i32
      %dma_wait3A_434 = arith.constant 0 : i32
      %dma_wait3A_435 = tpu.memref_slice %arg6[%dma_wait3A_424, %dma_wait3A_433, %dma_wait3A_434] : memref<4x128x128xf32, #tpu.memory_space<vmem>> -> memref<1x128x128xf32, #tpu.memory_space<vmem>>
      %dma_wait3A_436 = tpu.memref_squeeze %dma_wait3A_435 : memref<1x128x128xf32, #tpu.memory_space<vmem>> -> memref<128x128xf32, #tpu.memory_space<vmem>>
      tpu.wait_dma2 semaphore(%arg15 : memref<!tpu.dma_semaphore, #tpu.memory_space<semaphore_mem>>) src(%dma_wait3A_436 : memref<128x128xf32, #tpu.memory_space<vmem>>) dst(%dma_wait3A_432 : memref<128x128xf32, #tpu.memory_space<hbm>>)
      %mul3A_437 = arith.constant 4 : i32
      %mul3A_438 = arith.muli %scan3A_394, %mul3A_437 : i32
      %add3A_439 = arith.constant 1 : i32
      %add3A_440 = arith.addi %mul3A_438, %add3A_439 : i32
      %dma_start3A_441 = arith.constant 0 : i32
      %dma_start3A_442 = arith.constant 1 : i32
      %dma_start3A_443 = arith.constant 0 : i32
      %dma_start3A_444 = arith.constant 0 : i32
      %dma_start3A_445 = tpu.memref_slice %arg6[%dma_start3A_442, %dma_start3A_443, %dma_start3A_444] : memref<4x128x128xf32, #tpu.memory_space<vmem>> -> memref<1x128x128xf32, #tpu.memory_space<vmem>>
      %dma_start3A_446 = tpu.memref_squeeze %dma_start3A_445 : memref<1x128x128xf32, #tpu.memory_space<vmem>> -> memref<128x128xf32, #tpu.memory_space<vmem>>
      %dma_start3A_447 = arith.constant 0 : i32
      %dma_start3A_448 = tpu.memref_slice %arg5[%dma_start3A_441, %add3A_440, %dma_start3A_447] : memref<2x80x128xi32, #tpu.memory_space<vmem>> -> memref<1x1x128xi32, #tpu.memory_space<vmem>>
      %dma_start3A_449 = tpu.memref_squeeze %dma_start3A_448 : memref<1x1x128xi32, #tpu.memory_space<vmem>> -> memref<128xi32, #tpu.memory_space<vmem>>
      %dma_start3A_450 = arith.constant 0 : i32
      %dma_start3A_451 = arith.constant 0 : i32
      %dma_start3A_452 = tpu.memref_slice %arg7[%dma_start3A_450, %dma_start3A_451] : memref<48x128xf32, #tpu.memory_space<vmem_shared>> -> memref<48x128xf32, #tpu.memory_space<vmem_shared>>
      tpu.enqueue_indirect_dma source(%dma_start3A_452 : memref<48x128xf32, #tpu.memory_space<vmem_shared>>) target(%dma_start3A_446 : memref<128x128xf32, #tpu.memory_space<vmem>>) offsets(%dma_start3A_449 : memref<128xi32, #tpu.memory_space<vmem>>) semaphore(%arg11 : memref<!tpu.dma_semaphore, #tpu.memory_space<semaphore_mem>>)
      %dma_wait3A_453 = arith.constant 2 : i32
      %dma_wait3A_454 = arith.constant 0 : i32
      %dma_wait3A_455 = arith.constant 0 : i32
      %dma_wait3A_456 = tpu.memref_slice %arg6[%dma_wait3A_453, %dma_wait3A_454, %dma_wait3A_455] : memref<4x128x128xf32, #tpu.memory_space<vmem>> -> memref<1x128x128xf32, #tpu.memory_space<vmem>>
      %dma_wait3A_457 = tpu.memref_squeeze %dma_wait3A_456 : memref<1x128x128xf32, #tpu.memory_space<vmem>> -> memref<128x128xf32, #tpu.memory_space<vmem>>
      %dma_wait3A_458 = arith.constant 0 : i32
      %dma_wait3A_459 = tpu.memref_slice %arg4[%mul3A_2, %dma_wait3A_458] : memref<3276800x128xf32, #tpu.memory_space<hbm>> -> memref<128x128xf32, #tpu.memory_space<hbm>>
      %dma_wait3A_460 = arith.constant 0 : i32
      %dma_wait3A_461 = tpu.memref_slice %arg4[%mul3A_2, %dma_wait3A_460] : memref<3276800x128xf32, #tpu.memory_space<hbm>> -> memref<128x128xf32, #tpu.memory_space<hbm>>
      %dma_wait3A_462 = arith.constant 0 : i32
      %dma_wait3A_463 = arith.constant 0 : i32
      %dma_wait3A_464 = tpu.memref_slice %arg6[%dma_wait3A_453, %dma_wait3A_462, %dma_wait3A_463] : memref<4x128x128xf32, #tpu.memory_space<vmem>> -> memref<1x128x128xf32, #tpu.memory_space<vmem>>
      %dma_wait3A_465 = tpu.memref_squeeze %dma_wait3A_464 : memref<1x128x128xf32, #tpu.memory_space<vmem>> -> memref<128x128xf32, #tpu.memory_space<vmem>>
      tpu.wait_dma2 semaphore(%arg16 : memref<!tpu.dma_semaphore, #tpu.memory_space<semaphore_mem>>) src(%dma_wait3A_465 : memref<128x128xf32, #tpu.memory_space<vmem>>) dst(%dma_wait3A_461 : memref<128x128xf32, #tpu.memory_space<hbm>>)
      %mul3A_466 = arith.constant 4 : i32
      %mul3A_467 = arith.muli %scan3A_394, %mul3A_466 : i32
      %add3A_468 = arith.constant 2 : i32
      %add3A_469 = arith.addi %mul3A_467, %add3A_468 : i32
      %dma_start3A_470 = arith.constant 0 : i32
      %dma_start3A_471 = arith.constant 2 : i32
      %dma_start3A_472 = arith.constant 0 : i32
      %dma_start3A_473 = arith.constant 0 : i32
      %dma_start3A_474 = tpu.memref_slice %arg6[%dma_start3A_471, %dma_start3A_472, %dma_start3A_473] : memref<4x128x128xf32, #tpu.memory_space<vmem>> -> memref<1x128x128xf32, #tpu.memory_space<vmem>>
      %dma_start3A_475 = tpu.memref_squeeze %dma_start3A_474 : memref<1x128x128xf32, #tpu.memory_space<vmem>> -> memref<128x128xf32, #tpu.memory_space<vmem>>
      %dma_start3A_476 = arith.constant 0 : i32
      %dma_start3A_477 = tpu.memref_slice %arg5[%dma_start3A_470, %add3A_469, %dma_start3A_476] : memref<2x80x128xi32, #tpu.memory_space<vmem>> -> memref<1x1x128xi32, #tpu.memory_space<vmem>>
      %dma_start3A_478 = tpu.memref_squeeze %dma_start3A_477 : memref<1x1x128xi32, #tpu.memory_space<vmem>> -> memref<128xi32, #tpu.memory_space<vmem>>
      %dma_start3A_479 = arith.constant 0 : i32
      %dma_start3A_480 = arith.constant 0 : i32
      %dma_start3A_481 = tpu.memref_slice %arg7[%dma_start3A_479, %dma_start3A_480] : memref<48x128xf32, #tpu.memory_space<vmem_shared>> -> memref<48x128xf32, #tpu.memory_space<vmem_shared>>
      tpu.enqueue_indirect_dma source(%dma_start3A_481 : memref<48x128xf32, #tpu.memory_space<vmem_shared>>) target(%dma_start3A_475 : memref<128x128xf32, #tpu.memory_space<vmem>>) offsets(%dma_start3A_478 : memref<128xi32, #tpu.memory_space<vmem>>) semaphore(%arg12 : memref<!tpu.dma_semaphore, #tpu.memory_space<semaphore_mem>>)
      %dma_wait3A_482 = arith.constant 3 : i32
      %dma_wait3A_483 = arith.constant 0 : i32
      %dma_wait3A_484 = arith.constant 0 : i32
      %dma_wait3A_485 = tpu.memref_slice %arg6[%dma_wait3A_482, %dma_wait3A_483, %dma_wait3A_484] : memref<4x128x128xf32, #tpu.memory_space<vmem>> -> memref<1x128x128xf32, #tpu.memory_space<vmem>>
      %dma_wait3A_486 = tpu.memref_squeeze %dma_wait3A_485 : memref<1x128x128xf32, #tpu.memory_space<vmem>> -> memref<128x128xf32, #tpu.memory_space<vmem>>
      %dma_wait3A_487 = arith.constant 0 : i32
      %dma_wait3A_488 = tpu.memref_slice %arg4[%mul3A_2, %dma_wait3A_487] : memref<3276800x128xf32, #tpu.memory_space<hbm>> -> memref<128x128xf32, #tpu.memory_space<hbm>>
      %dma_wait3A_489 = arith.constant 0 : i32
      %dma_wait3A_490 = tpu.memref_slice %arg4[%mul3A_2, %dma_wait3A_489] : memref<3276800x128xf32, #tpu.memory_space<hbm>> -> memref<128x128xf32, #tpu.memory_space<hbm>>
      %dma_wait3A_491 = arith.constant 0 : i32
      %dma_wait3A_492 = arith.constant 0 : i32
      %dma_wait3A_493 = tpu.memref_slice %arg6[%dma_wait3A_482, %dma_wait3A_491, %dma_wait3A_492] : memref<4x128x128xf32, #tpu.memory_space<vmem>> -> memref<1x128x128xf32, #tpu.memory_space<vmem>>
      %dma_wait3A_494 = tpu.memref_squeeze %dma_wait3A_493 : memref<1x128x128xf32, #tpu.memory_space<vmem>> -> memref<128x128xf32, #tpu.memory_space<vmem>>
      tpu.wait_dma2 semaphore(%arg17 : memref<!tpu.dma_semaphore, #tpu.memory_space<semaphore_mem>>) src(%dma_wait3A_494 : memref<128x128xf32, #tpu.memory_space<vmem>>) dst(%dma_wait3A_490 : memref<128x128xf32, #tpu.memory_space<hbm>>)
      %mul3A_495 = arith.constant 4 : i32
      %mul3A_496 = arith.muli %scan3A_394, %mul3A_495 : i32
      %add3A_497 = arith.constant 3 : i32
      %add3A_498 = arith.addi %mul3A_496, %add3A_497 : i32
      %dma_start3A_499 = arith.constant 0 : i32
      %dma_start3A_500 = arith.constant 3 : i32
      %dma_start3A_501 = arith.constant 0 : i32
      %dma_start3A_502 = arith.constant 0 : i32
      %dma_start3A_503 = tpu.memref_slice %arg6[%dma_start3A_500, %dma_start3A_501, %dma_start3A_502] : memref<4x128x128xf32, #tpu.memory_space<vmem>> -> memref<1x128x128xf32, #tpu.memory_space<vmem>>
      %dma_start3A_504 = tpu.memref_squeeze %dma_start3A_503 : memref<1x128x128xf32, #tpu.memory_space<vmem>> -> memref<128x128xf32, #tpu.memory_space<vmem>>
      %dma_start3A_505 = arith.constant 0 : i32
      %dma_start3A_506 = tpu.memref_slice %arg5[%dma_start3A_499, %add3A_498, %dma_start3A_505] : memref<2x80x128xi32, #tpu.memory_space<vmem>> -> memref<1x1x128xi32, #tpu.memory_space<vmem>>
      %dma_start3A_507 = tpu.memref_squeeze %dma_start3A_506 : memref<1x1x128xi32, #tpu.memory_space<vmem>> -> memref<128xi32, #tpu.memory_space<vmem>>
      %dma_start3A_508 = arith.constant 0 : i32
      %dma_start3A_509 = arith.constant 0 : i32
      %dma_start3A_510 = tpu.memref_slice %arg7[%dma_start3A_508, %dma_start3A_509] : memref<48x128xf32, #tpu.memory_space<vmem_shared>> -> memref<48x128xf32, #tpu.memory_space<vmem_shared>>
      tpu.enqueue_indirect_dma source(%dma_start3A_510 : memref<48x128xf32, #tpu.memory_space<vmem_shared>>) target(%dma_start3A_504 : memref<128x128xf32, #tpu.memory_space<vmem>>) offsets(%dma_start3A_507 : memref<128xi32, #tpu.memory_space<vmem>>) semaphore(%arg13 : memref<!tpu.dma_semaphore, #tpu.memory_space<semaphore_mem>>)
      %mul3A_511 = arith.constant 4 : i32
      %mul3A_512 = arith.muli %scan3A_394, %mul3A_511 : i32
      %add3A_513 = arith.constant 0 : i32
      %add3A_514 = arith.addi %mul3A_512, %add3A_513 : i32
      %dma_wait3A_515 = arith.constant 0 : i32
      %dma_wait3A_516 = arith.constant 0 : i32
      %dma_wait3A_517 = arith.constant 0 : i32
      %dma_wait3A_518 = arith.constant 0 : i32
      %dma_wait3A_519 = tpu.memref_slice %arg6[%dma_wait3A_516, %dma_wait3A_517, %dma_wait3A_518] : memref<4x128x128xf32, #tpu.memory_space<vmem>> -> memref<1x128x128xf32, #tpu.memory_space<vmem>>
      %dma_wait3A_520 = tpu.memref_squeeze %dma_wait3A_519 : memref<1x128x128xf32, #tpu.memory_space<vmem>> -> memref<128x128xf32, #tpu.memory_space<vmem>>
      %dma_wait3A_521 = arith.constant 0 : i32
      %dma_wait3A_522 = tpu.memref_slice %arg5[%dma_wait3A_515, %add3A_514, %dma_wait3A_521] : memref<2x80x128xi32, #tpu.memory_space<vmem>> -> memref<1x1x128xi32, #tpu.memory_space<vmem>>
      %dma_wait3A_523 = tpu.memref_squeeze %dma_wait3A_522 : memref<1x1x128xi32, #tpu.memory_space<vmem>> -> memref<128xi32, #tpu.memory_space<vmem>>
      %dma_wait3A_524 = arith.constant 0 : i32
      %dma_wait3A_525 = arith.constant 0 : i32
      %dma_wait3A_526 = tpu.memref_slice %arg7[%dma_wait3A_524, %dma_wait3A_525] : memref<48x128xf32, #tpu.memory_space<vmem_shared>> -> memref<48x128xf32, #tpu.memory_space<vmem_shared>>
      tpu.wait_indirect_dma semaphore(%arg10 : memref<!tpu.dma_semaphore, #tpu.memory_space<semaphore_mem>>) src(%dma_wait3A_526 : memref<48x128xf32, #tpu.memory_space<vmem_shared>>) dst(%dma_wait3A_520 : memref<128x128xf32, #tpu.memory_space<vmem>>)
      %add3A_527 = arith.constant 480 : i32
      %add3A_528 = arith.addi %mul3A_2, %add3A_527 : i32
      %mul3A_529 = arith.constant 4 : i32
      %mul3A_530 = arith.muli %scan3A_394, %mul3A_529 : i32
      %add3A_531 = arith.addi %add3A_528, %mul3A_530 : i32
      %add3A_532 = arith.constant 0 : i32
      %add3A_533 = arith.addi %add3A_531, %add3A_532 : i32
      %mul3A_534 = arith.constant 128 : i32
      %mul3A_535 = arith.muli %add3A_533, %mul3A_534 : i32
      %dma_start3A_536 = arith.constant 0 : i32
      %dma_start3A_537 = arith.constant 0 : i32
      %dma_start3A_538 = arith.constant 0 : i32
      %dma_start3A_539 = tpu.memref_slice %arg6[%dma_start3A_536, %dma_start3A_537, %dma_start3A_538] : memref<4x128x128xf32, #tpu.memory_space<vmem>> -> memref<1x128x128xf32, #tpu.memory_space<vmem>>
      %dma_start3A_540 = tpu.memref_squeeze %dma_start3A_539 : memref<1x128x128xf32, #tpu.memory_space<vmem>> -> memref<128x128xf32, #tpu.memory_space<vmem>>
      %dma_start3A_541 = arith.constant 0 : i32
      %dma_start3A_542 = tpu.memref_slice %arg4[%mul3A_535, %dma_start3A_541] : memref<3276800x128xf32, #tpu.memory_space<hbm>> -> memref<128x128xf32, #tpu.memory_space<hbm>>
      %dma_start3A_543 = arith.constant 0 : i32
      %dma_start3A_544 = tpu.memref_slice %arg4[%mul3A_535, %dma_start3A_543] : memref<3276800x128xf32, #tpu.memory_space<hbm>> -> memref<128x128xf32, #tpu.memory_space<hbm>>
      %dma_start3A_545 = arith.constant 0 : i32
      %dma_start3A_546 = arith.constant 0 : i32
      %dma_start3A_547 = tpu.memref_slice %arg6[%dma_start3A_536, %dma_start3A_545, %dma_start3A_546] : memref<4x128x128xf32, #tpu.memory_space<vmem>> -> memref<1x128x128xf32, #tpu.memory_space<vmem>>
      %dma_start3A_548 = tpu.memref_squeeze %dma_start3A_547 : memref<1x128x128xf32, #tpu.memory_space<vmem>> -> memref<128x128xf32, #tpu.memory_space<vmem>>
      tpu.enqueue_dma source(%dma_start3A_548 : memref<128x128xf32, #tpu.memory_space<vmem>>) target(%dma_start3A_544 : memref<128x128xf32, #tpu.memory_space<hbm>>) target_semaphore(%arg14 : memref<!tpu.dma_semaphore, #tpu.memory_space<semaphore_mem>>)
      %mul3A_549 = arith.constant 4 : i32
      %mul3A_550 = arith.muli %scan3A_394, %mul3A_549 : i32
      %add3A_551 = arith.constant 1 : i32
      %add3A_552 = arith.addi %mul3A_550, %add3A_551 : i32
      %dma_wait3A_553 = arith.constant 0 : i32
      %dma_wait3A_554 = arith.constant 1 : i32
      %dma_wait3A_555 = arith.constant 0 : i32
      %dma_wait3A_556 = arith.constant 0 : i32
      %dma_wait3A_557 = tpu.memref_slice %arg6[%dma_wait3A_554, %dma_wait3A_555, %dma_wait3A_556] : memref<4x128x128xf32, #tpu.memory_space<vmem>> -> memref<1x128x128xf32, #tpu.memory_space<vmem>>
      %dma_wait3A_558 = tpu.memref_squeeze %dma_wait3A_557 : memref<1x128x128xf32, #tpu.memory_space<vmem>> -> memref<128x128xf32, #tpu.memory_space<vmem>>
      %dma_wait3A_559 = arith.constant 0 : i32
      %dma_wait3A_560 = tpu.memref_slice %arg5[%dma_wait3A_553, %add3A_552, %dma_wait3A_559] : memref<2x80x128xi32, #tpu.memory_space<vmem>> -> memref<1x1x128xi32, #tpu.memory_space<vmem>>
      %dma_wait3A_561 = tpu.memref_squeeze %dma_wait3A_560 : memref<1x1x128xi32, #tpu.memory_space<vmem>> -> memref<128xi32, #tpu.memory_space<vmem>>
      %dma_wait3A_562 = arith.constant 0 : i32
      %dma_wait3A_563 = arith.constant 0 : i32
      %dma_wait3A_564 = tpu.memref_slice %arg7[%dma_wait3A_562, %dma_wait3A_563] : memref<48x128xf32, #tpu.memory_space<vmem_shared>> -> memref<48x128xf32, #tpu.memory_space<vmem_shared>>
      tpu.wait_indirect_dma semaphore(%arg11 : memref<!tpu.dma_semaphore, #tpu.memory_space<semaphore_mem>>) src(%dma_wait3A_564 : memref<48x128xf32, #tpu.memory_space<vmem_shared>>) dst(%dma_wait3A_558 : memref<128x128xf32, #tpu.memory_space<vmem>>)
      %add3A_565 = arith.constant 480 : i32
      %add3A_566 = arith.addi %mul3A_2, %add3A_565 : i32
      %mul3A_567 = arith.constant 4 : i32
      %mul3A_568 = arith.muli %scan3A_394, %mul3A_567 : i32
      %add3A_569 = arith.addi %add3A_566, %mul3A_568 : i32
      %add3A_570 = arith.constant 1 : i32
      %add3A_571 = arith.addi %add3A_569, %add3A_570 : i32
      %mul3A_572 = arith.constant 128 : i32
      %mul3A_573 = arith.muli %add3A_571, %mul3A_572 : i32
      %dma_start3A_574 = arith.constant 1 : i32
      %dma_start3A_575 = arith.constant 0 : i32
      %dma_start3A_576 = arith.constant 0 : i32
      %dma_start3A_577 = tpu.memref_slice %arg6[%dma_start3A_574, %dma_start3A_575, %dma_start3A_576] : memref<4x128x128xf32, #tpu.memory_space<vmem>> -> memref<1x128x128xf32, #tpu.memory_space<vmem>>
      %dma_start3A_578 = tpu.memref_squeeze %dma_start3A_577 : memref<1x128x128xf32, #tpu.memory_space<vmem>> -> memref<128x128xf32, #tpu.memory_space<vmem>>
      %dma_start3A_579 = arith.constant 0 : i32
      %dma_start3A_580 = tpu.memref_slice %arg4[%mul3A_573, %dma_start3A_579] : memref<3276800x128xf32, #tpu.memory_space<hbm>> -> memref<128x128xf32, #tpu.memory_space<hbm>>
      %dma_start3A_581 = arith.constant 0 : i32
      %dma_start3A_582 = tpu.memref_slice %arg4[%mul3A_573, %dma_start3A_581] : memref<3276800x128xf32, #tpu.memory_space<hbm>> -> memref<128x128xf32, #tpu.memory_space<hbm>>
      %dma_start3A_583 = arith.constant 0 : i32
      %dma_start3A_584 = arith.constant 0 : i32
      %dma_start3A_585 = tpu.memref_slice %arg6[%dma_start3A_574, %dma_start3A_583, %dma_start3A_584] : memref<4x128x128xf32, #tpu.memory_space<vmem>> -> memref<1x128x128xf32, #tpu.memory_space<vmem>>
      %dma_start3A_586 = tpu.memref_squeeze %dma_start3A_585 : memref<1x128x128xf32, #tpu.memory_space<vmem>> -> memref<128x128xf32, #tpu.memory_space<vmem>>
      tpu.enqueue_dma source(%dma_start3A_586 : memref<128x128xf32, #tpu.memory_space<vmem>>) target(%dma_start3A_582 : memref<128x128xf32, #tpu.memory_space<hbm>>) target_semaphore(%arg15 : memref<!tpu.dma_semaphore, #tpu.memory_space<semaphore_mem>>)
      %mul3A_587 = arith.constant 4 : i32
      %mul3A_588 = arith.muli %scan3A_394, %mul3A_587 : i32
      %add3A_589 = arith.constant 2 : i32
      %add3A_590 = arith.addi %mul3A_588, %add3A_589 : i32
      %dma_wait3A_591 = arith.constant 0 : i32
      %dma_wait3A_592 = arith.constant 2 : i32
      %dma_wait3A_593 = arith.constant 0 : i32
      %dma_wait3A_594 = arith.constant 0 : i32
      %dma_wait3A_595 = tpu.memref_slice %arg6[%dma_wait3A_592, %dma_wait3A_593, %dma_wait3A_594] : memref<4x128x128xf32, #tpu.memory_space<vmem>> -> memref<1x128x128xf32, #tpu.memory_space<vmem>>
      %dma_wait3A_596 = tpu.memref_squeeze %dma_wait3A_595 : memref<1x128x128xf32, #tpu.memory_space<vmem>> -> memref<128x128xf32, #tpu.memory_space<vmem>>
      %dma_wait3A_597 = arith.constant 0 : i32
      %dma_wait3A_598 = tpu.memref_slice %arg5[%dma_wait3A_591, %add3A_590, %dma_wait3A_597] : memref<2x80x128xi32, #tpu.memory_space<vmem>> -> memref<1x1x128xi32, #tpu.memory_space<vmem>>
      %dma_wait3A_599 = tpu.memref_squeeze %dma_wait3A_598 : memref<1x1x128xi32, #tpu.memory_space<vmem>> -> memref<128xi32, #tpu.memory_space<vmem>>
      %dma_wait3A_600 = arith.constant 0 : i32
      %dma_wait3A_601 = arith.constant 0 : i32
      %dma_wait3A_602 = tpu.memref_slice %arg7[%dma_wait3A_600, %dma_wait3A_601] : memref<48x128xf32, #tpu.memory_space<vmem_shared>> -> memref<48x128xf32, #tpu.memory_space<vmem_shared>>
      tpu.wait_indirect_dma semaphore(%arg12 : memref<!tpu.dma_semaphore, #tpu.memory_space<semaphore_mem>>) src(%dma_wait3A_602 : memref<48x128xf32, #tpu.memory_space<vmem_shared>>) dst(%dma_wait3A_596 : memref<128x128xf32, #tpu.memory_space<vmem>>)
      %add3A_603 = arith.constant 480 : i32
      %add3A_604 = arith.addi %mul3A_2, %add3A_603 : i32
      %mul3A_605 = arith.constant 4 : i32
      %mul3A_606 = arith.muli %scan3A_394, %mul3A_605 : i32
      %add3A_607 = arith.addi %add3A_604, %mul3A_606 : i32
      %add3A_608 = arith.constant 2 : i32
      %add3A_609 = arith.addi %add3A_607, %add3A_608 : i32
      %mul3A_610 = arith.constant 128 : i32
      %mul3A_611 = arith.muli %add3A_609, %mul3A_610 : i32
      %dma_start3A_612 = arith.constant 2 : i32
      %dma_start3A_613 = arith.constant 0 : i32
      %dma_start3A_614 = arith.constant 0 : i32
      %dma_start3A_615 = tpu.memref_slice %arg6[%dma_start3A_612, %dma_start3A_613, %dma_start3A_614] : memref<4x128x128xf32, #tpu.memory_space<vmem>> -> memref<1x128x128xf32, #tpu.memory_space<vmem>>
      %dma_start3A_616 = tpu.memref_squeeze %dma_start3A_615 : memref<1x128x128xf32, #tpu.memory_space<vmem>> -> memref<128x128xf32, #tpu.memory_space<vmem>>
      %dma_start3A_617 = arith.constant 0 : i32
      %dma_start3A_618 = tpu.memref_slice %arg4[%mul3A_611, %dma_start3A_617] : memref<3276800x128xf32, #tpu.memory_space<hbm>> -> memref<128x128xf32, #tpu.memory_space<hbm>>
      %dma_start3A_619 = arith.constant 0 : i32
      %dma_start3A_620 = tpu.memref_slice %arg4[%mul3A_611, %dma_start3A_619] : memref<3276800x128xf32, #tpu.memory_space<hbm>> -> memref<128x128xf32, #tpu.memory_space<hbm>>
      %dma_start3A_621 = arith.constant 0 : i32
      %dma_start3A_622 = arith.constant 0 : i32
      %dma_start3A_623 = tpu.memref_slice %arg6[%dma_start3A_612, %dma_start3A_621, %dma_start3A_622] : memref<4x128x128xf32, #tpu.memory_space<vmem>> -> memref<1x128x128xf32, #tpu.memory_space<vmem>>
      %dma_start3A_624 = tpu.memref_squeeze %dma_start3A_623 : memref<1x128x128xf32, #tpu.memory_space<vmem>> -> memref<128x128xf32, #tpu.memory_space<vmem>>
      tpu.enqueue_dma source(%dma_start3A_624 : memref<128x128xf32, #tpu.memory_space<vmem>>) target(%dma_start3A_620 : memref<128x128xf32, #tpu.memory_space<hbm>>) target_semaphore(%arg16 : memref<!tpu.dma_semaphore, #tpu.memory_space<semaphore_mem>>)
      %mul3A_625 = arith.constant 4 : i32
      %mul3A_626 = arith.muli %scan3A_394, %mul3A_625 : i32
      %add3A_627 = arith.constant 3 : i32
      %add3A_628 = arith.addi %mul3A_626, %add3A_627 : i32
      %dma_wait3A_629 = arith.constant 0 : i32
      %dma_wait3A_630 = arith.constant 3 : i32
      %dma_wait3A_631 = arith.constant 0 : i32
      %dma_wait3A_632 = arith.constant 0 : i32
      %dma_wait3A_633 = tpu.memref_slice %arg6[%dma_wait3A_630, %dma_wait3A_631, %dma_wait3A_632] : memref<4x128x128xf32, #tpu.memory_space<vmem>> -> memref<1x128x128xf32, #tpu.memory_space<vmem>>
      %dma_wait3A_634 = tpu.memref_squeeze %dma_wait3A_633 : memref<1x128x128xf32, #tpu.memory_space<vmem>> -> memref<128x128xf32, #tpu.memory_space<vmem>>
      %dma_wait3A_635 = arith.constant 0 : i32
      %dma_wait3A_636 = tpu.memref_slice %arg5[%dma_wait3A_629, %add3A_628, %dma_wait3A_635] : memref<2x80x128xi32, #tpu.memory_space<vmem>> -> memref<1x1x128xi32, #tpu.memory_space<vmem>>
      %dma_wait3A_637 = tpu.memref_squeeze %dma_wait3A_636 : memref<1x1x128xi32, #tpu.memory_space<vmem>> -> memref<128xi32, #tpu.memory_space<vmem>>
      %dma_wait3A_638 = arith.constant 0 : i32
      %dma_wait3A_639 = arith.constant 0 : i32
      %dma_wait3A_640 = tpu.memref_slice %arg7[%dma_wait3A_638, %dma_wait3A_639] : memref<48x128xf32, #tpu.memory_space<vmem_shared>> -> memref<48x128xf32, #tpu.memory_space<vmem_shared>>
      tpu.wait_indirect_dma semaphore(%arg13 : memref<!tpu.dma_semaphore, #tpu.memory_space<semaphore_mem>>) src(%dma_wait3A_640 : memref<48x128xf32, #tpu.memory_space<vmem_shared>>) dst(%dma_wait3A_634 : memref<128x128xf32, #tpu.memory_space<vmem>>)
      %add3A_641 = arith.constant 480 : i32
      %add3A_642 = arith.addi %mul3A_2, %add3A_641 : i32
      %mul3A_643 = arith.constant 4 : i32
      %mul3A_644 = arith.muli %scan3A_394, %mul3A_643 : i32
      %add3A_645 = arith.addi %add3A_642, %mul3A_644 : i32
      %add3A_646 = arith.constant 3 : i32
      %add3A_647 = arith.addi %add3A_645, %add3A_646 : i32
      %mul3A_648 = arith.constant 128 : i32
      %mul3A_649 = arith.muli %add3A_647, %mul3A_648 : i32
      %dma_start3A_650 = arith.constant 3 : i32
      %dma_start3A_651 = arith.constant 0 : i32
      %dma_start3A_652 = arith.constant 0 : i32
      %dma_start3A_653 = tpu.memref_slice %arg6[%dma_start3A_650, %dma_start3A_651, %dma_start3A_652] : memref<4x128x128xf32, #tpu.memory_space<vmem>> -> memref<1x128x128xf32, #tpu.memory_space<vmem>>
      %dma_start3A_654 = tpu.memref_squeeze %dma_start3A_653 : memref<1x128x128xf32, #tpu.memory_space<vmem>> -> memref<128x128xf32, #tpu.memory_space<vmem>>
      %dma_start3A_655 = arith.constant 0 : i32
      %dma_start3A_656 = tpu.memref_slice %arg4[%mul3A_649, %dma_start3A_655] : memref<3276800x128xf32, #tpu.memory_space<hbm>> -> memref<128x128xf32, #tpu.memory_space<hbm>>
      %dma_start3A_657 = arith.constant 0 : i32
      %dma_start3A_658 = tpu.memref_slice %arg4[%mul3A_649, %dma_start3A_657] : memref<3276800x128xf32, #tpu.memory_space<hbm>> -> memref<128x128xf32, #tpu.memory_space<hbm>>
      %dma_start3A_659 = arith.constant 0 : i32
      %dma_start3A_660 = arith.constant 0 : i32
      %dma_start3A_661 = tpu.memref_slice %arg6[%dma_start3A_650, %dma_start3A_659, %dma_start3A_660] : memref<4x128x128xf32, #tpu.memory_space<vmem>> -> memref<1x128x128xf32, #tpu.memory_space<vmem>>
      %dma_start3A_662 = tpu.memref_squeeze %dma_start3A_661 : memref<1x128x128xf32, #tpu.memory_space<vmem>> -> memref<128x128xf32, #tpu.memory_space<vmem>>
      tpu.enqueue_dma source(%dma_start3A_662 : memref<128x128xf32, #tpu.memory_space<vmem>>) target(%dma_start3A_658 : memref<128x128xf32, #tpu.memory_space<hbm>>) target_semaphore(%arg17 : memref<!tpu.dma_semaphore, #tpu.memory_space<semaphore_mem>>)
    }
    %scan3A_254 = arith.constant 20 : i32
    %dma_wait3A_255 = arith.constant 1 : i32
    %dma_wait3A_256 = arith.constant 0 : i32
    %dma_wait3A_257 = arith.constant 0 : i32
    %dma_wait3A_258 = tpu.memref_slice %arg5[%dma_wait3A_255, %dma_wait3A_256, %dma_wait3A_257] : memref<2x80x128xi32, #tpu.memory_space<vmem>> -> memref<1x80x128xi32, #tpu.memory_space<vmem>>
    %dma_wait3A_259 = tpu.memref_squeeze %dma_wait3A_258 : memref<1x80x128xi32, #tpu.memory_space<vmem>> -> memref<80x128xi32, #tpu.memory_space<vmem>>
    %dma_wait3A_260 = arith.constant 0 : i32
    %dma_wait3A_261 = tpu.memref_slice %arg2[%mul3A_2, %dma_wait3A_260] : memref<25600x128xi32, #tpu.memory_space<hbm>> -> memref<80x128xi32, #tpu.memory_space<hbm>>
    %dma_wait3A_262 = arith.constant 0 : i32
    %dma_wait3A_263 = arith.constant 0 : i32
    %dma_wait3A_264 = tpu.memref_slice %arg5[%dma_wait3A_255, %dma_wait3A_262, %dma_wait3A_263] : memref<2x80x128xi32, #tpu.memory_space<vmem>> -> memref<1x80x128xi32, #tpu.memory_space<vmem>>
    %dma_wait3A_265 = tpu.memref_squeeze %dma_wait3A_264 : memref<1x80x128xi32, #tpu.memory_space<vmem>> -> memref<80x128xi32, #tpu.memory_space<vmem>>
    %dma_wait3A_266 = arith.constant 0 : i32
    %dma_wait3A_267 = tpu.memref_slice %arg2[%mul3A_2, %dma_wait3A_266] : memref<25600x128xi32, #tpu.memory_space<hbm>> -> memref<80x128xi32, #tpu.memory_space<hbm>>
    tpu.wait_dma2 semaphore(%arg9 : memref<!tpu.dma_semaphore, #tpu.memory_space<semaphore_mem>>) src(%dma_wait3A_267 : memref<80x128xi32, #tpu.memory_space<hbm>>) dst(%dma_wait3A_265 : memref<80x128xi32, #tpu.memory_space<vmem>>)
    %add3A_268 = arith.constant 640 : i32
    %add3A_269 = arith.addi %mul3A_2, %add3A_268 : i32
    %dma_start3A_270 = arith.constant 0 : i32
    %dma_start3A_271 = arith.constant 0 : i32
    %dma_start3A_272 = arith.constant 0 : i32
    %dma_start3A_273 = tpu.memref_slice %arg5[%dma_start3A_270, %dma_start3A_271, %dma_start3A_272] : memref<2x80x128xi32, #tpu.memory_space<vmem>> -> memref<1x80x128xi32, #tpu.memory_space<vmem>>
    %dma_start3A_274 = tpu.memref_squeeze %dma_start3A_273 : memref<1x80x128xi32, #tpu.memory_space<vmem>> -> memref<80x128xi32, #tpu.memory_space<vmem>>
    %dma_start3A_275 = arith.constant 0 : i32
    %dma_start3A_276 = tpu.memref_slice %arg2[%add3A_269, %dma_start3A_275] : memref<25600x128xi32, #tpu.memory_space<hbm>> -> memref<80x128xi32, #tpu.memory_space<hbm>>
    %dma_start3A_277 = arith.constant 0 : i32
    %dma_start3A_278 = arith.constant 0 : i32
    %dma_start3A_279 = tpu.memref_slice %arg5[%dma_start3A_270, %dma_start3A_277, %dma_start3A_278] : memref<2x80x128xi32, #tpu.memory_space<vmem>> -> memref<1x80x128xi32, #tpu.memory_space<vmem>>
    %dma_start3A_280 = tpu.memref_squeeze %dma_start3A_279 : memref<1x80x128xi32, #tpu.memory_space<vmem>> -> memref<80x128xi32, #tpu.memory_space<vmem>>
    %dma_start3A_281 = arith.constant 0 : i32
    %dma_start3A_282 = tpu.memref_slice %arg2[%add3A_269, %dma_start3A_281] : memref<25600x128xi32, #tpu.memory_space<hbm>> -> memref<80x128xi32, #tpu.memory_space<hbm>>
    tpu.enqueue_dma source(%dma_start3A_282 : memref<80x128xi32, #tpu.memory_space<hbm>>) target(%dma_start3A_280 : memref<80x128xi32, #tpu.memory_space<vmem>>) target_semaphore(%arg8 : memref<!tpu.dma_semaphore, #tpu.memory_space<semaphore_mem>>)
    %scan3A_283 = arith.constant 0 : i32
    %scan3A_284 = arith.constant 0 : i32
    %scan3A_285 = arith.constant 20 : i32
    %scan3A_286 = arith.addi %scan3A_284, %scan3A_285 : i32
    %scan3A_287 = arith.constant 1 : i32
    scf.for %scan3A_394 = %scan3A_284 to %scan3A_286 step %scan3A_287  : i32 {
      %dma_wait3A_395 = arith.constant 0 : i32
      %dma_wait3A_396 = arith.constant 0 : i32
      %dma_wait3A_397 = arith.constant 0 : i32
      %dma_wait3A_398 = tpu.memref_slice %arg6[%dma_wait3A_395, %dma_wait3A_396, %dma_wait3A_397] : memref<4x128x128xf32, #tpu.memory_space<vmem>> -> memref<1x128x128xf32, #tpu.memory_space<vmem>>
      %dma_wait3A_399 = tpu.memref_squeeze %dma_wait3A_398 : memref<1x128x128xf32, #tpu.memory_space<vmem>> -> memref<128x128xf32, #tpu.memory_space<vmem>>
      %dma_wait3A_400 = arith.constant 0 : i32
      %dma_wait3A_401 = tpu.memref_slice %arg4[%mul3A_2, %dma_wait3A_400] : memref<3276800x128xf32, #tpu.memory_space<hbm>> -> memref<128x128xf32, #tpu.memory_space<hbm>>
      %dma_wait3A_402 = arith.constant 0 : i32
      %dma_wait3A_403 = tpu.memref_slice %arg4[%mul3A_2, %dma_wait3A_402] : memref<3276800x128xf32, #tpu.memory_space<hbm>> -> memref<128x128xf32, #tpu.memory_space<hbm>>
      %dma_wait3A_404 = arith.constant 0 : i32
      %dma_wait3A_405 = arith.constant 0 : i32
      %dma_wait3A_406 = tpu.memref_slice %arg6[%dma_wait3A_395, %dma_wait3A_404, %dma_wait3A_405] : memref<4x128x128xf32, #tpu.memory_space<vmem>> -> memref<1x128x128xf32, #tpu.memory_space<vmem>>
      %dma_wait3A_407 = tpu.memref_squeeze %dma_wait3A_406 : memref<1x128x128xf32, #tpu.memory_space<vmem>> -> memref<128x128xf32, #tpu.memory_space<vmem>>
      tpu.wait_dma2 semaphore(%arg14 : memref<!tpu.dma_semaphore, #tpu.memory_space<semaphore_mem>>) src(%dma_wait3A_407 : memref<128x128xf32, #tpu.memory_space<vmem>>) dst(%dma_wait3A_403 : memref<128x128xf32, #tpu.memory_space<hbm>>)
      %mul3A_408 = arith.constant 4 : i32
      %mul3A_409 = arith.muli %scan3A_394, %mul3A_408 : i32
      %add3A_410 = arith.constant 0 : i32
      %add3A_411 = arith.addi %mul3A_409, %add3A_410 : i32
      %dma_start3A_412 = arith.constant 1 : i32
      %dma_start3A_413 = arith.constant 0 : i32
      %dma_start3A_414 = arith.constant 0 : i32
      %dma_start3A_415 = arith.constant 0 : i32
      %dma_start3A_416 = tpu.memref_slice %arg6[%dma_start3A_413, %dma_start3A_414, %dma_start3A_415] : memref<4x128x128xf32, #tpu.memory_space<vmem>> -> memref<1x128x128xf32, #tpu.memory_space<vmem>>
      %dma_start3A_417 = tpu.memref_squeeze %dma_start3A_416 : memref<1x128x128xf32, #tpu.memory_space<vmem>> -> memref<128x128xf32, #tpu.memory_space<vmem>>
      %dma_start3A_418 = arith.constant 0 : i32
      %dma_start3A_419 = tpu.memref_slice %arg5[%dma_start3A_412, %add3A_411, %dma_start3A_418] : memref<2x80x128xi32, #tpu.memory_space<vmem>> -> memref<1x1x128xi32, #tpu.memory_space<vmem>>
      %dma_start3A_420 = tpu.memref_squeeze %dma_start3A_419 : memref<1x1x128xi32, #tpu.memory_space<vmem>> -> memref<128xi32, #tpu.memory_space<vmem>>
      %dma_start3A_421 = arith.constant 0 : i32
      %dma_start3A_422 = arith.constant 0 : i32
      %dma_start3A_423 = tpu.memref_slice %arg7[%dma_start3A_421, %dma_start3A_422] : memref<48x128xf32, #tpu.memory_space<vmem_shared>> -> memref<48x128xf32, #tpu.memory_space<vmem_shared>>
      tpu.enqueue_indirect_dma source(%dma_start3A_423 : memref<48x128xf32, #tpu.memory_space<vmem_shared>>) target(%dma_start3A_417 : memref<128x128xf32, #tpu.memory_space<vmem>>) offsets(%dma_start3A_420 : memref<128xi32, #tpu.memory_space<vmem>>) semaphore(%arg10 : memref<!tpu.dma_semaphore, #tpu.memory_space<semaphore_mem>>)
      %dma_wait3A_424 = arith.constant 1 : i32
      %dma_wait3A_425 = arith.constant 0 : i32
      %dma_wait3A_426 = arith.constant 0 : i32
      %dma_wait3A_427 = tpu.memref_slice %arg6[%dma_wait3A_424, %dma_wait3A_425, %dma_wait3A_426] : memref<4x128x128xf32, #tpu.memory_space<vmem>> -> memref<1x128x128xf32, #tpu.memory_space<vmem>>
      %dma_wait3A_428 = tpu.memref_squeeze %dma_wait3A_427 : memref<1x128x128xf32, #tpu.memory_space<vmem>> -> memref<128x128xf32, #tpu.memory_space<vmem>>
      %dma_wait3A_429 = arith.constant 0 : i32
      %dma_wait3A_430 = tpu.memref_slice %arg4[%mul3A_2, %dma_wait3A_429] : memref<3276800x128xf32, #tpu.memory_space<hbm>> -> memref<128x128xf32, #tpu.memory_space<hbm>>
      %dma_wait3A_431 = arith.constant 0 : i32
      %dma_wait3A_432 = tpu.memref_slice %arg4[%mul3A_2, %dma_wait3A_431] : memref<3276800x128xf32, #tpu.memory_space<hbm>> -> memref<128x128xf32, #tpu.memory_space<hbm>>
      %dma_wait3A_433 = arith.constant 0 : i32
      %dma_wait3A_434 = arith.constant 0 : i32
      %dma_wait3A_435 = tpu.memref_slice %arg6[%dma_wait3A_424, %dma_wait3A_433, %dma_wait3A_434] : memref<4x128x128xf32, #tpu.memory_space<vmem>> -> memref<1x128x128xf32, #tpu.memory_space<vmem>>
      %dma_wait3A_436 = tpu.memref_squeeze %dma_wait3A_435 : memref<1x128x128xf32, #tpu.memory_space<vmem>> -> memref<128x128xf32, #tpu.memory_space<vmem>>
      tpu.wait_dma2 semaphore(%arg15 : memref<!tpu.dma_semaphore, #tpu.memory_space<semaphore_mem>>) src(%dma_wait3A_436 : memref<128x128xf32, #tpu.memory_space<vmem>>) dst(%dma_wait3A_432 : memref<128x128xf32, #tpu.memory_space<hbm>>)
      %mul3A_437 = arith.constant 4 : i32
      %mul3A_438 = arith.muli %scan3A_394, %mul3A_437 : i32
      %add3A_439 = arith.constant 1 : i32
      %add3A_440 = arith.addi %mul3A_438, %add3A_439 : i32
      %dma_start3A_441 = arith.constant 1 : i32
      %dma_start3A_442 = arith.constant 1 : i32
      %dma_start3A_443 = arith.constant 0 : i32
      %dma_start3A_444 = arith.constant 0 : i32
      %dma_start3A_445 = tpu.memref_slice %arg6[%dma_start3A_442, %dma_start3A_443, %dma_start3A_444] : memref<4x128x128xf32, #tpu.memory_space<vmem>> -> memref<1x128x128xf32, #tpu.memory_space<vmem>>
      %dma_start3A_446 = tpu.memref_squeeze %dma_start3A_445 : memref<1x128x128xf32, #tpu.memory_space<vmem>> -> memref<128x128xf32, #tpu.memory_space<vmem>>
      %dma_start3A_447 = arith.constant 0 : i32
      %dma_start3A_448 = tpu.memref_slice %arg5[%dma_start3A_441, %add3A_440, %dma_start3A_447] : memref<2x80x128xi32, #tpu.memory_space<vmem>> -> memref<1x1x128xi32, #tpu.memory_space<vmem>>
      %dma_start3A_449 = tpu.memref_squeeze %dma_start3A_448 : memref<1x1x128xi32, #tpu.memory_space<vmem>> -> memref<128xi32, #tpu.memory_space<vmem>>
      %dma_start3A_450 = arith.constant 0 : i32
      %dma_start3A_451 = arith.constant 0 : i32
      %dma_start3A_452 = tpu.memref_slice %arg7[%dma_start3A_450, %dma_start3A_451] : memref<48x128xf32, #tpu.memory_space<vmem_shared>> -> memref<48x128xf32, #tpu.memory_space<vmem_shared>>
      tpu.enqueue_indirect_dma source(%dma_start3A_452 : memref<48x128xf32, #tpu.memory_space<vmem_shared>>) target(%dma_start3A_446 : memref<128x128xf32, #tpu.memory_space<vmem>>) offsets(%dma_start3A_449 : memref<128xi32, #tpu.memory_space<vmem>>) semaphore(%arg11 : memref<!tpu.dma_semaphore, #tpu.memory_space<semaphore_mem>>)
      %dma_wait3A_453 = arith.constant 2 : i32
      %dma_wait3A_454 = arith.constant 0 : i32
      %dma_wait3A_455 = arith.constant 0 : i32
      %dma_wait3A_456 = tpu.memref_slice %arg6[%dma_wait3A_453, %dma_wait3A_454, %dma_wait3A_455] : memref<4x128x128xf32, #tpu.memory_space<vmem>> -> memref<1x128x128xf32, #tpu.memory_space<vmem>>
      %dma_wait3A_457 = tpu.memref_squeeze %dma_wait3A_456 : memref<1x128x128xf32, #tpu.memory_space<vmem>> -> memref<128x128xf32, #tpu.memory_space<vmem>>
      %dma_wait3A_458 = arith.constant 0 : i32
      %dma_wait3A_459 = tpu.memref_slice %arg4[%mul3A_2, %dma_wait3A_458] : memref<3276800x128xf32, #tpu.memory_space<hbm>> -> memref<128x128xf32, #tpu.memory_space<hbm>>
      %dma_wait3A_460 = arith.constant 0 : i32
      %dma_wait3A_461 = tpu.memref_slice %arg4[%mul3A_2, %dma_wait3A_460] : memref<3276800x128xf32, #tpu.memory_space<hbm>> -> memref<128x128xf32, #tpu.memory_space<hbm>>
      %dma_wait3A_462 = arith.constant 0 : i32
      %dma_wait3A_463 = arith.constant 0 : i32
      %dma_wait3A_464 = tpu.memref_slice %arg6[%dma_wait3A_453, %dma_wait3A_462, %dma_wait3A_463] : memref<4x128x128xf32, #tpu.memory_space<vmem>> -> memref<1x128x128xf32, #tpu.memory_space<vmem>>
      %dma_wait3A_465 = tpu.memref_squeeze %dma_wait3A_464 : memref<1x128x128xf32, #tpu.memory_space<vmem>> -> memref<128x128xf32, #tpu.memory_space<vmem>>
      tpu.wait_dma2 semaphore(%arg16 : memref<!tpu.dma_semaphore, #tpu.memory_space<semaphore_mem>>) src(%dma_wait3A_465 : memref<128x128xf32, #tpu.memory_space<vmem>>) dst(%dma_wait3A_461 : memref<128x128xf32, #tpu.memory_space<hbm>>)
      %mul3A_466 = arith.constant 4 : i32
      %mul3A_467 = arith.muli %scan3A_394, %mul3A_466 : i32
      %add3A_468 = arith.constant 2 : i32
      %add3A_469 = arith.addi %mul3A_467, %add3A_468 : i32
      %dma_start3A_470 = arith.constant 1 : i32
      %dma_start3A_471 = arith.constant 2 : i32
      %dma_start3A_472 = arith.constant 0 : i32
      %dma_start3A_473 = arith.constant 0 : i32
      %dma_start3A_474 = tpu.memref_slice %arg6[%dma_start3A_471, %dma_start3A_472, %dma_start3A_473] : memref<4x128x128xf32, #tpu.memory_space<vmem>> -> memref<1x128x128xf32, #tpu.memory_space<vmem>>
      %dma_start3A_475 = tpu.memref_squeeze %dma_start3A_474 : memref<1x128x128xf32, #tpu.memory_space<vmem>> -> memref<128x128xf32, #tpu.memory_space<vmem>>
      %dma_start3A_476 = arith.constant 0 : i32
      %dma_start3A_477 = tpu.memref_slice %arg5[%dma_start3A_470, %add3A_469, %dma_start3A_476] : memref<2x80x128xi32, #tpu.memory_space<vmem>> -> memref<1x1x128xi32, #tpu.memory_space<vmem>>
      %dma_start3A_478 = tpu.memref_squeeze %dma_start3A_477 : memref<1x1x128xi32, #tpu.memory_space<vmem>> -> memref<128xi32, #tpu.memory_space<vmem>>
      %dma_start3A_479 = arith.constant 0 : i32
      %dma_start3A_480 = arith.constant 0 : i32
      %dma_start3A_481 = tpu.memref_slice %arg7[%dma_start3A_479, %dma_start3A_480] : memref<48x128xf32, #tpu.memory_space<vmem_shared>> -> memref<48x128xf32, #tpu.memory_space<vmem_shared>>
      tpu.enqueue_indirect_dma source(%dma_start3A_481 : memref<48x128xf32, #tpu.memory_space<vmem_shared>>) target(%dma_start3A_475 : memref<128x128xf32, #tpu.memory_space<vmem>>) offsets(%dma_start3A_478 : memref<128xi32, #tpu.memory_space<vmem>>) semaphore(%arg12 : memref<!tpu.dma_semaphore, #tpu.memory_space<semaphore_mem>>)
      %dma_wait3A_482 = arith.constant 3 : i32
      %dma_wait3A_483 = arith.constant 0 : i32
      %dma_wait3A_484 = arith.constant 0 : i32
      %dma_wait3A_485 = tpu.memref_slice %arg6[%dma_wait3A_482, %dma_wait3A_483, %dma_wait3A_484] : memref<4x128x128xf32, #tpu.memory_space<vmem>> -> memref<1x128x128xf32, #tpu.memory_space<vmem>>
      %dma_wait3A_486 = tpu.memref_squeeze %dma_wait3A_485 : memref<1x128x128xf32, #tpu.memory_space<vmem>> -> memref<128x128xf32, #tpu.memory_space<vmem>>
      %dma_wait3A_487 = arith.constant 0 : i32
      %dma_wait3A_488 = tpu.memref_slice %arg4[%mul3A_2, %dma_wait3A_487] : memref<3276800x128xf32, #tpu.memory_space<hbm>> -> memref<128x128xf32, #tpu.memory_space<hbm>>
      %dma_wait3A_489 = arith.constant 0 : i32
      %dma_wait3A_490 = tpu.memref_slice %arg4[%mul3A_2, %dma_wait3A_489] : memref<3276800x128xf32, #tpu.memory_space<hbm>> -> memref<128x128xf32, #tpu.memory_space<hbm>>
      %dma_wait3A_491 = arith.constant 0 : i32
      %dma_wait3A_492 = arith.constant 0 : i32
      %dma_wait3A_493 = tpu.memref_slice %arg6[%dma_wait3A_482, %dma_wait3A_491, %dma_wait3A_492] : memref<4x128x128xf32, #tpu.memory_space<vmem>> -> memref<1x128x128xf32, #tpu.memory_space<vmem>>
      %dma_wait3A_494 = tpu.memref_squeeze %dma_wait3A_493 : memref<1x128x128xf32, #tpu.memory_space<vmem>> -> memref<128x128xf32, #tpu.memory_space<vmem>>
      tpu.wait_dma2 semaphore(%arg17 : memref<!tpu.dma_semaphore, #tpu.memory_space<semaphore_mem>>) src(%dma_wait3A_494 : memref<128x128xf32, #tpu.memory_space<vmem>>) dst(%dma_wait3A_490 : memref<128x128xf32, #tpu.memory_space<hbm>>)
      %mul3A_495 = arith.constant 4 : i32
      %mul3A_496 = arith.muli %scan3A_394, %mul3A_495 : i32
      %add3A_497 = arith.constant 3 : i32
      %add3A_498 = arith.addi %mul3A_496, %add3A_497 : i32
      %dma_start3A_499 = arith.constant 1 : i32
      %dma_start3A_500 = arith.constant 3 : i32
      %dma_start3A_501 = arith.constant 0 : i32
      %dma_start3A_502 = arith.constant 0 : i32
      %dma_start3A_503 = tpu.memref_slice %arg6[%dma_start3A_500, %dma_start3A_501, %dma_start3A_502] : memref<4x128x128xf32, #tpu.memory_space<vmem>> -> memref<1x128x128xf32, #tpu.memory_space<vmem>>
      %dma_start3A_504 = tpu.memref_squeeze %dma_start3A_503 : memref<1x128x128xf32, #tpu.memory_space<vmem>> -> memref<128x128xf32, #tpu.memory_space<vmem>>
      %dma_start3A_505 = arith.constant 0 : i32
      %dma_start3A_506 = tpu.memref_slice %arg5[%dma_start3A_499, %add3A_498, %dma_start3A_505] : memref<2x80x128xi32, #tpu.memory_space<vmem>> -> memref<1x1x128xi32, #tpu.memory_space<vmem>>
      %dma_start3A_507 = tpu.memref_squeeze %dma_start3A_506 : memref<1x1x128xi32, #tpu.memory_space<vmem>> -> memref<128xi32, #tpu.memory_space<vmem>>
      %dma_start3A_508 = arith.constant 0 : i32
      %dma_start3A_509 = arith.constant 0 : i32
      %dma_start3A_510 = tpu.memref_slice %arg7[%dma_start3A_508, %dma_start3A_509] : memref<48x128xf32, #tpu.memory_space<vmem_shared>> -> memref<48x128xf32, #tpu.memory_space<vmem_shared>>
      tpu.enqueue_indirect_dma source(%dma_start3A_510 : memref<48x128xf32, #tpu.memory_space<vmem_shared>>) target(%dma_start3A_504 : memref<128x128xf32, #tpu.memory_space<vmem>>) offsets(%dma_start3A_507 : memref<128xi32, #tpu.memory_space<vmem>>) semaphore(%arg13 : memref<!tpu.dma_semaphore, #tpu.memory_space<semaphore_mem>>)
      %mul3A_511 = arith.constant 4 : i32
      %mul3A_512 = arith.muli %scan3A_394, %mul3A_511 : i32
      %add3A_513 = arith.constant 0 : i32
      %add3A_514 = arith.addi %mul3A_512, %add3A_513 : i32
      %dma_wait3A_515 = arith.constant 1 : i32
      %dma_wait3A_516 = arith.constant 0 : i32
      %dma_wait3A_517 = arith.constant 0 : i32
      %dma_wait3A_518 = arith.constant 0 : i32
      %dma_wait3A_519 = tpu.memref_slice %arg6[%dma_wait3A_516, %dma_wait3A_517, %dma_wait3A_518] : memref<4x128x128xf32, #tpu.memory_space<vmem>> -> memref<1x128x128xf32, #tpu.memory_space<vmem>>
      %dma_wait3A_520 = tpu.memref_squeeze %dma_wait3A_519 : memref<1x128x128xf32, #tpu.memory_space<vmem>> -> memref<128x128xf32, #tpu.memory_space<vmem>>
      %dma_wait3A_521 = arith.constant 0 : i32
      %dma_wait3A_522 = tpu.memref_slice %arg5[%dma_wait3A_515, %add3A_514, %dma_wait3A_521] : memref<2x80x128xi32, #tpu.memory_space<vmem>> -> memref<1x1x128xi32, #tpu.memory_space<vmem>>
      %dma_wait3A_523 = tpu.memref_squeeze %dma_wait3A_522 : memref<1x1x128xi32, #tpu.memory_space<vmem>> -> memref<128xi32, #tpu.memory_space<vmem>>
      %dma_wait3A_524 = arith.constant 0 : i32
      %dma_wait3A_525 = arith.constant 0 : i32
      %dma_wait3A_526 = tpu.memref_slice %arg7[%dma_wait3A_524, %dma_wait3A_525] : memref<48x128xf32, #tpu.memory_space<vmem_shared>> -> memref<48x128xf32, #tpu.memory_space<vmem_shared>>
      tpu.wait_indirect_dma semaphore(%arg10 : memref<!tpu.dma_semaphore, #tpu.memory_space<semaphore_mem>>) src(%dma_wait3A_526 : memref<48x128xf32, #tpu.memory_space<vmem_shared>>) dst(%dma_wait3A_520 : memref<128x128xf32, #tpu.memory_space<vmem>>)
      %add3A_527 = arith.constant 560 : i32
      %add3A_528 = arith.addi %mul3A_2, %add3A_527 : i32
      %mul3A_529 = arith.constant 4 : i32
      %mul3A_530 = arith.muli %scan3A_394, %mul3A_529 : i32
      %add3A_531 = arith.addi %add3A_528, %mul3A_530 : i32
      %add3A_532 = arith.constant 0 : i32
      %add3A_533 = arith.addi %add3A_531, %add3A_532 : i32
      %mul3A_534 = arith.constant 128 : i32
      %mul3A_535 = arith.muli %add3A_533, %mul3A_534 : i32
      %dma_start3A_536 = arith.constant 0 : i32
      %dma_start3A_537 = arith.constant 0 : i32
      %dma_start3A_538 = arith.constant 0 : i32
      %dma_start3A_539 = tpu.memref_slice %arg6[%dma_start3A_536, %dma_start3A_537, %dma_start3A_538] : memref<4x128x128xf32, #tpu.memory_space<vmem>> -> memref<1x128x128xf32, #tpu.memory_space<vmem>>
      %dma_start3A_540 = tpu.memref_squeeze %dma_start3A_539 : memref<1x128x128xf32, #tpu.memory_space<vmem>> -> memref<128x128xf32, #tpu.memory_space<vmem>>
      %dma_start3A_541 = arith.constant 0 : i32
      %dma_start3A_542 = tpu.memref_slice %arg4[%mul3A_535, %dma_start3A_541] : memref<3276800x128xf32, #tpu.memory_space<hbm>> -> memref<128x128xf32, #tpu.memory_space<hbm>>
      %dma_start3A_543 = arith.constant 0 : i32
      %dma_start3A_544 = tpu.memref_slice %arg4[%mul3A_535, %dma_start3A_543] : memref<3276800x128xf32, #tpu.memory_space<hbm>> -> memref<128x128xf32, #tpu.memory_space<hbm>>
      %dma_start3A_545 = arith.constant 0 : i32
      %dma_start3A_546 = arith.constant 0 : i32
      %dma_start3A_547 = tpu.memref_slice %arg6[%dma_start3A_536, %dma_start3A_545, %dma_start3A_546] : memref<4x128x128xf32, #tpu.memory_space<vmem>> -> memref<1x128x128xf32, #tpu.memory_space<vmem>>
      %dma_start3A_548 = tpu.memref_squeeze %dma_start3A_547 : memref<1x128x128xf32, #tpu.memory_space<vmem>> -> memref<128x128xf32, #tpu.memory_space<vmem>>
      tpu.enqueue_dma source(%dma_start3A_548 : memref<128x128xf32, #tpu.memory_space<vmem>>) target(%dma_start3A_544 : memref<128x128xf32, #tpu.memory_space<hbm>>) target_semaphore(%arg14 : memref<!tpu.dma_semaphore, #tpu.memory_space<semaphore_mem>>)
      %mul3A_549 = arith.constant 4 : i32
      %mul3A_550 = arith.muli %scan3A_394, %mul3A_549 : i32
      %add3A_551 = arith.constant 1 : i32
      %add3A_552 = arith.addi %mul3A_550, %add3A_551 : i32
      %dma_wait3A_553 = arith.constant 1 : i32
      %dma_wait3A_554 = arith.constant 1 : i32
      %dma_wait3A_555 = arith.constant 0 : i32
      %dma_wait3A_556 = arith.constant 0 : i32
      %dma_wait3A_557 = tpu.memref_slice %arg6[%dma_wait3A_554, %dma_wait3A_555, %dma_wait3A_556] : memref<4x128x128xf32, #tpu.memory_space<vmem>> -> memref<1x128x128xf32, #tpu.memory_space<vmem>>
      %dma_wait3A_558 = tpu.memref_squeeze %dma_wait3A_557 : memref<1x128x128xf32, #tpu.memory_space<vmem>> -> memref<128x128xf32, #tpu.memory_space<vmem>>
      %dma_wait3A_559 = arith.constant 0 : i32
      %dma_wait3A_560 = tpu.memref_slice %arg5[%dma_wait3A_553, %add3A_552, %dma_wait3A_559] : memref<2x80x128xi32, #tpu.memory_space<vmem>> -> memref<1x1x128xi32, #tpu.memory_space<vmem>>
      %dma_wait3A_561 = tpu.memref_squeeze %dma_wait3A_560 : memref<1x1x128xi32, #tpu.memory_space<vmem>> -> memref<128xi32, #tpu.memory_space<vmem>>
      %dma_wait3A_562 = arith.constant 0 : i32
      %dma_wait3A_563 = arith.constant 0 : i32
      %dma_wait3A_564 = tpu.memref_slice %arg7[%dma_wait3A_562, %dma_wait3A_563] : memref<48x128xf32, #tpu.memory_space<vmem_shared>> -> memref<48x128xf32, #tpu.memory_space<vmem_shared>>
      tpu.wait_indirect_dma semaphore(%arg11 : memref<!tpu.dma_semaphore, #tpu.memory_space<semaphore_mem>>) src(%dma_wait3A_564 : memref<48x128xf32, #tpu.memory_space<vmem_shared>>) dst(%dma_wait3A_558 : memref<128x128xf32, #tpu.memory_space<vmem>>)
      %add3A_565 = arith.constant 560 : i32
      %add3A_566 = arith.addi %mul3A_2, %add3A_565 : i32
      %mul3A_567 = arith.constant 4 : i32
      %mul3A_568 = arith.muli %scan3A_394, %mul3A_567 : i32
      %add3A_569 = arith.addi %add3A_566, %mul3A_568 : i32
      %add3A_570 = arith.constant 1 : i32
      %add3A_571 = arith.addi %add3A_569, %add3A_570 : i32
      %mul3A_572 = arith.constant 128 : i32
      %mul3A_573 = arith.muli %add3A_571, %mul3A_572 : i32
      %dma_start3A_574 = arith.constant 1 : i32
      %dma_start3A_575 = arith.constant 0 : i32
      %dma_start3A_576 = arith.constant 0 : i32
      %dma_start3A_577 = tpu.memref_slice %arg6[%dma_start3A_574, %dma_start3A_575, %dma_start3A_576] : memref<4x128x128xf32, #tpu.memory_space<vmem>> -> memref<1x128x128xf32, #tpu.memory_space<vmem>>
      %dma_start3A_578 = tpu.memref_squeeze %dma_start3A_577 : memref<1x128x128xf32, #tpu.memory_space<vmem>> -> memref<128x128xf32, #tpu.memory_space<vmem>>
      %dma_start3A_579 = arith.constant 0 : i32
      %dma_start3A_580 = tpu.memref_slice %arg4[%mul3A_573, %dma_start3A_579] : memref<3276800x128xf32, #tpu.memory_space<hbm>> -> memref<128x128xf32, #tpu.memory_space<hbm>>
      %dma_start3A_581 = arith.constant 0 : i32
      %dma_start3A_582 = tpu.memref_slice %arg4[%mul3A_573, %dma_start3A_581] : memref<3276800x128xf32, #tpu.memory_space<hbm>> -> memref<128x128xf32, #tpu.memory_space<hbm>>
      %dma_start3A_583 = arith.constant 0 : i32
      %dma_start3A_584 = arith.constant 0 : i32
      %dma_start3A_585 = tpu.memref_slice %arg6[%dma_start3A_574, %dma_start3A_583, %dma_start3A_584] : memref<4x128x128xf32, #tpu.memory_space<vmem>> -> memref<1x128x128xf32, #tpu.memory_space<vmem>>
      %dma_start3A_586 = tpu.memref_squeeze %dma_start3A_585 : memref<1x128x128xf32, #tpu.memory_space<vmem>> -> memref<128x128xf32, #tpu.memory_space<vmem>>
      tpu.enqueue_dma source(%dma_start3A_586 : memref<128x128xf32, #tpu.memory_space<vmem>>) target(%dma_start3A_582 : memref<128x128xf32, #tpu.memory_space<hbm>>) target_semaphore(%arg15 : memref<!tpu.dma_semaphore, #tpu.memory_space<semaphore_mem>>)
      %mul3A_587 = arith.constant 4 : i32
      %mul3A_588 = arith.muli %scan3A_394, %mul3A_587 : i32
      %add3A_589 = arith.constant 2 : i32
      %add3A_590 = arith.addi %mul3A_588, %add3A_589 : i32
      %dma_wait3A_591 = arith.constant 1 : i32
      %dma_wait3A_592 = arith.constant 2 : i32
      %dma_wait3A_593 = arith.constant 0 : i32
      %dma_wait3A_594 = arith.constant 0 : i32
      %dma_wait3A_595 = tpu.memref_slice %arg6[%dma_wait3A_592, %dma_wait3A_593, %dma_wait3A_594] : memref<4x128x128xf32, #tpu.memory_space<vmem>> -> memref<1x128x128xf32, #tpu.memory_space<vmem>>
      %dma_wait3A_596 = tpu.memref_squeeze %dma_wait3A_595 : memref<1x128x128xf32, #tpu.memory_space<vmem>> -> memref<128x128xf32, #tpu.memory_space<vmem>>
      %dma_wait3A_597 = arith.constant 0 : i32
      %dma_wait3A_598 = tpu.memref_slice %arg5[%dma_wait3A_591, %add3A_590, %dma_wait3A_597] : memref<2x80x128xi32, #tpu.memory_space<vmem>> -> memref<1x1x128xi32, #tpu.memory_space<vmem>>
      %dma_wait3A_599 = tpu.memref_squeeze %dma_wait3A_598 : memref<1x1x128xi32, #tpu.memory_space<vmem>> -> memref<128xi32, #tpu.memory_space<vmem>>
      %dma_wait3A_600 = arith.constant 0 : i32
      %dma_wait3A_601 = arith.constant 0 : i32
      %dma_wait3A_602 = tpu.memref_slice %arg7[%dma_wait3A_600, %dma_wait3A_601] : memref<48x128xf32, #tpu.memory_space<vmem_shared>> -> memref<48x128xf32, #tpu.memory_space<vmem_shared>>
      tpu.wait_indirect_dma semaphore(%arg12 : memref<!tpu.dma_semaphore, #tpu.memory_space<semaphore_mem>>) src(%dma_wait3A_602 : memref<48x128xf32, #tpu.memory_space<vmem_shared>>) dst(%dma_wait3A_596 : memref<128x128xf32, #tpu.memory_space<vmem>>)
      %add3A_603 = arith.constant 560 : i32
      %add3A_604 = arith.addi %mul3A_2, %add3A_603 : i32
      %mul3A_605 = arith.constant 4 : i32
      %mul3A_606 = arith.muli %scan3A_394, %mul3A_605 : i32
      %add3A_607 = arith.addi %add3A_604, %mul3A_606 : i32
      %add3A_608 = arith.constant 2 : i32
      %add3A_609 = arith.addi %add3A_607, %add3A_608 : i32
      %mul3A_610 = arith.constant 128 : i32
      %mul3A_611 = arith.muli %add3A_609, %mul3A_610 : i32
      %dma_start3A_612 = arith.constant 2 : i32
      %dma_start3A_613 = arith.constant 0 : i32
      %dma_start3A_614 = arith.constant 0 : i32
      %dma_start3A_615 = tpu.memref_slice %arg6[%dma_start3A_612, %dma_start3A_613, %dma_start3A_614] : memref<4x128x128xf32, #tpu.memory_space<vmem>> -> memref<1x128x128xf32, #tpu.memory_space<vmem>>
      %dma_start3A_616 = tpu.memref_squeeze %dma_start3A_615 : memref<1x128x128xf32, #tpu.memory_space<vmem>> -> memref<128x128xf32, #tpu.memory_space<vmem>>
      %dma_start3A_617 = arith.constant 0 : i32
      %dma_start3A_618 = tpu.memref_slice %arg4[%mul3A_611, %dma_start3A_617] : memref<3276800x128xf32, #tpu.memory_space<hbm>> -> memref<128x128xf32, #tpu.memory_space<hbm>>
      %dma_start3A_619 = arith.constant 0 : i32
      %dma_start3A_620 = tpu.memref_slice %arg4[%mul3A_611, %dma_start3A_619] : memref<3276800x128xf32, #tpu.memory_space<hbm>> -> memref<128x128xf32, #tpu.memory_space<hbm>>
      %dma_start3A_621 = arith.constant 0 : i32
      %dma_start3A_622 = arith.constant 0 : i32
      %dma_start3A_623 = tpu.memref_slice %arg6[%dma_start3A_612, %dma_start3A_621, %dma_start3A_622] : memref<4x128x128xf32, #tpu.memory_space<vmem>> -> memref<1x128x128xf32, #tpu.memory_space<vmem>>
      %dma_start3A_624 = tpu.memref_squeeze %dma_start3A_623 : memref<1x128x128xf32, #tpu.memory_space<vmem>> -> memref<128x128xf32, #tpu.memory_space<vmem>>
      tpu.enqueue_dma source(%dma_start3A_624 : memref<128x128xf32, #tpu.memory_space<vmem>>) target(%dma_start3A_620 : memref<128x128xf32, #tpu.memory_space<hbm>>) target_semaphore(%arg16 : memref<!tpu.dma_semaphore, #tpu.memory_space<semaphore_mem>>)
      %mul3A_625 = arith.constant 4 : i32
      %mul3A_626 = arith.muli %scan3A_394, %mul3A_625 : i32
      %add3A_627 = arith.constant 3 : i32
      %add3A_628 = arith.addi %mul3A_626, %add3A_627 : i32
      %dma_wait3A_629 = arith.constant 1 : i32
      %dma_wait3A_630 = arith.constant 3 : i32
      %dma_wait3A_631 = arith.constant 0 : i32
      %dma_wait3A_632 = arith.constant 0 : i32
      %dma_wait3A_633 = tpu.memref_slice %arg6[%dma_wait3A_630, %dma_wait3A_631, %dma_wait3A_632] : memref<4x128x128xf32, #tpu.memory_space<vmem>> -> memref<1x128x128xf32, #tpu.memory_space<vmem>>
      %dma_wait3A_634 = tpu.memref_squeeze %dma_wait3A_633 : memref<1x128x128xf32, #tpu.memory_space<vmem>> -> memref<128x128xf32, #tpu.memory_space<vmem>>
      %dma_wait3A_635 = arith.constant 0 : i32
      %dma_wait3A_636 = tpu.memref_slice %arg5[%dma_wait3A_629, %add3A_628, %dma_wait3A_635] : memref<2x80x128xi32, #tpu.memory_space<vmem>> -> memref<1x1x128xi32, #tpu.memory_space<vmem>>
      %dma_wait3A_637 = tpu.memref_squeeze %dma_wait3A_636 : memref<1x1x128xi32, #tpu.memory_space<vmem>> -> memref<128xi32, #tpu.memory_space<vmem>>
      %dma_wait3A_638 = arith.constant 0 : i32
      %dma_wait3A_639 = arith.constant 0 : i32
      %dma_wait3A_640 = tpu.memref_slice %arg7[%dma_wait3A_638, %dma_wait3A_639] : memref<48x128xf32, #tpu.memory_space<vmem_shared>> -> memref<48x128xf32, #tpu.memory_space<vmem_shared>>
      tpu.wait_indirect_dma semaphore(%arg13 : memref<!tpu.dma_semaphore, #tpu.memory_space<semaphore_mem>>) src(%dma_wait3A_640 : memref<48x128xf32, #tpu.memory_space<vmem_shared>>) dst(%dma_wait3A_634 : memref<128x128xf32, #tpu.memory_space<vmem>>)
      %add3A_641 = arith.constant 560 : i32
      %add3A_642 = arith.addi %mul3A_2, %add3A_641 : i32
      %mul3A_643 = arith.constant 4 : i32
      %mul3A_644 = arith.muli %scan3A_394, %mul3A_643 : i32
      %add3A_645 = arith.addi %add3A_642, %mul3A_644 : i32
      %add3A_646 = arith.constant 3 : i32
      %add3A_647 = arith.addi %add3A_645, %add3A_646 : i32
      %mul3A_648 = arith.constant 128 : i32
      %mul3A_649 = arith.muli %add3A_647, %mul3A_648 : i32
      %dma_start3A_650 = arith.constant 3 : i32
      %dma_start3A_651 = arith.constant 0 : i32
      %dma_start3A_652 = arith.constant 0 : i32
      %dma_start3A_653 = tpu.memref_slice %arg6[%dma_start3A_650, %dma_start3A_651, %dma_start3A_652] : memref<4x128x128xf32, #tpu.memory_space<vmem>> -> memref<1x128x128xf32, #tpu.memory_space<vmem>>
      %dma_start3A_654 = tpu.memref_squeeze %dma_start3A_653 : memref<1x128x128xf32, #tpu.memory_space<vmem>> -> memref<128x128xf32, #tpu.memory_space<vmem>>
      %dma_start3A_655 = arith.constant 0 : i32
      %dma_start3A_656 = tpu.memref_slice %arg4[%mul3A_649, %dma_start3A_655] : memref<3276800x128xf32, #tpu.memory_space<hbm>> -> memref<128x128xf32, #tpu.memory_space<hbm>>
      %dma_start3A_657 = arith.constant 0 : i32
      %dma_start3A_658 = tpu.memref_slice %arg4[%mul3A_649, %dma_start3A_657] : memref<3276800x128xf32, #tpu.memory_space<hbm>> -> memref<128x128xf32, #tpu.memory_space<hbm>>
      %dma_start3A_659 = arith.constant 0 : i32
      %dma_start3A_660 = arith.constant 0 : i32
      %dma_start3A_661 = tpu.memref_slice %arg6[%dma_start3A_650, %dma_start3A_659, %dma_start3A_660] : memref<4x128x128xf32, #tpu.memory_space<vmem>> -> memref<1x128x128xf32, #tpu.memory_space<vmem>>
      %dma_start3A_662 = tpu.memref_squeeze %dma_start3A_661 : memref<1x128x128xf32, #tpu.memory_space<vmem>> -> memref<128x128xf32, #tpu.memory_space<vmem>>
      tpu.enqueue_dma source(%dma_start3A_662 : memref<128x128xf32, #tpu.memory_space<vmem>>) target(%dma_start3A_658 : memref<128x128xf32, #tpu.memory_space<hbm>>) target_semaphore(%arg17 : memref<!tpu.dma_semaphore, #tpu.memory_space<semaphore_mem>>)
    }
    %scan3A_288 = arith.constant 20 : i32
    %dma_wait3A_289 = arith.constant 0 : i32
    %dma_wait3A_290 = arith.constant 0 : i32
    %dma_wait3A_291 = arith.constant 0 : i32
    %dma_wait3A_292 = tpu.memref_slice %arg5[%dma_wait3A_289, %dma_wait3A_290, %dma_wait3A_291] : memref<2x80x128xi32, #tpu.memory_space<vmem>> -> memref<1x80x128xi32, #tpu.memory_space<vmem>>
    %dma_wait3A_293 = tpu.memref_squeeze %dma_wait3A_292 : memref<1x80x128xi32, #tpu.memory_space<vmem>> -> memref<80x128xi32, #tpu.memory_space<vmem>>
    %dma_wait3A_294 = arith.constant 0 : i32
    %dma_wait3A_295 = tpu.memref_slice %arg2[%mul3A_2, %dma_wait3A_294] : memref<25600x128xi32, #tpu.memory_space<hbm>> -> memref<80x128xi32, #tpu.memory_space<hbm>>
    %dma_wait3A_296 = arith.constant 0 : i32
    %dma_wait3A_297 = arith.constant 0 : i32
    %dma_wait3A_298 = tpu.memref_slice %arg5[%dma_wait3A_289, %dma_wait3A_296, %dma_wait3A_297] : memref<2x80x128xi32, #tpu.memory_space<vmem>> -> memref<1x80x128xi32, #tpu.memory_space<vmem>>
    %dma_wait3A_299 = tpu.memref_squeeze %dma_wait3A_298 : memref<1x80x128xi32, #tpu.memory_space<vmem>> -> memref<80x128xi32, #tpu.memory_space<vmem>>
    %dma_wait3A_300 = arith.constant 0 : i32
    %dma_wait3A_301 = tpu.memref_slice %arg2[%mul3A_2, %dma_wait3A_300] : memref<25600x128xi32, #tpu.memory_space<hbm>> -> memref<80x128xi32, #tpu.memory_space<hbm>>
    tpu.wait_dma2 semaphore(%arg8 : memref<!tpu.dma_semaphore, #tpu.memory_space<semaphore_mem>>) src(%dma_wait3A_301 : memref<80x128xi32, #tpu.memory_space<hbm>>) dst(%dma_wait3A_299 : memref<80x128xi32, #tpu.memory_space<vmem>>)
    %add3A_302 = arith.constant 720 : i32
    %add3A_303 = arith.addi %mul3A_2, %add3A_302 : i32
    %dma_start3A_304 = arith.constant 1 : i32
    %dma_start3A_305 = arith.constant 0 : i32
    %dma_start3A_306 = arith.constant 0 : i32
    %dma_start3A_307 = tpu.memref_slice %arg5[%dma_start3A_304, %dma_start3A_305, %dma_start3A_306] : memref<2x80x128xi32, #tpu.memory_space<vmem>> -> memref<1x80x128xi32, #tpu.memory_space<vmem>>
    %dma_start3A_308 = tpu.memref_squeeze %dma_start3A_307 : memref<1x80x128xi32, #tpu.memory_space<vmem>> -> memref<80x128xi32, #tpu.memory_space<vmem>>
    %dma_start3A_309 = arith.constant 0 : i32
    %dma_start3A_310 = tpu.memref_slice %arg2[%add3A_303, %dma_start3A_309] : memref<25600x128xi32, #tpu.memory_space<hbm>> -> memref<80x128xi32, #tpu.memory_space<hbm>>
    %dma_start3A_311 = arith.constant 0 : i32
    %dma_start3A_312 = arith.constant 0 : i32
    %dma_start3A_313 = tpu.memref_slice %arg5[%dma_start3A_304, %dma_start3A_311, %dma_start3A_312] : memref<2x80x128xi32, #tpu.memory_space<vmem>> -> memref<1x80x128xi32, #tpu.memory_space<vmem>>
    %dma_start3A_314 = tpu.memref_squeeze %dma_start3A_313 : memref<1x80x128xi32, #tpu.memory_space<vmem>> -> memref<80x128xi32, #tpu.memory_space<vmem>>
    %dma_start3A_315 = arith.constant 0 : i32
    %dma_start3A_316 = tpu.memref_slice %arg2[%add3A_303, %dma_start3A_315] : memref<25600x128xi32, #tpu.memory_space<hbm>> -> memref<80x128xi32, #tpu.memory_space<hbm>>
    tpu.enqueue_dma source(%dma_start3A_316 : memref<80x128xi32, #tpu.memory_space<hbm>>) target(%dma_start3A_314 : memref<80x128xi32, #tpu.memory_space<vmem>>) target_semaphore(%arg9 : memref<!tpu.dma_semaphore, #tpu.memory_space<semaphore_mem>>)
    %scan3A_317 = arith.constant 0 : i32
    %scan3A_318 = arith.constant 0 : i32
    %scan3A_319 = arith.constant 20 : i32
    %scan3A_320 = arith.addi %scan3A_318, %scan3A_319 : i32
    %scan3A_321 = arith.constant 1 : i32
    scf.for %scan3A_394 = %scan3A_318 to %scan3A_320 step %scan3A_321  : i32 {
      %dma_wait3A_395 = arith.constant 0 : i32
      %dma_wait3A_396 = arith.constant 0 : i32
      %dma_wait3A_397 = arith.constant 0 : i32
      %dma_wait3A_398 = tpu.memref_slice %arg6[%dma_wait3A_395, %dma_wait3A_396, %dma_wait3A_397] : memref<4x128x128xf32, #tpu.memory_space<vmem>> -> memref<1x128x128xf32, #tpu.memory_space<vmem>>
      %dma_wait3A_399 = tpu.memref_squeeze %dma_wait3A_398 : memref<1x128x128xf32, #tpu.memory_space<vmem>> -> memref<128x128xf32, #tpu.memory_space<vmem>>
      %dma_wait3A_400 = arith.constant 0 : i32
      %dma_wait3A_401 = tpu.memref_slice %arg4[%mul3A_2, %dma_wait3A_400] : memref<3276800x128xf32, #tpu.memory_space<hbm>> -> memref<128x128xf32, #tpu.memory_space<hbm>>
      %dma_wait3A_402 = arith.constant 0 : i32
      %dma_wait3A_403 = tpu.memref_slice %arg4[%mul3A_2, %dma_wait3A_402] : memref<3276800x128xf32, #tpu.memory_space<hbm>> -> memref<128x128xf32, #tpu.memory_space<hbm>>
      %dma_wait3A_404 = arith.constant 0 : i32
      %dma_wait3A_405 = arith.constant 0 : i32
      %dma_wait3A_406 = tpu.memref_slice %arg6[%dma_wait3A_395, %dma_wait3A_404, %dma_wait3A_405] : memref<4x128x128xf32, #tpu.memory_space<vmem>> -> memref<1x128x128xf32, #tpu.memory_space<vmem>>
      %dma_wait3A_407 = tpu.memref_squeeze %dma_wait3A_406 : memref<1x128x128xf32, #tpu.memory_space<vmem>> -> memref<128x128xf32, #tpu.memory_space<vmem>>
      tpu.wait_dma2 semaphore(%arg14 : memref<!tpu.dma_semaphore, #tpu.memory_space<semaphore_mem>>) src(%dma_wait3A_407 : memref<128x128xf32, #tpu.memory_space<vmem>>) dst(%dma_wait3A_403 : memref<128x128xf32, #tpu.memory_space<hbm>>)
      %mul3A_408 = arith.constant 4 : i32
      %mul3A_409 = arith.muli %scan3A_394, %mul3A_408 : i32
      %add3A_410 = arith.constant 0 : i32
      %add3A_411 = arith.addi %mul3A_409, %add3A_410 : i32
      %dma_start3A_412 = arith.constant 0 : i32
      %dma_start3A_413 = arith.constant 0 : i32
      %dma_start3A_414 = arith.constant 0 : i32
      %dma_start3A_415 = arith.constant 0 : i32
      %dma_start3A_416 = tpu.memref_slice %arg6[%dma_start3A_413, %dma_start3A_414, %dma_start3A_415] : memref<4x128x128xf32, #tpu.memory_space<vmem>> -> memref<1x128x128xf32, #tpu.memory_space<vmem>>
      %dma_start3A_417 = tpu.memref_squeeze %dma_start3A_416 : memref<1x128x128xf32, #tpu.memory_space<vmem>> -> memref<128x128xf32, #tpu.memory_space<vmem>>
      %dma_start3A_418 = arith.constant 0 : i32
      %dma_start3A_419 = tpu.memref_slice %arg5[%dma_start3A_412, %add3A_411, %dma_start3A_418] : memref<2x80x128xi32, #tpu.memory_space<vmem>> -> memref<1x1x128xi32, #tpu.memory_space<vmem>>
      %dma_start3A_420 = tpu.memref_squeeze %dma_start3A_419 : memref<1x1x128xi32, #tpu.memory_space<vmem>> -> memref<128xi32, #tpu.memory_space<vmem>>
      %dma_start3A_421 = arith.constant 0 : i32
      %dma_start3A_422 = arith.constant 0 : i32
      %dma_start3A_423 = tpu.memref_slice %arg7[%dma_start3A_421, %dma_start3A_422] : memref<48x128xf32, #tpu.memory_space<vmem_shared>> -> memref<48x128xf32, #tpu.memory_space<vmem_shared>>
      tpu.enqueue_indirect_dma source(%dma_start3A_423 : memref<48x128xf32, #tpu.memory_space<vmem_shared>>) target(%dma_start3A_417 : memref<128x128xf32, #tpu.memory_space<vmem>>) offsets(%dma_start3A_420 : memref<128xi32, #tpu.memory_space<vmem>>) semaphore(%arg10 : memref<!tpu.dma_semaphore, #tpu.memory_space<semaphore_mem>>)
      %dma_wait3A_424 = arith.constant 1 : i32
      %dma_wait3A_425 = arith.constant 0 : i32
      %dma_wait3A_426 = arith.constant 0 : i32
      %dma_wait3A_427 = tpu.memref_slice %arg6[%dma_wait3A_424, %dma_wait3A_425, %dma_wait3A_426] : memref<4x128x128xf32, #tpu.memory_space<vmem>> -> memref<1x128x128xf32, #tpu.memory_space<vmem>>
      %dma_wait3A_428 = tpu.memref_squeeze %dma_wait3A_427 : memref<1x128x128xf32, #tpu.memory_space<vmem>> -> memref<128x128xf32, #tpu.memory_space<vmem>>
      %dma_wait3A_429 = arith.constant 0 : i32
      %dma_wait3A_430 = tpu.memref_slice %arg4[%mul3A_2, %dma_wait3A_429] : memref<3276800x128xf32, #tpu.memory_space<hbm>> -> memref<128x128xf32, #tpu.memory_space<hbm>>
      %dma_wait3A_431 = arith.constant 0 : i32
      %dma_wait3A_432 = tpu.memref_slice %arg4[%mul3A_2, %dma_wait3A_431] : memref<3276800x128xf32, #tpu.memory_space<hbm>> -> memref<128x128xf32, #tpu.memory_space<hbm>>
      %dma_wait3A_433 = arith.constant 0 : i32
      %dma_wait3A_434 = arith.constant 0 : i32
      %dma_wait3A_435 = tpu.memref_slice %arg6[%dma_wait3A_424, %dma_wait3A_433, %dma_wait3A_434] : memref<4x128x128xf32, #tpu.memory_space<vmem>> -> memref<1x128x128xf32, #tpu.memory_space<vmem>>
      %dma_wait3A_436 = tpu.memref_squeeze %dma_wait3A_435 : memref<1x128x128xf32, #tpu.memory_space<vmem>> -> memref<128x128xf32, #tpu.memory_space<vmem>>
      tpu.wait_dma2 semaphore(%arg15 : memref<!tpu.dma_semaphore, #tpu.memory_space<semaphore_mem>>) src(%dma_wait3A_436 : memref<128x128xf32, #tpu.memory_space<vmem>>) dst(%dma_wait3A_432 : memref<128x128xf32, #tpu.memory_space<hbm>>)
      %mul3A_437 = arith.constant 4 : i32
      %mul3A_438 = arith.muli %scan3A_394, %mul3A_437 : i32
      %add3A_439 = arith.constant 1 : i32
      %add3A_440 = arith.addi %mul3A_438, %add3A_439 : i32
      %dma_start3A_441 = arith.constant 0 : i32
      %dma_start3A_442 = arith.constant 1 : i32
      %dma_start3A_443 = arith.constant 0 : i32
      %dma_start3A_444 = arith.constant 0 : i32
      %dma_start3A_445 = tpu.memref_slice %arg6[%dma_start3A_442, %dma_start3A_443, %dma_start3A_444] : memref<4x128x128xf32, #tpu.memory_space<vmem>> -> memref<1x128x128xf32, #tpu.memory_space<vmem>>
      %dma_start3A_446 = tpu.memref_squeeze %dma_start3A_445 : memref<1x128x128xf32, #tpu.memory_space<vmem>> -> memref<128x128xf32, #tpu.memory_space<vmem>>
      %dma_start3A_447 = arith.constant 0 : i32
      %dma_start3A_448 = tpu.memref_slice %arg5[%dma_start3A_441, %add3A_440, %dma_start3A_447] : memref<2x80x128xi32, #tpu.memory_space<vmem>> -> memref<1x1x128xi32, #tpu.memory_space<vmem>>
      %dma_start3A_449 = tpu.memref_squeeze %dma_start3A_448 : memref<1x1x128xi32, #tpu.memory_space<vmem>> -> memref<128xi32, #tpu.memory_space<vmem>>
      %dma_start3A_450 = arith.constant 0 : i32
      %dma_start3A_451 = arith.constant 0 : i32
      %dma_start3A_452 = tpu.memref_slice %arg7[%dma_start3A_450, %dma_start3A_451] : memref<48x128xf32, #tpu.memory_space<vmem_shared>> -> memref<48x128xf32, #tpu.memory_space<vmem_shared>>
      tpu.enqueue_indirect_dma source(%dma_start3A_452 : memref<48x128xf32, #tpu.memory_space<vmem_shared>>) target(%dma_start3A_446 : memref<128x128xf32, #tpu.memory_space<vmem>>) offsets(%dma_start3A_449 : memref<128xi32, #tpu.memory_space<vmem>>) semaphore(%arg11 : memref<!tpu.dma_semaphore, #tpu.memory_space<semaphore_mem>>)
      %dma_wait3A_453 = arith.constant 2 : i32
      %dma_wait3A_454 = arith.constant 0 : i32
      %dma_wait3A_455 = arith.constant 0 : i32
      %dma_wait3A_456 = tpu.memref_slice %arg6[%dma_wait3A_453, %dma_wait3A_454, %dma_wait3A_455] : memref<4x128x128xf32, #tpu.memory_space<vmem>> -> memref<1x128x128xf32, #tpu.memory_space<vmem>>
      %dma_wait3A_457 = tpu.memref_squeeze %dma_wait3A_456 : memref<1x128x128xf32, #tpu.memory_space<vmem>> -> memref<128x128xf32, #tpu.memory_space<vmem>>
      %dma_wait3A_458 = arith.constant 0 : i32
      %dma_wait3A_459 = tpu.memref_slice %arg4[%mul3A_2, %dma_wait3A_458] : memref<3276800x128xf32, #tpu.memory_space<hbm>> -> memref<128x128xf32, #tpu.memory_space<hbm>>
      %dma_wait3A_460 = arith.constant 0 : i32
      %dma_wait3A_461 = tpu.memref_slice %arg4[%mul3A_2, %dma_wait3A_460] : memref<3276800x128xf32, #tpu.memory_space<hbm>> -> memref<128x128xf32, #tpu.memory_space<hbm>>
      %dma_wait3A_462 = arith.constant 0 : i32
      %dma_wait3A_463 = arith.constant 0 : i32
      %dma_wait3A_464 = tpu.memref_slice %arg6[%dma_wait3A_453, %dma_wait3A_462, %dma_wait3A_463] : memref<4x128x128xf32, #tpu.memory_space<vmem>> -> memref<1x128x128xf32, #tpu.memory_space<vmem>>
      %dma_wait3A_465 = tpu.memref_squeeze %dma_wait3A_464 : memref<1x128x128xf32, #tpu.memory_space<vmem>> -> memref<128x128xf32, #tpu.memory_space<vmem>>
      tpu.wait_dma2 semaphore(%arg16 : memref<!tpu.dma_semaphore, #tpu.memory_space<semaphore_mem>>) src(%dma_wait3A_465 : memref<128x128xf32, #tpu.memory_space<vmem>>) dst(%dma_wait3A_461 : memref<128x128xf32, #tpu.memory_space<hbm>>)
      %mul3A_466 = arith.constant 4 : i32
      %mul3A_467 = arith.muli %scan3A_394, %mul3A_466 : i32
      %add3A_468 = arith.constant 2 : i32
      %add3A_469 = arith.addi %mul3A_467, %add3A_468 : i32
      %dma_start3A_470 = arith.constant 0 : i32
      %dma_start3A_471 = arith.constant 2 : i32
      %dma_start3A_472 = arith.constant 0 : i32
      %dma_start3A_473 = arith.constant 0 : i32
      %dma_start3A_474 = tpu.memref_slice %arg6[%dma_start3A_471, %dma_start3A_472, %dma_start3A_473] : memref<4x128x128xf32, #tpu.memory_space<vmem>> -> memref<1x128x128xf32, #tpu.memory_space<vmem>>
      %dma_start3A_475 = tpu.memref_squeeze %dma_start3A_474 : memref<1x128x128xf32, #tpu.memory_space<vmem>> -> memref<128x128xf32, #tpu.memory_space<vmem>>
      %dma_start3A_476 = arith.constant 0 : i32
      %dma_start3A_477 = tpu.memref_slice %arg5[%dma_start3A_470, %add3A_469, %dma_start3A_476] : memref<2x80x128xi32, #tpu.memory_space<vmem>> -> memref<1x1x128xi32, #tpu.memory_space<vmem>>
      %dma_start3A_478 = tpu.memref_squeeze %dma_start3A_477 : memref<1x1x128xi32, #tpu.memory_space<vmem>> -> memref<128xi32, #tpu.memory_space<vmem>>
      %dma_start3A_479 = arith.constant 0 : i32
      %dma_start3A_480 = arith.constant 0 : i32
      %dma_start3A_481 = tpu.memref_slice %arg7[%dma_start3A_479, %dma_start3A_480] : memref<48x128xf32, #tpu.memory_space<vmem_shared>> -> memref<48x128xf32, #tpu.memory_space<vmem_shared>>
      tpu.enqueue_indirect_dma source(%dma_start3A_481 : memref<48x128xf32, #tpu.memory_space<vmem_shared>>) target(%dma_start3A_475 : memref<128x128xf32, #tpu.memory_space<vmem>>) offsets(%dma_start3A_478 : memref<128xi32, #tpu.memory_space<vmem>>) semaphore(%arg12 : memref<!tpu.dma_semaphore, #tpu.memory_space<semaphore_mem>>)
      %dma_wait3A_482 = arith.constant 3 : i32
      %dma_wait3A_483 = arith.constant 0 : i32
      %dma_wait3A_484 = arith.constant 0 : i32
      %dma_wait3A_485 = tpu.memref_slice %arg6[%dma_wait3A_482, %dma_wait3A_483, %dma_wait3A_484] : memref<4x128x128xf32, #tpu.memory_space<vmem>> -> memref<1x128x128xf32, #tpu.memory_space<vmem>>
      %dma_wait3A_486 = tpu.memref_squeeze %dma_wait3A_485 : memref<1x128x128xf32, #tpu.memory_space<vmem>> -> memref<128x128xf32, #tpu.memory_space<vmem>>
      %dma_wait3A_487 = arith.constant 0 : i32
      %dma_wait3A_488 = tpu.memref_slice %arg4[%mul3A_2, %dma_wait3A_487] : memref<3276800x128xf32, #tpu.memory_space<hbm>> -> memref<128x128xf32, #tpu.memory_space<hbm>>
      %dma_wait3A_489 = arith.constant 0 : i32
      %dma_wait3A_490 = tpu.memref_slice %arg4[%mul3A_2, %dma_wait3A_489] : memref<3276800x128xf32, #tpu.memory_space<hbm>> -> memref<128x128xf32, #tpu.memory_space<hbm>>
      %dma_wait3A_491 = arith.constant 0 : i32
      %dma_wait3A_492 = arith.constant 0 : i32
      %dma_wait3A_493 = tpu.memref_slice %arg6[%dma_wait3A_482, %dma_wait3A_491, %dma_wait3A_492] : memref<4x128x128xf32, #tpu.memory_space<vmem>> -> memref<1x128x128xf32, #tpu.memory_space<vmem>>
      %dma_wait3A_494 = tpu.memref_squeeze %dma_wait3A_493 : memref<1x128x128xf32, #tpu.memory_space<vmem>> -> memref<128x128xf32, #tpu.memory_space<vmem>>
      tpu.wait_dma2 semaphore(%arg17 : memref<!tpu.dma_semaphore, #tpu.memory_space<semaphore_mem>>) src(%dma_wait3A_494 : memref<128x128xf32, #tpu.memory_space<vmem>>) dst(%dma_wait3A_490 : memref<128x128xf32, #tpu.memory_space<hbm>>)
      %mul3A_495 = arith.constant 4 : i32
      %mul3A_496 = arith.muli %scan3A_394, %mul3A_495 : i32
      %add3A_497 = arith.constant 3 : i32
      %add3A_498 = arith.addi %mul3A_496, %add3A_497 : i32
      %dma_start3A_499 = arith.constant 0 : i32
      %dma_start3A_500 = arith.constant 3 : i32
      %dma_start3A_501 = arith.constant 0 : i32
      %dma_start3A_502 = arith.constant 0 : i32
      %dma_start3A_503 = tpu.memref_slice %arg6[%dma_start3A_500, %dma_start3A_501, %dma_start3A_502] : memref<4x128x128xf32, #tpu.memory_space<vmem>> -> memref<1x128x128xf32, #tpu.memory_space<vmem>>
      %dma_start3A_504 = tpu.memref_squeeze %dma_start3A_503 : memref<1x128x128xf32, #tpu.memory_space<vmem>> -> memref<128x128xf32, #tpu.memory_space<vmem>>
      %dma_start3A_505 = arith.constant 0 : i32
      %dma_start3A_506 = tpu.memref_slice %arg5[%dma_start3A_499, %add3A_498, %dma_start3A_505] : memref<2x80x128xi32, #tpu.memory_space<vmem>> -> memref<1x1x128xi32, #tpu.memory_space<vmem>>
      %dma_start3A_507 = tpu.memref_squeeze %dma_start3A_506 : memref<1x1x128xi32, #tpu.memory_space<vmem>> -> memref<128xi32, #tpu.memory_space<vmem>>
      %dma_start3A_508 = arith.constant 0 : i32
      %dma_start3A_509 = arith.constant 0 : i32
      %dma_start3A_510 = tpu.memref_slice %arg7[%dma_start3A_508, %dma_start3A_509] : memref<48x128xf32, #tpu.memory_space<vmem_shared>> -> memref<48x128xf32, #tpu.memory_space<vmem_shared>>
      tpu.enqueue_indirect_dma source(%dma_start3A_510 : memref<48x128xf32, #tpu.memory_space<vmem_shared>>) target(%dma_start3A_504 : memref<128x128xf32, #tpu.memory_space<vmem>>) offsets(%dma_start3A_507 : memref<128xi32, #tpu.memory_space<vmem>>) semaphore(%arg13 : memref<!tpu.dma_semaphore, #tpu.memory_space<semaphore_mem>>)
      %mul3A_511 = arith.constant 4 : i32
      %mul3A_512 = arith.muli %scan3A_394, %mul3A_511 : i32
      %add3A_513 = arith.constant 0 : i32
      %add3A_514 = arith.addi %mul3A_512, %add3A_513 : i32
      %dma_wait3A_515 = arith.constant 0 : i32
      %dma_wait3A_516 = arith.constant 0 : i32
      %dma_wait3A_517 = arith.constant 0 : i32
      %dma_wait3A_518 = arith.constant 0 : i32
      %dma_wait3A_519 = tpu.memref_slice %arg6[%dma_wait3A_516, %dma_wait3A_517, %dma_wait3A_518] : memref<4x128x128xf32, #tpu.memory_space<vmem>> -> memref<1x128x128xf32, #tpu.memory_space<vmem>>
      %dma_wait3A_520 = tpu.memref_squeeze %dma_wait3A_519 : memref<1x128x128xf32, #tpu.memory_space<vmem>> -> memref<128x128xf32, #tpu.memory_space<vmem>>
      %dma_wait3A_521 = arith.constant 0 : i32
      %dma_wait3A_522 = tpu.memref_slice %arg5[%dma_wait3A_515, %add3A_514, %dma_wait3A_521] : memref<2x80x128xi32, #tpu.memory_space<vmem>> -> memref<1x1x128xi32, #tpu.memory_space<vmem>>
      %dma_wait3A_523 = tpu.memref_squeeze %dma_wait3A_522 : memref<1x1x128xi32, #tpu.memory_space<vmem>> -> memref<128xi32, #tpu.memory_space<vmem>>
      %dma_wait3A_524 = arith.constant 0 : i32
      %dma_wait3A_525 = arith.constant 0 : i32
      %dma_wait3A_526 = tpu.memref_slice %arg7[%dma_wait3A_524, %dma_wait3A_525] : memref<48x128xf32, #tpu.memory_space<vmem_shared>> -> memref<48x128xf32, #tpu.memory_space<vmem_shared>>
      tpu.wait_indirect_dma semaphore(%arg10 : memref<!tpu.dma_semaphore, #tpu.memory_space<semaphore_mem>>) src(%dma_wait3A_526 : memref<48x128xf32, #tpu.memory_space<vmem_shared>>) dst(%dma_wait3A_520 : memref<128x128xf32, #tpu.memory_space<vmem>>)
      %add3A_527 = arith.constant 640 : i32
      %add3A_528 = arith.addi %mul3A_2, %add3A_527 : i32
      %mul3A_529 = arith.constant 4 : i32
      %mul3A_530 = arith.muli %scan3A_394, %mul3A_529 : i32
      %add3A_531 = arith.addi %add3A_528, %mul3A_530 : i32
      %add3A_532 = arith.constant 0 : i32
      %add3A_533 = arith.addi %add3A_531, %add3A_532 : i32
      %mul3A_534 = arith.constant 128 : i32
      %mul3A_535 = arith.muli %add3A_533, %mul3A_534 : i32
      %dma_start3A_536 = arith.constant 0 : i32
      %dma_start3A_537 = arith.constant 0 : i32
      %dma_start3A_538 = arith.constant 0 : i32
      %dma_start3A_539 = tpu.memref_slice %arg6[%dma_start3A_536, %dma_start3A_537, %dma_start3A_538] : memref<4x128x128xf32, #tpu.memory_space<vmem>> -> memref<1x128x128xf32, #tpu.memory_space<vmem>>
      %dma_start3A_540 = tpu.memref_squeeze %dma_start3A_539 : memref<1x128x128xf32, #tpu.memory_space<vmem>> -> memref<128x128xf32, #tpu.memory_space<vmem>>
      %dma_start3A_541 = arith.constant 0 : i32
      %dma_start3A_542 = tpu.memref_slice %arg4[%mul3A_535, %dma_start3A_541] : memref<3276800x128xf32, #tpu.memory_space<hbm>> -> memref<128x128xf32, #tpu.memory_space<hbm>>
      %dma_start3A_543 = arith.constant 0 : i32
      %dma_start3A_544 = tpu.memref_slice %arg4[%mul3A_535, %dma_start3A_543] : memref<3276800x128xf32, #tpu.memory_space<hbm>> -> memref<128x128xf32, #tpu.memory_space<hbm>>
      %dma_start3A_545 = arith.constant 0 : i32
      %dma_start3A_546 = arith.constant 0 : i32
      %dma_start3A_547 = tpu.memref_slice %arg6[%dma_start3A_536, %dma_start3A_545, %dma_start3A_546] : memref<4x128x128xf32, #tpu.memory_space<vmem>> -> memref<1x128x128xf32, #tpu.memory_space<vmem>>
      %dma_start3A_548 = tpu.memref_squeeze %dma_start3A_547 : memref<1x128x128xf32, #tpu.memory_space<vmem>> -> memref<128x128xf32, #tpu.memory_space<vmem>>
      tpu.enqueue_dma source(%dma_start3A_548 : memref<128x128xf32, #tpu.memory_space<vmem>>) target(%dma_start3A_544 : memref<128x128xf32, #tpu.memory_space<hbm>>) target_semaphore(%arg14 : memref<!tpu.dma_semaphore, #tpu.memory_space<semaphore_mem>>)
      %mul3A_549 = arith.constant 4 : i32
      %mul3A_550 = arith.muli %scan3A_394, %mul3A_549 : i32
      %add3A_551 = arith.constant 1 : i32
      %add3A_552 = arith.addi %mul3A_550, %add3A_551 : i32
      %dma_wait3A_553 = arith.constant 0 : i32
      %dma_wait3A_554 = arith.constant 1 : i32
      %dma_wait3A_555 = arith.constant 0 : i32
      %dma_wait3A_556 = arith.constant 0 : i32
      %dma_wait3A_557 = tpu.memref_slice %arg6[%dma_wait3A_554, %dma_wait3A_555, %dma_wait3A_556] : memref<4x128x128xf32, #tpu.memory_space<vmem>> -> memref<1x128x128xf32, #tpu.memory_space<vmem>>
      %dma_wait3A_558 = tpu.memref_squeeze %dma_wait3A_557 : memref<1x128x128xf32, #tpu.memory_space<vmem>> -> memref<128x128xf32, #tpu.memory_space<vmem>>
      %dma_wait3A_559 = arith.constant 0 : i32
      %dma_wait3A_560 = tpu.memref_slice %arg5[%dma_wait3A_553, %add3A_552, %dma_wait3A_559] : memref<2x80x128xi32, #tpu.memory_space<vmem>> -> memref<1x1x128xi32, #tpu.memory_space<vmem>>
      %dma_wait3A_561 = tpu.memref_squeeze %dma_wait3A_560 : memref<1x1x128xi32, #tpu.memory_space<vmem>> -> memref<128xi32, #tpu.memory_space<vmem>>
      %dma_wait3A_562 = arith.constant 0 : i32
      %dma_wait3A_563 = arith.constant 0 : i32
      %dma_wait3A_564 = tpu.memref_slice %arg7[%dma_wait3A_562, %dma_wait3A_563] : memref<48x128xf32, #tpu.memory_space<vmem_shared>> -> memref<48x128xf32, #tpu.memory_space<vmem_shared>>
      tpu.wait_indirect_dma semaphore(%arg11 : memref<!tpu.dma_semaphore, #tpu.memory_space<semaphore_mem>>) src(%dma_wait3A_564 : memref<48x128xf32, #tpu.memory_space<vmem_shared>>) dst(%dma_wait3A_558 : memref<128x128xf32, #tpu.memory_space<vmem>>)
      %add3A_565 = arith.constant 640 : i32
      %add3A_566 = arith.addi %mul3A_2, %add3A_565 : i32
      %mul3A_567 = arith.constant 4 : i32
      %mul3A_568 = arith.muli %scan3A_394, %mul3A_567 : i32
      %add3A_569 = arith.addi %add3A_566, %mul3A_568 : i32
      %add3A_570 = arith.constant 1 : i32
      %add3A_571 = arith.addi %add3A_569, %add3A_570 : i32
      %mul3A_572 = arith.constant 128 : i32
      %mul3A_573 = arith.muli %add3A_571, %mul3A_572 : i32
      %dma_start3A_574 = arith.constant 1 : i32
      %dma_start3A_575 = arith.constant 0 : i32
      %dma_start3A_576 = arith.constant 0 : i32
      %dma_start3A_577 = tpu.memref_slice %arg6[%dma_start3A_574, %dma_start3A_575, %dma_start3A_576] : memref<4x128x128xf32, #tpu.memory_space<vmem>> -> memref<1x128x128xf32, #tpu.memory_space<vmem>>
      %dma_start3A_578 = tpu.memref_squeeze %dma_start3A_577 : memref<1x128x128xf32, #tpu.memory_space<vmem>> -> memref<128x128xf32, #tpu.memory_space<vmem>>
      %dma_start3A_579 = arith.constant 0 : i32
      %dma_start3A_580 = tpu.memref_slice %arg4[%mul3A_573, %dma_start3A_579] : memref<3276800x128xf32, #tpu.memory_space<hbm>> -> memref<128x128xf32, #tpu.memory_space<hbm>>
      %dma_start3A_581 = arith.constant 0 : i32
      %dma_start3A_582 = tpu.memref_slice %arg4[%mul3A_573, %dma_start3A_581] : memref<3276800x128xf32, #tpu.memory_space<hbm>> -> memref<128x128xf32, #tpu.memory_space<hbm>>
      %dma_start3A_583 = arith.constant 0 : i32
      %dma_start3A_584 = arith.constant 0 : i32
      %dma_start3A_585 = tpu.memref_slice %arg6[%dma_start3A_574, %dma_start3A_583, %dma_start3A_584] : memref<4x128x128xf32, #tpu.memory_space<vmem>> -> memref<1x128x128xf32, #tpu.memory_space<vmem>>
      %dma_start3A_586 = tpu.memref_squeeze %dma_start3A_585 : memref<1x128x128xf32, #tpu.memory_space<vmem>> -> memref<128x128xf32, #tpu.memory_space<vmem>>
      tpu.enqueue_dma source(%dma_start3A_586 : memref<128x128xf32, #tpu.memory_space<vmem>>) target(%dma_start3A_582 : memref<128x128xf32, #tpu.memory_space<hbm>>) target_semaphore(%arg15 : memref<!tpu.dma_semaphore, #tpu.memory_space<semaphore_mem>>)
      %mul3A_587 = arith.constant 4 : i32
      %mul3A_588 = arith.muli %scan3A_394, %mul3A_587 : i32
      %add3A_589 = arith.constant 2 : i32
      %add3A_590 = arith.addi %mul3A_588, %add3A_589 : i32
      %dma_wait3A_591 = arith.constant 0 : i32
      %dma_wait3A_592 = arith.constant 2 : i32
      %dma_wait3A_593 = arith.constant 0 : i32
      %dma_wait3A_594 = arith.constant 0 : i32
      %dma_wait3A_595 = tpu.memref_slice %arg6[%dma_wait3A_592, %dma_wait3A_593, %dma_wait3A_594] : memref<4x128x128xf32, #tpu.memory_space<vmem>> -> memref<1x128x128xf32, #tpu.memory_space<vmem>>
      %dma_wait3A_596 = tpu.memref_squeeze %dma_wait3A_595 : memref<1x128x128xf32, #tpu.memory_space<vmem>> -> memref<128x128xf32, #tpu.memory_space<vmem>>
      %dma_wait3A_597 = arith.constant 0 : i32
      %dma_wait3A_598 = tpu.memref_slice %arg5[%dma_wait3A_591, %add3A_590, %dma_wait3A_597] : memref<2x80x128xi32, #tpu.memory_space<vmem>> -> memref<1x1x128xi32, #tpu.memory_space<vmem>>
      %dma_wait3A_599 = tpu.memref_squeeze %dma_wait3A_598 : memref<1x1x128xi32, #tpu.memory_space<vmem>> -> memref<128xi32, #tpu.memory_space<vmem>>
      %dma_wait3A_600 = arith.constant 0 : i32
      %dma_wait3A_601 = arith.constant 0 : i32
      %dma_wait3A_602 = tpu.memref_slice %arg7[%dma_wait3A_600, %dma_wait3A_601] : memref<48x128xf32, #tpu.memory_space<vmem_shared>> -> memref<48x128xf32, #tpu.memory_space<vmem_shared>>
      tpu.wait_indirect_dma semaphore(%arg12 : memref<!tpu.dma_semaphore, #tpu.memory_space<semaphore_mem>>) src(%dma_wait3A_602 : memref<48x128xf32, #tpu.memory_space<vmem_shared>>) dst(%dma_wait3A_596 : memref<128x128xf32, #tpu.memory_space<vmem>>)
      %add3A_603 = arith.constant 640 : i32
      %add3A_604 = arith.addi %mul3A_2, %add3A_603 : i32
      %mul3A_605 = arith.constant 4 : i32
      %mul3A_606 = arith.muli %scan3A_394, %mul3A_605 : i32
      %add3A_607 = arith.addi %add3A_604, %mul3A_606 : i32
      %add3A_608 = arith.constant 2 : i32
      %add3A_609 = arith.addi %add3A_607, %add3A_608 : i32
      %mul3A_610 = arith.constant 128 : i32
      %mul3A_611 = arith.muli %add3A_609, %mul3A_610 : i32
      %dma_start3A_612 = arith.constant 2 : i32
      %dma_start3A_613 = arith.constant 0 : i32
      %dma_start3A_614 = arith.constant 0 : i32
      %dma_start3A_615 = tpu.memref_slice %arg6[%dma_start3A_612, %dma_start3A_613, %dma_start3A_614] : memref<4x128x128xf32, #tpu.memory_space<vmem>> -> memref<1x128x128xf32, #tpu.memory_space<vmem>>
      %dma_start3A_616 = tpu.memref_squeeze %dma_start3A_615 : memref<1x128x128xf32, #tpu.memory_space<vmem>> -> memref<128x128xf32, #tpu.memory_space<vmem>>
      %dma_start3A_617 = arith.constant 0 : i32
      %dma_start3A_618 = tpu.memref_slice %arg4[%mul3A_611, %dma_start3A_617] : memref<3276800x128xf32, #tpu.memory_space<hbm>> -> memref<128x128xf32, #tpu.memory_space<hbm>>
      %dma_start3A_619 = arith.constant 0 : i32
      %dma_start3A_620 = tpu.memref_slice %arg4[%mul3A_611, %dma_start3A_619] : memref<3276800x128xf32, #tpu.memory_space<hbm>> -> memref<128x128xf32, #tpu.memory_space<hbm>>
      %dma_start3A_621 = arith.constant 0 : i32
      %dma_start3A_622 = arith.constant 0 : i32
      %dma_start3A_623 = tpu.memref_slice %arg6[%dma_start3A_612, %dma_start3A_621, %dma_start3A_622] : memref<4x128x128xf32, #tpu.memory_space<vmem>> -> memref<1x128x128xf32, #tpu.memory_space<vmem>>
      %dma_start3A_624 = tpu.memref_squeeze %dma_start3A_623 : memref<1x128x128xf32, #tpu.memory_space<vmem>> -> memref<128x128xf32, #tpu.memory_space<vmem>>
      tpu.enqueue_dma source(%dma_start3A_624 : memref<128x128xf32, #tpu.memory_space<vmem>>) target(%dma_start3A_620 : memref<128x128xf32, #tpu.memory_space<hbm>>) target_semaphore(%arg16 : memref<!tpu.dma_semaphore, #tpu.memory_space<semaphore_mem>>)
      %mul3A_625 = arith.constant 4 : i32
      %mul3A_626 = arith.muli %scan3A_394, %mul3A_625 : i32
      %add3A_627 = arith.constant 3 : i32
      %add3A_628 = arith.addi %mul3A_626, %add3A_627 : i32
      %dma_wait3A_629 = arith.constant 0 : i32
      %dma_wait3A_630 = arith.constant 3 : i32
      %dma_wait3A_631 = arith.constant 0 : i32
      %dma_wait3A_632 = arith.constant 0 : i32
      %dma_wait3A_633 = tpu.memref_slice %arg6[%dma_wait3A_630, %dma_wait3A_631, %dma_wait3A_632] : memref<4x128x128xf32, #tpu.memory_space<vmem>> -> memref<1x128x128xf32, #tpu.memory_space<vmem>>
      %dma_wait3A_634 = tpu.memref_squeeze %dma_wait3A_633 : memref<1x128x128xf32, #tpu.memory_space<vmem>> -> memref<128x128xf32, #tpu.memory_space<vmem>>
      %dma_wait3A_635 = arith.constant 0 : i32
      %dma_wait3A_636 = tpu.memref_slice %arg5[%dma_wait3A_629, %add3A_628, %dma_wait3A_635] : memref<2x80x128xi32, #tpu.memory_space<vmem>> -> memref<1x1x128xi32, #tpu.memory_space<vmem>>
      %dma_wait3A_637 = tpu.memref_squeeze %dma_wait3A_636 : memref<1x1x128xi32, #tpu.memory_space<vmem>> -> memref<128xi32, #tpu.memory_space<vmem>>
      %dma_wait3A_638 = arith.constant 0 : i32
      %dma_wait3A_639 = arith.constant 0 : i32
      %dma_wait3A_640 = tpu.memref_slice %arg7[%dma_wait3A_638, %dma_wait3A_639] : memref<48x128xf32, #tpu.memory_space<vmem_shared>> -> memref<48x128xf32, #tpu.memory_space<vmem_shared>>
      tpu.wait_indirect_dma semaphore(%arg13 : memref<!tpu.dma_semaphore, #tpu.memory_space<semaphore_mem>>) src(%dma_wait3A_640 : memref<48x128xf32, #tpu.memory_space<vmem_shared>>) dst(%dma_wait3A_634 : memref<128x128xf32, #tpu.memory_space<vmem>>)
      %add3A_641 = arith.constant 640 : i32
      %add3A_642 = arith.addi %mul3A_2, %add3A_641 : i32
      %mul3A_643 = arith.constant 4 : i32
      %mul3A_644 = arith.muli %scan3A_394, %mul3A_643 : i32
      %add3A_645 = arith.addi %add3A_642, %mul3A_644 : i32
      %add3A_646 = arith.constant 3 : i32
      %add3A_647 = arith.addi %add3A_645, %add3A_646 : i32
      %mul3A_648 = arith.constant 128 : i32
      %mul3A_649 = arith.muli %add3A_647, %mul3A_648 : i32
      %dma_start3A_650 = arith.constant 3 : i32
      %dma_start3A_651 = arith.constant 0 : i32
      %dma_start3A_652 = arith.constant 0 : i32
      %dma_start3A_653 = tpu.memref_slice %arg6[%dma_start3A_650, %dma_start3A_651, %dma_start3A_652] : memref<4x128x128xf32, #tpu.memory_space<vmem>> -> memref<1x128x128xf32, #tpu.memory_space<vmem>>
      %dma_start3A_654 = tpu.memref_squeeze %dma_start3A_653 : memref<1x128x128xf32, #tpu.memory_space<vmem>> -> memref<128x128xf32, #tpu.memory_space<vmem>>
      %dma_start3A_655 = arith.constant 0 : i32
      %dma_start3A_656 = tpu.memref_slice %arg4[%mul3A_649, %dma_start3A_655] : memref<3276800x128xf32, #tpu.memory_space<hbm>> -> memref<128x128xf32, #tpu.memory_space<hbm>>
      %dma_start3A_657 = arith.constant 0 : i32
      %dma_start3A_658 = tpu.memref_slice %arg4[%mul3A_649, %dma_start3A_657] : memref<3276800x128xf32, #tpu.memory_space<hbm>> -> memref<128x128xf32, #tpu.memory_space<hbm>>
      %dma_start3A_659 = arith.constant 0 : i32
      %dma_start3A_660 = arith.constant 0 : i32
      %dma_start3A_661 = tpu.memref_slice %arg6[%dma_start3A_650, %dma_start3A_659, %dma_start3A_660] : memref<4x128x128xf32, #tpu.memory_space<vmem>> -> memref<1x128x128xf32, #tpu.memory_space<vmem>>
      %dma_start3A_662 = tpu.memref_squeeze %dma_start3A_661 : memref<1x128x128xf32, #tpu.memory_space<vmem>> -> memref<128x128xf32, #tpu.memory_space<vmem>>
      tpu.enqueue_dma source(%dma_start3A_662 : memref<128x128xf32, #tpu.memory_space<vmem>>) target(%dma_start3A_658 : memref<128x128xf32, #tpu.memory_space<hbm>>) target_semaphore(%arg17 : memref<!tpu.dma_semaphore, #tpu.memory_space<semaphore_mem>>)
    }
    %scan3A_322 = arith.constant 20 : i32
    %dma_wait3A_323 = arith.constant 1 : i32
    %dma_wait3A_324 = arith.constant 0 : i32
    %dma_wait3A_325 = arith.constant 0 : i32
    %dma_wait3A_326 = tpu.memref_slice %arg5[%dma_wait3A_323, %dma_wait3A_324, %dma_wait3A_325] : memref<2x80x128xi32, #tpu.memory_space<vmem>> -> memref<1x80x128xi32, #tpu.memory_space<vmem>>
    %dma_wait3A_327 = tpu.memref_squeeze %dma_wait3A_326 : memref<1x80x128xi32, #tpu.memory_space<vmem>> -> memref<80x128xi32, #tpu.memory_space<vmem>>
    %dma_wait3A_328 = arith.constant 0 : i32
    %dma_wait3A_329 = tpu.memref_slice %arg2[%mul3A_2, %dma_wait3A_328] : memref<25600x128xi32, #tpu.memory_space<hbm>> -> memref<80x128xi32, #tpu.memory_space<hbm>>
    %dma_wait3A_330 = arith.constant 0 : i32
    %dma_wait3A_331 = arith.constant 0 : i32
    %dma_wait3A_332 = tpu.memref_slice %arg5[%dma_wait3A_323, %dma_wait3A_330, %dma_wait3A_331] : memref<2x80x128xi32, #tpu.memory_space<vmem>> -> memref<1x80x128xi32, #tpu.memory_space<vmem>>
    %dma_wait3A_333 = tpu.memref_squeeze %dma_wait3A_332 : memref<1x80x128xi32, #tpu.memory_space<vmem>> -> memref<80x128xi32, #tpu.memory_space<vmem>>
    %dma_wait3A_334 = arith.constant 0 : i32
    %dma_wait3A_335 = tpu.memref_slice %arg2[%mul3A_2, %dma_wait3A_334] : memref<25600x128xi32, #tpu.memory_space<hbm>> -> memref<80x128xi32, #tpu.memory_space<hbm>>
    tpu.wait_dma2 semaphore(%arg9 : memref<!tpu.dma_semaphore, #tpu.memory_space<semaphore_mem>>) src(%dma_wait3A_335 : memref<80x128xi32, #tpu.memory_space<hbm>>) dst(%dma_wait3A_333 : memref<80x128xi32, #tpu.memory_space<vmem>>)
    %scan3A_336 = arith.constant 0 : i32
    %scan3A_337 = arith.constant 0 : i32
    %scan3A_338 = arith.constant 20 : i32
    %scan3A_339 = arith.addi %scan3A_337, %scan3A_338 : i32
    %scan3A_340 = arith.constant 1 : i32
    scf.for %scan3A_394 = %scan3A_337 to %scan3A_339 step %scan3A_340  : i32 {
      %dma_wait3A_395 = arith.constant 0 : i32
      %dma_wait3A_396 = arith.constant 0 : i32
      %dma_wait3A_397 = arith.constant 0 : i32
      %dma_wait3A_398 = tpu.memref_slice %arg6[%dma_wait3A_395, %dma_wait3A_396, %dma_wait3A_397] : memref<4x128x128xf32, #tpu.memory_space<vmem>> -> memref<1x128x128xf32, #tpu.memory_space<vmem>>
      %dma_wait3A_399 = tpu.memref_squeeze %dma_wait3A_398 : memref<1x128x128xf32, #tpu.memory_space<vmem>> -> memref<128x128xf32, #tpu.memory_space<vmem>>
      %dma_wait3A_400 = arith.constant 0 : i32
      %dma_wait3A_401 = tpu.memref_slice %arg4[%mul3A_2, %dma_wait3A_400] : memref<3276800x128xf32, #tpu.memory_space<hbm>> -> memref<128x128xf32, #tpu.memory_space<hbm>>
      %dma_wait3A_402 = arith.constant 0 : i32
      %dma_wait3A_403 = tpu.memref_slice %arg4[%mul3A_2, %dma_wait3A_402] : memref<3276800x128xf32, #tpu.memory_space<hbm>> -> memref<128x128xf32, #tpu.memory_space<hbm>>
      %dma_wait3A_404 = arith.constant 0 : i32
      %dma_wait3A_405 = arith.constant 0 : i32
      %dma_wait3A_406 = tpu.memref_slice %arg6[%dma_wait3A_395, %dma_wait3A_404, %dma_wait3A_405] : memref<4x128x128xf32, #tpu.memory_space<vmem>> -> memref<1x128x128xf32, #tpu.memory_space<vmem>>
      %dma_wait3A_407 = tpu.memref_squeeze %dma_wait3A_406 : memref<1x128x128xf32, #tpu.memory_space<vmem>> -> memref<128x128xf32, #tpu.memory_space<vmem>>
      tpu.wait_dma2 semaphore(%arg14 : memref<!tpu.dma_semaphore, #tpu.memory_space<semaphore_mem>>) src(%dma_wait3A_407 : memref<128x128xf32, #tpu.memory_space<vmem>>) dst(%dma_wait3A_403 : memref<128x128xf32, #tpu.memory_space<hbm>>)
      %mul3A_408 = arith.constant 4 : i32
      %mul3A_409 = arith.muli %scan3A_394, %mul3A_408 : i32
      %add3A_410 = arith.constant 0 : i32
      %add3A_411 = arith.addi %mul3A_409, %add3A_410 : i32
      %dma_start3A_412 = arith.constant 1 : i32
      %dma_start3A_413 = arith.constant 0 : i32
      %dma_start3A_414 = arith.constant 0 : i32
      %dma_start3A_415 = arith.constant 0 : i32
      %dma_start3A_416 = tpu.memref_slice %arg6[%dma_start3A_413, %dma_start3A_414, %dma_start3A_415] : memref<4x128x128xf32, #tpu.memory_space<vmem>> -> memref<1x128x128xf32, #tpu.memory_space<vmem>>
      %dma_start3A_417 = tpu.memref_squeeze %dma_start3A_416 : memref<1x128x128xf32, #tpu.memory_space<vmem>> -> memref<128x128xf32, #tpu.memory_space<vmem>>
      %dma_start3A_418 = arith.constant 0 : i32
      %dma_start3A_419 = tpu.memref_slice %arg5[%dma_start3A_412, %add3A_411, %dma_start3A_418] : memref<2x80x128xi32, #tpu.memory_space<vmem>> -> memref<1x1x128xi32, #tpu.memory_space<vmem>>
      %dma_start3A_420 = tpu.memref_squeeze %dma_start3A_419 : memref<1x1x128xi32, #tpu.memory_space<vmem>> -> memref<128xi32, #tpu.memory_space<vmem>>
      %dma_start3A_421 = arith.constant 0 : i32
      %dma_start3A_422 = arith.constant 0 : i32
      %dma_start3A_423 = tpu.memref_slice %arg7[%dma_start3A_421, %dma_start3A_422] : memref<48x128xf32, #tpu.memory_space<vmem_shared>> -> memref<48x128xf32, #tpu.memory_space<vmem_shared>>
      tpu.enqueue_indirect_dma source(%dma_start3A_423 : memref<48x128xf32, #tpu.memory_space<vmem_shared>>) target(%dma_start3A_417 : memref<128x128xf32, #tpu.memory_space<vmem>>) offsets(%dma_start3A_420 : memref<128xi32, #tpu.memory_space<vmem>>) semaphore(%arg10 : memref<!tpu.dma_semaphore, #tpu.memory_space<semaphore_mem>>)
      %dma_wait3A_424 = arith.constant 1 : i32
      %dma_wait3A_425 = arith.constant 0 : i32
      %dma_wait3A_426 = arith.constant 0 : i32
      %dma_wait3A_427 = tpu.memref_slice %arg6[%dma_wait3A_424, %dma_wait3A_425, %dma_wait3A_426] : memref<4x128x128xf32, #tpu.memory_space<vmem>> -> memref<1x128x128xf32, #tpu.memory_space<vmem>>
      %dma_wait3A_428 = tpu.memref_squeeze %dma_wait3A_427 : memref<1x128x128xf32, #tpu.memory_space<vmem>> -> memref<128x128xf32, #tpu.memory_space<vmem>>
      %dma_wait3A_429 = arith.constant 0 : i32
      %dma_wait3A_430 = tpu.memref_slice %arg4[%mul3A_2, %dma_wait3A_429] : memref<3276800x128xf32, #tpu.memory_space<hbm>> -> memref<128x128xf32, #tpu.memory_space<hbm>>
      %dma_wait3A_431 = arith.constant 0 : i32
      %dma_wait3A_432 = tpu.memref_slice %arg4[%mul3A_2, %dma_wait3A_431] : memref<3276800x128xf32, #tpu.memory_space<hbm>> -> memref<128x128xf32, #tpu.memory_space<hbm>>
      %dma_wait3A_433 = arith.constant 0 : i32
      %dma_wait3A_434 = arith.constant 0 : i32
      %dma_wait3A_435 = tpu.memref_slice %arg6[%dma_wait3A_424, %dma_wait3A_433, %dma_wait3A_434] : memref<4x128x128xf32, #tpu.memory_space<vmem>> -> memref<1x128x128xf32, #tpu.memory_space<vmem>>
      %dma_wait3A_436 = tpu.memref_squeeze %dma_wait3A_435 : memref<1x128x128xf32, #tpu.memory_space<vmem>> -> memref<128x128xf32, #tpu.memory_space<vmem>>
      tpu.wait_dma2 semaphore(%arg15 : memref<!tpu.dma_semaphore, #tpu.memory_space<semaphore_mem>>) src(%dma_wait3A_436 : memref<128x128xf32, #tpu.memory_space<vmem>>) dst(%dma_wait3A_432 : memref<128x128xf32, #tpu.memory_space<hbm>>)
      %mul3A_437 = arith.constant 4 : i32
      %mul3A_438 = arith.muli %scan3A_394, %mul3A_437 : i32
      %add3A_439 = arith.constant 1 : i32
      %add3A_440 = arith.addi %mul3A_438, %add3A_439 : i32
      %dma_start3A_441 = arith.constant 1 : i32
      %dma_start3A_442 = arith.constant 1 : i32
      %dma_start3A_443 = arith.constant 0 : i32
      %dma_start3A_444 = arith.constant 0 : i32
      %dma_start3A_445 = tpu.memref_slice %arg6[%dma_start3A_442, %dma_start3A_443, %dma_start3A_444] : memref<4x128x128xf32, #tpu.memory_space<vmem>> -> memref<1x128x128xf32, #tpu.memory_space<vmem>>
      %dma_start3A_446 = tpu.memref_squeeze %dma_start3A_445 : memref<1x128x128xf32, #tpu.memory_space<vmem>> -> memref<128x128xf32, #tpu.memory_space<vmem>>
      %dma_start3A_447 = arith.constant 0 : i32
      %dma_start3A_448 = tpu.memref_slice %arg5[%dma_start3A_441, %add3A_440, %dma_start3A_447] : memref<2x80x128xi32, #tpu.memory_space<vmem>> -> memref<1x1x128xi32, #tpu.memory_space<vmem>>
      %dma_start3A_449 = tpu.memref_squeeze %dma_start3A_448 : memref<1x1x128xi32, #tpu.memory_space<vmem>> -> memref<128xi32, #tpu.memory_space<vmem>>
      %dma_start3A_450 = arith.constant 0 : i32
      %dma_start3A_451 = arith.constant 0 : i32
      %dma_start3A_452 = tpu.memref_slice %arg7[%dma_start3A_450, %dma_start3A_451] : memref<48x128xf32, #tpu.memory_space<vmem_shared>> -> memref<48x128xf32, #tpu.memory_space<vmem_shared>>
      tpu.enqueue_indirect_dma source(%dma_start3A_452 : memref<48x128xf32, #tpu.memory_space<vmem_shared>>) target(%dma_start3A_446 : memref<128x128xf32, #tpu.memory_space<vmem>>) offsets(%dma_start3A_449 : memref<128xi32, #tpu.memory_space<vmem>>) semaphore(%arg11 : memref<!tpu.dma_semaphore, #tpu.memory_space<semaphore_mem>>)
      %dma_wait3A_453 = arith.constant 2 : i32
      %dma_wait3A_454 = arith.constant 0 : i32
      %dma_wait3A_455 = arith.constant 0 : i32
      %dma_wait3A_456 = tpu.memref_slice %arg6[%dma_wait3A_453, %dma_wait3A_454, %dma_wait3A_455] : memref<4x128x128xf32, #tpu.memory_space<vmem>> -> memref<1x128x128xf32, #tpu.memory_space<vmem>>
      %dma_wait3A_457 = tpu.memref_squeeze %dma_wait3A_456 : memref<1x128x128xf32, #tpu.memory_space<vmem>> -> memref<128x128xf32, #tpu.memory_space<vmem>>
      %dma_wait3A_458 = arith.constant 0 : i32
      %dma_wait3A_459 = tpu.memref_slice %arg4[%mul3A_2, %dma_wait3A_458] : memref<3276800x128xf32, #tpu.memory_space<hbm>> -> memref<128x128xf32, #tpu.memory_space<hbm>>
      %dma_wait3A_460 = arith.constant 0 : i32
      %dma_wait3A_461 = tpu.memref_slice %arg4[%mul3A_2, %dma_wait3A_460] : memref<3276800x128xf32, #tpu.memory_space<hbm>> -> memref<128x128xf32, #tpu.memory_space<hbm>>
      %dma_wait3A_462 = arith.constant 0 : i32
      %dma_wait3A_463 = arith.constant 0 : i32
      %dma_wait3A_464 = tpu.memref_slice %arg6[%dma_wait3A_453, %dma_wait3A_462, %dma_wait3A_463] : memref<4x128x128xf32, #tpu.memory_space<vmem>> -> memref<1x128x128xf32, #tpu.memory_space<vmem>>
      %dma_wait3A_465 = tpu.memref_squeeze %dma_wait3A_464 : memref<1x128x128xf32, #tpu.memory_space<vmem>> -> memref<128x128xf32, #tpu.memory_space<vmem>>
      tpu.wait_dma2 semaphore(%arg16 : memref<!tpu.dma_semaphore, #tpu.memory_space<semaphore_mem>>) src(%dma_wait3A_465 : memref<128x128xf32, #tpu.memory_space<vmem>>) dst(%dma_wait3A_461 : memref<128x128xf32, #tpu.memory_space<hbm>>)
      %mul3A_466 = arith.constant 4 : i32
      %mul3A_467 = arith.muli %scan3A_394, %mul3A_466 : i32
      %add3A_468 = arith.constant 2 : i32
      %add3A_469 = arith.addi %mul3A_467, %add3A_468 : i32
      %dma_start3A_470 = arith.constant 1 : i32
      %dma_start3A_471 = arith.constant 2 : i32
      %dma_start3A_472 = arith.constant 0 : i32
      %dma_start3A_473 = arith.constant 0 : i32
      %dma_start3A_474 = tpu.memref_slice %arg6[%dma_start3A_471, %dma_start3A_472, %dma_start3A_473] : memref<4x128x128xf32, #tpu.memory_space<vmem>> -> memref<1x128x128xf32, #tpu.memory_space<vmem>>
      %dma_start3A_475 = tpu.memref_squeeze %dma_start3A_474 : memref<1x128x128xf32, #tpu.memory_space<vmem>> -> memref<128x128xf32, #tpu.memory_space<vmem>>
      %dma_start3A_476 = arith.constant 0 : i32
      %dma_start3A_477 = tpu.memref_slice %arg5[%dma_start3A_470, %add3A_469, %dma_start3A_476] : memref<2x80x128xi32, #tpu.memory_space<vmem>> -> memref<1x1x128xi32, #tpu.memory_space<vmem>>
      %dma_start3A_478 = tpu.memref_squeeze %dma_start3A_477 : memref<1x1x128xi32, #tpu.memory_space<vmem>> -> memref<128xi32, #tpu.memory_space<vmem>>
      %dma_start3A_479 = arith.constant 0 : i32
      %dma_start3A_480 = arith.constant 0 : i32
      %dma_start3A_481 = tpu.memref_slice %arg7[%dma_start3A_479, %dma_start3A_480] : memref<48x128xf32, #tpu.memory_space<vmem_shared>> -> memref<48x128xf32, #tpu.memory_space<vmem_shared>>
      tpu.enqueue_indirect_dma source(%dma_start3A_481 : memref<48x128xf32, #tpu.memory_space<vmem_shared>>) target(%dma_start3A_475 : memref<128x128xf32, #tpu.memory_space<vmem>>) offsets(%dma_start3A_478 : memref<128xi32, #tpu.memory_space<vmem>>) semaphore(%arg12 : memref<!tpu.dma_semaphore, #tpu.memory_space<semaphore_mem>>)
      %dma_wait3A_482 = arith.constant 3 : i32
      %dma_wait3A_483 = arith.constant 0 : i32
      %dma_wait3A_484 = arith.constant 0 : i32
      %dma_wait3A_485 = tpu.memref_slice %arg6[%dma_wait3A_482, %dma_wait3A_483, %dma_wait3A_484] : memref<4x128x128xf32, #tpu.memory_space<vmem>> -> memref<1x128x128xf32, #tpu.memory_space<vmem>>
      %dma_wait3A_486 = tpu.memref_squeeze %dma_wait3A_485 : memref<1x128x128xf32, #tpu.memory_space<vmem>> -> memref<128x128xf32, #tpu.memory_space<vmem>>
      %dma_wait3A_487 = arith.constant 0 : i32
      %dma_wait3A_488 = tpu.memref_slice %arg4[%mul3A_2, %dma_wait3A_487] : memref<3276800x128xf32, #tpu.memory_space<hbm>> -> memref<128x128xf32, #tpu.memory_space<hbm>>
      %dma_wait3A_489 = arith.constant 0 : i32
      %dma_wait3A_490 = tpu.memref_slice %arg4[%mul3A_2, %dma_wait3A_489] : memref<3276800x128xf32, #tpu.memory_space<hbm>> -> memref<128x128xf32, #tpu.memory_space<hbm>>
      %dma_wait3A_491 = arith.constant 0 : i32
      %dma_wait3A_492 = arith.constant 0 : i32
      %dma_wait3A_493 = tpu.memref_slice %arg6[%dma_wait3A_482, %dma_wait3A_491, %dma_wait3A_492] : memref<4x128x128xf32, #tpu.memory_space<vmem>> -> memref<1x128x128xf32, #tpu.memory_space<vmem>>
      %dma_wait3A_494 = tpu.memref_squeeze %dma_wait3A_493 : memref<1x128x128xf32, #tpu.memory_space<vmem>> -> memref<128x128xf32, #tpu.memory_space<vmem>>
      tpu.wait_dma2 semaphore(%arg17 : memref<!tpu.dma_semaphore, #tpu.memory_space<semaphore_mem>>) src(%dma_wait3A_494 : memref<128x128xf32, #tpu.memory_space<vmem>>) dst(%dma_wait3A_490 : memref<128x128xf32, #tpu.memory_space<hbm>>)
      %mul3A_495 = arith.constant 4 : i32
      %mul3A_496 = arith.muli %scan3A_394, %mul3A_495 : i32
      %add3A_497 = arith.constant 3 : i32
      %add3A_498 = arith.addi %mul3A_496, %add3A_497 : i32
      %dma_start3A_499 = arith.constant 1 : i32
      %dma_start3A_500 = arith.constant 3 : i32
      %dma_start3A_501 = arith.constant 0 : i32
      %dma_start3A_502 = arith.constant 0 : i32
      %dma_start3A_503 = tpu.memref_slice %arg6[%dma_start3A_500, %dma_start3A_501, %dma_start3A_502] : memref<4x128x128xf32, #tpu.memory_space<vmem>> -> memref<1x128x128xf32, #tpu.memory_space<vmem>>
      %dma_start3A_504 = tpu.memref_squeeze %dma_start3A_503 : memref<1x128x128xf32, #tpu.memory_space<vmem>> -> memref<128x128xf32, #tpu.memory_space<vmem>>
      %dma_start3A_505 = arith.constant 0 : i32
      %dma_start3A_506 = tpu.memref_slice %arg5[%dma_start3A_499, %add3A_498, %dma_start3A_505] : memref<2x80x128xi32, #tpu.memory_space<vmem>> -> memref<1x1x128xi32, #tpu.memory_space<vmem>>
      %dma_start3A_507 = tpu.memref_squeeze %dma_start3A_506 : memref<1x1x128xi32, #tpu.memory_space<vmem>> -> memref<128xi32, #tpu.memory_space<vmem>>
      %dma_start3A_508 = arith.constant 0 : i32
      %dma_start3A_509 = arith.constant 0 : i32
      %dma_start3A_510 = tpu.memref_slice %arg7[%dma_start3A_508, %dma_start3A_509] : memref<48x128xf32, #tpu.memory_space<vmem_shared>> -> memref<48x128xf32, #tpu.memory_space<vmem_shared>>
      tpu.enqueue_indirect_dma source(%dma_start3A_510 : memref<48x128xf32, #tpu.memory_space<vmem_shared>>) target(%dma_start3A_504 : memref<128x128xf32, #tpu.memory_space<vmem>>) offsets(%dma_start3A_507 : memref<128xi32, #tpu.memory_space<vmem>>) semaphore(%arg13 : memref<!tpu.dma_semaphore, #tpu.memory_space<semaphore_mem>>)
      %mul3A_511 = arith.constant 4 : i32
      %mul3A_512 = arith.muli %scan3A_394, %mul3A_511 : i32
      %add3A_513 = arith.constant 0 : i32
      %add3A_514 = arith.addi %mul3A_512, %add3A_513 : i32
      %dma_wait3A_515 = arith.constant 1 : i32
      %dma_wait3A_516 = arith.constant 0 : i32
      %dma_wait3A_517 = arith.constant 0 : i32
      %dma_wait3A_518 = arith.constant 0 : i32
      %dma_wait3A_519 = tpu.memref_slice %arg6[%dma_wait3A_516, %dma_wait3A_517, %dma_wait3A_518] : memref<4x128x128xf32, #tpu.memory_space<vmem>> -> memref<1x128x128xf32, #tpu.memory_space<vmem>>
      %dma_wait3A_520 = tpu.memref_squeeze %dma_wait3A_519 : memref<1x128x128xf32, #tpu.memory_space<vmem>> -> memref<128x128xf32, #tpu.memory_space<vmem>>
      %dma_wait3A_521 = arith.constant 0 : i32
      %dma_wait3A_522 = tpu.memref_slice %arg5[%dma_wait3A_515, %add3A_514, %dma_wait3A_521] : memref<2x80x128xi32, #tpu.memory_space<vmem>> -> memref<1x1x128xi32, #tpu.memory_space<vmem>>
      %dma_wait3A_523 = tpu.memref_squeeze %dma_wait3A_522 : memref<1x1x128xi32, #tpu.memory_space<vmem>> -> memref<128xi32, #tpu.memory_space<vmem>>
      %dma_wait3A_524 = arith.constant 0 : i32
      %dma_wait3A_525 = arith.constant 0 : i32
      %dma_wait3A_526 = tpu.memref_slice %arg7[%dma_wait3A_524, %dma_wait3A_525] : memref<48x128xf32, #tpu.memory_space<vmem_shared>> -> memref<48x128xf32, #tpu.memory_space<vmem_shared>>
      tpu.wait_indirect_dma semaphore(%arg10 : memref<!tpu.dma_semaphore, #tpu.memory_space<semaphore_mem>>) src(%dma_wait3A_526 : memref<48x128xf32, #tpu.memory_space<vmem_shared>>) dst(%dma_wait3A_520 : memref<128x128xf32, #tpu.memory_space<vmem>>)
      %add3A_527 = arith.constant 720 : i32
      %add3A_528 = arith.addi %mul3A_2, %add3A_527 : i32
      %mul3A_529 = arith.constant 4 : i32
      %mul3A_530 = arith.muli %scan3A_394, %mul3A_529 : i32
      %add3A_531 = arith.addi %add3A_528, %mul3A_530 : i32
      %add3A_532 = arith.constant 0 : i32
      %add3A_533 = arith.addi %add3A_531, %add3A_532 : i32
      %mul3A_534 = arith.constant 128 : i32
      %mul3A_535 = arith.muli %add3A_533, %mul3A_534 : i32
      %dma_start3A_536 = arith.constant 0 : i32
      %dma_start3A_537 = arith.constant 0 : i32
      %dma_start3A_538 = arith.constant 0 : i32
      %dma_start3A_539 = tpu.memref_slice %arg6[%dma_start3A_536, %dma_start3A_537, %dma_start3A_538] : memref<4x128x128xf32, #tpu.memory_space<vmem>> -> memref<1x128x128xf32, #tpu.memory_space<vmem>>
      %dma_start3A_540 = tpu.memref_squeeze %dma_start3A_539 : memref<1x128x128xf32, #tpu.memory_space<vmem>> -> memref<128x128xf32, #tpu.memory_space<vmem>>
      %dma_start3A_541 = arith.constant 0 : i32
      %dma_start3A_542 = tpu.memref_slice %arg4[%mul3A_535, %dma_start3A_541] : memref<3276800x128xf32, #tpu.memory_space<hbm>> -> memref<128x128xf32, #tpu.memory_space<hbm>>
      %dma_start3A_543 = arith.constant 0 : i32
      %dma_start3A_544 = tpu.memref_slice %arg4[%mul3A_535, %dma_start3A_543] : memref<3276800x128xf32, #tpu.memory_space<hbm>> -> memref<128x128xf32, #tpu.memory_space<hbm>>
      %dma_start3A_545 = arith.constant 0 : i32
      %dma_start3A_546 = arith.constant 0 : i32
      %dma_start3A_547 = tpu.memref_slice %arg6[%dma_start3A_536, %dma_start3A_545, %dma_start3A_546] : memref<4x128x128xf32, #tpu.memory_space<vmem>> -> memref<1x128x128xf32, #tpu.memory_space<vmem>>
      %dma_start3A_548 = tpu.memref_squeeze %dma_start3A_547 : memref<1x128x128xf32, #tpu.memory_space<vmem>> -> memref<128x128xf32, #tpu.memory_space<vmem>>
      tpu.enqueue_dma source(%dma_start3A_548 : memref<128x128xf32, #tpu.memory_space<vmem>>) target(%dma_start3A_544 : memref<128x128xf32, #tpu.memory_space<hbm>>) target_semaphore(%arg14 : memref<!tpu.dma_semaphore, #tpu.memory_space<semaphore_mem>>)
      %mul3A_549 = arith.constant 4 : i32
      %mul3A_550 = arith.muli %scan3A_394, %mul3A_549 : i32
      %add3A_551 = arith.constant 1 : i32
      %add3A_552 = arith.addi %mul3A_550, %add3A_551 : i32
      %dma_wait3A_553 = arith.constant 1 : i32
      %dma_wait3A_554 = arith.constant 1 : i32
      %dma_wait3A_555 = arith.constant 0 : i32
      %dma_wait3A_556 = arith.constant 0 : i32
      %dma_wait3A_557 = tpu.memref_slice %arg6[%dma_wait3A_554, %dma_wait3A_555, %dma_wait3A_556] : memref<4x128x128xf32, #tpu.memory_space<vmem>> -> memref<1x128x128xf32, #tpu.memory_space<vmem>>
      %dma_wait3A_558 = tpu.memref_squeeze %dma_wait3A_557 : memref<1x128x128xf32, #tpu.memory_space<vmem>> -> memref<128x128xf32, #tpu.memory_space<vmem>>
      %dma_wait3A_559 = arith.constant 0 : i32
      %dma_wait3A_560 = tpu.memref_slice %arg5[%dma_wait3A_553, %add3A_552, %dma_wait3A_559] : memref<2x80x128xi32, #tpu.memory_space<vmem>> -> memref<1x1x128xi32, #tpu.memory_space<vmem>>
      %dma_wait3A_561 = tpu.memref_squeeze %dma_wait3A_560 : memref<1x1x128xi32, #tpu.memory_space<vmem>> -> memref<128xi32, #tpu.memory_space<vmem>>
      %dma_wait3A_562 = arith.constant 0 : i32
      %dma_wait3A_563 = arith.constant 0 : i32
      %dma_wait3A_564 = tpu.memref_slice %arg7[%dma_wait3A_562, %dma_wait3A_563] : memref<48x128xf32, #tpu.memory_space<vmem_shared>> -> memref<48x128xf32, #tpu.memory_space<vmem_shared>>
      tpu.wait_indirect_dma semaphore(%arg11 : memref<!tpu.dma_semaphore, #tpu.memory_space<semaphore_mem>>) src(%dma_wait3A_564 : memref<48x128xf32, #tpu.memory_space<vmem_shared>>) dst(%dma_wait3A_558 : memref<128x128xf32, #tpu.memory_space<vmem>>)
      %add3A_565 = arith.constant 720 : i32
      %add3A_566 = arith.addi %mul3A_2, %add3A_565 : i32
      %mul3A_567 = arith.constant 4 : i32
      %mul3A_568 = arith.muli %scan3A_394, %mul3A_567 : i32
      %add3A_569 = arith.addi %add3A_566, %mul3A_568 : i32
      %add3A_570 = arith.constant 1 : i32
      %add3A_571 = arith.addi %add3A_569, %add3A_570 : i32
      %mul3A_572 = arith.constant 128 : i32
      %mul3A_573 = arith.muli %add3A_571, %mul3A_572 : i32
      %dma_start3A_574 = arith.constant 1 : i32
      %dma_start3A_575 = arith.constant 0 : i32
      %dma_start3A_576 = arith.constant 0 : i32
      %dma_start3A_577 = tpu.memref_slice %arg6[%dma_start3A_574, %dma_start3A_575, %dma_start3A_576] : memref<4x128x128xf32, #tpu.memory_space<vmem>> -> memref<1x128x128xf32, #tpu.memory_space<vmem>>
      %dma_start3A_578 = tpu.memref_squeeze %dma_start3A_577 : memref<1x128x128xf32, #tpu.memory_space<vmem>> -> memref<128x128xf32, #tpu.memory_space<vmem>>
      %dma_start3A_579 = arith.constant 0 : i32
      %dma_start3A_580 = tpu.memref_slice %arg4[%mul3A_573, %dma_start3A_579] : memref<3276800x128xf32, #tpu.memory_space<hbm>> -> memref<128x128xf32, #tpu.memory_space<hbm>>
      %dma_start3A_581 = arith.constant 0 : i32
      %dma_start3A_582 = tpu.memref_slice %arg4[%mul3A_573, %dma_start3A_581] : memref<3276800x128xf32, #tpu.memory_space<hbm>> -> memref<128x128xf32, #tpu.memory_space<hbm>>
      %dma_start3A_583 = arith.constant 0 : i32
      %dma_start3A_584 = arith.constant 0 : i32
      %dma_start3A_585 = tpu.memref_slice %arg6[%dma_start3A_574, %dma_start3A_583, %dma_start3A_584] : memref<4x128x128xf32, #tpu.memory_space<vmem>> -> memref<1x128x128xf32, #tpu.memory_space<vmem>>
      %dma_start3A_586 = tpu.memref_squeeze %dma_start3A_585 : memref<1x128x128xf32, #tpu.memory_space<vmem>> -> memref<128x128xf32, #tpu.memory_space<vmem>>
      tpu.enqueue_dma source(%dma_start3A_586 : memref<128x128xf32, #tpu.memory_space<vmem>>) target(%dma_start3A_582 : memref<128x128xf32, #tpu.memory_space<hbm>>) target_semaphore(%arg15 : memref<!tpu.dma_semaphore, #tpu.memory_space<semaphore_mem>>)
      %mul3A_587 = arith.constant 4 : i32
      %mul3A_588 = arith.muli %scan3A_394, %mul3A_587 : i32
      %add3A_589 = arith.constant 2 : i32
      %add3A_590 = arith.addi %mul3A_588, %add3A_589 : i32
      %dma_wait3A_591 = arith.constant 1 : i32
      %dma_wait3A_592 = arith.constant 2 : i32
      %dma_wait3A_593 = arith.constant 0 : i32
      %dma_wait3A_594 = arith.constant 0 : i32
      %dma_wait3A_595 = tpu.memref_slice %arg6[%dma_wait3A_592, %dma_wait3A_593, %dma_wait3A_594] : memref<4x128x128xf32, #tpu.memory_space<vmem>> -> memref<1x128x128xf32, #tpu.memory_space<vmem>>
      %dma_wait3A_596 = tpu.memref_squeeze %dma_wait3A_595 : memref<1x128x128xf32, #tpu.memory_space<vmem>> -> memref<128x128xf32, #tpu.memory_space<vmem>>
      %dma_wait3A_597 = arith.constant 0 : i32
      %dma_wait3A_598 = tpu.memref_slice %arg5[%dma_wait3A_591, %add3A_590, %dma_wait3A_597] : memref<2x80x128xi32, #tpu.memory_space<vmem>> -> memref<1x1x128xi32, #tpu.memory_space<vmem>>
      %dma_wait3A_599 = tpu.memref_squeeze %dma_wait3A_598 : memref<1x1x128xi32, #tpu.memory_space<vmem>> -> memref<128xi32, #tpu.memory_space<vmem>>
      %dma_wait3A_600 = arith.constant 0 : i32
      %dma_wait3A_601 = arith.constant 0 : i32
      %dma_wait3A_602 = tpu.memref_slice %arg7[%dma_wait3A_600, %dma_wait3A_601] : memref<48x128xf32, #tpu.memory_space<vmem_shared>> -> memref<48x128xf32, #tpu.memory_space<vmem_shared>>
      tpu.wait_indirect_dma semaphore(%arg12 : memref<!tpu.dma_semaphore, #tpu.memory_space<semaphore_mem>>) src(%dma_wait3A_602 : memref<48x128xf32, #tpu.memory_space<vmem_shared>>) dst(%dma_wait3A_596 : memref<128x128xf32, #tpu.memory_space<vmem>>)
      %add3A_603 = arith.constant 720 : i32
      %add3A_604 = arith.addi %mul3A_2, %add3A_603 : i32
      %mul3A_605 = arith.constant 4 : i32
      %mul3A_606 = arith.muli %scan3A_394, %mul3A_605 : i32
      %add3A_607 = arith.addi %add3A_604, %mul3A_606 : i32
      %add3A_608 = arith.constant 2 : i32
      %add3A_609 = arith.addi %add3A_607, %add3A_608 : i32
      %mul3A_610 = arith.constant 128 : i32
      %mul3A_611 = arith.muli %add3A_609, %mul3A_610 : i32
      %dma_start3A_612 = arith.constant 2 : i32
      %dma_start3A_613 = arith.constant 0 : i32
      %dma_start3A_614 = arith.constant 0 : i32
      %dma_start3A_615 = tpu.memref_slice %arg6[%dma_start3A_612, %dma_start3A_613, %dma_start3A_614] : memref<4x128x128xf32, #tpu.memory_space<vmem>> -> memref<1x128x128xf32, #tpu.memory_space<vmem>>
      %dma_start3A_616 = tpu.memref_squeeze %dma_start3A_615 : memref<1x128x128xf32, #tpu.memory_space<vmem>> -> memref<128x128xf32, #tpu.memory_space<vmem>>
      %dma_start3A_617 = arith.constant 0 : i32
      %dma_start3A_618 = tpu.memref_slice %arg4[%mul3A_611, %dma_start3A_617] : memref<3276800x128xf32, #tpu.memory_space<hbm>> -> memref<128x128xf32, #tpu.memory_space<hbm>>
      %dma_start3A_619 = arith.constant 0 : i32
      %dma_start3A_620 = tpu.memref_slice %arg4[%mul3A_611, %dma_start3A_619] : memref<3276800x128xf32, #tpu.memory_space<hbm>> -> memref<128x128xf32, #tpu.memory_space<hbm>>
      %dma_start3A_621 = arith.constant 0 : i32
      %dma_start3A_622 = arith.constant 0 : i32
      %dma_start3A_623 = tpu.memref_slice %arg6[%dma_start3A_612, %dma_start3A_621, %dma_start3A_622] : memref<4x128x128xf32, #tpu.memory_space<vmem>> -> memref<1x128x128xf32, #tpu.memory_space<vmem>>
      %dma_start3A_624 = tpu.memref_squeeze %dma_start3A_623 : memref<1x128x128xf32, #tpu.memory_space<vmem>> -> memref<128x128xf32, #tpu.memory_space<vmem>>
      tpu.enqueue_dma source(%dma_start3A_624 : memref<128x128xf32, #tpu.memory_space<vmem>>) target(%dma_start3A_620 : memref<128x128xf32, #tpu.memory_space<hbm>>) target_semaphore(%arg16 : memref<!tpu.dma_semaphore, #tpu.memory_space<semaphore_mem>>)
      %mul3A_625 = arith.constant 4 : i32
      %mul3A_626 = arith.muli %scan3A_394, %mul3A_625 : i32
      %add3A_627 = arith.constant 3 : i32
      %add3A_628 = arith.addi %mul3A_626, %add3A_627 : i32
      %dma_wait3A_629 = arith.constant 1 : i32
      %dma_wait3A_630 = arith.constant 3 : i32
      %dma_wait3A_631 = arith.constant 0 : i32
      %dma_wait3A_632 = arith.constant 0 : i32
      %dma_wait3A_633 = tpu.memref_slice %arg6[%dma_wait3A_630, %dma_wait3A_631, %dma_wait3A_632] : memref<4x128x128xf32, #tpu.memory_space<vmem>> -> memref<1x128x128xf32, #tpu.memory_space<vmem>>
      %dma_wait3A_634 = tpu.memref_squeeze %dma_wait3A_633 : memref<1x128x128xf32, #tpu.memory_space<vmem>> -> memref<128x128xf32, #tpu.memory_space<vmem>>
      %dma_wait3A_635 = arith.constant 0 : i32
      %dma_wait3A_636 = tpu.memref_slice %arg5[%dma_wait3A_629, %add3A_628, %dma_wait3A_635] : memref<2x80x128xi32, #tpu.memory_space<vmem>> -> memref<1x1x128xi32, #tpu.memory_space<vmem>>
      %dma_wait3A_637 = tpu.memref_squeeze %dma_wait3A_636 : memref<1x1x128xi32, #tpu.memory_space<vmem>> -> memref<128xi32, #tpu.memory_space<vmem>>
      %dma_wait3A_638 = arith.constant 0 : i32
      %dma_wait3A_639 = arith.constant 0 : i32
      %dma_wait3A_640 = tpu.memref_slice %arg7[%dma_wait3A_638, %dma_wait3A_639] : memref<48x128xf32, #tpu.memory_space<vmem_shared>> -> memref<48x128xf32, #tpu.memory_space<vmem_shared>>
      tpu.wait_indirect_dma semaphore(%arg13 : memref<!tpu.dma_semaphore, #tpu.memory_space<semaphore_mem>>) src(%dma_wait3A_640 : memref<48x128xf32, #tpu.memory_space<vmem_shared>>) dst(%dma_wait3A_634 : memref<128x128xf32, #tpu.memory_space<vmem>>)
      %add3A_641 = arith.constant 720 : i32
      %add3A_642 = arith.addi %mul3A_2, %add3A_641 : i32
      %mul3A_643 = arith.constant 4 : i32
      %mul3A_644 = arith.muli %scan3A_394, %mul3A_643 : i32
      %add3A_645 = arith.addi %add3A_642, %mul3A_644 : i32
      %add3A_646 = arith.constant 3 : i32
      %add3A_647 = arith.addi %add3A_645, %add3A_646 : i32
      %mul3A_648 = arith.constant 128 : i32
      %mul3A_649 = arith.muli %add3A_647, %mul3A_648 : i32
      %dma_start3A_650 = arith.constant 3 : i32
      %dma_start3A_651 = arith.constant 0 : i32
      %dma_start3A_652 = arith.constant 0 : i32
      %dma_start3A_653 = tpu.memref_slice %arg6[%dma_start3A_650, %dma_start3A_651, %dma_start3A_652] : memref<4x128x128xf32, #tpu.memory_space<vmem>> -> memref<1x128x128xf32, #tpu.memory_space<vmem>>
      %dma_start3A_654 = tpu.memref_squeeze %dma_start3A_653 : memref<1x128x128xf32, #tpu.memory_space<vmem>> -> memref<128x128xf32, #tpu.memory_space<vmem>>
      %dma_start3A_655 = arith.constant 0 : i32
      %dma_start3A_656 = tpu.memref_slice %arg4[%mul3A_649, %dma_start3A_655] : memref<3276800x128xf32, #tpu.memory_space<hbm>> -> memref<128x128xf32, #tpu.memory_space<hbm>>
      %dma_start3A_657 = arith.constant 0 : i32
      %dma_start3A_658 = tpu.memref_slice %arg4[%mul3A_649, %dma_start3A_657] : memref<3276800x128xf32, #tpu.memory_space<hbm>> -> memref<128x128xf32, #tpu.memory_space<hbm>>
      %dma_start3A_659 = arith.constant 0 : i32
      %dma_start3A_660 = arith.constant 0 : i32
      %dma_start3A_661 = tpu.memref_slice %arg6[%dma_start3A_650, %dma_start3A_659, %dma_start3A_660] : memref<4x128x128xf32, #tpu.memory_space<vmem>> -> memref<1x128x128xf32, #tpu.memory_space<vmem>>
      %dma_start3A_662 = tpu.memref_squeeze %dma_start3A_661 : memref<1x128x128xf32, #tpu.memory_space<vmem>> -> memref<128x128xf32, #tpu.memory_space<vmem>>
      tpu.enqueue_dma source(%dma_start3A_662 : memref<128x128xf32, #tpu.memory_space<vmem>>) target(%dma_start3A_658 : memref<128x128xf32, #tpu.memory_space<hbm>>) target_semaphore(%arg17 : memref<!tpu.dma_semaphore, #tpu.memory_space<semaphore_mem>>)
    }
    %scan3A_341 = arith.constant 20 : i32
    %dma_wait3A_342 = arith.constant 0 : i32
    %dma_wait3A_343 = arith.constant 0 : i32
    %dma_wait3A_344 = arith.constant 0 : i32
    %dma_wait3A_345 = tpu.memref_slice %arg6[%dma_wait3A_342, %dma_wait3A_343, %dma_wait3A_344] : memref<4x128x128xf32, #tpu.memory_space<vmem>> -> memref<1x128x128xf32, #tpu.memory_space<vmem>>
    %dma_wait3A_346 = tpu.memref_squeeze %dma_wait3A_345 : memref<1x128x128xf32, #tpu.memory_space<vmem>> -> memref<128x128xf32, #tpu.memory_space<vmem>>
    %dma_wait3A_347 = arith.constant 0 : i32
    %dma_wait3A_348 = tpu.memref_slice %arg4[%mul3A_2, %dma_wait3A_347] : memref<3276800x128xf32, #tpu.memory_space<hbm>> -> memref<128x128xf32, #tpu.memory_space<hbm>>
    %dma_wait3A_349 = arith.constant 0 : i32
    %dma_wait3A_350 = tpu.memref_slice %arg4[%mul3A_2, %dma_wait3A_349] : memref<3276800x128xf32, #tpu.memory_space<hbm>> -> memref<128x128xf32, #tpu.memory_space<hbm>>
    %dma_wait3A_351 = arith.constant 0 : i32
    %dma_wait3A_352 = arith.constant 0 : i32
    %dma_wait3A_353 = tpu.memref_slice %arg6[%dma_wait3A_342, %dma_wait3A_351, %dma_wait3A_352] : memref<4x128x128xf32, #tpu.memory_space<vmem>> -> memref<1x128x128xf32, #tpu.memory_space<vmem>>
    %dma_wait3A_354 = tpu.memref_squeeze %dma_wait3A_353 : memref<1x128x128xf32, #tpu.memory_space<vmem>> -> memref<128x128xf32, #tpu.memory_space<vmem>>
    tpu.wait_dma2 semaphore(%arg14 : memref<!tpu.dma_semaphore, #tpu.memory_space<semaphore_mem>>) src(%dma_wait3A_354 : memref<128x128xf32, #tpu.memory_space<vmem>>) dst(%dma_wait3A_350 : memref<128x128xf32, #tpu.memory_space<hbm>>)
    %dma_wait3A_355 = arith.constant 1 : i32
    %dma_wait3A_356 = arith.constant 0 : i32
    %dma_wait3A_357 = arith.constant 0 : i32
    %dma_wait3A_358 = tpu.memref_slice %arg6[%dma_wait3A_355, %dma_wait3A_356, %dma_wait3A_357] : memref<4x128x128xf32, #tpu.memory_space<vmem>> -> memref<1x128x128xf32, #tpu.memory_space<vmem>>
    %dma_wait3A_359 = tpu.memref_squeeze %dma_wait3A_358 : memref<1x128x128xf32, #tpu.memory_space<vmem>> -> memref<128x128xf32, #tpu.memory_space<vmem>>
    %dma_wait3A_360 = arith.constant 0 : i32
    %dma_wait3A_361 = tpu.memref_slice %arg4[%mul3A_2, %dma_wait3A_360] : memref<3276800x128xf32, #tpu.memory_space<hbm>> -> memref<128x128xf32, #tpu.memory_space<hbm>>
    %dma_wait3A_362 = arith.constant 0 : i32
    %dma_wait3A_363 = tpu.memref_slice %arg4[%mul3A_2, %dma_wait3A_362] : memref<3276800x128xf32, #tpu.memory_space<hbm>> -> memref<128x128xf32, #tpu.memory_space<hbm>>
    %dma_wait3A_364 = arith.constant 0 : i32
    %dma_wait3A_365 = arith.constant 0 : i32
    %dma_wait3A_366 = tpu.memref_slice %arg6[%dma_wait3A_355, %dma_wait3A_364, %dma_wait3A_365] : memref<4x128x128xf32, #tpu.memory_space<vmem>> -> memref<1x128x128xf32, #tpu.memory_space<vmem>>
    %dma_wait3A_367 = tpu.memref_squeeze %dma_wait3A_366 : memref<1x128x128xf32, #tpu.memory_space<vmem>> -> memref<128x128xf32, #tpu.memory_space<vmem>>
    tpu.wait_dma2 semaphore(%arg15 : memref<!tpu.dma_semaphore, #tpu.memory_space<semaphore_mem>>) src(%dma_wait3A_367 : memref<128x128xf32, #tpu.memory_space<vmem>>) dst(%dma_wait3A_363 : memref<128x128xf32, #tpu.memory_space<hbm>>)
    %dma_wait3A_368 = arith.constant 2 : i32
    %dma_wait3A_369 = arith.constant 0 : i32
    %dma_wait3A_370 = arith.constant 0 : i32
    %dma_wait3A_371 = tpu.memref_slice %arg6[%dma_wait3A_368, %dma_wait3A_369, %dma_wait3A_370] : memref<4x128x128xf32, #tpu.memory_space<vmem>> -> memref<1x128x128xf32, #tpu.memory_space<vmem>>
    %dma_wait3A_372 = tpu.memref_squeeze %dma_wait3A_371 : memref<1x128x128xf32, #tpu.memory_space<vmem>> -> memref<128x128xf32, #tpu.memory_space<vmem>>
    %dma_wait3A_373 = arith.constant 0 : i32
    %dma_wait3A_374 = tpu.memref_slice %arg4[%mul3A_2, %dma_wait3A_373] : memref<3276800x128xf32, #tpu.memory_space<hbm>> -> memref<128x128xf32, #tpu.memory_space<hbm>>
    %dma_wait3A_375 = arith.constant 0 : i32
    %dma_wait3A_376 = tpu.memref_slice %arg4[%mul3A_2, %dma_wait3A_375] : memref<3276800x128xf32, #tpu.memory_space<hbm>> -> memref<128x128xf32, #tpu.memory_space<hbm>>
    %dma_wait3A_377 = arith.constant 0 : i32
    %dma_wait3A_378 = arith.constant 0 : i32
    %dma_wait3A_379 = tpu.memref_slice %arg6[%dma_wait3A_368, %dma_wait3A_377, %dma_wait3A_378] : memref<4x128x128xf32, #tpu.memory_space<vmem>> -> memref<1x128x128xf32, #tpu.memory_space<vmem>>
    %dma_wait3A_380 = tpu.memref_squeeze %dma_wait3A_379 : memref<1x128x128xf32, #tpu.memory_space<vmem>> -> memref<128x128xf32, #tpu.memory_space<vmem>>
    tpu.wait_dma2 semaphore(%arg16 : memref<!tpu.dma_semaphore, #tpu.memory_space<semaphore_mem>>) src(%dma_wait3A_380 : memref<128x128xf32, #tpu.memory_space<vmem>>) dst(%dma_wait3A_376 : memref<128x128xf32, #tpu.memory_space<hbm>>)
    %dma_wait3A_381 = arith.constant 3 : i32
    %dma_wait3A_382 = arith.constant 0 : i32
    %dma_wait3A_383 = arith.constant 0 : i32
    %dma_wait3A_384 = tpu.memref_slice %arg6[%dma_wait3A_381, %dma_wait3A_382, %dma_wait3A_383] : memref<4x128x128xf32, #tpu.memory_space<vmem>> -> memref<1x128x128xf32, #tpu.memory_space<vmem>>
    %dma_wait3A_385 = tpu.memref_squeeze %dma_wait3A_384 : memref<1x128x128xf32, #tpu.memory_space<vmem>> -> memref<128x128xf32, #tpu.memory_space<vmem>>
    %dma_wait3A_386 = arith.constant 0 : i32
    %dma_wait3A_387 = tpu.memref_slice %arg4[%mul3A_2, %dma_wait3A_386] : memref<3276800x128xf32, #tpu.memory_space<hbm>> -> memref<128x128xf32, #tpu.memory_space<hbm>>
    %dma_wait3A_388 = arith.constant 0 : i32
    %dma_wait3A_389 = tpu.memref_slice %arg4[%mul3A_2, %dma_wait3A_388] : memref<3276800x128xf32, #tpu.memory_space<hbm>> -> memref<128x128xf32, #tpu.memory_space<hbm>>
    %dma_wait3A_390 = arith.constant 0 : i32
    %dma_wait3A_391 = arith.constant 0 : i32
    %dma_wait3A_392 = tpu.memref_slice %arg6[%dma_wait3A_381, %dma_wait3A_390, %dma_wait3A_391] : memref<4x128x128xf32, #tpu.memory_space<vmem>> -> memref<1x128x128xf32, #tpu.memory_space<vmem>>
    %dma_wait3A_393 = tpu.memref_squeeze %dma_wait3A_392 : memref<1x128x128xf32, #tpu.memory_space<vmem>> -> memref<128x128xf32, #tpu.memory_space<vmem>>
    tpu.wait_dma2 semaphore(%arg17 : memref<!tpu.dma_semaphore, #tpu.memory_space<semaphore_mem>>) src(%dma_wait3A_393 : memref<128x128xf32, #tpu.memory_space<vmem>>) dst(%dma_wait3A_389 : memref<128x128xf32, #tpu.memory_space<hbm>>)
    return
  }
}

</mosaic_0001>

<sc_bundles>
// kernel: _lookup.3.cloned.1.call-start
scs
__scs_entry_jumppad:
0x0: {  	(pc) =	sbr.rel $0x88, $3  }
0x1: {  	(tag) =	ssettag $0x0;
	lr =	simm.s32 $0x1  }
0x2: {  	[smem:$0x3F9F] =	sst lr;
	_ =	strace $0xD0000000  }
0x3: {  	_ = 	snop  }
0x4: {  	_ = 	snop  }
0x5: {  	_ = 	snop  }
0x6: {  	_ = 	snop  }
0x7: {  	_ = 	snop  }
__scs_overlays_trampoline_lowered:
0x8: {  	[smem:$0x3FAE] =	sst s0  }
0x9: {  	[smem:$0x3FAF] =	sst s1  }
0xa: {  	[smem:$0x3FB0] =	sst s2  }
0xb: {  	[smem:$0x3FB1] =	sst s3  }
0xc: {  	[smem:$0x3FB2] =	sst s4  }
0xd: {  	[smem:$0x3FB3] =	sst s5  }
0xe: {  	[smem:$0x3FB4] =	sst s6  }
0xf: {  	[smem:$0x3FB5] =	sst s7  }
0x10: {  	[smem:$0x3FB6] =	sst s8  }
0x11: {  	[smem:$0x3FB7] =	sst s9;
	s0 =	simm.s32 @!p0 $0x0  }
0x12: {  	s1 =	sld [smem:$0x3F9D];
	s0 =	simm.s32 @p0 $0x1  }
0x13: {  	[smem:$0x3FB8] =	sst s0;
	s0 =	simm.s32 @!p1 $0x0  }
0x14: {  	s2 =	sld [smem:$0x3F9C];
	s0 =	simm.s32 @p1 $0x1  }
0x15: {  	[smem:$0x3FB9] =	sst s0;
	s0 =	simm.s32 @!p2 $0x0  }
0x16: {  	s3 =	sld [smem:$0x3FDB];
	s0 =	simm.s32 @p2 $0x1  }
0x17: {  	s4 =	simm.s32 $0x1BF5;
	[smem:$0x3FBB] =	sst s0  }
0x18: {  	s0 =	sld [smem:$0x3F9E];
	_ =	swait.ge [sflag:s4], $0x0  }
0x19: {  	s7 =	sld [smem:$0x3F9F]  }
0x1a: {  	s8 =	sadd.s32 $0xFFFFE003, lr  }
0x1b: {  	s9 =	sadd.s32 $0xFFFFFEF7, lr;
	s5 =	simm.s32 $0xFFFFFFFF;
	p2 =	slt.u32 s8, $0xFFFFF086  }
0x1c: {  	p1 =	slt.u32 s9, $0xF7A;
	s5 =	simm.s32 @!p2 $0x0  }
0x1d: {  	s5 =	simm.s32 @p1 $0x1;
	p0 =	seq.s32 s7, s2  }
0x1e: {  	s7 =	smul.u32 @!p0 $0xF7A, s2;
	p2 =	seq.s32 @!p0 s5, $0x0  }
0x1f: {  	s9 =	smul.u32 $0xF7A, s1;
	s8 =	simm.s32 @!p0 $0x1BF5;
	p2 =	por !p2, p0  }
0x20: {  	[sflag:s8] =	ssyncset.s32 @!p0 $0xFFFFF086;
	s6 =	sadd.s32 @!p0 s3, s7;
	s7 =	simm.s32 @!p0 $0x108  }
0x21: {  	s3 =	sadd.s32 s3, s9;
	s6 =	sadd.s32 @!p0 $0x88, s6;
	s7 =	simm.s32 @p2 $0x1082  }
0x22: {  	[simem:s7], [sflag:s8] =	dma.local @!p0 [hbm:s6], $0xF7A  }
0x23: {  	s9 =	sor.u32 $0xD0000000, s2;
	s6 =	simm.s32 $0x108;
	_ =	swait.ge @!p0 [sflag:s8], $0x0  }
0x24: {  	s3 =	sadd.s32 $0x88, s3;
	s6 =	simm.s32 @!p1 $0x1082;
	[sflag:s4] =	ssyncset.s32 $0xFFFFF086  }
0x25: {  	[simem:s6], [sflag:s4] =	dma.local [hbm:s3], $0xF7A  }
0x26: {  	[smem:$0x3F9F] =	sst s1;
	(tag) =	ssettag s2;
	_ =	strace s9  }
0x27: {  	s1 =	sld [smem:$0x3FAF]  }
0x28: {  	s2 =	sld [smem:$0x3FB0]  }
0x29: {  	s4 =	sld [smem:$0x3FB2]  }
0x2a: {  	p0 =	seq.s32 s5, $0x0;
	s5 =	sld [smem:$0x3FB3]  }
0x2b: {  	s6 =	sld [smem:$0x3FB4]  }
0x2c: {  	s7 =	sld [smem:$0x3FB5]  }
0x2d: {  	s3 =	simm.s32 $0x108;
	s8 =	sld [smem:$0x3FB6]  }
0x2e: {  	s3 =	simm.s32 @!p0 $0x1082;
	s9 =	sld [smem:$0x3FB7]  }
0x2f: {  	lr =	sadd.s32 s0, s3;
	s0 =	sld [smem:$0x3FAE]  }
0x30: {  	s3 =	sld [smem:$0x3FB1]  }
0x31: {  	[smem:$0x3FBA] =	sst s10  }
0x32: {  	s10 =	sld [smem:$0x3FB8];
	_ =	sdelay $0x3  }
0x33: {  	p0 =	seq.s32 s10, $0x1;
	s10 =	sld [smem:$0x3FBA];
	_ =	sdelay $0x3  }
0x34: {  	[smem:$0x3FBA] =	sst s10  }
0x35: {  	s10 =	sld [smem:$0x3FB9];
	_ =	sdelay $0x3  }
0x36: {  	p1 =	seq.s32 s10, $0x1;
	s10 =	sld [smem:$0x3FBA];
	_ =	sdelay $0x3  }
0x37: {  	[smem:$0x3FBA] =	sst s10  }
0x38: {  	s10 =	sld [smem:$0x3FBB]  }
0x39: {  	_ = 	snop;
	(pc) =	sbr.ind lr, $3  }
0x3a: {  	_ = 	snop  }
0x3b: {  	_ = 	snop  }
0x3c: {  	p2 =	seq.s32 s10, $0x1;
	s10 =	sld [smem:$0x3FBA]  }
0x3d: {  	_ =	shalt  }
0x3e: {  	_ =	shalt  }
0x3f: {  	_ =	shalt  }
0x40: {  	_ =	shalt  }
0x41: {  	_ =	shalt  }
0x42: {  	_ =	shalt  }
0x43: {  	_ =	shalt  }
0x44: {  	_ =	shalt  }
0x45: {  	_ =	shalt  }
0x46: {  	_ =	shalt  }
0x47: {  	_ =	shalt  }
0x48: {  	_ =	shalt  }
0x49: {  	_ =	shalt  }
0x4a: {  	_ =	shalt  }
0x4b: {  	_ =	shalt  }
0x4c: {  	_ =	shalt  }
0x4d: {  	_ =	shalt  }
0x4e: {  	_ =	shalt  }
0x4f: {  	_ =	shalt  }
0x50: {  	_ =	shalt  }
0x51: {  	_ =	shalt  }
0x52: {  	_ =	shalt  }
0x53: {  	_ =	shalt  }
0x54: {  	_ =	shalt  }
0x55: {  	_ =	shalt  }
0x56: {  	_ =	shalt  }
0x57: {  	_ =	shalt  }
0x58: {  	_ =	shalt  }
0x59: {  	_ =	shalt  }
0x5a: {  	_ =	shalt  }
0x5b: {  	_ =	shalt  }
0x5c: {  	_ =	shalt  }
0x5d: {  	_ =	shalt  }
0x5e: {  	_ =	shalt  }
0x5f: {  	_ =	shalt  }
0x60: {  	_ =	shalt  }
0x61: {  	_ =	shalt  }
0x62: {  	_ =	shalt  }
0x63: {  	_ =	shalt  }
0x64: {  	_ =	shalt  }
0x65: {  	_ =	shalt  }
0x66: {  	_ =	shalt  }
0x67: {  	_ =	shalt  }
0x68: {  	_ =	shalt  }
0x69: {  	_ =	shalt  }
0x6a: {  	_ =	shalt  }
0x6b: {  	_ =	shalt  }
0x6c: {  	_ =	shalt  }
0x6d: {  	_ =	shalt  }
0x6e: {  	_ =	shalt  }
0x6f: {  	_ =	shalt  }
0x70: {  	_ =	shalt  }
0x71: {  	_ =	shalt  }
0x72: {  	_ =	shalt  }
0x73: {  	_ =	shalt  }
0x74: {  	_ =	shalt  }
0x75: {  	_ =	shalt  }
0x76: {  	_ =	shalt  }
0x77: {  	_ =	shalt  }
0x78: {  	_ =	shalt  }
0x79: {  	_ =	shalt  }
0x7a: {  	_ =	shalt  }
0x7b: {  	_ =	shalt  }
0x7c: {  	_ =	shalt  }
0x7d: {  	_ =	shalt  }
0x7e: {  	_ =	shalt  }
0x7f: {  	_ =	shalt  }
0x80: {  	_ =	shalt  }
0x81: {  	_ =	shalt  }
0x82: {  	_ =	shalt  }
0x83: {  	_ =	shalt  }
0x84: {  	_ =	shalt  }
0x85: {  	_ =	shalt  }
0x86: {  	_ =	shalt  }
0x87: {  	_ =	shalt  }
.Lfunc_end0:
.L_simem_size_0:
called_computation_lowered:
.L_overlay_start_0:
0x88: {  	s2 =	sld [smem:$0x3FD9]  }
0x89: {  	s3 =	sld [smem:$0x3FFE];
	_ =	sdelay $0x1  }
0x8a: {  	s1 =	srdreg.scid  }
0x8b: {  	s0 =	sand.u32 $0x1, s1  }
0x8c: {  	s18 =	sshll.u32 s0, $0xA;
	s2 =	sadd.s32 s3, s2  }
0x8d: {  	s2 =	sadd.s32 s2, s18  }
0x8e: {  	[smem:$0x3FC6] =	sst s2  }
0x8f: {  	_ = 	snop  }
0x90: {  	s2 =	sld [smem:$0x3FC9]  }
0x91: {  	s19 =	sld [smem:$0x3FC8]  }
0x92: {  	s4 =	sld [smem:$0x3FD0];
	(tm) =	ssettm $0x1  }
0x93: {  	s5 =	sld [smem:$0x3FFB];
	_ =	sdelay $0x3  }
0x94: {  	_ =	strace s5  }
0x95: {  	s5 =	sld [smem:$0x3FFC];
	_ =	sdelay $0x3  }
0x96: {  	_ =	strace s5  }
0x97: {  	s5 =	sld [smem:$0x3FFD];
	_ =	sdelay $0x3  }
0x98: {  	_ =	strace s5  }
0x99: {  	_ =	strace $0x8FFFFFFF  }
0x9a: {  	s20 =	sld [smem:$0x3FDB];
	_ =	sdelay $0x1  }
0x9b: {  	s6 =	simm.s32 $_scs_section_size  }
0x9c: {  	s7 =	simm.s32 $_size__tile_overlayer_lowered;
	s8 =	simm.s32 $_tile_overlayer_lowered  }
0x9d: {  	s23 =	simm.s32 $0x1BFF;
	s22 =	sshll.u32 s8, $0x1;
	s5 =	sadd.s32 s6, s20  }
0x9e: {  	s9 =	simm.s32 $0x0;
	s21 =	sshll.u32 s7, $0x1;
	s7 =	sadd.s32 s22, s5  }
0x9f: {  	[timem:s9], [sflag:s23] =	dma.local [hbm:s7], s21  }
0xa0: {  	_ =	swait.ge [sflag:s23], s21  }
0xa1: {  	s6 =	ssub.s32 $0x0, s21;
	[sflag:s23] =	ssyncset.done $0x0  }
0xa2: {  	[sflag:s23] =	ssyncadd.s32 s6;
	_ =	sdelay $0x1  }
0xa3: {  	s24 =	simm.s32 $0x1B8B  }
0xa4: {  	_ =	swait.ge [sflag:s24], $0x1  }
0xa5: {  	[sflag:s24] =	ssyncset.done $0x0  }
0xa6: {  	s25 =	simm.s32 $0x1B8E;
	[sflag:s24] =	ssyncadd.s32 $0xFFFFFFFF  }
0xa7: {  	s26 =	simm.s32 $execute0_lowered;
	[smem:$0x3FD2] =	sst s25  }
0xa8: {  	s6 =	sshll.u32 s26, $0x1;
	_ =	strace $0x80000046;
	[dreg:$0x1] =	wrdreg $0xFFFFFFFF  }
0xa9: {  	s28 =	simm.s32 $_size_execute0_lowered;
	s5 =	sadd.s32 s5, s6;
	[dreg:$0x0] =	wrdreg $0x0  }
0xaa: {  	s6 =	sshll.u32 s28, $0x1;
	[dreg:$0x2] =	wrdreg s5  }
0xab: {  	[dreg:$0x3] =	wrdreg s6  }
0xac: {  	[dreg:$0x4] =	wrdreg $0xC0  }
0xad: {  	_ =	task [dreg:s9], $0x5FFFF  }
0xae: {  	[dreg:$0x1] =	wrdreg $0xFFFFFFFF  }
0xaf: {  	[dreg:$0x0] =	wrdreg $0x60  }
0xb0: {  	[dreg:$0x2] =	wrdreg s2  }
0xb1: {  	[dreg:$0x3] =	wrdreg s19  }
0xb2: {  	[dreg:$0x4] =	wrdreg s4  }
0xb3: {  	[dreg:$0x5] =	wrdreg $0x150000  }
0xb4: {  	[dreg:$0x6] =	wrdreg $0x9  }
0xb5: {  	_ =	task.clear_ibuf [dreg:s9], $0x7FFFF;
	_ =	strace $0x90000046  }
0xb6: {  	s29 =	simm.s32 $0x9;
	_ =	strace $0x80000048  }
0xb7: {  	_ =	swait.ge [sflag:s29], $0x1  }
0xb8: {  	[sflag:s29] =	ssyncadd.s32 $0xFFFFFFFF  }
0xb9: {  	_ =	strace $0x90000048  }
0xba: {  	_ =	sfence  }
0xbb: {  	s30 =	sld [smem:$0x0];
	_ =	sdelay $0x2  }
0xbc: {  	s31 =	sshll.u32 s1, $0xD;
	s1 =	sshrl.u32 s1, $0x2  }
0xbd: {  	s3 =	sand.u32 $0x4000, s31;
	s1 =	sadd.s32 s1, s30  }
0xbe: {  	s0 =	sor.u32 s3, s0;
	s1 =	sshll.u32 s1, $0x11  }
0xbf: {  	s0 =	sor.u32 s1, s0  }
0xc0: {  	s0 =	sadd.s32 $0x8F2B, s0  }
0xc1: {  	[sflag:s0] =	ssyncadd.remote.s32 $0x1  }
0xc2: {  	_ =	sfence.sel $0xFFFF  }
0xc3: {  	[dreg:$0x0] =	wrdreg $0xFFFFFFFF;
	(pc) =	sbr.abs _section_cstart, $3  }
0xc4: {  	[dreg:$0x1] =	wrdreg $0xFFFFFFFF  }
0xc5: {  	_ =	task.clear_ibuf [dreg:s9], $0x2FFFF;
	_ =	strace $0x9FFFFFFF  }
0xc6: {  	(tm) =	ssettm $0x7FFFFFFF  }
0xc7: {  	_ =	shalt  }
tec
execute0_lowered:
.L_overlay_start_1:
0x0: {  	(tag) =	ssettag $0x1  }
0x1: {  	s0 =	rddreg [dreg:$0x0]  }
0x2: {  	s1 =	srdreg.scid;
	s5 =	stileid.u32  }
0x3: {  	s6 =	rddreg [dreg:$0x2];
	s3 =	simm.s32 $0x0;
	s28 =	simm.s32 $0xD000  }
0x4: {  	s30 =	simm.s32 $0x11000;
	s31 =	simm.s32 $0x3;
	s29 =	simm.s32 $0x7  }
0x5: {  	s1 =	sand.u32 $0x1, s1;
	s2 =	sshll.u32 s5, $0x1;
	[smem:$0x7FF] =	sst s3  }
0x6: {  	s26 =	smul.u32 $0x320000, s5;
	p0 =	sne.s32 s5, $0x0;
	s7 =	sor.u32 s1, s2  }
0x7: {  	s5 =	simm.s32 $0x8;
	s2 =	rddreg [dreg:$0x3];
	s4 =	smul.u32 $0x3200, s7  }
0x8: {  	s8 =	ssub.s32 $0x2, s1;
	_ =	strace $0x80000047;
	s1 =	smul.u32 $0x190000, s1  }
0x9: {  	s9 =	sshrl.u32 s8, $0x1;
	s7 =	smul.u32 $0x190000, s7;
	s4 =	sadd.s32 s0, s4  }
0xa: {  	s16 =	ssub.s32 s8, s9;
	s8 =	simm.s32 $0x2;
	s17 =	sadd.s32 $0x500, s4  }
0xb: {  	s9 =	simm.s32 $0x0;
	s18 =	sadd.s32 $0xA00, s4;
	[dreg:$0x5] =	wrdreg s17  }
0xc: {  	s14 =	smax.u32 s16, $0x1;
	s19 =	sadd.s32 $0xF00, s4;
	[dreg:$0x6] =	wrdreg s18  }
0xd: {  	s15 =	sadd.s32 s6, s7;
	s20 =	sadd.s32 $0x1400, s4;
	[dreg:$0x7] =	wrdreg s19  }
0xe: {  	s0 =	sadd.s32 s26, s6;
	s21 =	sadd.s32 $0x1900, s4;
	[dreg:$0x8] =	wrdreg s20  }
0xf: {  	s26 =	simm.s32 $0x6;
	s22 =	sadd.s32 $0x1E00, s4;
	[dreg:$0x9] =	wrdreg s21  }
0x10: {  	s6 =	simm.s32 $0x9;
	s23 =	sadd.s32 $0x2300, s4;
	[dreg:$0xa] =	wrdreg s22  }
0x11: {  	s7 =	simm.s32 $0xA;
	s24 =	sadd.s32 $0x2800, s4;
	[dreg:$0xb] =	wrdreg s23  }
0x12: {  	s25 =	sadd.s32 $0x2D00, s4;
	s16 =	sadd.s32 $0x800, s15;
	[dreg:$0xc] =	wrdreg s24  }
0x13: {  	[dreg:$0xd] =	wrdreg s25;
	s17 =	sadd.s32 $0x1000, s15;
	s18 =	sadd.s32 $0x1800, s15  }
0x14: {  	s19 =	sadd.s32 s1, s0;
	s20 =	sshrl.u32 @!p0 s2, $0x3;
	s21 =	simm.s32 $0x1  }
0x15: {  	s22 =	simm.s32 $0x2800;
	s23 =	simm.s32 $0x80;
	s24 =	simm.s32 $0x5000  }
0x16: {  	s25 =	simm.s32 $0x9000;
	s1 =	simm.s32 $0x4;
	s0 =	simm.s32 $0x5  }
.LBB2_1:
0x17: {  	s10 =	simm.s32 @!p0 $0x1C0B;
	s11 =	rddreg [dreg:$0x1]  }
0x18: {  	[spmem:s20], [sflag:s10] =	dma.local @!p0 [hbm:s11], $0x300  }
0x19: {  	s10 =	simm.s32 @!p0 $0xB  }
0x1a: {  	_ =	swait.ge @!p0 [sflag:s10], $0x300  }
0x1b: {  	[sflag:s10] =	ssyncset.done @!p0 $0x0  }
0x1c: {  	[sflag:s10] =	ssyncadd.s32 @!p0 $0xFFFFFD00  }
0x1d: {  	[bflag:$0x0] =	sbarrier.arrive $0xFFFF  }
0x1e: {  	[tilespmem:s3], [sflag:$0x1] =	stream.linear.gather [hbm4b:s4+s3], $0x2800, $0x38;
	[tilespmem:$0x15180] =	vst v63  }
0x1f: {  	_ =	swait.ge [sflag:s21], $0x2800  }
0x20: {  	[sflag:s21] =	ssyncset.done $0x0  }
0x21: {  	s12 =	rddreg [dreg:$0x5];
	[sflag:s21] =	ssyncadd.s32 $0xFFFFD800  }
0x22: {  	[tilespmem:s22], [sflag:$0x2] =	stream.linear.gather [hbm4b:s12+s3], $0x2800, $0x38;
	[tilespmem:$0x15180] =	vst v63  }
0x23: {  	_ = 	snop  }
0x24: {  	[tilespmem:s24], [sflag:$0x3] =	stream.indirect.gather [spmem:s2], $0x80, s3, s23, $0xb8;
	[tilespmem:$0x15180] =	vst v63  }
0x25: {  	_ = 	snop  }
0x26: {  	[tilespmem:s25], [sflag:$0x4] =	stream.indirect.gather [spmem:s2], $0x80, s23, s23, $0xb8;
	[tilespmem:$0x15180] =	vst v63  }
0x27: {  	s13 =	simm.s32 $0x100  }
0x28: {  	[tilespmem:s28], [sflag:$0x5] =	stream.indirect.gather [spmem:s2], $0x80, s13, s23, $0xb8;
	[tilespmem:$0x15180] =	vst v63  }
0x29: {  	s11 =	simm.s32 $0x180  }
0x2a: {  	[tilespmem:s30], [sflag:$0x6] =	stream.indirect.gather [spmem:s2], $0x80, s11, s23, $0xb8;
	[tilespmem:$0x15180] =	vst v63  }
0x2b: {  	_ =	swait.ge [sflag:s31], $0x4000  }
0x2c: {  	[sflag:s31] =	ssyncset.done $0x0  }
0x2d: {  	[sflag:s31] =	ssyncadd.s32 $0xFFFFC000  }
0x2e: {  	[hbm4b:s15+s3] =	stream.linear.scatter [tilespmem:s24], [sflag:$0x7], $0x4000, $0x38;
	[tilespmem:$0x15180] =	vst v63  }
0x2f: {  	_ =	swait.ge [sflag:s1], $0x4000  }
0x30: {  	[sflag:s1] =	ssyncset.done $0x0  }
0x31: {  	[sflag:s1] =	ssyncadd.s32 $0xFFFFC000  }
0x32: {  	[hbm4b:s16+s3] =	stream.linear.scatter [tilespmem:s25], [sflag:$0x8], $0x4000, $0x38;
	[tilespmem:$0x15180] =	vst v63  }
0x33: {  	_ =	swait.ge [sflag:s0], $0x4000  }
0x34: {  	[sflag:s0] =	ssyncset.done $0x0  }
0x35: {  	[sflag:s0] =	ssyncadd.s32 $0xFFFFC000  }
0x36: {  	[hbm4b:s17+s3] =	stream.linear.scatter [tilespmem:s28], [sflag:$0x9], $0x4000, $0x38;
	[tilespmem:$0x15180] =	vst v63  }
0x37: {  	_ =	swait.ge [sflag:s26], $0x4000  }
0x38: {  	[sflag:s26] =	ssyncset.done $0x0  }
0x39: {  	[sflag:s26] =	ssyncadd.s32 $0xFFFFC000  }
0x3a: {  	[hbm4b:s18+s3] =	stream.linear.scatter [tilespmem:s30], [sflag:$0xA], $0x4000, $0x38;
	[tilespmem:$0x15180] =	vst v63  }
0x3b: {  	_ =	swait.ge [sflag:s29], $0x4000  }
0x3c: {  	[sflag:s29] =	ssyncset.done $0x0  }
0x3d: {  	s12 =	simm.s32 $0x200;
	[sflag:s29] =	ssyncadd.s32 $0xFFFFC000  }
0x3e: {  	[tilespmem:s24], [sflag:$0x3] =	stream.indirect.gather [spmem:s2], $0x80, s12, s23, $0xb8;
	[tilespmem:$0x15180] =	vst v63  }
0x3f: {  	_ =	swait.ge [sflag:s5], $0x4000  }
0x40: {  	[sflag:s5] =	ssyncset.done $0x0  }
0x41: {  	s13 =	simm.s32 $0x280;
	[sflag:s5] =	ssyncadd.s32 $0xFFFFC000  }
0x42: {  	[tilespmem:s25], [sflag:$0x4] =	stream.indirect.gather [spmem:s2], $0x80, s13, s23, $0xb8;
	[tilespmem:$0x15180] =	vst v63  }
0x43: {  	_ =	swait.ge [sflag:s6], $0x4000  }
0x44: {  	[sflag:s6] =	ssyncset.done $0x0  }
0x45: {  	s11 =	simm.s32 $0x300;
	[sflag:s6] =	ssyncadd.s32 $0xFFFFC000  }
0x46: {  	[tilespmem:s28], [sflag:$0x5] =	stream.indirect.gather [spmem:s2], $0x80, s11, s23, $0xb8;
	[tilespmem:$0x15180] =	vst v63  }
0x47: {  	_ =	swait.ge [sflag:s7], $0x4000  }
0x48: {  	[sflag:s7] =	ssyncset.done $0x0  }
0x49: {  	s12 =	simm.s32 $0x380;
	[sflag:s7] =	ssyncadd.s32 $0xFFFFC000  }
0x4a: {  	[tilespmem:s30], [sflag:$0x6] =	stream.indirect.gather [spmem:s2], $0x80, s12, s23, $0xb8;
	[tilespmem:$0x15180] =	vst v63  }
0x4b: {  	_ =	swait.ge [sflag:s31], $0x4000  }
0x4c: {  	s11 =	sadd.s32 $0x0, s19;
	[sflag:s31] =	ssyncset.done $0x0  }
0x4d: {  	s13 =	sadd.s32 $0x2000, s11;
	[sflag:s31] =	ssyncadd.s32 $0xFFFFC000  }
0x4e: {  	[hbm4b:s13+s3] =	stream.linear.scatter [tilespmem:s24], [sflag:$0x7], $0x4000, $0x38;
	[tilespmem:$0x15180] =	vst v63  }
0x4f: {  	_ =	swait.ge [sflag:s1], $0x4000  }
0x50: {  	[sflag:s1] =	ssyncset.done $0x0  }
0x51: {  	s12 =	sadd.s32 $0x2800, s11;
	[sflag:s1] =	ssyncadd.s32 $0xFFFFC000  }
0x52: {  	[hbm4b:s12+s3] =	stream.linear.scatter [tilespmem:s25], [sflag:$0x8], $0x4000, $0x38;
	[tilespmem:$0x15180] =	vst v63  }
0x53: {  	_ =	swait.ge [sflag:s0], $0x4000  }
0x54: {  	[sflag:s0] =	ssyncset.done $0x0  }
0x55: {  	s13 =	sadd.s32 $0x3000, s11;
	[sflag:s0] =	ssyncadd.s32 $0xFFFFC000  }
0x56: {  	[hbm4b:s13+s3] =	stream.linear.scatter [tilespmem:s28], [sflag:$0x9], $0x4000, $0x38;
	[tilespmem:$0x15180] =	vst v63  }
0x57: {  	_ =	swait.ge [sflag:s26], $0x4000  }
0x58: {  	s10 =	simm.s32 $0x2000;
	[sflag:s26] =	ssyncset.done $0x0  }
0x59: {  	s12 =	sadd.s32 $0x3800, s11;
	s11 =	simm.s32 $0x580;
	[sflag:s26] =	ssyncadd.s32 $0xFFFFC000  }
.LBB2_2:
0x5a: {  	[hbm4b:s12+s3] =	stream.linear.scatter [tilespmem:s30], [sflag:$0xA], $0x4000, $0x38;
	[tilespmem:$0x15180] =	vst v63  }
0x5b: {  	s12 =	smov.u32 s10  }
0x5c: {  	p1 =	sne.s32 s10, $0x24000;
	s10 =	sadd.s32 $0x2000, s10;
	_ =	swait.ge [sflag:s29], $0x4000  }
0x5d: {  	[sflag:s29] =	ssyncset.done $0x0  }
0x5e: {  	s13 =	sadd.s32 $0xFFFFFE80, s11;
	[sflag:s29] =	ssyncadd.s32 $0xFFFFC000  }
0x5f: {  	[tilespmem:s24], [sflag:$0x3] =	stream.indirect.gather [spmem:s2], $0x80, s13, s23, $0xb8;
	[tilespmem:$0x15180] =	vst v63  }
0x60: {  	_ =	swait.ge [sflag:s5], $0x4000  }
0x61: {  	[sflag:s5] =	ssyncset.done $0x0  }
0x62: {  	s13 =	sadd.s32 $0xFFFFFF00, s11;
	[sflag:s5] =	ssyncadd.s32 $0xFFFFC000  }
0x63: {  	[tilespmem:s25], [sflag:$0x4] =	stream.indirect.gather [spmem:s2], $0x80, s13, s23, $0xb8;
	[tilespmem:$0x15180] =	vst v63  }
0x64: {  	_ =	swait.ge [sflag:s6], $0x4000  }
0x65: {  	[sflag:s6] =	ssyncset.done $0x0  }
0x66: {  	s13 =	sadd.s32 $0xFFFFFF80, s11;
	[sflag:s6] =	ssyncadd.s32 $0xFFFFC000  }
0x67: {  	[tilespmem:s28], [sflag:$0x5] =	stream.indirect.gather [spmem:s2], $0x80, s13, s23, $0xb8;
	[tilespmem:$0x15180] =	vst v63  }
0x68: {  	_ =	swait.ge [sflag:s7], $0x4000  }
0x69: {  	[sflag:s7] =	ssyncset.done $0x0  }
0x6a: {  	[sflag:s7] =	ssyncadd.s32 $0xFFFFC000  }
0x6b: {  	[tilespmem:s30], [sflag:$0x6] =	stream.indirect.gather [spmem:s2], $0x80, s11, s23, $0xb8;
	[tilespmem:$0x15180] =	vst v63  }
0x6c: {  	_ =	swait.ge [sflag:s31], $0x4000  }
0x6d: {  	s12 =	sadd.s32 s12, s19;
	[sflag:s31] =	ssyncset.done $0x0  }
0x6e: {  	s13 =	sadd.s32 $0x2000, s12;
	[sflag:s31] =	ssyncadd.s32 $0xFFFFC000  }
0x6f: {  	[hbm4b:s13+s3] =	stream.linear.scatter [tilespmem:s24], [sflag:$0x7], $0x4000, $0x38;
	[tilespmem:$0x15180] =	vst v63  }
0x70: {  	_ =	swait.ge [sflag:s1], $0x4000  }
0x71: {  	[sflag:s1] =	ssyncset.done $0x0  }
0x72: {  	s13 =	sadd.s32 $0x2800, s12;
	[sflag:s1] =	ssyncadd.s32 $0xFFFFC000  }
0x73: {  	[hbm4b:s13+s3] =	stream.linear.scatter [tilespmem:s25], [sflag:$0x8], $0x4000, $0x38;
	[tilespmem:$0x15180] =	vst v63  }
0x74: {  	_ =	swait.ge [sflag:s0], $0x4000  }
0x75: {  	[sflag:s0] =	ssyncset.done $0x0  }
.Ltmp0:
0x76: {  	s13 =	sadd.s32 $0x3000, s12;
	[sflag:s0] =	ssyncadd.s32 $0xFFFFC000;
	(pc) =	sbr.rel @p1 .LBB2_2-.Ltmp0, $4  }
0x77: {  	[hbm4b:s13+s3] =	stream.linear.scatter [tilespmem:s28], [sflag:$0x9], $0x4000, $0x38;
	[tilespmem:$0x15180] =	vst v63  }
0x78: {  	_ =	swait.ge [sflag:s26], $0x4000  }
0x79: {  	[sflag:s26] =	ssyncset.done $0x0  }
0x7a: {  	s11 =	sadd.s32 $0x200, s11;
	s12 =	sadd.s32 $0x3800, s12;
	[sflag:s26] =	ssyncadd.s32 $0xFFFFC000  }
0x7b: {  	[hbm4b:s12+s3] =	stream.linear.scatter [tilespmem:s30], [sflag:$0xA], $0x4000, $0x38;
	[tilespmem:$0x15180] =	vst v63  }
0x7c: {  	_ =	swait.ge [sflag:s8], $0x2800  }
0x7d: {  	[sflag:s8] =	ssyncset.done $0x0  }
0x7e: {  	s10 =	simm.s32 $0x0;
	s11 =	rddreg [dreg:$0x6];
	[sflag:s8] =	ssyncadd.s32 $0xFFFFD800  }
0x7f: {  	[tilespmem:s10], [sflag:$0x1] =	stream.linear.gather [hbm4b:s11+s10], $0x2800, $0x38;
	[tilespmem:$0x15180] =	vst v63  }
0x80: {  	_ =	swait.ge [sflag:s29], $0x4000  }
0x81: {  	[sflag:s29] =	ssyncset.done $0x0  }
0x82: {  	s12 =	simm.s32 $0x2800;
	[sflag:s29] =	ssyncadd.s32 $0xFFFFC000  }
0x83: {  	[tilespmem:s24], [sflag:$0x3] =	stream.indirect.gather [spmem:s2], $0x80, s12, s23, $0xb8;
	[tilespmem:$0x15180] =	vst v63  }
0x84: {  	_ =	swait.ge [sflag:s5], $0x4000  }
0x85: {  	[sflag:s5] =	ssyncset.done $0x0  }
0x86: {  	s13 =	simm.s32 $0x2880;
	[sflag:s5] =	ssyncadd.s32 $0xFFFFC000  }
0x87: {  	[tilespmem:s25], [sflag:$0x4] =	stream.indirect.gather [spmem:s2], $0x80, s13, s23, $0xb8;
	[tilespmem:$0x15180] =	vst v63  }
0x88: {  	_ =	swait.ge [sflag:s6], $0x4000  }
0x89: {  	[sflag:s6] =	ssyncset.done $0x0  }
0x8a: {  	s11 =	simm.s32 $0x2900;
	[sflag:s6] =	ssyncadd.s32 $0xFFFFC000  }
0x8b: {  	[tilespmem:s28], [sflag:$0x5] =	stream.indirect.gather [spmem:s2], $0x80, s11, s23, $0xb8;
	[tilespmem:$0x15180] =	vst v63  }
0x8c: {  	_ =	swait.ge [sflag:s7], $0x4000  }
0x8d: {  	[sflag:s7] =	ssyncset.done $0x0  }
0x8e: {  	s12 =	simm.s32 $0x2980;
	[sflag:s7] =	ssyncadd.s32 $0xFFFFC000  }
0x8f: {  	[tilespmem:s30], [sflag:$0x6] =	stream.indirect.gather [spmem:s2], $0x80, s12, s23, $0xb8;
	[tilespmem:$0x15180] =	vst v63  }
0x90: {  	_ =	swait.ge [sflag:s31], $0x4000  }
0x91: {  	s11 =	sadd.s32 $0x0, s19;
	[sflag:s31] =	ssyncset.done $0x0  }
0x92: {  	s13 =	sadd.s32 $0x28000, s11;
	[sflag:s31] =	ssyncadd.s32 $0xFFFFC000  }
0x93: {  	[hbm4b:s13+s3] =	stream.linear.scatter [tilespmem:s24], [sflag:$0x7], $0x4000, $0x38;
	[tilespmem:$0x15180] =	vst v63  }
0x94: {  	_ =	swait.ge [sflag:s1], $0x4000  }
0x95: {  	[sflag:s1] =	ssyncset.done $0x0  }
0x96: {  	s12 =	sadd.s32 $0x28800, s11;
	[sflag:s1] =	ssyncadd.s32 $0xFFFFC000  }
0x97: {  	[hbm4b:s12+s3] =	stream.linear.scatter [tilespmem:s25], [sflag:$0x8], $0x4000, $0x38;
	[tilespmem:$0x15180] =	vst v63  }
0x98: {  	_ =	swait.ge [sflag:s0], $0x4000  }
0x99: {  	[sflag:s0] =	ssyncset.done $0x0  }
0x9a: {  	s13 =	sadd.s32 $0x29000, s11;
	[sflag:s0] =	ssyncadd.s32 $0xFFFFC000  }
0x9b: {  	[hbm4b:s13+s3] =	stream.linear.scatter [tilespmem:s28], [sflag:$0x9], $0x4000, $0x38;
	[tilespmem:$0x15180] =	vst v63  }
0x9c: {  	_ =	swait.ge [sflag:s26], $0x4000  }
0x9d: {  	s10 =	simm.s32 $0x2000;
	[sflag:s26] =	ssyncset.done $0x0  }
0x9e: {  	s12 =	sadd.s32 $0x29800, s11;
	s11 =	simm.s32 $0x2B80;
	[sflag:s26] =	ssyncadd.s32 $0xFFFFC000  }
.LBB2_4:
0x9f: {  	[hbm4b:s12+s3] =	stream.linear.scatter [tilespmem:s30], [sflag:$0xA], $0x4000, $0x38;
	[tilespmem:$0x15180] =	vst v63  }
0xa0: {  	s12 =	smov.u32 s10  }
0xa1: {  	p1 =	sne.s32 s10, $0x26000;
	s10 =	sadd.s32 $0x2000, s10;
	_ =	swait.ge [sflag:s29], $0x4000  }
0xa2: {  	[sflag:s29] =	ssyncset.done $0x0  }
0xa3: {  	s13 =	sadd.s32 $0xFFFFFE80, s11;
	[sflag:s29] =	ssyncadd.s32 $0xFFFFC000  }
0xa4: {  	[tilespmem:s24], [sflag:$0x3] =	stream.indirect.gather [spmem:s2], $0x80, s13, s23, $0xb8;
	[tilespmem:$0x15180] =	vst v63  }
0xa5: {  	_ =	swait.ge [sflag:s5], $0x4000  }
0xa6: {  	[sflag:s5] =	ssyncset.done $0x0  }
0xa7: {  	s13 =	sadd.s32 $0xFFFFFF00, s11;
	[sflag:s5] =	ssyncadd.s32 $0xFFFFC000  }
0xa8: {  	[tilespmem:s25], [sflag:$0x4] =	stream.indirect.gather [spmem:s2], $0x80, s13, s23, $0xb8;
	[tilespmem:$0x15180] =	vst v63  }
0xa9: {  	_ =	swait.ge [sflag:s6], $0x4000  }
0xaa: {  	[sflag:s6] =	ssyncset.done $0x0  }
0xab: {  	s13 =	sadd.s32 $0xFFFFFF80, s11;
	[sflag:s6] =	ssyncadd.s32 $0xFFFFC000  }
0xac: {  	[tilespmem:s28], [sflag:$0x5] =	stream.indirect.gather [spmem:s2], $0x80, s13, s23, $0xb8;
	[tilespmem:$0x15180] =	vst v63  }
0xad: {  	_ =	swait.ge [sflag:s7], $0x4000  }
0xae: {  	[sflag:s7] =	ssyncset.done $0x0  }
0xaf: {  	[sflag:s7] =	ssyncadd.s32 $0xFFFFC000  }
0xb0: {  	[tilespmem:s30], [sflag:$0x6] =	stream.indirect.gather [spmem:s2], $0x80, s11, s23, $0xb8;
	[tilespmem:$0x15180] =	vst v63  }
0xb1: {  	_ =	swait.ge [sflag:s31], $0x4000  }
0xb2: {  	s12 =	sadd.s32 s12, s19;
	[sflag:s31] =	ssyncset.done $0x0  }
0xb3: {  	s13 =	sadd.s32 $0x28000, s12;
	[sflag:s31] =	ssyncadd.s32 $0xFFFFC000  }
0xb4: {  	[hbm4b:s13+s3] =	stream.linear.scatter [tilespmem:s24], [sflag:$0x7], $0x4000, $0x38;
	[tilespmem:$0x15180] =	vst v63  }
0xb5: {  	_ =	swait.ge [sflag:s1], $0x4000  }
0xb6: {  	[sflag:s1] =	ssyncset.done $0x0  }
0xb7: {  	s13 =	sadd.s32 $0x28800, s12;
	[sflag:s1] =	ssyncadd.s32 $0xFFFFC000  }
0xb8: {  	[hbm4b:s13+s3] =	stream.linear.scatter [tilespmem:s25], [sflag:$0x8], $0x4000, $0x38;
	[tilespmem:$0x15180] =	vst v63  }
0xb9: {  	_ =	swait.ge [sflag:s0], $0x4000  }
0xba: {  	[sflag:s0] =	ssyncset.done $0x0  }
.Ltmp1:
0xbb: {  	s13 =	sadd.s32 $0x29000, s12;
	[sflag:s0] =	ssyncadd.s32 $0xFFFFC000;
	(pc) =	sbr.rel @p1 .LBB2_4-.Ltmp1, $4  }
0xbc: {  	[hbm4b:s13+s3] =	stream.linear.scatter [tilespmem:s28], [sflag:$0x9], $0x4000, $0x38;
	[tilespmem:$0x15180] =	vst v63  }
0xbd: {  	_ =	swait.ge [sflag:s26], $0x4000  }
0xbe: {  	[sflag:s26] =	ssyncset.done $0x0  }
0xbf: {  	s11 =	sadd.s32 $0x200, s11;
	s12 =	sadd.s32 $0x29800, s12;
	[sflag:s26] =	ssyncadd.s32 $0xFFFFC000  }
0xc0: {  	[hbm4b:s12+s3] =	stream.linear.scatter [tilespmem:s30], [sflag:$0xA], $0x4000, $0x38;
	[tilespmem:$0x15180] =	vst v63  }
0xc1: {  	_ =	swait.ge [sflag:s21], $0x2800  }
0xc2: {  	[sflag:s21] =	ssyncset.done $0x0  }
0xc3: {  	s10 =	simm.s32 $0x0;
	s11 =	rddreg [dreg:$0x7];
	[sflag:s21] =	ssyncadd.s32 $0xFFFFD800  }
0xc4: {  	[tilespmem:s22], [sflag:$0x2] =	stream.linear.gather [hbm4b:s11+s10], $0x2800, $0x38;
	[tilespmem:$0x15180] =	vst v63  }
0xc5: {  	_ =	swait.ge [sflag:s29], $0x4000  }
0xc6: {  	[sflag:s29] =	ssyncset.done $0x0  }
0xc7: {  	s12 =	simm.s32 $0x0;
	[sflag:s29] =	ssyncadd.s32 $0xFFFFC000  }
0xc8: {  	[tilespmem:s24], [sflag:$0x3] =	stream.indirect.gather [spmem:s2], $0x80, s12, s23, $0xb8;
	[tilespmem:$0x15180] =	vst v63  }
0xc9: {  	_ =	swait.ge [sflag:s5], $0x4000  }
0xca: {  	[sflag:s5] =	ssyncset.done $0x0  }
0xcb: {  	s13 =	simm.s32 $0x80;
	[sflag:s5] =	ssyncadd.s32 $0xFFFFC000  }
0xcc: {  	[tilespmem:s25], [sflag:$0x4] =	stream.indirect.gather [spmem:s2], $0x80, s13, s23, $0xb8;
	[tilespmem:$0x15180] =	vst v63  }
0xcd: {  	_ =	swait.ge [sflag:s6], $0x4000  }
0xce: {  	[sflag:s6] =	ssyncset.done $0x0  }
0xcf: {  	s11 =	simm.s32 $0x100;
	[sflag:s6] =	ssyncadd.s32 $0xFFFFC000  }
0xd0: {  	[tilespmem:s28], [sflag:$0x5] =	stream.indirect.gather [spmem:s2], $0x80, s11, s23, $0xb8;
	[tilespmem:$0x15180] =	vst v63  }
0xd1: {  	_ =	swait.ge [sflag:s7], $0x4000  }
0xd2: {  	[sflag:s7] =	ssyncset.done $0x0  }
0xd3: {  	s12 =	simm.s32 $0x180;
	[sflag:s7] =	ssyncadd.s32 $0xFFFFC000  }
0xd4: {  	[tilespmem:s30], [sflag:$0x6] =	stream.indirect.gather [spmem:s2], $0x80, s12, s23, $0xb8;
	[tilespmem:$0x15180] =	vst v63  }
0xd5: {  	_ =	swait.ge [sflag:s31], $0x4000  }
0xd6: {  	s11 =	sadd.s32 $0x0, s19;
	[sflag:s31] =	ssyncset.done $0x0  }
0xd7: {  	s13 =	sadd.s32 $0x50000, s11;
	[sflag:s31] =	ssyncadd.s32 $0xFFFFC000  }
0xd8: {  	[hbm4b:s13+s3] =	stream.linear.scatter [tilespmem:s24], [sflag:$0x7], $0x4000, $0x38;
	[tilespmem:$0x15180] =	vst v63  }
0xd9: {  	_ =	swait.ge [sflag:s1], $0x4000  }
0xda: {  	[sflag:s1] =	ssyncset.done $0x0  }
0xdb: {  	s12 =	sadd.s32 $0x50800, s11;
	[sflag:s1] =	ssyncadd.s32 $0xFFFFC000  }
0xdc: {  	[hbm4b:s12+s3] =	stream.linear.scatter [tilespmem:s25], [sflag:$0x8], $0x4000, $0x38;
	[tilespmem:$0x15180] =	vst v63  }
0xdd: {  	_ =	swait.ge [sflag:s0], $0x4000  }
0xde: {  	[sflag:s0] =	ssyncset.done $0x0  }
0xdf: {  	s13 =	sadd.s32 $0x51000, s11;
	[sflag:s0] =	ssyncadd.s32 $0xFFFFC000  }
0xe0: {  	[hbm4b:s13+s3] =	stream.linear.scatter [tilespmem:s28], [sflag:$0x9], $0x4000, $0x38;
	[tilespmem:$0x15180] =	vst v63  }
0xe1: {  	_ =	swait.ge [sflag:s26], $0x4000  }
0xe2: {  	s10 =	simm.s32 $0x2000;
	[sflag:s26] =	ssyncset.done $0x0  }
0xe3: {  	s12 =	sadd.s32 $0x51800, s11;
	s11 =	simm.s32 $0x380;
	[sflag:s26] =	ssyncadd.s32 $0xFFFFC000  }
.LBB2_6:
0xe4: {  	[hbm4b:s12+s3] =	stream.linear.scatter [tilespmem:s30], [sflag:$0xA], $0x4000, $0x38;
	[tilespmem:$0x15180] =	vst v63  }
0xe5: {  	s12 =	smov.u32 s10  }
0xe6: {  	p1 =	sne.s32 s10, $0x26000;
	s10 =	sadd.s32 $0x2000, s10;
	_ =	swait.ge [sflag:s29], $0x4000  }
0xe7: {  	[sflag:s29] =	ssyncset.done $0x0  }
0xe8: {  	s13 =	sadd.s32 $0xFFFFFE80, s11;
	[sflag:s29] =	ssyncadd.s32 $0xFFFFC000  }
0xe9: {  	[tilespmem:s24], [sflag:$0x3] =	stream.indirect.gather [spmem:s2], $0x80, s13, s23, $0xb8;
	[tilespmem:$0x15180] =	vst v63  }
0xea: {  	_ =	swait.ge [sflag:s5], $0x4000  }
0xeb: {  	[sflag:s5] =	ssyncset.done $0x0  }
0xec: {  	s13 =	sadd.s32 $0xFFFFFF00, s11;
	[sflag:s5] =	ssyncadd.s32 $0xFFFFC000  }
0xed: {  	[tilespmem:s25], [sflag:$0x4] =	stream.indirect.gather [spmem:s2], $0x80, s13, s23, $0xb8;
	[tilespmem:$0x15180] =	vst v63  }
0xee: {  	_ =	swait.ge [sflag:s6], $0x4000  }
0xef: {  	[sflag:s6] =	ssyncset.done $0x0  }
0xf0: {  	s13 =	sadd.s32 $0xFFFFFF80, s11;
	[sflag:s6] =	ssyncadd.s32 $0xFFFFC000  }
0xf1: {  	[tilespmem:s28], [sflag:$0x5] =	stream.indirect.gather [spmem:s2], $0x80, s13, s23, $0xb8;
	[tilespmem:$0x15180] =	vst v63  }
0xf2: {  	_ =	swait.ge [sflag:s7], $0x4000  }
0xf3: {  	[sflag:s7] =	ssyncset.done $0x0  }
0xf4: {  	[sflag:s7] =	ssyncadd.s32 $0xFFFFC000  }
0xf5: {  	[tilespmem:s30], [sflag:$0x6] =	stream.indirect.gather [spmem:s2], $0x80, s11, s23, $0xb8;
	[tilespmem:$0x15180] =	vst v63  }
0xf6: {  	_ =	swait.ge [sflag:s31], $0x4000  }
0xf7: {  	s12 =	sadd.s32 s12, s19;
	[sflag:s31] =	ssyncset.done $0x0  }
0xf8: {  	s13 =	sadd.s32 $0x50000, s12;
	[sflag:s31] =	ssyncadd.s32 $0xFFFFC000  }
0xf9: {  	[hbm4b:s13+s3] =	stream.linear.scatter [tilespmem:s24], [sflag:$0x7], $0x4000, $0x38;
	[tilespmem:$0x15180] =	vst v63  }
0xfa: {  	_ =	swait.ge [sflag:s1], $0x4000  }
0xfb: {  	[sflag:s1] =	ssyncset.done $0x0  }
0xfc: {  	s13 =	sadd.s32 $0x50800, s12;
	[sflag:s1] =	ssyncadd.s32 $0xFFFFC000  }
0xfd: {  	[hbm4b:s13+s3] =	stream.linear.scatter [tilespmem:s25], [sflag:$0x8], $0x4000, $0x38;
	[tilespmem:$0x15180] =	vst v63  }
0xfe: {  	_ =	swait.ge [sflag:s0], $0x4000  }
0xff: {  	[sflag:s0] =	ssyncset.done $0x0  }
.Ltmp2:
0x100: {  	s13 =	sadd.s32 $0x51000, s12;
	[sflag:s0] =	ssyncadd.s32 $0xFFFFC000;
	(pc) =	sbr.rel @p1 .LBB2_6-.Ltmp2, $4  }
0x101: {  	[hbm4b:s13+s3] =	stream.linear.scatter [tilespmem:s28], [sflag:$0x9], $0x4000, $0x38;
	[tilespmem:$0x15180] =	vst v63  }
0x102: {  	_ =	swait.ge [sflag:s26], $0x4000  }
0x103: {  	[sflag:s26] =	ssyncset.done $0x0  }
0x104: {  	s11 =	sadd.s32 $0x200, s11;
	s12 =	sadd.s32 $0x51800, s12;
	[sflag:s26] =	ssyncadd.s32 $0xFFFFC000  }
0x105: {  	[hbm4b:s12+s3] =	stream.linear.scatter [tilespmem:s30], [sflag:$0xA], $0x4000, $0x38;
	[tilespmem:$0x15180] =	vst v63  }
0x106: {  	_ =	swait.ge [sflag:s8], $0x2800  }
0x107: {  	[sflag:s8] =	ssyncset.done $0x0  }
0x108: {  	s10 =	simm.s32 $0x0;
	s11 =	rddreg [dreg:$0x8];
	[sflag:s8] =	ssyncadd.s32 $0xFFFFD800  }
0x109: {  	[tilespmem:s10], [sflag:$0x1] =	stream.linear.gather [hbm4b:s11+s10], $0x2800, $0x38;
	[tilespmem:$0x15180] =	vst v63  }
0x10a: {  	_ =	swait.ge [sflag:s29], $0x4000  }
0x10b: {  	[sflag:s29] =	ssyncset.done $0x0  }
0x10c: {  	s12 =	simm.s32 $0x2800;
	[sflag:s29] =	ssyncadd.s32 $0xFFFFC000  }
0x10d: {  	[tilespmem:s24], [sflag:$0x3] =	stream.indirect.gather [spmem:s2], $0x80, s12, s23, $0xb8;
	[tilespmem:$0x15180] =	vst v63  }
0x10e: {  	_ =	swait.ge [sflag:s5], $0x4000  }
0x10f: {  	[sflag:s5] =	ssyncset.done $0x0  }
0x110: {  	s13 =	simm.s32 $0x2880;
	[sflag:s5] =	ssyncadd.s32 $0xFFFFC000  }
0x111: {  	[tilespmem:s25], [sflag:$0x4] =	stream.indirect.gather [spmem:s2], $0x80, s13, s23, $0xb8;
	[tilespmem:$0x15180] =	vst v63  }
0x112: {  	_ =	swait.ge [sflag:s6], $0x4000  }
0x113: {  	[sflag:s6] =	ssyncset.done $0x0  }
0x114: {  	s11 =	simm.s32 $0x2900;
	[sflag:s6] =	ssyncadd.s32 $0xFFFFC000  }
0x115: {  	[tilespmem:s28], [sflag:$0x5] =	stream.indirect.gather [spmem:s2], $0x80, s11, s23, $0xb8;
	[tilespmem:$0x15180] =	vst v63  }
0x116: {  	_ =	swait.ge [sflag:s7], $0x4000  }
0x117: {  	[sflag:s7] =	ssyncset.done $0x0  }
0x118: {  	s12 =	simm.s32 $0x2980;
	[sflag:s7] =	ssyncadd.s32 $0xFFFFC000  }
0x119: {  	[tilespmem:s30], [sflag:$0x6] =	stream.indirect.gather [spmem:s2], $0x80, s12, s23, $0xb8;
	[tilespmem:$0x15180] =	vst v63  }
0x11a: {  	_ =	swait.ge [sflag:s31], $0x4000  }
0x11b: {  	s11 =	sadd.s32 $0x0, s19;
	[sflag:s31] =	ssyncset.done $0x0  }
0x11c: {  	s13 =	sadd.s32 $0x78000, s11;
	[sflag:s31] =	ssyncadd.s32 $0xFFFFC000  }
0x11d: {  	[hbm4b:s13+s3] =	stream.linear.scatter [tilespmem:s24], [sflag:$0x7], $0x4000, $0x38;
	[tilespmem:$0x15180] =	vst v63  }
0x11e: {  	_ =	swait.ge [sflag:s1], $0x4000  }
0x11f: {  	[sflag:s1] =	ssyncset.done $0x0  }
0x120: {  	s12 =	sadd.s32 $0x78800, s11;
	[sflag:s1] =	ssyncadd.s32 $0xFFFFC000  }
0x121: {  	[hbm4b:s12+s3] =	stream.linear.scatter [tilespmem:s25], [sflag:$0x8], $0x4000, $0x38;
	[tilespmem:$0x15180] =	vst v63  }
0x122: {  	_ =	swait.ge [sflag:s0], $0x4000  }
0x123: {  	[sflag:s0] =	ssyncset.done $0x0  }
0x124: {  	s13 =	sadd.s32 $0x79000, s11;
	[sflag:s0] =	ssyncadd.s32 $0xFFFFC000  }
0x125: {  	[hbm4b:s13+s3] =	stream.linear.scatter [tilespmem:s28], [sflag:$0x9], $0x4000, $0x38;
	[tilespmem:$0x15180] =	vst v63  }
0x126: {  	_ =	swait.ge [sflag:s26], $0x4000  }
0x127: {  	s10 =	simm.s32 $0x2000;
	[sflag:s26] =	ssyncset.done $0x0  }
0x128: {  	s12 =	sadd.s32 $0x79800, s11;
	s11 =	simm.s32 $0x2B80;
	[sflag:s26] =	ssyncadd.s32 $0xFFFFC000  }
.LBB2_8:
0x129: {  	[hbm4b:s12+s3] =	stream.linear.scatter [tilespmem:s30], [sflag:$0xA], $0x4000, $0x38;
	[tilespmem:$0x15180] =	vst v63  }
0x12a: {  	s12 =	smov.u32 s10  }
0x12b: {  	p1 =	sne.s32 s10, $0x26000;
	s10 =	sadd.s32 $0x2000, s10;
	_ =	swait.ge [sflag:s29], $0x4000  }
0x12c: {  	[sflag:s29] =	ssyncset.done $0x0  }
0x12d: {  	s13 =	sadd.s32 $0xFFFFFE80, s11;
	[sflag:s29] =	ssyncadd.s32 $0xFFFFC000  }
0x12e: {  	[tilespmem:s24], [sflag:$0x3] =	stream.indirect.gather [spmem:s2], $0x80, s13, s23, $0xb8;
	[tilespmem:$0x15180] =	vst v63  }
0x12f: {  	_ =	swait.ge [sflag:s5], $0x4000  }
0x130: {  	[sflag:s5] =	ssyncset.done $0x0  }
0x131: {  	s13 =	sadd.s32 $0xFFFFFF00, s11;
	[sflag:s5] =	ssyncadd.s32 $0xFFFFC000  }
0x132: {  	[tilespmem:s25], [sflag:$0x4] =	stream.indirect.gather [spmem:s2], $0x80, s13, s23, $0xb8;
	[tilespmem:$0x15180] =	vst v63  }
0x133: {  	_ =	swait.ge [sflag:s6], $0x4000  }
0x134: {  	[sflag:s6] =	ssyncset.done $0x0  }
0x135: {  	s13 =	sadd.s32 $0xFFFFFF80, s11;
	[sflag:s6] =	ssyncadd.s32 $0xFFFFC000  }
0x136: {  	[tilespmem:s28], [sflag:$0x5] =	stream.indirect.gather [spmem:s2], $0x80, s13, s23, $0xb8;
	[tilespmem:$0x15180] =	vst v63  }
0x137: {  	_ =	swait.ge [sflag:s7], $0x4000  }
0x138: {  	[sflag:s7] =	ssyncset.done $0x0  }
0x139: {  	[sflag:s7] =	ssyncadd.s32 $0xFFFFC000  }
0x13a: {  	[tilespmem:s30], [sflag:$0x6] =	stream.indirect.gather [spmem:s2], $0x80, s11, s23, $0xb8;
	[tilespmem:$0x15180] =	vst v63  }
0x13b: {  	_ =	swait.ge [sflag:s31], $0x4000  }
0x13c: {  	s12 =	sadd.s32 s12, s19;
	[sflag:s31] =	ssyncset.done $0x0  }
0x13d: {  	s13 =	sadd.s32 $0x78000, s12;
	[sflag:s31] =	ssyncadd.s32 $0xFFFFC000  }
0x13e: {  	[hbm4b:s13+s3] =	stream.linear.scatter [tilespmem:s24], [sflag:$0x7], $0x4000, $0x38;
	[tilespmem:$0x15180] =	vst v63  }
0x13f: {  	_ =	swait.ge [sflag:s1], $0x4000  }
0x140: {  	[sflag:s1] =	ssyncset.done $0x0  }
0x141: {  	s13 =	sadd.s32 $0x78800, s12;
	[sflag:s1] =	ssyncadd.s32 $0xFFFFC000  }
0x142: {  	[hbm4b:s13+s3] =	stream.linear.scatter [tilespmem:s25], [sflag:$0x8], $0x4000, $0x38;
	[tilespmem:$0x15180] =	vst v63  }
0x143: {  	_ =	swait.ge [sflag:s0], $0x4000  }
0x144: {  	[sflag:s0] =	ssyncset.done $0x0  }
.Ltmp3:
0x145: {  	s13 =	sadd.s32 $0x79000, s12;
	[sflag:s0] =	ssyncadd.s32 $0xFFFFC000;
	(pc) =	sbr.rel @p1 .LBB2_8-.Ltmp3, $4  }
0x146: {  	[hbm4b:s13+s3] =	stream.linear.scatter [tilespmem:s28], [sflag:$0x9], $0x4000, $0x38;
	[tilespmem:$0x15180] =	vst v63  }
0x147: {  	_ =	swait.ge [sflag:s26], $0x4000  }
0x148: {  	[sflag:s26] =	ssyncset.done $0x0  }
0x149: {  	s11 =	sadd.s32 $0x200, s11;
	s12 =	sadd.s32 $0x79800, s12;
	[sflag:s26] =	ssyncadd.s32 $0xFFFFC000  }
0x14a: {  	[hbm4b:s12+s3] =	stream.linear.scatter [tilespmem:s30], [sflag:$0xA], $0x4000, $0x38;
	[tilespmem:$0x15180] =	vst v63  }
0x14b: {  	_ =	swait.ge [sflag:s21], $0x2800  }
0x14c: {  	[sflag:s21] =	ssyncset.done $0x0  }
0x14d: {  	s10 =	simm.s32 $0x0;
	s11 =	rddreg [dreg:$0x9];
	[sflag:s21] =	ssyncadd.s32 $0xFFFFD800  }
0x14e: {  	[tilespmem:s22], [sflag:$0x2] =	stream.linear.gather [hbm4b:s11+s10], $0x2800, $0x38;
	[tilespmem:$0x15180] =	vst v63  }
0x14f: {  	_ =	swait.ge [sflag:s29], $0x4000  }
0x150: {  	[sflag:s29] =	ssyncset.done $0x0  }
0x151: {  	s12 =	simm.s32 $0x0;
	[sflag:s29] =	ssyncadd.s32 $0xFFFFC000  }
0x152: {  	[tilespmem:s24], [sflag:$0x3] =	stream.indirect.gather [spmem:s2], $0x80, s12, s23, $0xb8;
	[tilespmem:$0x15180] =	vst v63  }
0x153: {  	_ =	swait.ge [sflag:s5], $0x4000  }
0x154: {  	[sflag:s5] =	ssyncset.done $0x0  }
0x155: {  	s13 =	simm.s32 $0x80;
	[sflag:s5] =	ssyncadd.s32 $0xFFFFC000  }
0x156: {  	[tilespmem:s25], [sflag:$0x4] =	stream.indirect.gather [spmem:s2], $0x80, s13, s23, $0xb8;
	[tilespmem:$0x15180] =	vst v63  }
0x157: {  	_ =	swait.ge [sflag:s6], $0x4000  }
0x158: {  	[sflag:s6] =	ssyncset.done $0x0  }
0x159: {  	s11 =	simm.s32 $0x100;
	[sflag:s6] =	ssyncadd.s32 $0xFFFFC000  }
0x15a: {  	[tilespmem:s28], [sflag:$0x5] =	stream.indirect.gather [spmem:s2], $0x80, s11, s23, $0xb8;
	[tilespmem:$0x15180] =	vst v63  }
0x15b: {  	_ =	swait.ge [sflag:s7], $0x4000  }
0x15c: {  	[sflag:s7] =	ssyncset.done $0x0  }
0x15d: {  	s12 =	simm.s32 $0x180;
	[sflag:s7] =	ssyncadd.s32 $0xFFFFC000  }
0x15e: {  	[tilespmem:s30], [sflag:$0x6] =	stream.indirect.gather [spmem:s2], $0x80, s12, s23, $0xb8;
	[tilespmem:$0x15180] =	vst v63  }
0x15f: {  	_ =	swait.ge [sflag:s31], $0x4000  }
0x160: {  	s11 =	sadd.s32 $0x0, s19;
	[sflag:s31] =	ssyncset.done $0x0  }
0x161: {  	s13 =	sadd.s32 $0xA0000, s11;
	[sflag:s31] =	ssyncadd.s32 $0xFFFFC000  }
0x162: {  	[hbm4b:s13+s3] =	stream.linear.scatter [tilespmem:s24], [sflag:$0x7], $0x4000, $0x38;
	[tilespmem:$0x15180] =	vst v63  }
0x163: {  	_ =	swait.ge [sflag:s1], $0x4000  }
0x164: {  	[sflag:s1] =	ssyncset.done $0x0  }
0x165: {  	s12 =	sadd.s32 $0xA0800, s11;
	[sflag:s1] =	ssyncadd.s32 $0xFFFFC000  }
0x166: {  	[hbm4b:s12+s3] =	stream.linear.scatter [tilespmem:s25], [sflag:$0x8], $0x4000, $0x38;
	[tilespmem:$0x15180] =	vst v63  }
0x167: {  	_ =	swait.ge [sflag:s0], $0x4000  }
0x168: {  	[sflag:s0] =	ssyncset.done $0x0  }
0x169: {  	s13 =	sadd.s32 $0xA1000, s11;
	[sflag:s0] =	ssyncadd.s32 $0xFFFFC000  }
0x16a: {  	[hbm4b:s13+s3] =	stream.linear.scatter [tilespmem:s28], [sflag:$0x9], $0x4000, $0x38;
	[tilespmem:$0x15180] =	vst v63  }
0x16b: {  	_ =	swait.ge [sflag:s26], $0x4000  }
0x16c: {  	s10 =	simm.s32 $0x2000;
	[sflag:s26] =	ssyncset.done $0x0  }
0x16d: {  	s12 =	sadd.s32 $0xA1800, s11;
	s11 =	simm.s32 $0x380;
	[sflag:s26] =	ssyncadd.s32 $0xFFFFC000  }
.LBB2_10:
0x16e: {  	[hbm4b:s12+s3] =	stream.linear.scatter [tilespmem:s30], [sflag:$0xA], $0x4000, $0x38;
	[tilespmem:$0x15180] =	vst v63  }
0x16f: {  	s12 =	smov.u32 s10  }
0x170: {  	p1 =	sne.s32 s10, $0x26000;
	s10 =	sadd.s32 $0x2000, s10;
	_ =	swait.ge [sflag:s29], $0x4000  }
0x171: {  	[sflag:s29] =	ssyncset.done $0x0  }
0x172: {  	s13 =	sadd.s32 $0xFFFFFE80, s11;
	[sflag:s29] =	ssyncadd.s32 $0xFFFFC000  }
0x173: {  	[tilespmem:s24], [sflag:$0x3] =	stream.indirect.gather [spmem:s2], $0x80, s13, s23, $0xb8;
	[tilespmem:$0x15180] =	vst v63  }
0x174: {  	_ =	swait.ge [sflag:s5], $0x4000  }
0x175: {  	[sflag:s5] =	ssyncset.done $0x0  }
0x176: {  	s13 =	sadd.s32 $0xFFFFFF00, s11;
	[sflag:s5] =	ssyncadd.s32 $0xFFFFC000  }
0x177: {  	[tilespmem:s25], [sflag:$0x4] =	stream.indirect.gather [spmem:s2], $0x80, s13, s23, $0xb8;
	[tilespmem:$0x15180] =	vst v63  }
0x178: {  	_ =	swait.ge [sflag:s6], $0x4000  }
0x179: {  	[sflag:s6] =	ssyncset.done $0x0  }
0x17a: {  	s13 =	sadd.s32 $0xFFFFFF80, s11;
	[sflag:s6] =	ssyncadd.s32 $0xFFFFC000  }
0x17b: {  	[tilespmem:s28], [sflag:$0x5] =	stream.indirect.gather [spmem:s2], $0x80, s13, s23, $0xb8;
	[tilespmem:$0x15180] =	vst v63  }
0x17c: {  	_ =	swait.ge [sflag:s7], $0x4000  }
0x17d: {  	[sflag:s7] =	ssyncset.done $0x0  }
0x17e: {  	[sflag:s7] =	ssyncadd.s32 $0xFFFFC000  }
0x17f: {  	[tilespmem:s30], [sflag:$0x6] =	stream.indirect.gather [spmem:s2], $0x80, s11, s23, $0xb8;
	[tilespmem:$0x15180] =	vst v63  }
0x180: {  	_ =	swait.ge [sflag:s31], $0x4000  }
0x181: {  	s12 =	sadd.s32 s12, s19;
	[sflag:s31] =	ssyncset.done $0x0  }
0x182: {  	s13 =	sadd.s32 $0xA0000, s12;
	[sflag:s31] =	ssyncadd.s32 $0xFFFFC000  }
0x183: {  	[hbm4b:s13+s3] =	stream.linear.scatter [tilespmem:s24], [sflag:$0x7], $0x4000, $0x38;
	[tilespmem:$0x15180] =	vst v63  }
0x184: {  	_ =	swait.ge [sflag:s1], $0x4000  }
0x185: {  	[sflag:s1] =	ssyncset.done $0x0  }
0x186: {  	s13 =	sadd.s32 $0xA0800, s12;
	[sflag:s1] =	ssyncadd.s32 $0xFFFFC000  }
0x187: {  	[hbm4b:s13+s3] =	stream.linear.scatter [tilespmem:s25], [sflag:$0x8], $0x4000, $0x38;
	[tilespmem:$0x15180] =	vst v63  }
0x188: {  	_ =	swait.ge [sflag:s0], $0x4000  }
0x189: {  	[sflag:s0] =	ssyncset.done $0x0  }
.Ltmp4:
0x18a: {  	s13 =	sadd.s32 $0xA1000, s12;
	[sflag:s0] =	ssyncadd.s32 $0xFFFFC000;
	(pc) =	sbr.rel @p1 .LBB2_10-.Ltmp4, $4  }
0x18b: {  	[hbm4b:s13+s3] =	stream.linear.scatter [tilespmem:s28], [sflag:$0x9], $0x4000, $0x38;
	[tilespmem:$0x15180] =	vst v63  }
0x18c: {  	_ =	swait.ge [sflag:s26], $0x4000  }
0x18d: {  	[sflag:s26] =	ssyncset.done $0x0  }
0x18e: {  	s11 =	sadd.s32 $0x200, s11;
	s12 =	sadd.s32 $0xA1800, s12;
	[sflag:s26] =	ssyncadd.s32 $0xFFFFC000  }
0x18f: {  	[hbm4b:s12+s3] =	stream.linear.scatter [tilespmem:s30], [sflag:$0xA], $0x4000, $0x38;
	[tilespmem:$0x15180] =	vst v63  }
0x190: {  	_ =	swait.ge [sflag:s8], $0x2800  }
0x191: {  	[sflag:s8] =	ssyncset.done $0x0  }
0x192: {  	s10 =	simm.s32 $0x0;
	s11 =	rddreg [dreg:$0xa];
	[sflag:s8] =	ssyncadd.s32 $0xFFFFD800  }
0x193: {  	[tilespmem:s10], [sflag:$0x1] =	stream.linear.gather [hbm4b:s11+s10], $0x2800, $0x38;
	[tilespmem:$0x15180] =	vst v63  }
0x194: {  	_ =	swait.ge [sflag:s29], $0x4000  }
0x195: {  	[sflag:s29] =	ssyncset.done $0x0  }
0x196: {  	s12 =	simm.s32 $0x2800;
	[sflag:s29] =	ssyncadd.s32 $0xFFFFC000  }
0x197: {  	[tilespmem:s24], [sflag:$0x3] =	stream.indirect.gather [spmem:s2], $0x80, s12, s23, $0xb8;
	[tilespmem:$0x15180] =	vst v63  }
0x198: {  	_ =	swait.ge [sflag:s5], $0x4000  }
0x199: {  	[sflag:s5] =	ssyncset.done $0x0  }
0x19a: {  	s13 =	simm.s32 $0x2880;
	[sflag:s5] =	ssyncadd.s32 $0xFFFFC000  }
0x19b: {  	[tilespmem:s25], [sflag:$0x4] =	stream.indirect.gather [spmem:s2], $0x80, s13, s23, $0xb8;
	[tilespmem:$0x15180] =	vst v63  }
0x19c: {  	_ =	swait.ge [sflag:s6], $0x4000  }
0x19d: {  	[sflag:s6] =	ssyncset.done $0x0  }
0x19e: {  	s11 =	simm.s32 $0x2900;
	[sflag:s6] =	ssyncadd.s32 $0xFFFFC000  }
0x19f: {  	[tilespmem:s28], [sflag:$0x5] =	stream.indirect.gather [spmem:s2], $0x80, s11, s23, $0xb8;
	[tilespmem:$0x15180] =	vst v63  }
0x1a0: {  	_ =	swait.ge [sflag:s7], $0x4000  }
0x1a1: {  	[sflag:s7] =	ssyncset.done $0x0  }
0x1a2: {  	s12 =	simm.s32 $0x2980;
	[sflag:s7] =	ssyncadd.s32 $0xFFFFC000  }
0x1a3: {  	[tilespmem:s30], [sflag:$0x6] =	stream.indirect.gather [spmem:s2], $0x80, s12, s23, $0xb8;
	[tilespmem:$0x15180] =	vst v63  }
0x1a4: {  	_ =	swait.ge [sflag:s31], $0x4000  }
0x1a5: {  	s11 =	sadd.s32 $0x0, s19;
	[sflag:s31] =	ssyncset.done $0x0  }
0x1a6: {  	s13 =	sadd.s32 $0xC8000, s11;
	[sflag:s31] =	ssyncadd.s32 $0xFFFFC000  }
0x1a7: {  	[hbm4b:s13+s3] =	stream.linear.scatter [tilespmem:s24], [sflag:$0x7], $0x4000, $0x38;
	[tilespmem:$0x15180] =	vst v63  }
0x1a8: {  	_ =	swait.ge [sflag:s1], $0x4000  }
0x1a9: {  	[sflag:s1] =	ssyncset.done $0x0  }
0x1aa: {  	s12 =	sadd.s32 $0xC8800, s11;
	[sflag:s1] =	ssyncadd.s32 $0xFFFFC000  }
0x1ab: {  	[hbm4b:s12+s3] =	stream.linear.scatter [tilespmem:s25], [sflag:$0x8], $0x4000, $0x38;
	[tilespmem:$0x15180] =	vst v63  }
0x1ac: {  	_ =	swait.ge [sflag:s0], $0x4000  }
0x1ad: {  	[sflag:s0] =	ssyncset.done $0x0  }
0x1ae: {  	s13 =	sadd.s32 $0xC9000, s11;
	[sflag:s0] =	ssyncadd.s32 $0xFFFFC000  }
0x1af: {  	[hbm4b:s13+s3] =	stream.linear.scatter [tilespmem:s28], [sflag:$0x9], $0x4000, $0x38;
	[tilespmem:$0x15180] =	vst v63  }
0x1b0: {  	_ =	swait.ge [sflag:s26], $0x4000  }
0x1b1: {  	s10 =	simm.s32 $0x2000;
	[sflag:s26] =	ssyncset.done $0x0  }
0x1b2: {  	s12 =	sadd.s32 $0xC9800, s11;
	s11 =	simm.s32 $0x2B80;
	[sflag:s26] =	ssyncadd.s32 $0xFFFFC000  }
.LBB2_12:
0x1b3: {  	[hbm4b:s12+s3] =	stream.linear.scatter [tilespmem:s30], [sflag:$0xA], $0x4000, $0x38;
	[tilespmem:$0x15180] =	vst v63  }
0x1b4: {  	s12 =	smov.u32 s10  }
0x1b5: {  	p1 =	sne.s32 s10, $0x26000;
	s10 =	sadd.s32 $0x2000, s10;
	_ =	swait.ge [sflag:s29], $0x4000  }
0x1b6: {  	[sflag:s29] =	ssyncset.done $0x0  }
0x1b7: {  	s13 =	sadd.s32 $0xFFFFFE80, s11;
	[sflag:s29] =	ssyncadd.s32 $0xFFFFC000  }
0x1b8: {  	[tilespmem:s24], [sflag:$0x3] =	stream.indirect.gather [spmem:s2], $0x80, s13, s23, $0xb8;
	[tilespmem:$0x15180] =	vst v63  }
0x1b9: {  	_ =	swait.ge [sflag:s5], $0x4000  }
0x1ba: {  	[sflag:s5] =	ssyncset.done $0x0  }
0x1bb: {  	s13 =	sadd.s32 $0xFFFFFF00, s11;
	[sflag:s5] =	ssyncadd.s32 $0xFFFFC000  }
0x1bc: {  	[tilespmem:s25], [sflag:$0x4] =	stream.indirect.gather [spmem:s2], $0x80, s13, s23, $0xb8;
	[tilespmem:$0x15180] =	vst v63  }
0x1bd: {  	_ =	swait.ge [sflag:s6], $0x4000  }
0x1be: {  	[sflag:s6] =	ssyncset.done $0x0  }
0x1bf: {  	s13 =	sadd.s32 $0xFFFFFF80, s11;
	[sflag:s6] =	ssyncadd.s32 $0xFFFFC000  }
0x1c0: {  	[tilespmem:s28], [sflag:$0x5] =	stream.indirect.gather [spmem:s2], $0x80, s13, s23, $0xb8;
	[tilespmem:$0x15180] =	vst v63  }
0x1c1: {  	_ =	swait.ge [sflag:s7], $0x4000  }
0x1c2: {  	[sflag:s7] =	ssyncset.done $0x0  }
0x1c3: {  	[sflag:s7] =	ssyncadd.s32 $0xFFFFC000  }
0x1c4: {  	[tilespmem:s30], [sflag:$0x6] =	stream.indirect.gather [spmem:s2], $0x80, s11, s23, $0xb8;
	[tilespmem:$0x15180] =	vst v63  }
0x1c5: {  	_ =	swait.ge [sflag:s31], $0x4000  }
0x1c6: {  	s12 =	sadd.s32 s12, s19;
	[sflag:s31] =	ssyncset.done $0x0  }
0x1c7: {  	s13 =	sadd.s32 $0xC8000, s12;
	[sflag:s31] =	ssyncadd.s32 $0xFFFFC000  }
0x1c8: {  	[hbm4b:s13+s3] =	stream.linear.scatter [tilespmem:s24], [sflag:$0x7], $0x4000, $0x38;
	[tilespmem:$0x15180] =	vst v63  }
0x1c9: {  	_ =	swait.ge [sflag:s1], $0x4000  }
0x1ca: {  	[sflag:s1] =	ssyncset.done $0x0  }
0x1cb: {  	s13 =	sadd.s32 $0xC8800, s12;
	[sflag:s1] =	ssyncadd.s32 $0xFFFFC000  }
0x1cc: {  	[hbm4b:s13+s3] =	stream.linear.scatter [tilespmem:s25], [sflag:$0x8], $0x4000, $0x38;
	[tilespmem:$0x15180] =	vst v63  }
0x1cd: {  	_ =	swait.ge [sflag:s0], $0x4000  }
0x1ce: {  	[sflag:s0] =	ssyncset.done $0x0  }
.Ltmp5:
0x1cf: {  	s13 =	sadd.s32 $0xC9000, s12;
	[sflag:s0] =	ssyncadd.s32 $0xFFFFC000;
	(pc) =	sbr.rel @p1 .LBB2_12-.Ltmp5, $4  }
0x1d0: {  	[hbm4b:s13+s3] =	stream.linear.scatter [tilespmem:s28], [sflag:$0x9], $0x4000, $0x38;
	[tilespmem:$0x15180] =	vst v63  }
0x1d1: {  	_ =	swait.ge [sflag:s26], $0x4000  }
0x1d2: {  	[sflag:s26] =	ssyncset.done $0x0  }
0x1d3: {  	s11 =	sadd.s32 $0x200, s11;
	s12 =	sadd.s32 $0xC9800, s12;
	[sflag:s26] =	ssyncadd.s32 $0xFFFFC000  }
0x1d4: {  	[hbm4b:s12+s3] =	stream.linear.scatter [tilespmem:s30], [sflag:$0xA], $0x4000, $0x38;
	[tilespmem:$0x15180] =	vst v63  }
0x1d5: {  	_ =	swait.ge [sflag:s21], $0x2800  }
0x1d6: {  	[sflag:s21] =	ssyncset.done $0x0  }
0x1d7: {  	s10 =	simm.s32 $0x0;
	s11 =	rddreg [dreg:$0xb];
	[sflag:s21] =	ssyncadd.s32 $0xFFFFD800  }
0x1d8: {  	[tilespmem:s22], [sflag:$0x2] =	stream.linear.gather [hbm4b:s11+s10], $0x2800, $0x38;
	[tilespmem:$0x15180] =	vst v63  }
0x1d9: {  	_ =	swait.ge [sflag:s29], $0x4000  }
0x1da: {  	[sflag:s29] =	ssyncset.done $0x0  }
0x1db: {  	s12 =	simm.s32 $0x0;
	[sflag:s29] =	ssyncadd.s32 $0xFFFFC000  }
0x1dc: {  	[tilespmem:s24], [sflag:$0x3] =	stream.indirect.gather [spmem:s2], $0x80, s12, s23, $0xb8;
	[tilespmem:$0x15180] =	vst v63  }
0x1dd: {  	_ =	swait.ge [sflag:s5], $0x4000  }
0x1de: {  	[sflag:s5] =	ssyncset.done $0x0  }
0x1df: {  	s13 =	simm.s32 $0x80;
	[sflag:s5] =	ssyncadd.s32 $0xFFFFC000  }
0x1e0: {  	[tilespmem:s25], [sflag:$0x4] =	stream.indirect.gather [spmem:s2], $0x80, s13, s23, $0xb8;
	[tilespmem:$0x15180] =	vst v63  }
0x1e1: {  	_ =	swait.ge [sflag:s6], $0x4000  }
0x1e2: {  	[sflag:s6] =	ssyncset.done $0x0  }
0x1e3: {  	s11 =	simm.s32 $0x100;
	[sflag:s6] =	ssyncadd.s32 $0xFFFFC000  }
0x1e4: {  	[tilespmem:s28], [sflag:$0x5] =	stream.indirect.gather [spmem:s2], $0x80, s11, s23, $0xb8;
	[tilespmem:$0x15180] =	vst v63  }
0x1e5: {  	_ =	swait.ge [sflag:s7], $0x4000  }
0x1e6: {  	[sflag:s7] =	ssyncset.done $0x0  }
0x1e7: {  	s12 =	simm.s32 $0x180;
	[sflag:s7] =	ssyncadd.s32 $0xFFFFC000  }
0x1e8: {  	[tilespmem:s30], [sflag:$0x6] =	stream.indirect.gather [spmem:s2], $0x80, s12, s23, $0xb8;
	[tilespmem:$0x15180] =	vst v63  }
0x1e9: {  	_ =	swait.ge [sflag:s31], $0x4000  }
0x1ea: {  	s11 =	sadd.s32 $0x0, s19;
	[sflag:s31] =	ssyncset.done $0x0  }
0x1eb: {  	s13 =	sadd.s32 $0xF0000, s11;
	[sflag:s31] =	ssyncadd.s32 $0xFFFFC000  }
0x1ec: {  	[hbm4b:s13+s3] =	stream.linear.scatter [tilespmem:s24], [sflag:$0x7], $0x4000, $0x38;
	[tilespmem:$0x15180] =	vst v63  }
0x1ed: {  	_ =	swait.ge [sflag:s1], $0x4000  }
0x1ee: {  	[sflag:s1] =	ssyncset.done $0x0  }
0x1ef: {  	s12 =	sadd.s32 $0xF0800, s11;
	[sflag:s1] =	ssyncadd.s32 $0xFFFFC000  }
0x1f0: {  	[hbm4b:s12+s3] =	stream.linear.scatter [tilespmem:s25], [sflag:$0x8], $0x4000, $0x38;
	[tilespmem:$0x15180] =	vst v63  }
0x1f1: {  	_ =	swait.ge [sflag:s0], $0x4000  }
0x1f2: {  	[sflag:s0] =	ssyncset.done $0x0  }
0x1f3: {  	s13 =	sadd.s32 $0xF1000, s11;
	[sflag:s0] =	ssyncadd.s32 $0xFFFFC000  }
0x1f4: {  	[hbm4b:s13+s3] =	stream.linear.scatter [tilespmem:s28], [sflag:$0x9], $0x4000, $0x38;
	[tilespmem:$0x15180] =	vst v63  }
0x1f5: {  	_ =	swait.ge [sflag:s26], $0x4000  }
0x1f6: {  	s10 =	simm.s32 $0x2000;
	[sflag:s26] =	ssyncset.done $0x0  }
0x1f7: {  	s12 =	sadd.s32 $0xF1800, s11;
	s11 =	simm.s32 $0x380;
	[sflag:s26] =	ssyncadd.s32 $0xFFFFC000  }
.LBB2_14:
0x1f8: {  	[hbm4b:s12+s3] =	stream.linear.scatter [tilespmem:s30], [sflag:$0xA], $0x4000, $0x38;
	[tilespmem:$0x15180] =	vst v63  }
0x1f9: {  	s12 =	smov.u32 s10  }
0x1fa: {  	p1 =	sne.s32 s10, $0x26000;
	s10 =	sadd.s32 $0x2000, s10;
	_ =	swait.ge [sflag:s29], $0x4000  }
0x1fb: {  	[sflag:s29] =	ssyncset.done $0x0  }
0x1fc: {  	s13 =	sadd.s32 $0xFFFFFE80, s11;
	[sflag:s29] =	ssyncadd.s32 $0xFFFFC000  }
0x1fd: {  	[tilespmem:s24], [sflag:$0x3] =	stream.indirect.gather [spmem:s2], $0x80, s13, s23, $0xb8;
	[tilespmem:$0x15180] =	vst v63  }
0x1fe: {  	_ =	swait.ge [sflag:s5], $0x4000  }
0x1ff: {  	[sflag:s5] =	ssyncset.done $0x0  }
0x200: {  	s13 =	sadd.s32 $0xFFFFFF00, s11;
	[sflag:s5] =	ssyncadd.s32 $0xFFFFC000  }
0x201: {  	[tilespmem:s25], [sflag:$0x4] =	stream.indirect.gather [spmem:s2], $0x80, s13, s23, $0xb8;
	[tilespmem:$0x15180] =	vst v63  }
0x202: {  	_ =	swait.ge [sflag:s6], $0x4000  }
0x203: {  	[sflag:s6] =	ssyncset.done $0x0  }
0x204: {  	s13 =	sadd.s32 $0xFFFFFF80, s11;
	[sflag:s6] =	ssyncadd.s32 $0xFFFFC000  }
0x205: {  	[tilespmem:s28], [sflag:$0x5] =	stream.indirect.gather [spmem:s2], $0x80, s13, s23, $0xb8;
	[tilespmem:$0x15180] =	vst v63  }
0x206: {  	_ =	swait.ge [sflag:s7], $0x4000  }
0x207: {  	[sflag:s7] =	ssyncset.done $0x0  }
0x208: {  	[sflag:s7] =	ssyncadd.s32 $0xFFFFC000  }
0x209: {  	[tilespmem:s30], [sflag:$0x6] =	stream.indirect.gather [spmem:s2], $0x80, s11, s23, $0xb8;
	[tilespmem:$0x15180] =	vst v63  }
0x20a: {  	_ =	swait.ge [sflag:s31], $0x4000  }
0x20b: {  	s12 =	sadd.s32 s12, s19;
	[sflag:s31] =	ssyncset.done $0x0  }
0x20c: {  	s13 =	sadd.s32 $0xF0000, s12;
	[sflag:s31] =	ssyncadd.s32 $0xFFFFC000  }
0x20d: {  	[hbm4b:s13+s3] =	stream.linear.scatter [tilespmem:s24], [sflag:$0x7], $0x4000, $0x38;
	[tilespmem:$0x15180] =	vst v63  }
0x20e: {  	_ =	swait.ge [sflag:s1], $0x4000  }
0x20f: {  	[sflag:s1] =	ssyncset.done $0x0  }
0x210: {  	s13 =	sadd.s32 $0xF0800, s12;
	[sflag:s1] =	ssyncadd.s32 $0xFFFFC000  }
0x211: {  	[hbm4b:s13+s3] =	stream.linear.scatter [tilespmem:s25], [sflag:$0x8], $0x4000, $0x38;
	[tilespmem:$0x15180] =	vst v63  }
0x212: {  	_ =	swait.ge [sflag:s0], $0x4000  }
0x213: {  	[sflag:s0] =	ssyncset.done $0x0  }
.Ltmp6:
0x214: {  	s13 =	sadd.s32 $0xF1000, s12;
	[sflag:s0] =	ssyncadd.s32 $0xFFFFC000;
	(pc) =	sbr.rel @p1 .LBB2_14-.Ltmp6, $4  }
0x215: {  	[hbm4b:s13+s3] =	stream.linear.scatter [tilespmem:s28], [sflag:$0x9], $0x4000, $0x38;
	[tilespmem:$0x15180] =	vst v63  }
0x216: {  	_ =	swait.ge [sflag:s26], $0x4000  }
0x217: {  	[sflag:s26] =	ssyncset.done $0x0  }
0x218: {  	s11 =	sadd.s32 $0x200, s11;
	s12 =	sadd.s32 $0xF1800, s12;
	[sflag:s26] =	ssyncadd.s32 $0xFFFFC000  }
0x219: {  	[hbm4b:s12+s3] =	stream.linear.scatter [tilespmem:s30], [sflag:$0xA], $0x4000, $0x38;
	[tilespmem:$0x15180] =	vst v63  }
0x21a: {  	_ =	swait.ge [sflag:s8], $0x2800  }
0x21b: {  	[sflag:s8] =	ssyncset.done $0x0  }
0x21c: {  	s10 =	simm.s32 $0x0;
	s11 =	rddreg [dreg:$0xc];
	[sflag:s8] =	ssyncadd.s32 $0xFFFFD800  }
0x21d: {  	[tilespmem:s10], [sflag:$0x1] =	stream.linear.gather [hbm4b:s11+s10], $0x2800, $0x38;
	[tilespmem:$0x15180] =	vst v63  }
0x21e: {  	_ =	swait.ge [sflag:s29], $0x4000  }
0x21f: {  	[sflag:s29] =	ssyncset.done $0x0  }
0x220: {  	s12 =	simm.s32 $0x2800;
	[sflag:s29] =	ssyncadd.s32 $0xFFFFC000  }
0x221: {  	[tilespmem:s24], [sflag:$0x3] =	stream.indirect.gather [spmem:s2], $0x80, s12, s23, $0xb8;
	[tilespmem:$0x15180] =	vst v63  }
0x222: {  	_ =	swait.ge [sflag:s5], $0x4000  }
0x223: {  	[sflag:s5] =	ssyncset.done $0x0  }
0x224: {  	s13 =	simm.s32 $0x2880;
	[sflag:s5] =	ssyncadd.s32 $0xFFFFC000  }
0x225: {  	[tilespmem:s25], [sflag:$0x4] =	stream.indirect.gather [spmem:s2], $0x80, s13, s23, $0xb8;
	[tilespmem:$0x15180] =	vst v63  }
0x226: {  	_ =	swait.ge [sflag:s6], $0x4000  }
0x227: {  	[sflag:s6] =	ssyncset.done $0x0  }
0x228: {  	s11 =	simm.s32 $0x2900;
	[sflag:s6] =	ssyncadd.s32 $0xFFFFC000  }
0x229: {  	[tilespmem:s28], [sflag:$0x5] =	stream.indirect.gather [spmem:s2], $0x80, s11, s23, $0xb8;
	[tilespmem:$0x15180] =	vst v63  }
0x22a: {  	_ =	swait.ge [sflag:s7], $0x4000  }
0x22b: {  	[sflag:s7] =	ssyncset.done $0x0  }
0x22c: {  	s12 =	simm.s32 $0x2980;
	[sflag:s7] =	ssyncadd.s32 $0xFFFFC000  }
0x22d: {  	[tilespmem:s30], [sflag:$0x6] =	stream.indirect.gather [spmem:s2], $0x80, s12, s23, $0xb8;
	[tilespmem:$0x15180] =	vst v63  }
0x22e: {  	_ =	swait.ge [sflag:s31], $0x4000  }
0x22f: {  	s11 =	sadd.s32 $0x0, s19;
	[sflag:s31] =	ssyncset.done $0x0  }
0x230: {  	s13 =	sadd.s32 $0x118000, s11;
	[sflag:s31] =	ssyncadd.s32 $0xFFFFC000  }
0x231: {  	[hbm4b:s13+s3] =	stream.linear.scatter [tilespmem:s24], [sflag:$0x7], $0x4000, $0x38;
	[tilespmem:$0x15180] =	vst v63  }
0x232: {  	_ =	swait.ge [sflag:s1], $0x4000  }
0x233: {  	[sflag:s1] =	ssyncset.done $0x0  }
0x234: {  	s12 =	sadd.s32 $0x118800, s11;
	[sflag:s1] =	ssyncadd.s32 $0xFFFFC000  }
0x235: {  	[hbm4b:s12+s3] =	stream.linear.scatter [tilespmem:s25], [sflag:$0x8], $0x4000, $0x38;
	[tilespmem:$0x15180] =	vst v63  }
0x236: {  	_ =	swait.ge [sflag:s0], $0x4000  }
0x237: {  	[sflag:s0] =	ssyncset.done $0x0  }
0x238: {  	s13 =	sadd.s32 $0x119000, s11;
	[sflag:s0] =	ssyncadd.s32 $0xFFFFC000  }
0x239: {  	[hbm4b:s13+s3] =	stream.linear.scatter [tilespmem:s28], [sflag:$0x9], $0x4000, $0x38;
	[tilespmem:$0x15180] =	vst v63  }
0x23a: {  	_ =	swait.ge [sflag:s26], $0x4000  }
0x23b: {  	s10 =	simm.s32 $0x2000;
	[sflag:s26] =	ssyncset.done $0x0  }
0x23c: {  	s12 =	sadd.s32 $0x119800, s11;
	s11 =	simm.s32 $0x2B80;
	[sflag:s26] =	ssyncadd.s32 $0xFFFFC000  }
.LBB2_16:
0x23d: {  	[hbm4b:s12+s3] =	stream.linear.scatter [tilespmem:s30], [sflag:$0xA], $0x4000, $0x38;
	[tilespmem:$0x15180] =	vst v63  }
0x23e: {  	s12 =	smov.u32 s10  }
0x23f: {  	p1 =	sne.s32 s10, $0x26000;
	s10 =	sadd.s32 $0x2000, s10;
	_ =	swait.ge [sflag:s29], $0x4000  }
0x240: {  	[sflag:s29] =	ssyncset.done $0x0  }
0x241: {  	s13 =	sadd.s32 $0xFFFFFE80, s11;
	[sflag:s29] =	ssyncadd.s32 $0xFFFFC000  }
0x242: {  	[tilespmem:s24], [sflag:$0x3] =	stream.indirect.gather [spmem:s2], $0x80, s13, s23, $0xb8;
	[tilespmem:$0x15180] =	vst v63  }
0x243: {  	_ =	swait.ge [sflag:s5], $0x4000  }
0x244: {  	[sflag:s5] =	ssyncset.done $0x0  }
0x245: {  	s13 =	sadd.s32 $0xFFFFFF00, s11;
	[sflag:s5] =	ssyncadd.s32 $0xFFFFC000  }
0x246: {  	[tilespmem:s25], [sflag:$0x4] =	stream.indirect.gather [spmem:s2], $0x80, s13, s23, $0xb8;
	[tilespmem:$0x15180] =	vst v63  }
0x247: {  	_ =	swait.ge [sflag:s6], $0x4000  }
0x248: {  	[sflag:s6] =	ssyncset.done $0x0  }
0x249: {  	s13 =	sadd.s32 $0xFFFFFF80, s11;
	[sflag:s6] =	ssyncadd.s32 $0xFFFFC000  }
0x24a: {  	[tilespmem:s28], [sflag:$0x5] =	stream.indirect.gather [spmem:s2], $0x80, s13, s23, $0xb8;
	[tilespmem:$0x15180] =	vst v63  }
0x24b: {  	_ =	swait.ge [sflag:s7], $0x4000  }
0x24c: {  	[sflag:s7] =	ssyncset.done $0x0  }
0x24d: {  	[sflag:s7] =	ssyncadd.s32 $0xFFFFC000  }
0x24e: {  	[tilespmem:s30], [sflag:$0x6] =	stream.indirect.gather [spmem:s2], $0x80, s11, s23, $0xb8;
	[tilespmem:$0x15180] =	vst v63  }
0x24f: {  	_ =	swait.ge [sflag:s31], $0x4000  }
0x250: {  	s12 =	sadd.s32 s12, s19;
	[sflag:s31] =	ssyncset.done $0x0  }
0x251: {  	s13 =	sadd.s32 $0x118000, s12;
	[sflag:s31] =	ssyncadd.s32 $0xFFFFC000  }
0x252: {  	[hbm4b:s13+s3] =	stream.linear.scatter [tilespmem:s24], [sflag:$0x7], $0x4000, $0x38;
	[tilespmem:$0x15180] =	vst v63  }
0x253: {  	_ =	swait.ge [sflag:s1], $0x4000  }
0x254: {  	[sflag:s1] =	ssyncset.done $0x0  }
0x255: {  	s13 =	sadd.s32 $0x118800, s12;
	[sflag:s1] =	ssyncadd.s32 $0xFFFFC000  }
0x256: {  	[hbm4b:s13+s3] =	stream.linear.scatter [tilespmem:s25], [sflag:$0x8], $0x4000, $0x38;
	[tilespmem:$0x15180] =	vst v63  }
0x257: {  	_ =	swait.ge [sflag:s0], $0x4000  }
0x258: {  	[sflag:s0] =	ssyncset.done $0x0  }
.Ltmp7:
0x259: {  	s13 =	sadd.s32 $0x119000, s12;
	[sflag:s0] =	ssyncadd.s32 $0xFFFFC000;
	(pc) =	sbr.rel @p1 .LBB2_16-.Ltmp7, $4  }
0x25a: {  	[hbm4b:s13+s3] =	stream.linear.scatter [tilespmem:s28], [sflag:$0x9], $0x4000, $0x38;
	[tilespmem:$0x15180] =	vst v63  }
0x25b: {  	_ =	swait.ge [sflag:s26], $0x4000  }
0x25c: {  	[sflag:s26] =	ssyncset.done $0x0  }
0x25d: {  	s11 =	sadd.s32 $0x200, s11;
	s12 =	sadd.s32 $0x119800, s12;
	[sflag:s26] =	ssyncadd.s32 $0xFFFFC000  }
0x25e: {  	[hbm4b:s12+s3] =	stream.linear.scatter [tilespmem:s30], [sflag:$0xA], $0x4000, $0x38;
	[tilespmem:$0x15180] =	vst v63  }
0x25f: {  	_ =	swait.ge [sflag:s21], $0x2800  }
0x260: {  	[sflag:s21] =	ssyncset.done $0x0  }
0x261: {  	s10 =	simm.s32 $0x0;
	s11 =	rddreg [dreg:$0xd];
	[sflag:s21] =	ssyncadd.s32 $0xFFFFD800  }
0x262: {  	[tilespmem:s22], [sflag:$0x2] =	stream.linear.gather [hbm4b:s11+s10], $0x2800, $0x38;
	[tilespmem:$0x15180] =	vst v63  }
0x263: {  	_ =	swait.ge [sflag:s29], $0x4000  }
0x264: {  	[sflag:s29] =	ssyncset.done $0x0  }
0x265: {  	s12 =	simm.s32 $0x0;
	[sflag:s29] =	ssyncadd.s32 $0xFFFFC000  }
0x266: {  	[tilespmem:s24], [sflag:$0x3] =	stream.indirect.gather [spmem:s2], $0x80, s12, s23, $0xb8;
	[tilespmem:$0x15180] =	vst v63  }
0x267: {  	_ =	swait.ge [sflag:s5], $0x4000  }
0x268: {  	[sflag:s5] =	ssyncset.done $0x0  }
0x269: {  	s13 =	simm.s32 $0x80;
	[sflag:s5] =	ssyncadd.s32 $0xFFFFC000  }
0x26a: {  	[tilespmem:s25], [sflag:$0x4] =	stream.indirect.gather [spmem:s2], $0x80, s13, s23, $0xb8;
	[tilespmem:$0x15180] =	vst v63  }
0x26b: {  	_ =	swait.ge [sflag:s6], $0x4000  }
0x26c: {  	[sflag:s6] =	ssyncset.done $0x0  }
0x26d: {  	s11 =	simm.s32 $0x100;
	[sflag:s6] =	ssyncadd.s32 $0xFFFFC000  }
0x26e: {  	[tilespmem:s28], [sflag:$0x5] =	stream.indirect.gather [spmem:s2], $0x80, s11, s23, $0xb8;
	[tilespmem:$0x15180] =	vst v63  }
0x26f: {  	_ =	swait.ge [sflag:s7], $0x4000  }
0x270: {  	[sflag:s7] =	ssyncset.done $0x0  }
0x271: {  	s12 =	simm.s32 $0x180;
	[sflag:s7] =	ssyncadd.s32 $0xFFFFC000  }
0x272: {  	[tilespmem:s30], [sflag:$0x6] =	stream.indirect.gather [spmem:s2], $0x80, s12, s23, $0xb8;
	[tilespmem:$0x15180] =	vst v63  }
0x273: {  	_ =	swait.ge [sflag:s31], $0x4000  }
0x274: {  	s11 =	sadd.s32 $0x0, s19;
	[sflag:s31] =	ssyncset.done $0x0  }
0x275: {  	s13 =	sadd.s32 $0x140000, s11;
	[sflag:s31] =	ssyncadd.s32 $0xFFFFC000  }
0x276: {  	[hbm4b:s13+s3] =	stream.linear.scatter [tilespmem:s24], [sflag:$0x7], $0x4000, $0x38;
	[tilespmem:$0x15180] =	vst v63  }
0x277: {  	_ =	swait.ge [sflag:s1], $0x4000  }
0x278: {  	[sflag:s1] =	ssyncset.done $0x0  }
0x279: {  	s12 =	sadd.s32 $0x140800, s11;
	[sflag:s1] =	ssyncadd.s32 $0xFFFFC000  }
0x27a: {  	[hbm4b:s12+s3] =	stream.linear.scatter [tilespmem:s25], [sflag:$0x8], $0x4000, $0x38;
	[tilespmem:$0x15180] =	vst v63  }
0x27b: {  	_ =	swait.ge [sflag:s0], $0x4000  }
0x27c: {  	[sflag:s0] =	ssyncset.done $0x0  }
0x27d: {  	s13 =	sadd.s32 $0x141000, s11;
	[sflag:s0] =	ssyncadd.s32 $0xFFFFC000  }
0x27e: {  	[hbm4b:s13+s3] =	stream.linear.scatter [tilespmem:s28], [sflag:$0x9], $0x4000, $0x38;
	[tilespmem:$0x15180] =	vst v63  }
0x27f: {  	_ =	swait.ge [sflag:s26], $0x4000  }
0x280: {  	s10 =	simm.s32 $0x2000;
	[sflag:s26] =	ssyncset.done $0x0  }
0x281: {  	s12 =	sadd.s32 $0x141800, s11;
	s11 =	simm.s32 $0x380;
	[sflag:s26] =	ssyncadd.s32 $0xFFFFC000  }
.LBB2_18:
0x282: {  	[hbm4b:s12+s3] =	stream.linear.scatter [tilespmem:s30], [sflag:$0xA], $0x4000, $0x38;
	[tilespmem:$0x15180] =	vst v63  }
0x283: {  	s12 =	smov.u32 s10  }
0x284: {  	p1 =	sne.s32 s10, $0x26000;
	s10 =	sadd.s32 $0x2000, s10;
	_ =	swait.ge [sflag:s29], $0x4000  }
0x285: {  	[sflag:s29] =	ssyncset.done $0x0  }
0x286: {  	s13 =	sadd.s32 $0xFFFFFE80, s11;
	[sflag:s29] =	ssyncadd.s32 $0xFFFFC000  }
0x287: {  	[tilespmem:s24], [sflag:$0x3] =	stream.indirect.gather [spmem:s2], $0x80, s13, s23, $0xb8;
	[tilespmem:$0x15180] =	vst v63  }
0x288: {  	_ =	swait.ge [sflag:s5], $0x4000  }
0x289: {  	[sflag:s5] =	ssyncset.done $0x0  }
0x28a: {  	s13 =	sadd.s32 $0xFFFFFF00, s11;
	[sflag:s5] =	ssyncadd.s32 $0xFFFFC000  }
0x28b: {  	[tilespmem:s25], [sflag:$0x4] =	stream.indirect.gather [spmem:s2], $0x80, s13, s23, $0xb8;
	[tilespmem:$0x15180] =	vst v63  }
0x28c: {  	_ =	swait.ge [sflag:s6], $0x4000  }
0x28d: {  	[sflag:s6] =	ssyncset.done $0x0  }
0x28e: {  	s13 =	sadd.s32 $0xFFFFFF80, s11;
	[sflag:s6] =	ssyncadd.s32 $0xFFFFC000  }
0x28f: {  	[tilespmem:s28], [sflag:$0x5] =	stream.indirect.gather [spmem:s2], $0x80, s13, s23, $0xb8;
	[tilespmem:$0x15180] =	vst v63  }
0x290: {  	_ =	swait.ge [sflag:s7], $0x4000  }
0x291: {  	[sflag:s7] =	ssyncset.done $0x0  }
0x292: {  	[sflag:s7] =	ssyncadd.s32 $0xFFFFC000  }
0x293: {  	[tilespmem:s30], [sflag:$0x6] =	stream.indirect.gather [spmem:s2], $0x80, s11, s23, $0xb8;
	[tilespmem:$0x15180] =	vst v63  }
0x294: {  	_ =	swait.ge [sflag:s31], $0x4000  }
0x295: {  	s12 =	sadd.s32 s12, s19;
	[sflag:s31] =	ssyncset.done $0x0  }
0x296: {  	s13 =	sadd.s32 $0x140000, s12;
	[sflag:s31] =	ssyncadd.s32 $0xFFFFC000  }
0x297: {  	[hbm4b:s13+s3] =	stream.linear.scatter [tilespmem:s24], [sflag:$0x7], $0x4000, $0x38;
	[tilespmem:$0x15180] =	vst v63  }
0x298: {  	_ =	swait.ge [sflag:s1], $0x4000  }
0x299: {  	[sflag:s1] =	ssyncset.done $0x0  }
0x29a: {  	s13 =	sadd.s32 $0x140800, s12;
	[sflag:s1] =	ssyncadd.s32 $0xFFFFC000  }
0x29b: {  	[hbm4b:s13+s3] =	stream.linear.scatter [tilespmem:s25], [sflag:$0x8], $0x4000, $0x38;
	[tilespmem:$0x15180] =	vst v63  }
0x29c: {  	_ =	swait.ge [sflag:s0], $0x4000  }
0x29d: {  	[sflag:s0] =	ssyncset.done $0x0  }
.Ltmp8:
0x29e: {  	s13 =	sadd.s32 $0x141000, s12;
	[sflag:s0] =	ssyncadd.s32 $0xFFFFC000;
	(pc) =	sbr.rel @p1 .LBB2_18-.Ltmp8, $4  }
0x29f: {  	[hbm4b:s13+s3] =	stream.linear.scatter [tilespmem:s28], [sflag:$0x9], $0x4000, $0x38;
	[tilespmem:$0x15180] =	vst v63  }
0x2a0: {  	_ =	swait.ge [sflag:s26], $0x4000  }
0x2a1: {  	[sflag:s26] =	ssyncset.done $0x0  }
0x2a2: {  	s11 =	sadd.s32 $0x200, s11;
	s12 =	sadd.s32 $0x141800, s12;
	[sflag:s26] =	ssyncadd.s32 $0xFFFFC000  }
0x2a3: {  	[hbm4b:s12+s3] =	stream.linear.scatter [tilespmem:s30], [sflag:$0xA], $0x4000, $0x38;
	[tilespmem:$0x15180] =	vst v63  }
0x2a4: {  	_ =	swait.ge [sflag:s8], $0x2800  }
0x2a5: {  	[sflag:s8] =	ssyncset.done $0x0  }
0x2a6: {  	[sflag:s8] =	ssyncadd.s32 $0xFFFFD800  }
0x2a7: {  	_ =	swait.ge [sflag:s29], $0x4000  }
0x2a8: {  	[sflag:s29] =	ssyncset.done $0x0  }
0x2a9: {  	s10 =	simm.s32 $0x2800;
	[sflag:s29] =	ssyncadd.s32 $0xFFFFC000  }
0x2aa: {  	[tilespmem:s24], [sflag:$0x3] =	stream.indirect.gather [spmem:s2], $0x80, s10, s23, $0xb8;
	[tilespmem:$0x15180] =	vst v63  }
0x2ab: {  	_ =	swait.ge [sflag:s5], $0x4000  }
0x2ac: {  	[sflag:s5] =	ssyncset.done $0x0  }
0x2ad: {  	s13 =	simm.s32 $0x2880;
	[sflag:s5] =	ssyncadd.s32 $0xFFFFC000  }
0x2ae: {  	[tilespmem:s25], [sflag:$0x4] =	stream.indirect.gather [spmem:s2], $0x80, s13, s23, $0xb8;
	[tilespmem:$0x15180] =	vst v63  }
0x2af: {  	_ =	swait.ge [sflag:s6], $0x4000  }
0x2b0: {  	[sflag:s6] =	ssyncset.done $0x0  }
0x2b1: {  	s11 =	simm.s32 $0x2900;
	[sflag:s6] =	ssyncadd.s32 $0xFFFFC000  }
0x2b2: {  	[tilespmem:s28], [sflag:$0x5] =	stream.indirect.gather [spmem:s2], $0x80, s11, s23, $0xb8;
	[tilespmem:$0x15180] =	vst v63  }
0x2b3: {  	_ =	swait.ge [sflag:s7], $0x4000  }
0x2b4: {  	[sflag:s7] =	ssyncset.done $0x0  }
0x2b5: {  	s12 =	simm.s32 $0x2980;
	[sflag:s7] =	ssyncadd.s32 $0xFFFFC000  }
0x2b6: {  	[tilespmem:s30], [sflag:$0x6] =	stream.indirect.gather [spmem:s2], $0x80, s12, s23, $0xb8;
	[tilespmem:$0x15180] =	vst v63  }
0x2b7: {  	_ =	swait.ge [sflag:s31], $0x4000  }
0x2b8: {  	s11 =	sadd.s32 $0x0, s19;
	[sflag:s31] =	ssyncset.done $0x0  }
0x2b9: {  	s13 =	sadd.s32 $0x168000, s11;
	[sflag:s31] =	ssyncadd.s32 $0xFFFFC000  }
0x2ba: {  	[hbm4b:s13+s3] =	stream.linear.scatter [tilespmem:s24], [sflag:$0x7], $0x4000, $0x38;
	[tilespmem:$0x15180] =	vst v63  }
0x2bb: {  	_ =	swait.ge [sflag:s1], $0x4000  }
0x2bc: {  	[sflag:s1] =	ssyncset.done $0x0  }
0x2bd: {  	s12 =	sadd.s32 $0x168800, s11;
	[sflag:s1] =	ssyncadd.s32 $0xFFFFC000  }
0x2be: {  	[hbm4b:s12+s3] =	stream.linear.scatter [tilespmem:s25], [sflag:$0x8], $0x4000, $0x38;
	[tilespmem:$0x15180] =	vst v63  }
0x2bf: {  	_ =	swait.ge [sflag:s0], $0x4000  }
0x2c0: {  	[sflag:s0] =	ssyncset.done $0x0  }
0x2c1: {  	s13 =	sadd.s32 $0x169000, s11;
	[sflag:s0] =	ssyncadd.s32 $0xFFFFC000  }
0x2c2: {  	[hbm4b:s13+s3] =	stream.linear.scatter [tilespmem:s28], [sflag:$0x9], $0x4000, $0x38;
	[tilespmem:$0x15180] =	vst v63  }
0x2c3: {  	_ =	swait.ge [sflag:s26], $0x4000  }
0x2c4: {  	s10 =	simm.s32 $0x2000;
	[sflag:s26] =	ssyncset.done $0x0  }
0x2c5: {  	s12 =	sadd.s32 $0x169800, s11;
	s11 =	simm.s32 $0x2B80;
	[sflag:s26] =	ssyncadd.s32 $0xFFFFC000  }
.LBB2_20:
0x2c6: {  	[hbm4b:s12+s3] =	stream.linear.scatter [tilespmem:s30], [sflag:$0xA], $0x4000, $0x38;
	[tilespmem:$0x15180] =	vst v63  }
0x2c7: {  	s12 =	smov.u32 s10  }
0x2c8: {  	p1 =	sne.s32 s10, $0x26000;
	s10 =	sadd.s32 $0x2000, s10;
	_ =	swait.ge [sflag:s29], $0x4000  }
0x2c9: {  	[sflag:s29] =	ssyncset.done $0x0  }
0x2ca: {  	s13 =	sadd.s32 $0xFFFFFE80, s11;
	[sflag:s29] =	ssyncadd.s32 $0xFFFFC000  }
0x2cb: {  	[tilespmem:s24], [sflag:$0x3] =	stream.indirect.gather [spmem:s2], $0x80, s13, s23, $0xb8;
	[tilespmem:$0x15180] =	vst v63  }
0x2cc: {  	_ =	swait.ge [sflag:s5], $0x4000  }
0x2cd: {  	[sflag:s5] =	ssyncset.done $0x0  }
0x2ce: {  	s13 =	sadd.s32 $0xFFFFFF00, s11;
	[sflag:s5] =	ssyncadd.s32 $0xFFFFC000  }
0x2cf: {  	[tilespmem:s25], [sflag:$0x4] =	stream.indirect.gather [spmem:s2], $0x80, s13, s23, $0xb8;
	[tilespmem:$0x15180] =	vst v63  }
0x2d0: {  	_ =	swait.ge [sflag:s6], $0x4000  }
0x2d1: {  	[sflag:s6] =	ssyncset.done $0x0  }
0x2d2: {  	s13 =	sadd.s32 $0xFFFFFF80, s11;
	[sflag:s6] =	ssyncadd.s32 $0xFFFFC000  }
0x2d3: {  	[tilespmem:s28], [sflag:$0x5] =	stream.indirect.gather [spmem:s2], $0x80, s13, s23, $0xb8;
	[tilespmem:$0x15180] =	vst v63  }
0x2d4: {  	_ =	swait.ge [sflag:s7], $0x4000  }
0x2d5: {  	[sflag:s7] =	ssyncset.done $0x0  }
0x2d6: {  	[sflag:s7] =	ssyncadd.s32 $0xFFFFC000  }
0x2d7: {  	[tilespmem:s30], [sflag:$0x6] =	stream.indirect.gather [spmem:s2], $0x80, s11, s23, $0xb8;
	[tilespmem:$0x15180] =	vst v63  }
0x2d8: {  	_ =	swait.ge [sflag:s31], $0x4000  }
0x2d9: {  	s12 =	sadd.s32 s12, s19;
	[sflag:s31] =	ssyncset.done $0x0  }
0x2da: {  	s13 =	sadd.s32 $0x168000, s12;
	[sflag:s31] =	ssyncadd.s32 $0xFFFFC000  }
0x2db: {  	[hbm4b:s13+s3] =	stream.linear.scatter [tilespmem:s24], [sflag:$0x7], $0x4000, $0x38;
	[tilespmem:$0x15180] =	vst v63  }
0x2dc: {  	_ =	swait.ge [sflag:s1], $0x4000  }
0x2dd: {  	[sflag:s1] =	ssyncset.done $0x0  }
0x2de: {  	s13 =	sadd.s32 $0x168800, s12;
	[sflag:s1] =	ssyncadd.s32 $0xFFFFC000  }
0x2df: {  	[hbm4b:s13+s3] =	stream.linear.scatter [tilespmem:s25], [sflag:$0x8], $0x4000, $0x38;
	[tilespmem:$0x15180] =	vst v63  }
0x2e0: {  	_ =	swait.ge [sflag:s0], $0x4000  }
0x2e1: {  	[sflag:s0] =	ssyncset.done $0x0  }
.Ltmp9:
0x2e2: {  	s13 =	sadd.s32 $0x169000, s12;
	[sflag:s0] =	ssyncadd.s32 $0xFFFFC000;
	(pc) =	sbr.rel @p1 .LBB2_20-.Ltmp9, $4  }
0x2e3: {  	[hbm4b:s13+s3] =	stream.linear.scatter [tilespmem:s28], [sflag:$0x9], $0x4000, $0x38;
	[tilespmem:$0x15180] =	vst v63  }
0x2e4: {  	_ =	swait.ge [sflag:s26], $0x4000  }
0x2e5: {  	[sflag:s26] =	ssyncset.done $0x0  }
0x2e6: {  	s11 =	sadd.s32 $0x200, s11;
	s12 =	sadd.s32 $0x169800, s12;
	[sflag:s26] =	ssyncadd.s32 $0xFFFFC000  }
0x2e7: {  	[hbm4b:s12+s3] =	stream.linear.scatter [tilespmem:s30], [sflag:$0xA], $0x4000, $0x38;
	[tilespmem:$0x15180] =	vst v63  }
0x2e8: {  	_ =	swait.ge [sflag:s29], $0x4000  }
0x2e9: {  	[sflag:s29] =	ssyncset.done $0x0  }
0x2ea: {  	[sflag:s29] =	ssyncadd.s32 $0xFFFFC000  }
0x2eb: {  	_ =	swait.ge [sflag:s5], $0x4000  }
0x2ec: {  	[sflag:s5] =	ssyncset.done $0x0  }
0x2ed: {  	s9 =	sadd.s32 $0x1, s9;
	[sflag:s5] =	ssyncadd.s32 $0xFFFFC000  }
0x2ee: {  	p1 =	sne.s32 s9, s14;
	_ =	swait.ge [sflag:s6], $0x4000  }
.Ltmp10:
0x2ef: {  	[sflag:s6] =	ssyncset.done $0x0;
	(pc) =	sbr.rel @p1 .LBB2_1-.Ltmp10, $4  }
0x2f0: {  	[sflag:s6] =	ssyncadd.s32 $0xFFFFC000  }
0x2f1: {  	_ =	swait.ge [sflag:s7], $0x4000  }
0x2f2: {  	[sflag:s7] =	ssyncset.done $0x0  }
0x2f3: {  	[sflag:s7] =	ssyncadd.s32 $0xFFFFC000  }
0x2f4: {  	_ =	sfence.sel $0x180000  }
0x2f5: {  	[bflag:$0x0] =	sbarrier.arrive $0xFFFF  }
0x2f6: {  	_ =	strace $0x90000047  }
0x2f7: {  	[bflag:$0x2] =	sbarrier.arrive $0xFFFF  }
0x2f8: {  	s0 =	rddreg [dreg:$0x4]  }
0x2f9: {  	s0 =	sadd.s32 @!p0 $0x100000, s0  }
0x2fa: {  	[sflag:s0] =	ssyncadd.tile.s32 @!p0 $0x1;
	_ =	shalt  }
.Lfunc_end2:
_tile_overlayer_lowered:
.L_overlay_start_2:
0x2fb: {  	(tag) =	ssettag $0x2  }
0x2fc: {  	s0 =	rddreg [dreg:$0x0];
	s2 =	stileid.u32  }
0x2fd: {  	s1 =	rddreg [dreg:$0x1];
	p0 =	sne.s32 s2, $0x0  }
0x2fe: {  	s3 =	rddreg [dreg:$0x2];
	[bflag:$0x3] =	sbarrier.arrive $0xFFFF;
	s2 =	simm.s32 @!p0 $0x1C0B  }
0x2ff: {  	[timem:s3], [sflag:s2] =	dma.local @!p0 [hbm:s0], s1  }
0x300: {  	s0 =	simm.s32 @!p0 $0xB  }
0x301: {  	_ =	swait.ge @!p0 [sflag:s0], s1  }
0x302: {  	s1 =	ssub.s32 @!p0 $0x0, s1;
	[sflag:s0] =	ssyncset.done @!p0 $0x0  }
0x303: {  	[sflag:s0] =	ssyncadd.s32 @!p0 s1  }
0x304: {  	[bflag:$0x3] =	sbarrier.arrive $0xFFFF  }
0x305: {  	_ =	shalt  }

</sc_bundles>
